<compile_context>
chip_gen: v7x
topology: tpu7x:2x2x1
jax: 0.10.2.dev20260603
libtpu: 0.0.44.dev20260713+nightly
codegen_flags: <defaults>
</compile_context>

<pallas_src>
import functools

import jax
import jax.numpy as jnp
from jax import lax
from jax.experimental import pallas as pl
from jax.experimental.pallas import tpu as pltpu
from jax.experimental.pallas import tpu_sc as plsc

NUM_CORES = 2
NUM_SUBCORES = 16
NUM_WORKERS = NUM_CORES * NUM_SUBCORES
CHUNK = 128
GDEPTH = 6


def _make_emb(total, n_chunks, per_w, D, BBLK):
    mesh = plsc.VectorSubcoreMesh(core_axis_name="c", subcore_axis_name="s")
    S = 26
    CB, CI = D // 8, 8

    @functools.partial(
        pl.kernel,
        mesh=mesh,
        compiler_params=pltpu.CompilerParams(
            use_tc_tiling_on_sc=False, needs_layout_passes=False
        ),
        out_type=jax.ShapeDtypeStruct((S, CB, BBLK, CI, CHUNK), jnp.float32),
        scratch_types=[
            pltpu.VMEM((n_chunks, CHUNK), jnp.int32),
            pltpu.VMEM((GDEPTH, CHUNK, D), jnp.float32),
            pltpu.VMEM((2, CB, CI, CHUNK + 1), jnp.float32),
            pltpu.SemaphoreType.DMA,
            pltpu.SemaphoreType.DMA,
        ],
    )
    def emb(table_hbm, idx_hbm, out_hbm, idx_v, rows_v, tile_v, gsem, ssem):
        wid = lax.axis_index("s") * NUM_CORES + lax.axis_index("c")
        base = wid * n_chunks

        pltpu.sync_copy(idx_hbm.at[wid], idx_v)

        lanes = lax.iota(jnp.int32, 16)
        cb_vecs = [(lanes + p * 16) // 8 for p in range(2)]
        ci_vecs = [(lanes + p * 16) % 8 for p in range(2)]

        def gather(j):
            pltpu.async_copy(table_hbm.at[idx_v.at[j]], rows_v.at[j % GDEPTH], gsem)

        def wait_gather(j):
            pltpu.make_async_copy(
                table_hbm.at[idx_v.at[j]], rows_v.at[j % GDEPTH], gsem
            ).wait()

        def transpose(j):
            rslot, tslot = j % GDEPTH, j % 2

            def tbody(bi0, carry):
                for dbi in range(8):
                    bi = bi0 + dbi
                    bi_vec = jnp.full((16,), 0, jnp.int32) + bi
                    for p in range(2):
                        val = rows_v[rslot, bi, pl.ds(16 * p, 16)]
                        plsc.store_scatter(
                            tile_v.at[tslot], [cb_vecs[p], ci_vecs[p], bi_vec], val
                        )
                return carry

            lax.fori_loop(0, CHUNK // 8, lambda i, c: tbody(i * 8, c), 0)

        def store(j):
            t = base + j
            s, bb = t // BBLK, t % BBLK
            pltpu.async_copy(
                tile_v.at[j % 2, :, :, pl.ds(0, CHUNK)], out_hbm.at[s, :, bb], ssem
            )

        def wait_store(j):
            t = base + j
            s, bb = t // BBLK, t % BBLK
            pltpu.make_async_copy(
                tile_v.at[j % 2, :, :, pl.ds(0, CHUNK)], out_hbm.at[s, :, bb], ssem
            ).wait()

        for g in range(GDEPTH):
            gather(g)
        wait_gather(0)
        transpose(0)
        store(0)
        gather(GDEPTH)

        def body(j, carry):
            wait_gather(j)
            transpose(j)
            store(j)
            wait_store(j - 1)
            gather(j + GDEPTH)
            return carry

        lax.fori_loop(1, n_chunks - GDEPTH, body, 0)

        for j in range(n_chunks - GDEPTH, n_chunks):
            wait_gather(j)
            transpose(j)
            store(j)
            wait_store(j - 1)
        wait_store(n_chunks - 1)

    return emb


def _reshape_idx(xt):
    S, B = xt.shape
    GRID = 8
    BBLK = B // CHUNK

    def body(x_ref, o_ref):
        o_ref[...] = (x_ref[...] * 4).reshape(S, -1, CHUNK)

    return pl.pallas_call(
        body,
        grid=(GRID,),
        in_specs=[pl.BlockSpec((S, B // GRID), lambda i: (0, i))],
        out_specs=pl.BlockSpec((S, BBLK // GRID, CHUNK), lambda i: (0, i, 0)),
        out_shape=jax.ShapeDtypeStruct((S, BBLK, CHUNK), jnp.int32),
    )(xt)


def _transpose_table(wt):
    D, V = wt.shape
    BK = 16384
    grid = (V + BK - 1) // BK

    def body(w_ref, o_ref):
        o_ref[:, 0:D] = w_ref[...].T

    return pl.pallas_call(
        body,
        grid=(grid,),
        in_specs=[pl.BlockSpec((D, BK), lambda i: (0, i))],
        out_specs=pl.BlockSpec((BK, 128), lambda i: (i, 0)),
        out_shape=jax.ShapeDtypeStruct((V, 128), jnp.float32),
    )(wt)


def kernel(x, weight):
    B, S = x.shape
    V, D = weight.shape
    total = B * S
    per_w = total // NUM_WORKERS
    n_chunks = per_w // CHUNK
    BBLK = B // CHUNK
    xt = jnp.swapaxes(x.astype(jnp.int32), 0, 1)
    idx = _reshape_idx(xt).reshape(NUM_WORKERS, n_chunks, CHUNK)
    w_rows = _transpose_table(jnp.swapaxes(weight, 0, 1)).reshape(4 * V, D)
    out5 = _make_emb(total, n_chunks, per_w, D, BBLK)(w_rows, idx)
    return out5.transpose(2, 4, 0, 1, 3).reshape(B, S, D)

# --- scband reference (transcript-rebuilt; emitter-appended) ---
"""Pipeline reference for scband-constrained-embedding-87393994539028 (READ-ONLY COPY).

The authoritative reference and input builder live on the scoring server;
editing this copy changes nothing except your own understanding.
"""

import jax, jax.numpy as jnp
import numpy as np

NUM_EMBEDDINGS = 1000000
EMBEDDING_DIM = 32

def setup_inputs(seed: int = 0) -> dict:
    key = jax.random.key(seed)
    k1, k2 = jax.random.split(key)
    x = jax.random.randint(k1, (16384, 26), 0, NUM_EMBEDDINGS, dtype=jnp.int64 if jax.config.jax_enable_x64 else jnp.int32)
    weight = jax.random.normal(k2, (NUM_EMBEDDINGS, EMBEDDING_DIM), dtype=jnp.float32) * 0.02
    return {"x": x, "weight": weight}

def reference(x, weight):
    # F.embedding(x, weight) -> gather rows of weight by indices x
    return jnp.take(weight, x, axis=0)

if __name__ == "__main__":
    import jax
    _d = setup_inputs()
    print(jax.jit(kernel)(*tuple(_d.values())))

</pallas_src>

<mosaic_0001>
#map = affine_map<(d0, d1) -> (0, 0)>
#map1 = affine_map<(d0, d1) -> (0, 0, 0)>
#map2 = affine_map<(d0, d1) -> (0, 0, 0, 0, 0)>
module attributes {stable_mosaic.version = 14 : i64} {
  func.func @emb(%arg0: i32, %arg1: i32, %arg2: memref<4000000x32xf32, #tpu.memory_space<hbm>>, %arg3: memref<32x104x128xi32, #tpu.memory_space<hbm>>, %arg4: memref<26x4x128x8x128xf32, #tpu.memory_space<hbm>>, %arg5: memref<104x128xi32, #tpu.memory_space<vmem>>, %arg6: memref<6x128x32xf32, #tpu.memory_space<vmem>>, %arg7: memref<2x4x8x129xf32, #tpu.memory_space<vmem>>, %arg8: memref<!tpu.dma_semaphore, #tpu.memory_space<semaphore_mem>>, %arg9: memref<!tpu.dma_semaphore, #tpu.memory_space<semaphore_mem>>) attributes {dimension_semantics = [#tpu.dimension_semantics<core_parallel>, #tpu.dimension_semantics<subcore_parallel>], iteration_bounds = array<i64: 2, 16>, scalar_prefetch = 0 : i64, scratch_operands = 5 : i64, tpu.core_type = #tpu.core_type<sc_vector_subcore>, window_params = [{transform_indices = #map}, {transform_indices = #map1}, {transform_indices = #map2}]} {
    %mul3A = arith.constant 2 : i32
    %mul3A_0 = arith.muli %arg1, %mul3A : i32
    %add3A = arith.addi %mul3A_0, %arg0 : i32
    %mul3A_1 = arith.constant 104 : i32
    %mul3A_2 = arith.muli %add3A, %mul3A_1 : i32
    "tpu.region"() ({
      %run_scoped3A = tpu.sem_alloc : memref<!tpu.dma_semaphore, #tpu.memory_space<semaphore_mem>>
      %dma_start3A_1206 = arith.constant 0 : i32
      %dma_start3A_1207 = arith.constant 0 : i32
      %dma_start3A_1208 = tpu.memref_slice %arg3[%add3A, %dma_start3A_1206, %dma_start3A_1207] : memref<32x104x128xi32, #tpu.memory_space<hbm>> -> memref<1x104x128xi32, #tpu.memory_space<hbm>>
      %dma_start3A_1209 = tpu.memref_squeeze %dma_start3A_1208 : memref<1x104x128xi32, #tpu.memory_space<hbm>> -> memref<104x128xi32, #tpu.memory_space<hbm>>
      %dma_start3A_1210 = arith.constant 0 : i32
      %dma_start3A_1211 = arith.constant 0 : i32
      %dma_start3A_1212 = tpu.memref_slice %arg3[%add3A, %dma_start3A_1210, %dma_start3A_1211] : memref<32x104x128xi32, #tpu.memory_space<hbm>> -> memref<1x104x128xi32, #tpu.memory_space<hbm>>
      %dma_start3A_1213 = tpu.memref_squeeze %dma_start3A_1212 : memref<1x104x128xi32, #tpu.memory_space<hbm>> -> memref<104x128xi32, #tpu.memory_space<hbm>>
      tpu.enqueue_dma source(%dma_start3A_1213 : memref<104x128xi32, #tpu.memory_space<hbm>>) target(%arg5 : memref<104x128xi32, #tpu.memory_space<vmem>>) target_semaphore(%run_scoped3A : memref<!tpu.dma_semaphore, #tpu.memory_space<semaphore_mem>>)
      %dma_wait3A_1214 = arith.constant 0 : i32
      %dma_wait3A_1215 = arith.constant 0 : i32
      %dma_wait3A_1216 = tpu.memref_slice %arg3[%add3A, %dma_wait3A_1214, %dma_wait3A_1215] : memref<32x104x128xi32, #tpu.memory_space<hbm>> -> memref<1x104x128xi32, #tpu.memory_space<hbm>>
      %dma_wait3A_1217 = tpu.memref_squeeze %dma_wait3A_1216 : memref<1x104x128xi32, #tpu.memory_space<hbm>> -> memref<104x128xi32, #tpu.memory_space<hbm>>
      %dma_wait3A_1218 = arith.constant 0 : i32
      %dma_wait3A_1219 = arith.constant 0 : i32
      %dma_wait3A_1220 = tpu.memref_slice %arg3[%add3A, %dma_wait3A_1218, %dma_wait3A_1219] : memref<32x104x128xi32, #tpu.memory_space<hbm>> -> memref<1x104x128xi32, #tpu.memory_space<hbm>>
      %dma_wait3A_1221 = tpu.memref_squeeze %dma_wait3A_1220 : memref<1x104x128xi32, #tpu.memory_space<hbm>> -> memref<104x128xi32, #tpu.memory_space<hbm>>
      tpu.wait_dma2 semaphore(%run_scoped3A : memref<!tpu.dma_semaphore, #tpu.memory_space<semaphore_mem>>) src(%dma_wait3A_1221 : memref<104x128xi32, #tpu.memory_space<hbm>>) dst(%arg5 : memref<104x128xi32, #tpu.memory_space<vmem>>)
      tpu.yield
    }) : () -> ()
    %iota3A = tpu.iota {dimensions = array<i32: 0>} : vector<16xi32>
    %add3A_3 = arith.constant 0 : i32
    %add3A_4 = vector.broadcast %add3A_3 : i32 to vector<16xi32>
    %add3A_5 = arith.addi %iota3A, %add3A_4 : vector<16xi32>
    %jit3A = arith.constant 8 : i32
    %div3A = vector.broadcast %jit3A : i32 to vector<16xi32>
    %div3A_6 = arith.divsi %add3A_5, %div3A : vector<16xi32>
    %sign3A = arith.constant 0 : i32
    %sign3A_7 = vector.broadcast %sign3A : i32 to vector<16xi32>
    %sign3A_8 = arith.cmpi sgt, %add3A_5, %sign3A_7 : vector<16xi32>
    %sign3A_9 = arith.extui %sign3A_8 : vector<16xi1> to vector<16xi32>
    %sign3A_10 = arith.constant 0 : i32
    %sign3A_11 = vector.broadcast %sign3A_10 : i32 to vector<16xi32>
    %sign3A_12 = arith.cmpi slt, %add3A_5, %sign3A_11 : vector<16xi32>
    %sign3A_13 = arith.extui %sign3A_12 : vector<16xi1> to vector<16xi32>
    %sign3A_14 = arith.subi %sign3A_9, %sign3A_13 : vector<16xi32>
    %sign3A_15 = arith.constant 0 : i32
    %sign3A_16 = arith.cmpi sgt, %jit3A, %sign3A_15 : i32
    %sign3A_17 = arith.extui %sign3A_16 : i1 to i32
    %sign3A_18 = arith.constant 0 : i32
    %sign3A_19 = arith.cmpi slt, %jit3A, %sign3A_18 : i32
    %sign3A_20 = arith.extui %sign3A_19 : i1 to i32
    %sign3A_21 = arith.subi %sign3A_17, %sign3A_20 : i32
    %ne3A = vector.broadcast %sign3A_21 : i32 to vector<16xi32>
    %ne3A_22 = arith.cmpi ne, %sign3A_14, %ne3A : vector<16xi32>
    %rem3A = vector.broadcast %jit3A : i32 to vector<16xi32>
    %rem3A_23 = arith.remsi %add3A_5, %rem3A : vector<16xi32>
    %ne3A_24 = arith.constant 0 : i32
    %ne3A_25 = vector.broadcast %ne3A_24 : i32 to vector<16xi32>
    %ne3A_26 = arith.cmpi ne, %rem3A_23, %ne3A_25 : vector<16xi32>
    %and3A = arith.andi %ne3A_22, %ne3A_26 : vector<16xi1>
    %sub3A = arith.constant 1 : i32
    %sub3A_27 = vector.broadcast %sub3A : i32 to vector<16xi32>
    %sub3A_28 = arith.subi %div3A_6, %sub3A_27 : vector<16xi32>
    %select_n3A = arith.select %and3A, %sub3A_28, %div3A_6 : vector<16xi1>, vector<16xi32>
    %add3A_29 = arith.constant 16 : i32
    %add3A_30 = vector.broadcast %add3A_29 : i32 to vector<16xi32>
    %add3A_31 = arith.addi %iota3A, %add3A_30 : vector<16xi32>
    %jit3A_32 = arith.constant 8 : i32
    %div3A_33 = vector.broadcast %jit3A_32 : i32 to vector<16xi32>
    %div3A_34 = arith.divsi %add3A_31, %div3A_33 : vector<16xi32>
    %sign3A_35 = arith.constant 0 : i32
    %sign3A_36 = vector.broadcast %sign3A_35 : i32 to vector<16xi32>
    %sign3A_37 = arith.cmpi sgt, %add3A_31, %sign3A_36 : vector<16xi32>
    %sign3A_38 = arith.extui %sign3A_37 : vector<16xi1> to vector<16xi32>
    %sign3A_39 = arith.constant 0 : i32
    %sign3A_40 = vector.broadcast %sign3A_39 : i32 to vector<16xi32>
    %sign3A_41 = arith.cmpi slt, %add3A_31, %sign3A_40 : vector<16xi32>
    %sign3A_42 = arith.extui %sign3A_41 : vector<16xi1> to vector<16xi32>
    %sign3A_43 = arith.subi %sign3A_38, %sign3A_42 : vector<16xi32>
    %sign3A_44 = arith.constant 0 : i32
    %sign3A_45 = arith.cmpi sgt, %jit3A_32, %sign3A_44 : i32
    %sign3A_46 = arith.extui %sign3A_45 : i1 to i32
    %sign3A_47 = arith.constant 0 : i32
    %sign3A_48 = arith.cmpi slt, %jit3A_32, %sign3A_47 : i32
    %sign3A_49 = arith.extui %sign3A_48 : i1 to i32
    %sign3A_50 = arith.subi %sign3A_46, %sign3A_49 : i32
    %ne3A_51 = vector.broadcast %sign3A_50 : i32 to vector<16xi32>
    %ne3A_52 = arith.cmpi ne, %sign3A_43, %ne3A_51 : vector<16xi32>
    %rem3A_53 = vector.broadcast %jit3A_32 : i32 to vector<16xi32>
    %rem3A_54 = arith.remsi %add3A_31, %rem3A_53 : vector<16xi32>
    %ne3A_55 = arith.constant 0 : i32
    %ne3A_56 = vector.broadcast %ne3A_55 : i32 to vector<16xi32>
    %ne3A_57 = arith.cmpi ne, %rem3A_54, %ne3A_56 : vector<16xi32>
    %and3A_58 = arith.andi %ne3A_52, %ne3A_57 : vector<16xi1>
    %sub3A_59 = arith.constant 1 : i32
    %sub3A_60 = vector.broadcast %sub3A_59 : i32 to vector<16xi32>
    %sub3A_61 = arith.subi %div3A_34, %sub3A_60 : vector<16xi32>
    %select_n3A_62 = arith.select %and3A_58, %sub3A_61, %div3A_34 : vector<16xi1>, vector<16xi32>
    %add3A_63 = arith.constant 0 : i32
    %add3A_64 = vector.broadcast %add3A_63 : i32 to vector<16xi32>
    %add3A_65 = arith.addi %iota3A, %add3A_64 : vector<16xi32>
    %jit3A_66 = arith.constant 8 : i32
    %eq3A = arith.constant 0 : i32
    %eq3A_67 = arith.cmpi eq, %jit3A_66, %eq3A : i32
    %jit3A_68 = arith.constant 1 : i32
    %select_n3A_69 = arith.select %eq3A_67, %jit3A_68, %jit3A_66 : i32
    %rem3A_70 = vector.broadcast %select_n3A_69 : i32 to vector<16xi32>
    %rem3A_71 = arith.remsi %add3A_65, %rem3A_70 : vector<16xi32>
    %ne3A_72 = arith.constant 0 : i32
    %ne3A_73 = vector.broadcast %ne3A_72 : i32 to vector<16xi32>
    %ne3A_74 = arith.cmpi ne, %rem3A_71, %ne3A_73 : vector<16xi32>
    %lt3A = arith.constant 0 : i32
    %lt3A_75 = vector.broadcast %lt3A : i32 to vector<16xi32>
    %lt3A_76 = arith.cmpi slt, %rem3A_71, %lt3A_75 : vector<16xi32>
    %lt3A_77 = arith.constant 0 : i32
    %lt3A_78 = arith.cmpi slt, %select_n3A_69, %lt3A_77 : i32
    %ne3A_79 = vector.broadcast %lt3A_78 : i1 to vector<16xi1>
    %ne3A_80 = vector.broadcast %ne3A_79 : vector<16xi1> to vector<16xi1>
    %ne3A_81 = arith.xori %lt3A_76, %ne3A_80 : vector<16xi1>
    %and3A_82 = arith.andi %ne3A_81, %ne3A_74 : vector<16xi1>
    %add3A_83 = vector.broadcast %select_n3A_69 : i32 to vector<16xi32>
    %add3A_84 = arith.addi %rem3A_71, %add3A_83 : vector<16xi32>
    %select_n3A_85 = arith.select %and3A_82, %add3A_84, %rem3A_71 : vector<16xi1>, vector<16xi32>
    %add3A_86 = arith.constant 16 : i32
    %add3A_87 = vector.broadcast %add3A_86 : i32 to vector<16xi32>
    %add3A_88 = arith.addi %iota3A, %add3A_87 : vector<16xi32>
    %jit3A_89 = arith.constant 8 : i32
    %eq3A_90 = arith.constant 0 : i32
    %eq3A_91 = arith.cmpi eq, %jit3A_89, %eq3A_90 : i32
    %jit3A_92 = arith.constant 1 : i32
    %select_n3A_93 = arith.select %eq3A_91, %jit3A_92, %jit3A_89 : i32
    %rem3A_94 = vector.broadcast %select_n3A_93 : i32 to vector<16xi32>
    %rem3A_95 = arith.remsi %add3A_88, %rem3A_94 : vector<16xi32>
    %ne3A_96 = arith.constant 0 : i32
    %ne3A_97 = vector.broadcast %ne3A_96 : i32 to vector<16xi32>
    %ne3A_98 = arith.cmpi ne, %rem3A_95, %ne3A_97 : vector<16xi32>
    %lt3A_99 = arith.constant 0 : i32
    %lt3A_100 = vector.broadcast %lt3A_99 : i32 to vector<16xi32>
    %lt3A_101 = arith.cmpi slt, %rem3A_95, %lt3A_100 : vector<16xi32>
    %lt3A_102 = arith.constant 0 : i32
    %lt3A_103 = arith.cmpi slt, %select_n3A_93, %lt3A_102 : i32
    %ne3A_104 = vector.broadcast %lt3A_103 : i1 to vector<16xi1>
    %ne3A_105 = vector.broadcast %ne3A_104 : vector<16xi1> to vector<16xi1>
    %ne3A_106 = arith.xori %lt3A_101, %ne3A_105 : vector<16xi1>
    %and3A_107 = arith.andi %ne3A_106, %ne3A_98 : vector<16xi1>
    %add3A_108 = vector.broadcast %select_n3A_93 : i32 to vector<16xi32>
    %add3A_109 = arith.addi %rem3A_95, %add3A_108 : vector<16xi32>
    %select_n3A_110 = arith.select %and3A_107, %add3A_109, %rem3A_95 : vector<16xi1>, vector<16xi32>
    %dma_start3A = arith.constant 0 : i32
    %dma_start3A_111 = arith.constant 0 : i32
    %dma_start3A_112 = arith.constant 0 : i32
    %dma_start3A_113 = arith.constant 0 : i32
    %dma_start3A_114 = tpu.memref_slice %arg6[%dma_start3A_111, %dma_start3A_112, %dma_start3A_113] : memref<6x128x32xf32, #tpu.memory_space<vmem>> -> memref<1x128x32xf32, #tpu.memory_space<vmem>>
    %dma_start3A_115 = tpu.memref_squeeze %dma_start3A_114 : memref<1x128x32xf32, #tpu.memory_space<vmem>> -> memref<128x32xf32, #tpu.memory_space<vmem>>
    %dma_start3A_116 = arith.constant 0 : i32
    %dma_start3A_117 = tpu.memref_slice %arg5[%dma_start3A, %dma_start3A_116] : memref<104x128xi32, #tpu.memory_space<vmem>> -> memref<1x128xi32, #tpu.memory_space<vmem>>
    %dma_start3A_118 = tpu.memref_squeeze %dma_start3A_117 : memref<1x128xi32, #tpu.memory_space<vmem>> -> memref<128xi32, #tpu.memory_space<vmem>>
    %dma_start3A_119 = arith.constant 0 : i32
    %dma_start3A_120 = arith.constant 0 : i32
    %dma_start3A_121 = tpu.memref_slice %arg2[%dma_start3A_119, %dma_start3A_120] : memref<4000000x32xf32, #tpu.memory_space<hbm>> -> memref<4000000x32xf32, #tpu.memory_space<hbm>>
    tpu.enqueue_indirect_dma source(%dma_start3A_121 : memref<4000000x32xf32, #tpu.memory_space<hbm>>) target(%dma_start3A_115 : memref<128x32xf32, #tpu.memory_space<vmem>>) offsets(%dma_start3A_118 : memref<128xi32, #tpu.memory_space<vmem>>) semaphore(%arg8 : memref<!tpu.dma_semaphore, #tpu.memory_space<semaphore_mem>>)
    %dma_start3A_122 = arith.constant 1 : i32
    %dma_start3A_123 = arith.constant 1 : i32
    %dma_start3A_124 = arith.constant 0 : i32
    %dma_start3A_125 = arith.constant 0 : i32
    %dma_start3A_126 = tpu.memref_slice %arg6[%dma_start3A_123, %dma_start3A_124, %dma_start3A_125] : memref<6x128x32xf32, #tpu.memory_space<vmem>> -> memref<1x128x32xf32, #tpu.memory_space<vmem>>
    %dma_start3A_127 = tpu.memref_squeeze %dma_start3A_126 : memref<1x128x32xf32, #tpu.memory_space<vmem>> -> memref<128x32xf32, #tpu.memory_space<vmem>>
    %dma_start3A_128 = arith.constant 0 : i32
    %dma_start3A_129 = tpu.memref_slice %arg5[%dma_start3A_122, %dma_start3A_128] : memref<104x128xi32, #tpu.memory_space<vmem>> -> memref<1x128xi32, #tpu.memory_space<vmem>>
    %dma_start3A_130 = tpu.memref_squeeze %dma_start3A_129 : memref<1x128xi32, #tpu.memory_space<vmem>> -> memref<128xi32, #tpu.memory_space<vmem>>
    %dma_start3A_131 = arith.constant 0 : i32
    %dma_start3A_132 = arith.constant 0 : i32
    %dma_start3A_133 = tpu.memref_slice %arg2[%dma_start3A_131, %dma_start3A_132] : memref<4000000x32xf32, #tpu.memory_space<hbm>> -> memref<4000000x32xf32, #tpu.memory_space<hbm>>
    tpu.enqueue_indirect_dma source(%dma_start3A_133 : memref<4000000x32xf32, #tpu.memory_space<hbm>>) target(%dma_start3A_127 : memref<128x32xf32, #tpu.memory_space<vmem>>) offsets(%dma_start3A_130 : memref<128xi32, #tpu.memory_space<vmem>>) semaphore(%arg8 : memref<!tpu.dma_semaphore, #tpu.memory_space<semaphore_mem>>)
    %dma_start3A_134 = arith.constant 2 : i32
    %dma_start3A_135 = arith.constant 2 : i32
    %dma_start3A_136 = arith.constant 0 : i32
    %dma_start3A_137 = arith.constant 0 : i32
    %dma_start3A_138 = tpu.memref_slice %arg6[%dma_start3A_135, %dma_start3A_136, %dma_start3A_137] : memref<6x128x32xf32, #tpu.memory_space<vmem>> -> memref<1x128x32xf32, #tpu.memory_space<vmem>>
    %dma_start3A_139 = tpu.memref_squeeze %dma_start3A_138 : memref<1x128x32xf32, #tpu.memory_space<vmem>> -> memref<128x32xf32, #tpu.memory_space<vmem>>
    %dma_start3A_140 = arith.constant 0 : i32
    %dma_start3A_141 = tpu.memref_slice %arg5[%dma_start3A_134, %dma_start3A_140] : memref<104x128xi32, #tpu.memory_space<vmem>> -> memref<1x128xi32, #tpu.memory_space<vmem>>
    %dma_start3A_142 = tpu.memref_squeeze %dma_start3A_141 : memref<1x128xi32, #tpu.memory_space<vmem>> -> memref<128xi32, #tpu.memory_space<vmem>>
    %dma_start3A_143 = arith.constant 0 : i32
    %dma_start3A_144 = arith.constant 0 : i32
    %dma_start3A_145 = tpu.memref_slice %arg2[%dma_start3A_143, %dma_start3A_144] : memref<4000000x32xf32, #tpu.memory_space<hbm>> -> memref<4000000x32xf32, #tpu.memory_space<hbm>>
    tpu.enqueue_indirect_dma source(%dma_start3A_145 : memref<4000000x32xf32, #tpu.memory_space<hbm>>) target(%dma_start3A_139 : memref<128x32xf32, #tpu.memory_space<vmem>>) offsets(%dma_start3A_142 : memref<128xi32, #tpu.memory_space<vmem>>) semaphore(%arg8 : memref<!tpu.dma_semaphore, #tpu.memory_space<semaphore_mem>>)
    %dma_start3A_146 = arith.constant 3 : i32
    %dma_start3A_147 = arith.constant 3 : i32
    %dma_start3A_148 = arith.constant 0 : i32
    %dma_start3A_149 = arith.constant 0 : i32
    %dma_start3A_150 = tpu.memref_slice %arg6[%dma_start3A_147, %dma_start3A_148, %dma_start3A_149] : memref<6x128x32xf32, #tpu.memory_space<vmem>> -> memref<1x128x32xf32, #tpu.memory_space<vmem>>
    %dma_start3A_151 = tpu.memref_squeeze %dma_start3A_150 : memref<1x128x32xf32, #tpu.memory_space<vmem>> -> memref<128x32xf32, #tpu.memory_space<vmem>>
    %dma_start3A_152 = arith.constant 0 : i32
    %dma_start3A_153 = tpu.memref_slice %arg5[%dma_start3A_146, %dma_start3A_152] : memref<104x128xi32, #tpu.memory_space<vmem>> -> memref<1x128xi32, #tpu.memory_space<vmem>>
    %dma_start3A_154 = tpu.memref_squeeze %dma_start3A_153 : memref<1x128xi32, #tpu.memory_space<vmem>> -> memref<128xi32, #tpu.memory_space<vmem>>
    %dma_start3A_155 = arith.constant 0 : i32
    %dma_start3A_156 = arith.constant 0 : i32
    %dma_start3A_157 = tpu.memref_slice %arg2[%dma_start3A_155, %dma_start3A_156] : memref<4000000x32xf32, #tpu.memory_space<hbm>> -> memref<4000000x32xf32, #tpu.memory_space<hbm>>
    tpu.enqueue_indirect_dma source(%dma_start3A_157 : memref<4000000x32xf32, #tpu.memory_space<hbm>>) target(%dma_start3A_151 : memref<128x32xf32, #tpu.memory_space<vmem>>) offsets(%dma_start3A_154 : memref<128xi32, #tpu.memory_space<vmem>>) semaphore(%arg8 : memref<!tpu.dma_semaphore, #tpu.memory_space<semaphore_mem>>)
    %dma_start3A_158 = arith.constant 4 : i32
    %dma_start3A_159 = arith.constant 4 : i32
    %dma_start3A_160 = arith.constant 0 : i32
    %dma_start3A_161 = arith.constant 0 : i32
    %dma_start3A_162 = tpu.memref_slice %arg6[%dma_start3A_159, %dma_start3A_160, %dma_start3A_161] : memref<6x128x32xf32, #tpu.memory_space<vmem>> -> memref<1x128x32xf32, #tpu.memory_space<vmem>>
    %dma_start3A_163 = tpu.memref_squeeze %dma_start3A_162 : memref<1x128x32xf32, #tpu.memory_space<vmem>> -> memref<128x32xf32, #tpu.memory_space<vmem>>
    %dma_start3A_164 = arith.constant 0 : i32
    %dma_start3A_165 = tpu.memref_slice %arg5[%dma_start3A_158, %dma_start3A_164] : memref<104x128xi32, #tpu.memory_space<vmem>> -> memref<1x128xi32, #tpu.memory_space<vmem>>
    %dma_start3A_166 = tpu.memref_squeeze %dma_start3A_165 : memref<1x128xi32, #tpu.memory_space<vmem>> -> memref<128xi32, #tpu.memory_space<vmem>>
    %dma_start3A_167 = arith.constant 0 : i32
    %dma_start3A_168 = arith.constant 0 : i32
    %dma_start3A_169 = tpu.memref_slice %arg2[%dma_start3A_167, %dma_start3A_168] : memref<4000000x32xf32, #tpu.memory_space<hbm>> -> memref<4000000x32xf32, #tpu.memory_space<hbm>>
    tpu.enqueue_indirect_dma source(%dma_start3A_169 : memref<4000000x32xf32, #tpu.memory_space<hbm>>) target(%dma_start3A_163 : memref<128x32xf32, #tpu.memory_space<vmem>>) offsets(%dma_start3A_166 : memref<128xi32, #tpu.memory_space<vmem>>) semaphore(%arg8 : memref<!tpu.dma_semaphore, #tpu.memory_space<semaphore_mem>>)
    %dma_start3A_170 = arith.constant 5 : i32
    %dma_start3A_171 = arith.constant 5 : i32
    %dma_start3A_172 = arith.constant 0 : i32
    %dma_start3A_173 = arith.constant 0 : i32
    %dma_start3A_174 = tpu.memref_slice %arg6[%dma_start3A_171, %dma_start3A_172, %dma_start3A_173] : memref<6x128x32xf32, #tpu.memory_space<vmem>> -> memref<1x128x32xf32, #tpu.memory_space<vmem>>
    %dma_start3A_175 = tpu.memref_squeeze %dma_start3A_174 : memref<1x128x32xf32, #tpu.memory_space<vmem>> -> memref<128x32xf32, #tpu.memory_space<vmem>>
    %dma_start3A_176 = arith.constant 0 : i32
    %dma_start3A_177 = tpu.memref_slice %arg5[%dma_start3A_170, %dma_start3A_176] : memref<104x128xi32, #tpu.memory_space<vmem>> -> memref<1x128xi32, #tpu.memory_space<vmem>>
    %dma_start3A_178 = tpu.memref_squeeze %dma_start3A_177 : memref<1x128xi32, #tpu.memory_space<vmem>> -> memref<128xi32, #tpu.memory_space<vmem>>
    %dma_start3A_179 = arith.constant 0 : i32
    %dma_start3A_180 = arith.constant 0 : i32
    %dma_start3A_181 = tpu.memref_slice %arg2[%dma_start3A_179, %dma_start3A_180] : memref<4000000x32xf32, #tpu.memory_space<hbm>> -> memref<4000000x32xf32, #tpu.memory_space<hbm>>
    tpu.enqueue_indirect_dma source(%dma_start3A_181 : memref<4000000x32xf32, #tpu.memory_space<hbm>>) target(%dma_start3A_175 : memref<128x32xf32, #tpu.memory_space<vmem>>) offsets(%dma_start3A_178 : memref<128xi32, #tpu.memory_space<vmem>>) semaphore(%arg8 : memref<!tpu.dma_semaphore, #tpu.memory_space<semaphore_mem>>)
    %dma_wait3A = arith.constant 0 : i32
    %dma_wait3A_182 = arith.constant 0 : i32
    %dma_wait3A_183 = arith.constant 0 : i32
    %dma_wait3A_184 = arith.constant 0 : i32
    %dma_wait3A_185 = tpu.memref_slice %arg6[%dma_wait3A_182, %dma_wait3A_183, %dma_wait3A_184] : memref<6x128x32xf32, #tpu.memory_space<vmem>> -> memref<1x128x32xf32, #tpu.memory_space<vmem>>
    %dma_wait3A_186 = tpu.memref_squeeze %dma_wait3A_185 : memref<1x128x32xf32, #tpu.memory_space<vmem>> -> memref<128x32xf32, #tpu.memory_space<vmem>>
    %dma_wait3A_187 = arith.constant 0 : i32
    %dma_wait3A_188 = tpu.memref_slice %arg5[%dma_wait3A, %dma_wait3A_187] : memref<104x128xi32, #tpu.memory_space<vmem>> -> memref<1x128xi32, #tpu.memory_space<vmem>>
    %dma_wait3A_189 = tpu.memref_squeeze %dma_wait3A_188 : memref<1x128xi32, #tpu.memory_space<vmem>> -> memref<128xi32, #tpu.memory_space<vmem>>
    %dma_wait3A_190 = arith.constant 0 : i32
    %dma_wait3A_191 = arith.constant 0 : i32
    %dma_wait3A_192 = tpu.memref_slice %arg2[%dma_wait3A_190, %dma_wait3A_191] : memref<4000000x32xf32, #tpu.memory_space<hbm>> -> memref<4000000x32xf32, #tpu.memory_space<hbm>>
    tpu.wait_indirect_dma semaphore(%arg8 : memref<!tpu.dma_semaphore, #tpu.memory_space<semaphore_mem>>) src(%dma_wait3A_192 : memref<4000000x32xf32, #tpu.memory_space<hbm>>) dst(%dma_wait3A_186 : memref<128x32xf32, #tpu.memory_space<vmem>>)
    %scan3A = arith.constant 0 : i32
    %scan3A_193 = arith.constant 0 : i32
    %scan3A_194 = arith.constant 16 : i32
    %scan3A_195 = arith.addi %scan3A_193, %scan3A_194 : i32
    %scan3A_196 = arith.constant 1 : i32
    scf.for %scan3A_1206 = %scan3A_193 to %scan3A_195 step %scan3A_196  : i32 {
      %mul3A_1207 = arith.constant 8 : i32
      %mul3A_1208 = arith.muli %scan3A_1206, %mul3A_1207 : i32
      %add3A_1209 = arith.constant 0 : i32
      %add3A_1210 = arith.addi %mul3A_1208, %add3A_1209 : i32
      %broadcast_in_dim3A = arith.constant 0 : i32
      %broadcast_in_dim3A_1211 = vector.broadcast %broadcast_in_dim3A : i32 to vector<16xi32>
      %add3A_1212 = vector.broadcast %add3A_1210 : i32 to vector<16xi32>
      %add3A_1213 = arith.addi %broadcast_in_dim3A_1211, %add3A_1212 : vector<16xi32>
      %get3A = arith.constant 0 : i32
      %get3A_1214 = arith.index_cast %get3A : i32 to index
      %get3A_1215 = arith.index_cast %add3A_1210 : i32 to index
      %get3A_1216 = arith.constant 0 : index
      %get3A_1217 = tpu.vector_load %arg6[%get3A_1214, %get3A_1215, %get3A_1216] {strides = array<i32>} : memref<6x128x32xf32, #tpu.memory_space<vmem>>, vector<16xf32>,
      %scatter3A = arith.constant 0 : i32
      %scatter3A_1218 = arith.constant 0 : i32
      %scatter3A_1219 = arith.constant 0 : i32
      %scatter3A_1220 = arith.constant 0 : i32
      %scatter3A_1221 = tpu.memref_slice %arg7[%scatter3A, %scatter3A_1218, %scatter3A_1219, %scatter3A_1220] : memref<2x4x8x129xf32, #tpu.memory_space<vmem>> -> memref<1x4x8x129xf32, #tpu.memory_space<vmem>>
      %scatter3A_1222 = tpu.memref_squeeze %scatter3A_1221 : memref<1x4x8x129xf32, #tpu.memory_space<vmem>> -> memref<4x8x129xf32, #tpu.memory_space<vmem>>
      tpu.vector_store_idx %scatter3A_1222[%select_n3A, %select_n3A_85, %add3A_1213], %get3A_1217 : memref<4x8x129xf32, #tpu.memory_space<vmem>>[vector<16xi32>, vector<16xi32>, vector<16xi32>], vector<16xf32>,
      %get3A_1223 = arith.constant 0 : i32
      %get3A_1224 = arith.index_cast %get3A_1223 : i32 to index
      %get3A_1225 = arith.index_cast %add3A_1210 : i32 to index
      %get3A_1226 = arith.constant 16 : index
      %get3A_1227 = tpu.vector_load %arg6[%get3A_1224, %get3A_1225, %get3A_1226] {strides = array<i32>} : memref<6x128x32xf32, #tpu.memory_space<vmem>>, vector<16xf32>,
      %scatter3A_1228 = arith.constant 0 : i32
      %scatter3A_1229 = arith.constant 0 : i32
      %scatter3A_1230 = arith.constant 0 : i32
      %scatter3A_1231 = arith.constant 0 : i32
      %scatter3A_1232 = tpu.memref_slice %arg7[%scatter3A_1228, %scatter3A_1229, %scatter3A_1230, %scatter3A_1231] : memref<2x4x8x129xf32, #tpu.memory_space<vmem>> -> memref<1x4x8x129xf32, #tpu.memory_space<vmem>>
      %scatter3A_1233 = tpu.memref_squeeze %scatter3A_1232 : memref<1x4x8x129xf32, #tpu.memory_space<vmem>> -> memref<4x8x129xf32, #tpu.memory_space<vmem>>
      tpu.vector_store_idx %scatter3A_1233[%select_n3A_62, %select_n3A_110, %add3A_1213], %get3A_1227 : memref<4x8x129xf32, #tpu.memory_space<vmem>>[vector<16xi32>, vector<16xi32>, vector<16xi32>], vector<16xf32>,
      %add3A_1234 = arith.constant 1 : i32
      %add3A_1235 = arith.addi %mul3A_1208, %add3A_1234 : i32
      %broadcast_in_dim3A_1236 = arith.constant 0 : i32
      %broadcast_in_dim3A_1237 = vector.broadcast %broadcast_in_dim3A_1236 : i32 to vector<16xi32>
      %add3A_1238 = vector.broadcast %add3A_1235 : i32 to vector<16xi32>
      %add3A_1239 = arith.addi %broadcast_in_dim3A_1237, %add3A_1238 : vector<16xi32>
      %get3A_1240 = arith.constant 0 : i32
      %get3A_1241 = arith.index_cast %get3A_1240 : i32 to index
      %get3A_1242 = arith.index_cast %add3A_1235 : i32 to index
      %get3A_1243 = arith.constant 0 : index
      %get3A_1244 = tpu.vector_load %arg6[%get3A_1241, %get3A_1242, %get3A_1243] {strides = array<i32>} : memref<6x128x32xf32, #tpu.memory_space<vmem>>, vector<16xf32>,
      %scatter3A_1245 = arith.constant 0 : i32
      %scatter3A_1246 = arith.constant 0 : i32
      %scatter3A_1247 = arith.constant 0 : i32
      %scatter3A_1248 = arith.constant 0 : i32
      %scatter3A_1249 = tpu.memref_slice %arg7[%scatter3A_1245, %scatter3A_1246, %scatter3A_1247, %scatter3A_1248] : memref<2x4x8x129xf32, #tpu.memory_space<vmem>> -> memref<1x4x8x129xf32, #tpu.memory_space<vmem>>
      %scatter3A_1250 = tpu.memref_squeeze %scatter3A_1249 : memref<1x4x8x129xf32, #tpu.memory_space<vmem>> -> memref<4x8x129xf32, #tpu.memory_space<vmem>>
      tpu.vector_store_idx %scatter3A_1250[%select_n3A, %select_n3A_85, %add3A_1239], %get3A_1244 : memref<4x8x129xf32, #tpu.memory_space<vmem>>[vector<16xi32>, vector<16xi32>, vector<16xi32>], vector<16xf32>,
      %get3A_1251 = arith.constant 0 : i32
      %get3A_1252 = arith.index_cast %get3A_1251 : i32 to index
      %get3A_1253 = arith.index_cast %add3A_1235 : i32 to index
      %get3A_1254 = arith.constant 16 : index
      %get3A_1255 = tpu.vector_load %arg6[%get3A_1252, %get3A_1253, %get3A_1254] {strides = array<i32>} : memref<6x128x32xf32, #tpu.memory_space<vmem>>, vector<16xf32>,
      %scatter3A_1256 = arith.constant 0 : i32
      %scatter3A_1257 = arith.constant 0 : i32
      %scatter3A_1258 = arith.constant 0 : i32
      %scatter3A_1259 = arith.constant 0 : i32
      %scatter3A_1260 = tpu.memref_slice %arg7[%scatter3A_1256, %scatter3A_1257, %scatter3A_1258, %scatter3A_1259] : memref<2x4x8x129xf32, #tpu.memory_space<vmem>> -> memref<1x4x8x129xf32, #tpu.memory_space<vmem>>
      %scatter3A_1261 = tpu.memref_squeeze %scatter3A_1260 : memref<1x4x8x129xf32, #tpu.memory_space<vmem>> -> memref<4x8x129xf32, #tpu.memory_space<vmem>>
      tpu.vector_store_idx %scatter3A_1261[%select_n3A_62, %select_n3A_110, %add3A_1239], %get3A_1255 : memref<4x8x129xf32, #tpu.memory_space<vmem>>[vector<16xi32>, vector<16xi32>, vector<16xi32>], vector<16xf32>,
      %add3A_1262 = arith.constant 2 : i32
      %add3A_1263 = arith.addi %mul3A_1208, %add3A_1262 : i32
      %broadcast_in_dim3A_1264 = arith.constant 0 : i32
      %broadcast_in_dim3A_1265 = vector.broadcast %broadcast_in_dim3A_1264 : i32 to vector<16xi32>
      %add3A_1266 = vector.broadcast %add3A_1263 : i32 to vector<16xi32>
      %add3A_1267 = arith.addi %broadcast_in_dim3A_1265, %add3A_1266 : vector<16xi32>
      %get3A_1268 = arith.constant 0 : i32
      %get3A_1269 = arith.index_cast %get3A_1268 : i32 to index
      %get3A_1270 = arith.index_cast %add3A_1263 : i32 to index
      %get3A_1271 = arith.constant 0 : index
      %get3A_1272 = tpu.vector_load %arg6[%get3A_1269, %get3A_1270, %get3A_1271] {strides = array<i32>} : memref<6x128x32xf32, #tpu.memory_space<vmem>>, vector<16xf32>,
      %scatter3A_1273 = arith.constant 0 : i32
      %scatter3A_1274 = arith.constant 0 : i32
      %scatter3A_1275 = arith.constant 0 : i32
      %scatter3A_1276 = arith.constant 0 : i32
      %scatter3A_1277 = tpu.memref_slice %arg7[%scatter3A_1273, %scatter3A_1274, %scatter3A_1275, %scatter3A_1276] : memref<2x4x8x129xf32, #tpu.memory_space<vmem>> -> memref<1x4x8x129xf32, #tpu.memory_space<vmem>>
      %scatter3A_1278 = tpu.memref_squeeze %scatter3A_1277 : memref<1x4x8x129xf32, #tpu.memory_space<vmem>> -> memref<4x8x129xf32, #tpu.memory_space<vmem>>
      tpu.vector_store_idx %scatter3A_1278[%select_n3A, %select_n3A_85, %add3A_1267], %get3A_1272 : memref<4x8x129xf32, #tpu.memory_space<vmem>>[vector<16xi32>, vector<16xi32>, vector<16xi32>], vector<16xf32>,
      %get3A_1279 = arith.constant 0 : i32
      %get3A_1280 = arith.index_cast %get3A_1279 : i32 to index
      %get3A_1281 = arith.index_cast %add3A_1263 : i32 to index
      %get3A_1282 = arith.constant 16 : index
      %get3A_1283 = tpu.vector_load %arg6[%get3A_1280, %get3A_1281, %get3A_1282] {strides = array<i32>} : memref<6x128x32xf32, #tpu.memory_space<vmem>>, vector<16xf32>,
      %scatter3A_1284 = arith.constant 0 : i32
      %scatter3A_1285 = arith.constant 0 : i32
      %scatter3A_1286 = arith.constant 0 : i32
      %scatter3A_1287 = arith.constant 0 : i32
      %scatter3A_1288 = tpu.memref_slice %arg7[%scatter3A_1284, %scatter3A_1285, %scatter3A_1286, %scatter3A_1287] : memref<2x4x8x129xf32, #tpu.memory_space<vmem>> -> memref<1x4x8x129xf32, #tpu.memory_space<vmem>>
      %scatter3A_1289 = tpu.memref_squeeze %scatter3A_1288 : memref<1x4x8x129xf32, #tpu.memory_space<vmem>> -> memref<4x8x129xf32, #tpu.memory_space<vmem>>
      tpu.vector_store_idx %scatter3A_1289[%select_n3A_62, %select_n3A_110, %add3A_1267], %get3A_1283 : memref<4x8x129xf32, #tpu.memory_space<vmem>>[vector<16xi32>, vector<16xi32>, vector<16xi32>], vector<16xf32>,
      %add3A_1290 = arith.constant 3 : i32
      %add3A_1291 = arith.addi %mul3A_1208, %add3A_1290 : i32
      %broadcast_in_dim3A_1292 = arith.constant 0 : i32
      %broadcast_in_dim3A_1293 = vector.broadcast %broadcast_in_dim3A_1292 : i32 to vector<16xi32>
      %add3A_1294 = vector.broadcast %add3A_1291 : i32 to vector<16xi32>
      %add3A_1295 = arith.addi %broadcast_in_dim3A_1293, %add3A_1294 : vector<16xi32>
      %get3A_1296 = arith.constant 0 : i32
      %get3A_1297 = arith.index_cast %get3A_1296 : i32 to index
      %get3A_1298 = arith.index_cast %add3A_1291 : i32 to index
      %get3A_1299 = arith.constant 0 : index
      %get3A_1300 = tpu.vector_load %arg6[%get3A_1297, %get3A_1298, %get3A_1299] {strides = array<i32>} : memref<6x128x32xf32, #tpu.memory_space<vmem>>, vector<16xf32>,
      %scatter3A_1301 = arith.constant 0 : i32
      %scatter3A_1302 = arith.constant 0 : i32
      %scatter3A_1303 = arith.constant 0 : i32
      %scatter3A_1304 = arith.constant 0 : i32
      %scatter3A_1305 = tpu.memref_slice %arg7[%scatter3A_1301, %scatter3A_1302, %scatter3A_1303, %scatter3A_1304] : memref<2x4x8x129xf32, #tpu.memory_space<vmem>> -> memref<1x4x8x129xf32, #tpu.memory_space<vmem>>
      %scatter3A_1306 = tpu.memref_squeeze %scatter3A_1305 : memref<1x4x8x129xf32, #tpu.memory_space<vmem>> -> memref<4x8x129xf32, #tpu.memory_space<vmem>>
      tpu.vector_store_idx %scatter3A_1306[%select_n3A, %select_n3A_85, %add3A_1295], %get3A_1300 : memref<4x8x129xf32, #tpu.memory_space<vmem>>[vector<16xi32>, vector<16xi32>, vector<16xi32>], vector<16xf32>,
      %get3A_1307 = arith.constant 0 : i32
      %get3A_1308 = arith.index_cast %get3A_1307 : i32 to index
      %get3A_1309 = arith.index_cast %add3A_1291 : i32 to index
      %get3A_1310 = arith.constant 16 : index
      %get3A_1311 = tpu.vector_load %arg6[%get3A_1308, %get3A_1309, %get3A_1310] {strides = array<i32>} : memref<6x128x32xf32, #tpu.memory_space<vmem>>, vector<16xf32>,
      %scatter3A_1312 = arith.constant 0 : i32
      %scatter3A_1313 = arith.constant 0 : i32
      %scatter3A_1314 = arith.constant 0 : i32
      %scatter3A_1315 = arith.constant 0 : i32
      %scatter3A_1316 = tpu.memref_slice %arg7[%scatter3A_1312, %scatter3A_1313, %scatter3A_1314, %scatter3A_1315] : memref<2x4x8x129xf32, #tpu.memory_space<vmem>> -> memref<1x4x8x129xf32, #tpu.memory_space<vmem>>
      %scatter3A_1317 = tpu.memref_squeeze %scatter3A_1316 : memref<1x4x8x129xf32, #tpu.memory_space<vmem>> -> memref<4x8x129xf32, #tpu.memory_space<vmem>>
      tpu.vector_store_idx %scatter3A_1317[%select_n3A_62, %select_n3A_110, %add3A_1295], %get3A_1311 : memref<4x8x129xf32, #tpu.memory_space<vmem>>[vector<16xi32>, vector<16xi32>, vector<16xi32>], vector<16xf32>,
      %add3A_1318 = arith.constant 4 : i32
      %add3A_1319 = arith.addi %mul3A_1208, %add3A_1318 : i32
      %broadcast_in_dim3A_1320 = arith.constant 0 : i32
      %broadcast_in_dim3A_1321 = vector.broadcast %broadcast_in_dim3A_1320 : i32 to vector<16xi32>
      %add3A_1322 = vector.broadcast %add3A_1319 : i32 to vector<16xi32>
      %add3A_1323 = arith.addi %broadcast_in_dim3A_1321, %add3A_1322 : vector<16xi32>
      %get3A_1324 = arith.constant 0 : i32
      %get3A_1325 = arith.index_cast %get3A_1324 : i32 to index
      %get3A_1326 = arith.index_cast %add3A_1319 : i32 to index
      %get3A_1327 = arith.constant 0 : index
      %get3A_1328 = tpu.vector_load %arg6[%get3A_1325, %get3A_1326, %get3A_1327] {strides = array<i32>} : memref<6x128x32xf32, #tpu.memory_space<vmem>>, vector<16xf32>,
      %scatter3A_1329 = arith.constant 0 : i32
      %scatter3A_1330 = arith.constant 0 : i32
      %scatter3A_1331 = arith.constant 0 : i32
      %scatter3A_1332 = arith.constant 0 : i32
      %scatter3A_1333 = tpu.memref_slice %arg7[%scatter3A_1329, %scatter3A_1330, %scatter3A_1331, %scatter3A_1332] : memref<2x4x8x129xf32, #tpu.memory_space<vmem>> -> memref<1x4x8x129xf32, #tpu.memory_space<vmem>>
      %scatter3A_1334 = tpu.memref_squeeze %scatter3A_1333 : memref<1x4x8x129xf32, #tpu.memory_space<vmem>> -> memref<4x8x129xf32, #tpu.memory_space<vmem>>
      tpu.vector_store_idx %scatter3A_1334[%select_n3A, %select_n3A_85, %add3A_1323], %get3A_1328 : memref<4x8x129xf32, #tpu.memory_space<vmem>>[vector<16xi32>, vector<16xi32>, vector<16xi32>], vector<16xf32>,
      %get3A_1335 = arith.constant 0 : i32
      %get3A_1336 = arith.index_cast %get3A_1335 : i32 to index
      %get3A_1337 = arith.index_cast %add3A_1319 : i32 to index
      %get3A_1338 = arith.constant 16 : index
      %get3A_1339 = tpu.vector_load %arg6[%get3A_1336, %get3A_1337, %get3A_1338] {strides = array<i32>} : memref<6x128x32xf32, #tpu.memory_space<vmem>>, vector<16xf32>,
      %scatter3A_1340 = arith.constant 0 : i32
      %scatter3A_1341 = arith.constant 0 : i32
      %scatter3A_1342 = arith.constant 0 : i32
      %scatter3A_1343 = arith.constant 0 : i32
      %scatter3A_1344 = tpu.memref_slice %arg7[%scatter3A_1340, %scatter3A_1341, %scatter3A_1342, %scatter3A_1343] : memref<2x4x8x129xf32, #tpu.memory_space<vmem>> -> memref<1x4x8x129xf32, #tpu.memory_space<vmem>>
      %scatter3A_1345 = tpu.memref_squeeze %scatter3A_1344 : memref<1x4x8x129xf32, #tpu.memory_space<vmem>> -> memref<4x8x129xf32, #tpu.memory_space<vmem>>
      tpu.vector_store_idx %scatter3A_1345[%select_n3A_62, %select_n3A_110, %add3A_1323], %get3A_1339 : memref<4x8x129xf32, #tpu.memory_space<vmem>>[vector<16xi32>, vector<16xi32>, vector<16xi32>], vector<16xf32>,
      %add3A_1346 = arith.constant 5 : i32
      %add3A_1347 = arith.addi %mul3A_1208, %add3A_1346 : i32
      %broadcast_in_dim3A_1348 = arith.constant 0 : i32
      %broadcast_in_dim3A_1349 = vector.broadcast %broadcast_in_dim3A_1348 : i32 to vector<16xi32>
      %add3A_1350 = vector.broadcast %add3A_1347 : i32 to vector<16xi32>
      %add3A_1351 = arith.addi %broadcast_in_dim3A_1349, %add3A_1350 : vector<16xi32>
      %get3A_1352 = arith.constant 0 : i32
      %get3A_1353 = arith.index_cast %get3A_1352 : i32 to index
      %get3A_1354 = arith.index_cast %add3A_1347 : i32 to index
      %get3A_1355 = arith.constant 0 : index
      %get3A_1356 = tpu.vector_load %arg6[%get3A_1353, %get3A_1354, %get3A_1355] {strides = array<i32>} : memref<6x128x32xf32, #tpu.memory_space<vmem>>, vector<16xf32>,
      %scatter3A_1357 = arith.constant 0 : i32
      %scatter3A_1358 = arith.constant 0 : i32
      %scatter3A_1359 = arith.constant 0 : i32
      %scatter3A_1360 = arith.constant 0 : i32
      %scatter3A_1361 = tpu.memref_slice %arg7[%scatter3A_1357, %scatter3A_1358, %scatter3A_1359, %scatter3A_1360] : memref<2x4x8x129xf32, #tpu.memory_space<vmem>> -> memref<1x4x8x129xf32, #tpu.memory_space<vmem>>
      %scatter3A_1362 = tpu.memref_squeeze %scatter3A_1361 : memref<1x4x8x129xf32, #tpu.memory_space<vmem>> -> memref<4x8x129xf32, #tpu.memory_space<vmem>>
      tpu.vector_store_idx %scatter3A_1362[%select_n3A, %select_n3A_85, %add3A_1351], %get3A_1356 : memref<4x8x129xf32, #tpu.memory_space<vmem>>[vector<16xi32>, vector<16xi32>, vector<16xi32>], vector<16xf32>,
      %get3A_1363 = arith.constant 0 : i32
      %get3A_1364 = arith.index_cast %get3A_1363 : i32 to index
      %get3A_1365 = arith.index_cast %add3A_1347 : i32 to index
      %get3A_1366 = arith.constant 16 : index
      %get3A_1367 = tpu.vector_load %arg6[%get3A_1364, %get3A_1365, %get3A_1366] {strides = array<i32>} : memref<6x128x32xf32, #tpu.memory_space<vmem>>, vector<16xf32>,
      %scatter3A_1368 = arith.constant 0 : i32
      %scatter3A_1369 = arith.constant 0 : i32
      %scatter3A_1370 = arith.constant 0 : i32
      %scatter3A_1371 = arith.constant 0 : i32
      %scatter3A_1372 = tpu.memref_slice %arg7[%scatter3A_1368, %scatter3A_1369, %scatter3A_1370, %scatter3A_1371] : memref<2x4x8x129xf32, #tpu.memory_space<vmem>> -> memref<1x4x8x129xf32, #tpu.memory_space<vmem>>
      %scatter3A_1373 = tpu.memref_squeeze %scatter3A_1372 : memref<1x4x8x129xf32, #tpu.memory_space<vmem>> -> memref<4x8x129xf32, #tpu.memory_space<vmem>>
      tpu.vector_store_idx %scatter3A_1373[%select_n3A_62, %select_n3A_110, %add3A_1351], %get3A_1367 : memref<4x8x129xf32, #tpu.memory_space<vmem>>[vector<16xi32>, vector<16xi32>, vector<16xi32>], vector<16xf32>,
      %add3A_1374 = arith.constant 6 : i32
      %add3A_1375 = arith.addi %mul3A_1208, %add3A_1374 : i32
      %broadcast_in_dim3A_1376 = arith.constant 0 : i32
      %broadcast_in_dim3A_1377 = vector.broadcast %broadcast_in_dim3A_1376 : i32 to vector<16xi32>
      %add3A_1378 = vector.broadcast %add3A_1375 : i32 to vector<16xi32>
      %add3A_1379 = arith.addi %broadcast_in_dim3A_1377, %add3A_1378 : vector<16xi32>
      %get3A_1380 = arith.constant 0 : i32
      %get3A_1381 = arith.index_cast %get3A_1380 : i32 to index
      %get3A_1382 = arith.index_cast %add3A_1375 : i32 to index
      %get3A_1383 = arith.constant 0 : index
      %get3A_1384 = tpu.vector_load %arg6[%get3A_1381, %get3A_1382, %get3A_1383] {strides = array<i32>} : memref<6x128x32xf32, #tpu.memory_space<vmem>>, vector<16xf32>,
      %scatter3A_1385 = arith.constant 0 : i32
      %scatter3A_1386 = arith.constant 0 : i32
      %scatter3A_1387 = arith.constant 0 : i32
      %scatter3A_1388 = arith.constant 0 : i32
      %scatter3A_1389 = tpu.memref_slice %arg7[%scatter3A_1385, %scatter3A_1386, %scatter3A_1387, %scatter3A_1388] : memref<2x4x8x129xf32, #tpu.memory_space<vmem>> -> memref<1x4x8x129xf32, #tpu.memory_space<vmem>>
      %scatter3A_1390 = tpu.memref_squeeze %scatter3A_1389 : memref<1x4x8x129xf32, #tpu.memory_space<vmem>> -> memref<4x8x129xf32, #tpu.memory_space<vmem>>
      tpu.vector_store_idx %scatter3A_1390[%select_n3A, %select_n3A_85, %add3A_1379], %get3A_1384 : memref<4x8x129xf32, #tpu.memory_space<vmem>>[vector<16xi32>, vector<16xi32>, vector<16xi32>], vector<16xf32>,
      %get3A_1391 = arith.constant 0 : i32
      %get3A_1392 = arith.index_cast %get3A_1391 : i32 to index
      %get3A_1393 = arith.index_cast %add3A_1375 : i32 to index
      %get3A_1394 = arith.constant 16 : index
      %get3A_1395 = tpu.vector_load %arg6[%get3A_1392, %get3A_1393, %get3A_1394] {strides = array<i32>} : memref<6x128x32xf32, #tpu.memory_space<vmem>>, vector<16xf32>,
      %scatter3A_1396 = arith.constant 0 : i32
      %scatter3A_1397 = arith.constant 0 : i32
      %scatter3A_1398 = arith.constant 0 : i32
      %scatter3A_1399 = arith.constant 0 : i32
      %scatter3A_1400 = tpu.memref_slice %arg7[%scatter3A_1396, %scatter3A_1397, %scatter3A_1398, %scatter3A_1399] : memref<2x4x8x129xf32, #tpu.memory_space<vmem>> -> memref<1x4x8x129xf32, #tpu.memory_space<vmem>>
      %scatter3A_1401 = tpu.memref_squeeze %scatter3A_1400 : memref<1x4x8x129xf32, #tpu.memory_space<vmem>> -> memref<4x8x129xf32, #tpu.memory_space<vmem>>
      tpu.vector_store_idx %scatter3A_1401[%select_n3A_62, %select_n3A_110, %add3A_1379], %get3A_1395 : memref<4x8x129xf32, #tpu.memory_space<vmem>>[vector<16xi32>, vector<16xi32>, vector<16xi32>], vector<16xf32>,
      %add3A_1402 = arith.constant 7 : i32
      %add3A_1403 = arith.addi %mul3A_1208, %add3A_1402 : i32
      %broadcast_in_dim3A_1404 = arith.constant 0 : i32
      %broadcast_in_dim3A_1405 = vector.broadcast %broadcast_in_dim3A_1404 : i32 to vector<16xi32>
      %add3A_1406 = vector.broadcast %add3A_1403 : i32 to vector<16xi32>
      %add3A_1407 = arith.addi %broadcast_in_dim3A_1405, %add3A_1406 : vector<16xi32>
      %get3A_1408 = arith.constant 0 : i32
      %get3A_1409 = arith.index_cast %get3A_1408 : i32 to index
      %get3A_1410 = arith.index_cast %add3A_1403 : i32 to index
      %get3A_1411 = arith.constant 0 : index
      %get3A_1412 = tpu.vector_load %arg6[%get3A_1409, %get3A_1410, %get3A_1411] {strides = array<i32>} : memref<6x128x32xf32, #tpu.memory_space<vmem>>, vector<16xf32>,
      %scatter3A_1413 = arith.constant 0 : i32
      %scatter3A_1414 = arith.constant 0 : i32
      %scatter3A_1415 = arith.constant 0 : i32
      %scatter3A_1416 = arith.constant 0 : i32
      %scatter3A_1417 = tpu.memref_slice %arg7[%scatter3A_1413, %scatter3A_1414, %scatter3A_1415, %scatter3A_1416] : memref<2x4x8x129xf32, #tpu.memory_space<vmem>> -> memref<1x4x8x129xf32, #tpu.memory_space<vmem>>
      %scatter3A_1418 = tpu.memref_squeeze %scatter3A_1417 : memref<1x4x8x129xf32, #tpu.memory_space<vmem>> -> memref<4x8x129xf32, #tpu.memory_space<vmem>>
      tpu.vector_store_idx %scatter3A_1418[%select_n3A, %select_n3A_85, %add3A_1407], %get3A_1412 : memref<4x8x129xf32, #tpu.memory_space<vmem>>[vector<16xi32>, vector<16xi32>, vector<16xi32>], vector<16xf32>,
      %get3A_1419 = arith.constant 0 : i32
      %get3A_1420 = arith.index_cast %get3A_1419 : i32 to index
      %get3A_1421 = arith.index_cast %add3A_1403 : i32 to index
      %get3A_1422 = arith.constant 16 : index
      %get3A_1423 = tpu.vector_load %arg6[%get3A_1420, %get3A_1421, %get3A_1422] {strides = array<i32>} : memref<6x128x32xf32, #tpu.memory_space<vmem>>, vector<16xf32>,
      %scatter3A_1424 = arith.constant 0 : i32
      %scatter3A_1425 = arith.constant 0 : i32
      %scatter3A_1426 = arith.constant 0 : i32
      %scatter3A_1427 = arith.constant 0 : i32
      %scatter3A_1428 = tpu.memref_slice %arg7[%scatter3A_1424, %scatter3A_1425, %scatter3A_1426, %scatter3A_1427] : memref<2x4x8x129xf32, #tpu.memory_space<vmem>> -> memref<1x4x8x129xf32, #tpu.memory_space<vmem>>
      %scatter3A_1429 = tpu.memref_squeeze %scatter3A_1428 : memref<1x4x8x129xf32, #tpu.memory_space<vmem>> -> memref<4x8x129xf32, #tpu.memory_space<vmem>>
      tpu.vector_store_idx %scatter3A_1429[%select_n3A_62, %select_n3A_110, %add3A_1407], %get3A_1423 : memref<4x8x129xf32, #tpu.memory_space<vmem>>[vector<16xi32>, vector<16xi32>, vector<16xi32>], vector<16xf32>,
    }
    %scan3A_197 = arith.constant 16 : i32
    %add3A_198 = arith.constant 0 : i32
    %add3A_199 = arith.addi %mul3A_2, %add3A_198 : i32
    %jit3A_200 = arith.constant 128 : i32
    %div3A_201 = arith.divsi %add3A_199, %jit3A_200 : i32
    %sign3A_202 = arith.constant 0 : i32
    %sign3A_203 = arith.cmpi sgt, %add3A_199, %sign3A_202 : i32
    %sign3A_204 = arith.extui %sign3A_203 : i1 to i32
    %sign3A_205 = arith.constant 0 : i32
    %sign3A_206 = arith.cmpi slt, %add3A_199, %sign3A_205 : i32
    %sign3A_207 = arith.extui %sign3A_206 : i1 to i32
    %sign3A_208 = arith.subi %sign3A_204, %sign3A_207 : i32
    %sign3A_209 = arith.constant 0 : i32
    %sign3A_210 = arith.cmpi sgt, %jit3A_200, %sign3A_209 : i32
    %sign3A_211 = arith.extui %sign3A_210 : i1 to i32
    %sign3A_212 = arith.constant 0 : i32
    %sign3A_213 = arith.cmpi slt, %jit3A_200, %sign3A_212 : i32
    %sign3A_214 = arith.extui %sign3A_213 : i1 to i32
    %sign3A_215 = arith.subi %sign3A_211, %sign3A_214 : i32
    %ne3A_216 = arith.cmpi ne, %sign3A_208, %sign3A_215 : i32
    %rem3A_217 = arith.remsi %add3A_199, %jit3A_200 : i32
    %ne3A_218 = arith.constant 0 : i32
    %ne3A_219 = arith.cmpi ne, %rem3A_217, %ne3A_218 : i32
    %and3A_220 = arith.andi %ne3A_216, %ne3A_219 : i1
    %sub3A_221 = arith.constant 1 : i32
    %sub3A_222 = arith.subi %div3A_201, %sub3A_221 : i32
    %select_n3A_223 = arith.select %and3A_220, %sub3A_222, %div3A_201 : i32
    %jit3A_224 = arith.constant 128 : i32
    %eq3A_225 = arith.constant 0 : i32
    %eq3A_226 = arith.cmpi eq, %jit3A_224, %eq3A_225 : i32
    %jit3A_227 = arith.constant 1 : i32
    %select_n3A_228 = arith.select %eq3A_226, %jit3A_227, %jit3A_224 : i32
    %rem3A_229 = arith.remsi %add3A_199, %select_n3A_228 : i32
    %ne3A_230 = arith.constant 0 : i32
    %ne3A_231 = arith.cmpi ne, %rem3A_229, %ne3A_230 : i32
    %lt3A_232 = arith.constant 0 : i32
    %lt3A_233 = arith.cmpi slt, %rem3A_229, %lt3A_232 : i32
    %lt3A_234 = arith.constant 0 : i32
    %lt3A_235 = arith.cmpi slt, %select_n3A_228, %lt3A_234 : i32
    %ne3A_236 = arith.xori %lt3A_233, %lt3A_235 : i1
    %and3A_237 = arith.andi %ne3A_236, %ne3A_231 : i1
    %add3A_238 = arith.addi %rem3A_229, %select_n3A_228 : i32
    %select_n3A_239 = arith.select %and3A_237, %add3A_238, %rem3A_229 : i32
    %dma_start3A_240 = arith.constant 0 : i32
    %dma_start3A_241 = arith.constant 0 : i32
    %dma_start3A_242 = arith.constant 0 : i32
    %dma_start3A_243 = arith.constant 0 : i32
    %dma_start3A_244 = tpu.memref_slice %arg7[%dma_start3A_240, %dma_start3A_241, %dma_start3A_242, %dma_start3A_243] : memref<2x4x8x129xf32, #tpu.memory_space<vmem>> -> memref<1x4x8x128xf32, #tpu.memory_space<vmem>>
    %dma_start3A_245 = tpu.memref_squeeze %dma_start3A_244 : memref<1x4x8x128xf32, #tpu.memory_space<vmem>> -> memref<4x8x128xf32, #tpu.memory_space<vmem>>
    %dma_start3A_246 = arith.constant 0 : i32
    %dma_start3A_247 = arith.constant 0 : i32
    %dma_start3A_248 = arith.constant 0 : i32
    %dma_start3A_249 = tpu.memref_slice %arg4[%select_n3A_223, %dma_start3A_246, %select_n3A_239, %dma_start3A_247, %dma_start3A_248] : memref<26x4x128x8x128xf32, #tpu.memory_space<hbm>> -> memref<1x4x1x8x128xf32, #tpu.memory_space<hbm>>
    %dma_start3A_250 = tpu.memref_squeeze %dma_start3A_249 : memref<1x4x1x8x128xf32, #tpu.memory_space<hbm>> -> memref<4x8x128xf32, #tpu.memory_space<hbm>>
    %dma_start3A_251 = arith.constant 0 : i32
    %dma_start3A_252 = arith.constant 0 : i32
    %dma_start3A_253 = arith.constant 0 : i32
    %dma_start3A_254 = tpu.memref_slice %arg4[%select_n3A_223, %dma_start3A_251, %select_n3A_239, %dma_start3A_252, %dma_start3A_253] : memref<26x4x128x8x128xf32, #tpu.memory_space<hbm>> -> memref<1x4x1x8x128xf32, #tpu.memory_space<hbm>>
    %dma_start3A_255 = tpu.memref_squeeze %dma_start3A_254 : memref<1x4x1x8x128xf32, #tpu.memory_space<hbm>> -> memref<4x8x128xf32, #tpu.memory_space<hbm>>
    %dma_start3A_256 = arith.constant 0 : i32
    %dma_start3A_257 = arith.constant 0 : i32
    %dma_start3A_258 = arith.constant 0 : i32
    %dma_start3A_259 = tpu.memref_slice %arg7[%dma_start3A_240, %dma_start3A_256, %dma_start3A_257, %dma_start3A_258] : memref<2x4x8x129xf32, #tpu.memory_space<vmem>> -> memref<1x4x8x128xf32, #tpu.memory_space<vmem>>
    %dma_start3A_260 = tpu.memref_squeeze %dma_start3A_259 : memref<1x4x8x128xf32, #tpu.memory_space<vmem>> -> memref<4x8x128xf32, #tpu.memory_space<vmem>>
    tpu.enqueue_dma source(%dma_start3A_260 : memref<4x8x128xf32, #tpu.memory_space<vmem>>) target(%dma_start3A_255 : memref<4x8x128xf32, #tpu.memory_space<hbm>>) target_semaphore(%arg9 : memref<!tpu.dma_semaphore, #tpu.memory_space<semaphore_mem>>)
    %dma_start3A_261 = arith.constant 6 : i32
    %dma_start3A_262 = arith.constant 0 : i32
    %dma_start3A_263 = arith.constant 0 : i32
    %dma_start3A_264 = arith.constant 0 : i32
    %dma_start3A_265 = tpu.memref_slice %arg6[%dma_start3A_262, %dma_start3A_263, %dma_start3A_264] : memref<6x128x32xf32, #tpu.memory_space<vmem>> -> memref<1x128x32xf32, #tpu.memory_space<vmem>>
    %dma_start3A_266 = tpu.memref_squeeze %dma_start3A_265 : memref<1x128x32xf32, #tpu.memory_space<vmem>> -> memref<128x32xf32, #tpu.memory_space<vmem>>
    %dma_start3A_267 = arith.constant 0 : i32
    %dma_start3A_268 = tpu.memref_slice %arg5[%dma_start3A_261, %dma_start3A_267] : memref<104x128xi32, #tpu.memory_space<vmem>> -> memref<1x128xi32, #tpu.memory_space<vmem>>
    %dma_start3A_269 = tpu.memref_squeeze %dma_start3A_268 : memref<1x128xi32, #tpu.memory_space<vmem>> -> memref<128xi32, #tpu.memory_space<vmem>>
    %dma_start3A_270 = arith.constant 0 : i32
    %dma_start3A_271 = arith.constant 0 : i32
    %dma_start3A_272 = tpu.memref_slice %arg2[%dma_start3A_270, %dma_start3A_271] : memref<4000000x32xf32, #tpu.memory_space<hbm>> -> memref<4000000x32xf32, #tpu.memory_space<hbm>>
    tpu.enqueue_indirect_dma source(%dma_start3A_272 : memref<4000000x32xf32, #tpu.memory_space<hbm>>) target(%dma_start3A_266 : memref<128x32xf32, #tpu.memory_space<vmem>>) offsets(%dma_start3A_269 : memref<128xi32, #tpu.memory_space<vmem>>) semaphore(%arg8 : memref<!tpu.dma_semaphore, #tpu.memory_space<semaphore_mem>>)
    %scan3A_273 = arith.constant 0 : i32
    %scan3A_274 = arith.constant 1 : i32
    %scan3A_275 = arith.constant 97 : i32
    %scan3A_276 = arith.addi %scan3A_274, %scan3A_275 : i32
    %scan3A_277 = arith.constant 1 : i32
    scf.for %scan3A_1206 = %scan3A_274 to %scan3A_276 step %scan3A_277  : i32 {
      %jit3A_1207 = arith.constant 6 : i32
      %eq3A_1208 = arith.constant 0 : i32
      %eq3A_1209 = arith.cmpi eq, %jit3A_1207, %eq3A_1208 : i32
      %jit3A_1210 = arith.constant 1 : i32
      %select_n3A_1211 = arith.select %eq3A_1209, %jit3A_1210, %jit3A_1207 : i32
      %rem3A_1212 = arith.remsi %scan3A_1206, %select_n3A_1211 : i32
      %ne3A_1213 = arith.constant 0 : i32
      %ne3A_1214 = arith.cmpi ne, %rem3A_1212, %ne3A_1213 : i32
      %lt3A_1215 = arith.constant 0 : i32
      %lt3A_1216 = arith.cmpi slt, %rem3A_1212, %lt3A_1215 : i32
      %lt3A_1217 = arith.constant 0 : i32
      %lt3A_1218 = arith.cmpi slt, %select_n3A_1211, %lt3A_1217 : i32
      %ne3A_1219 = arith.xori %lt3A_1216, %lt3A_1218 : i1
      %and3A_1220 = arith.andi %ne3A_1219, %ne3A_1214 : i1
      %add3A_1221 = arith.addi %rem3A_1212, %select_n3A_1211 : i32
      %select_n3A_1222 = arith.select %and3A_1220, %add3A_1221, %rem3A_1212 : i32
      %dma_wait3A_1223 = arith.constant 0 : i32
      %dma_wait3A_1224 = arith.constant 0 : i32
      %dma_wait3A_1225 = tpu.memref_slice %arg6[%select_n3A_1222, %dma_wait3A_1223, %dma_wait3A_1224] : memref<6x128x32xf32, #tpu.memory_space<vmem>> -> memref<1x128x32xf32, #tpu.memory_space<vmem>>
      %dma_wait3A_1226 = tpu.memref_squeeze %dma_wait3A_1225 : memref<1x128x32xf32, #tpu.memory_space<vmem>> -> memref<128x32xf32, #tpu.memory_space<vmem>>
      %dma_wait3A_1227 = arith.constant 0 : i32
      %dma_wait3A_1228 = tpu.memref_slice %arg5[%scan3A_1206, %dma_wait3A_1227] : memref<104x128xi32, #tpu.memory_space<vmem>> -> memref<1x128xi32, #tpu.memory_space<vmem>>
      %dma_wait3A_1229 = tpu.memref_squeeze %dma_wait3A_1228 : memref<1x128xi32, #tpu.memory_space<vmem>> -> memref<128xi32, #tpu.memory_space<vmem>>
      %dma_wait3A_1230 = arith.constant 0 : i32
      %dma_wait3A_1231 = arith.constant 0 : i32
      %dma_wait3A_1232 = tpu.memref_slice %arg2[%dma_wait3A_1230, %dma_wait3A_1231] : memref<4000000x32xf32, #tpu.memory_space<hbm>> -> memref<4000000x32xf32, #tpu.memory_space<hbm>>
      tpu.wait_indirect_dma semaphore(%arg8 : memref<!tpu.dma_semaphore, #tpu.memory_space<semaphore_mem>>) src(%dma_wait3A_1232 : memref<4000000x32xf32, #tpu.memory_space<hbm>>) dst(%dma_wait3A_1226 : memref<128x32xf32, #tpu.memory_space<vmem>>)
      %jit3A_1233 = arith.constant 6 : i32
      %eq3A_1234 = arith.constant 0 : i32
      %eq3A_1235 = arith.cmpi eq, %jit3A_1233, %eq3A_1234 : i32
      %jit3A_1236 = arith.constant 1 : i32
      %select_n3A_1237 = arith.select %eq3A_1235, %jit3A_1236, %jit3A_1233 : i32
      %rem3A_1238 = arith.remsi %scan3A_1206, %select_n3A_1237 : i32
      %ne3A_1239 = arith.constant 0 : i32
      %ne3A_1240 = arith.cmpi ne, %rem3A_1238, %ne3A_1239 : i32
      %lt3A_1241 = arith.constant 0 : i32
      %lt3A_1242 = arith.cmpi slt, %rem3A_1238, %lt3A_1241 : i32
      %lt3A_1243 = arith.constant 0 : i32
      %lt3A_1244 = arith.cmpi slt, %select_n3A_1237, %lt3A_1243 : i32
      %ne3A_1245 = arith.xori %lt3A_1242, %lt3A_1244 : i1
      %and3A_1246 = arith.andi %ne3A_1245, %ne3A_1240 : i1
      %add3A_1247 = arith.addi %rem3A_1238, %select_n3A_1237 : i32
      %select_n3A_1248 = arith.select %and3A_1246, %add3A_1247, %rem3A_1238 : i32
      %jit3A_1249 = arith.constant 2 : i32
      %eq3A_1250 = arith.constant 0 : i32
      %eq3A_1251 = arith.cmpi eq, %jit3A_1249, %eq3A_1250 : i32
      %jit3A_1252 = arith.constant 1 : i32
      %select_n3A_1253 = arith.select %eq3A_1251, %jit3A_1252, %jit3A_1249 : i32
      %rem3A_1254 = arith.remsi %scan3A_1206, %select_n3A_1253 : i32
      %ne3A_1255 = arith.constant 0 : i32
      %ne3A_1256 = arith.cmpi ne, %rem3A_1254, %ne3A_1255 : i32
      %lt3A_1257 = arith.constant 0 : i32
      %lt3A_1258 = arith.cmpi slt, %rem3A_1254, %lt3A_1257 : i32
      %lt3A_1259 = arith.constant 0 : i32
      %lt3A_1260 = arith.cmpi slt, %select_n3A_1253, %lt3A_1259 : i32
      %ne3A_1261 = arith.xori %lt3A_1258, %lt3A_1260 : i1
      %and3A_1262 = arith.andi %ne3A_1261, %ne3A_1256 : i1
      %add3A_1263 = arith.addi %rem3A_1254, %select_n3A_1253 : i32
      %select_n3A_1264 = arith.select %and3A_1262, %add3A_1263, %rem3A_1254 : i32
      %scan3A_1265 = arith.constant 0 : i32
      %scan3A_1266 = arith.constant 0 : i32
      %scan3A_1267 = arith.constant 16 : i32
      %scan3A_1268 = arith.addi %scan3A_1266, %scan3A_1267 : i32
      %scan3A_1269 = arith.constant 1 : i32
      scf.for %scan3A_1455 = %scan3A_1266 to %scan3A_1268 step %scan3A_1269  : i32 {
        %mul3A_1456 = arith.constant 8 : i32
        %mul3A_1457 = arith.muli %scan3A_1455, %mul3A_1456 : i32
        %add3A_1458 = arith.constant 0 : i32
        %add3A_1459 = arith.addi %mul3A_1457, %add3A_1458 : i32
        %broadcast_in_dim3A = arith.constant 0 : i32
        %broadcast_in_dim3A_1460 = vector.broadcast %broadcast_in_dim3A : i32 to vector<16xi32>
        %add3A_1461 = vector.broadcast %add3A_1459 : i32 to vector<16xi32>
        %add3A_1462 = arith.addi %broadcast_in_dim3A_1460, %add3A_1461 : vector<16xi32>
        %get3A = arith.index_cast %select_n3A_1248 : i32 to index
        %get3A_1463 = arith.index_cast %add3A_1459 : i32 to index
        %get3A_1464 = arith.constant 0 : index
        %get3A_1465 = tpu.vector_load %arg6[%get3A, %get3A_1463, %get3A_1464] {strides = array<i32>} : memref<6x128x32xf32, #tpu.memory_space<vmem>>, vector<16xf32>,
        %scatter3A = arith.constant 0 : i32
        %scatter3A_1466 = arith.constant 0 : i32
        %scatter3A_1467 = arith.constant 0 : i32
        %scatter3A_1468 = tpu.memref_slice %arg7[%select_n3A_1264, %scatter3A, %scatter3A_1466, %scatter3A_1467] : memref<2x4x8x129xf32, #tpu.memory_space<vmem>> -> memref<1x4x8x129xf32, #tpu.memory_space<vmem>>
        %scatter3A_1469 = tpu.memref_squeeze %scatter3A_1468 : memref<1x4x8x129xf32, #tpu.memory_space<vmem>> -> memref<4x8x129xf32, #tpu.memory_space<vmem>>
        tpu.vector_store_idx %scatter3A_1469[%select_n3A, %select_n3A_85, %add3A_1462], %get3A_1465 : memref<4x8x129xf32, #tpu.memory_space<vmem>>[vector<16xi32>, vector<16xi32>, vector<16xi32>], vector<16xf32>,
        %get3A_1470 = arith.index_cast %select_n3A_1248 : i32 to index
        %get3A_1471 = arith.index_cast %add3A_1459 : i32 to index
        %get3A_1472 = arith.constant 16 : index
        %get3A_1473 = tpu.vector_load %arg6[%get3A_1470, %get3A_1471, %get3A_1472] {strides = array<i32>} : memref<6x128x32xf32, #tpu.memory_space<vmem>>, vector<16xf32>,
        %scatter3A_1474 = arith.constant 0 : i32
        %scatter3A_1475 = arith.constant 0 : i32
        %scatter3A_1476 = arith.constant 0 : i32
        %scatter3A_1477 = tpu.memref_slice %arg7[%select_n3A_1264, %scatter3A_1474, %scatter3A_1475, %scatter3A_1476] : memref<2x4x8x129xf32, #tpu.memory_space<vmem>> -> memref<1x4x8x129xf32, #tpu.memory_space<vmem>>
        %scatter3A_1478 = tpu.memref_squeeze %scatter3A_1477 : memref<1x4x8x129xf32, #tpu.memory_space<vmem>> -> memref<4x8x129xf32, #tpu.memory_space<vmem>>
        tpu.vector_store_idx %scatter3A_1478[%select_n3A_62, %select_n3A_110, %add3A_1462], %get3A_1473 : memref<4x8x129xf32, #tpu.memory_space<vmem>>[vector<16xi32>, vector<16xi32>, vector<16xi32>], vector<16xf32>,
        %add3A_1479 = arith.constant 1 : i32
        %add3A_1480 = arith.addi %mul3A_1457, %add3A_1479 : i32
        %broadcast_in_dim3A_1481 = arith.constant 0 : i32
        %broadcast_in_dim3A_1482 = vector.broadcast %broadcast_in_dim3A_1481 : i32 to vector<16xi32>
        %add3A_1483 = vector.broadcast %add3A_1480 : i32 to vector<16xi32>
        %add3A_1484 = arith.addi %broadcast_in_dim3A_1482, %add3A_1483 : vector<16xi32>
        %get3A_1485 = arith.index_cast %select_n3A_1248 : i32 to index
        %get3A_1486 = arith.index_cast %add3A_1480 : i32 to index
        %get3A_1487 = arith.constant 0 : index
        %get3A_1488 = tpu.vector_load %arg6[%get3A_1485, %get3A_1486, %get3A_1487] {strides = array<i32>} : memref<6x128x32xf32, #tpu.memory_space<vmem>>, vector<16xf32>,
        %scatter3A_1489 = arith.constant 0 : i32
        %scatter3A_1490 = arith.constant 0 : i32
        %scatter3A_1491 = arith.constant 0 : i32
        %scatter3A_1492 = tpu.memref_slice %arg7[%select_n3A_1264, %scatter3A_1489, %scatter3A_1490, %scatter3A_1491] : memref<2x4x8x129xf32, #tpu.memory_space<vmem>> -> memref<1x4x8x129xf32, #tpu.memory_space<vmem>>
        %scatter3A_1493 = tpu.memref_squeeze %scatter3A_1492 : memref<1x4x8x129xf32, #tpu.memory_space<vmem>> -> memref<4x8x129xf32, #tpu.memory_space<vmem>>
        tpu.vector_store_idx %scatter3A_1493[%select_n3A, %select_n3A_85, %add3A_1484], %get3A_1488 : memref<4x8x129xf32, #tpu.memory_space<vmem>>[vector<16xi32>, vector<16xi32>, vector<16xi32>], vector<16xf32>,
        %get3A_1494 = arith.index_cast %select_n3A_1248 : i32 to index
        %get3A_1495 = arith.index_cast %add3A_1480 : i32 to index
        %get3A_1496 = arith.constant 16 : index
        %get3A_1497 = tpu.vector_load %arg6[%get3A_1494, %get3A_1495, %get3A_1496] {strides = array<i32>} : memref<6x128x32xf32, #tpu.memory_space<vmem>>, vector<16xf32>,
        %scatter3A_1498 = arith.constant 0 : i32
        %scatter3A_1499 = arith.constant 0 : i32
        %scatter3A_1500 = arith.constant 0 : i32
        %scatter3A_1501 = tpu.memref_slice %arg7[%select_n3A_1264, %scatter3A_1498, %scatter3A_1499, %scatter3A_1500] : memref<2x4x8x129xf32, #tpu.memory_space<vmem>> -> memref<1x4x8x129xf32, #tpu.memory_space<vmem>>
        %scatter3A_1502 = tpu.memref_squeeze %scatter3A_1501 : memref<1x4x8x129xf32, #tpu.memory_space<vmem>> -> memref<4x8x129xf32, #tpu.memory_space<vmem>>
        tpu.vector_store_idx %scatter3A_1502[%select_n3A_62, %select_n3A_110, %add3A_1484], %get3A_1497 : memref<4x8x129xf32, #tpu.memory_space<vmem>>[vector<16xi32>, vector<16xi32>, vector<16xi32>], vector<16xf32>,
        %add3A_1503 = arith.constant 2 : i32
        %add3A_1504 = arith.addi %mul3A_1457, %add3A_1503 : i32
        %broadcast_in_dim3A_1505 = arith.constant 0 : i32
        %broadcast_in_dim3A_1506 = vector.broadcast %broadcast_in_dim3A_1505 : i32 to vector<16xi32>
        %add3A_1507 = vector.broadcast %add3A_1504 : i32 to vector<16xi32>
        %add3A_1508 = arith.addi %broadcast_in_dim3A_1506, %add3A_1507 : vector<16xi32>
        %get3A_1509 = arith.index_cast %select_n3A_1248 : i32 to index
        %get3A_1510 = arith.index_cast %add3A_1504 : i32 to index
        %get3A_1511 = arith.constant 0 : index
        %get3A_1512 = tpu.vector_load %arg6[%get3A_1509, %get3A_1510, %get3A_1511] {strides = array<i32>} : memref<6x128x32xf32, #tpu.memory_space<vmem>>, vector<16xf32>,
        %scatter3A_1513 = arith.constant 0 : i32
        %scatter3A_1514 = arith.constant 0 : i32
        %scatter3A_1515 = arith.constant 0 : i32
        %scatter3A_1516 = tpu.memref_slice %arg7[%select_n3A_1264, %scatter3A_1513, %scatter3A_1514, %scatter3A_1515] : memref<2x4x8x129xf32, #tpu.memory_space<vmem>> -> memref<1x4x8x129xf32, #tpu.memory_space<vmem>>
        %scatter3A_1517 = tpu.memref_squeeze %scatter3A_1516 : memref<1x4x8x129xf32, #tpu.memory_space<vmem>> -> memref<4x8x129xf32, #tpu.memory_space<vmem>>
        tpu.vector_store_idx %scatter3A_1517[%select_n3A, %select_n3A_85, %add3A_1508], %get3A_1512 : memref<4x8x129xf32, #tpu.memory_space<vmem>>[vector<16xi32>, vector<16xi32>, vector<16xi32>], vector<16xf32>,
        %get3A_1518 = arith.index_cast %select_n3A_1248 : i32 to index
        %get3A_1519 = arith.index_cast %add3A_1504 : i32 to index
        %get3A_1520 = arith.constant 16 : index
        %get3A_1521 = tpu.vector_load %arg6[%get3A_1518, %get3A_1519, %get3A_1520] {strides = array<i32>} : memref<6x128x32xf32, #tpu.memory_space<vmem>>, vector<16xf32>,
        %scatter3A_1522 = arith.constant 0 : i32
        %scatter3A_1523 = arith.constant 0 : i32
        %scatter3A_1524 = arith.constant 0 : i32
        %scatter3A_1525 = tpu.memref_slice %arg7[%select_n3A_1264, %scatter3A_1522, %scatter3A_1523, %scatter3A_1524] : memref<2x4x8x129xf32, #tpu.memory_space<vmem>> -> memref<1x4x8x129xf32, #tpu.memory_space<vmem>>
        %scatter3A_1526 = tpu.memref_squeeze %scatter3A_1525 : memref<1x4x8x129xf32, #tpu.memory_space<vmem>> -> memref<4x8x129xf32, #tpu.memory_space<vmem>>
        tpu.vector_store_idx %scatter3A_1526[%select_n3A_62, %select_n3A_110, %add3A_1508], %get3A_1521 : memref<4x8x129xf32, #tpu.memory_space<vmem>>[vector<16xi32>, vector<16xi32>, vector<16xi32>], vector<16xf32>,
        %add3A_1527 = arith.constant 3 : i32
        %add3A_1528 = arith.addi %mul3A_1457, %add3A_1527 : i32
        %broadcast_in_dim3A_1529 = arith.constant 0 : i32
        %broadcast_in_dim3A_1530 = vector.broadcast %broadcast_in_dim3A_1529 : i32 to vector<16xi32>
        %add3A_1531 = vector.broadcast %add3A_1528 : i32 to vector<16xi32>
        %add3A_1532 = arith.addi %broadcast_in_dim3A_1530, %add3A_1531 : vector<16xi32>
        %get3A_1533 = arith.index_cast %select_n3A_1248 : i32 to index
        %get3A_1534 = arith.index_cast %add3A_1528 : i32 to index
        %get3A_1535 = arith.constant 0 : index
        %get3A_1536 = tpu.vector_load %arg6[%get3A_1533, %get3A_1534, %get3A_1535] {strides = array<i32>} : memref<6x128x32xf32, #tpu.memory_space<vmem>>, vector<16xf32>,
        %scatter3A_1537 = arith.constant 0 : i32
        %scatter3A_1538 = arith.constant 0 : i32
        %scatter3A_1539 = arith.constant 0 : i32
        %scatter3A_1540 = tpu.memref_slice %arg7[%select_n3A_1264, %scatter3A_1537, %scatter3A_1538, %scatter3A_1539] : memref<2x4x8x129xf32, #tpu.memory_space<vmem>> -> memref<1x4x8x129xf32, #tpu.memory_space<vmem>>
        %scatter3A_1541 = tpu.memref_squeeze %scatter3A_1540 : memref<1x4x8x129xf32, #tpu.memory_space<vmem>> -> memref<4x8x129xf32, #tpu.memory_space<vmem>>
        tpu.vector_store_idx %scatter3A_1541[%select_n3A, %select_n3A_85, %add3A_1532], %get3A_1536 : memref<4x8x129xf32, #tpu.memory_space<vmem>>[vector<16xi32>, vector<16xi32>, vector<16xi32>], vector<16xf32>,
        %get3A_1542 = arith.index_cast %select_n3A_1248 : i32 to index
        %get3A_1543 = arith.index_cast %add3A_1528 : i32 to index
        %get3A_1544 = arith.constant 16 : index
        %get3A_1545 = tpu.vector_load %arg6[%get3A_1542, %get3A_1543, %get3A_1544] {strides = array<i32>} : memref<6x128x32xf32, #tpu.memory_space<vmem>>, vector<16xf32>,
        %scatter3A_1546 = arith.constant 0 : i32
        %scatter3A_1547 = arith.constant 0 : i32
        %scatter3A_1548 = arith.constant 0 : i32
        %scatter3A_1549 = tpu.memref_slice %arg7[%select_n3A_1264, %scatter3A_1546, %scatter3A_1547, %scatter3A_1548] : memref<2x4x8x129xf32, #tpu.memory_space<vmem>> -> memref<1x4x8x129xf32, #tpu.memory_space<vmem>>
        %scatter3A_1550 = tpu.memref_squeeze %scatter3A_1549 : memref<1x4x8x129xf32, #tpu.memory_space<vmem>> -> memref<4x8x129xf32, #tpu.memory_space<vmem>>
        tpu.vector_store_idx %scatter3A_1550[%select_n3A_62, %select_n3A_110, %add3A_1532], %get3A_1545 : memref<4x8x129xf32, #tpu.memory_space<vmem>>[vector<16xi32>, vector<16xi32>, vector<16xi32>], vector<16xf32>,
        %add3A_1551 = arith.constant 4 : i32
        %add3A_1552 = arith.addi %mul3A_1457, %add3A_1551 : i32
        %broadcast_in_dim3A_1553 = arith.constant 0 : i32
        %broadcast_in_dim3A_1554 = vector.broadcast %broadcast_in_dim3A_1553 : i32 to vector<16xi32>
        %add3A_1555 = vector.broadcast %add3A_1552 : i32 to vector<16xi32>
        %add3A_1556 = arith.addi %broadcast_in_dim3A_1554, %add3A_1555 : vector<16xi32>
        %get3A_1557 = arith.index_cast %select_n3A_1248 : i32 to index
        %get3A_1558 = arith.index_cast %add3A_1552 : i32 to index
        %get3A_1559 = arith.constant 0 : index
        %get3A_1560 = tpu.vector_load %arg6[%get3A_1557, %get3A_1558, %get3A_1559] {strides = array<i32>} : memref<6x128x32xf32, #tpu.memory_space<vmem>>, vector<16xf32>,
        %scatter3A_1561 = arith.constant 0 : i32
        %scatter3A_1562 = arith.constant 0 : i32
        %scatter3A_1563 = arith.constant 0 : i32
        %scatter3A_1564 = tpu.memref_slice %arg7[%select_n3A_1264, %scatter3A_1561, %scatter3A_1562, %scatter3A_1563] : memref<2x4x8x129xf32, #tpu.memory_space<vmem>> -> memref<1x4x8x129xf32, #tpu.memory_space<vmem>>
        %scatter3A_1565 = tpu.memref_squeeze %scatter3A_1564 : memref<1x4x8x129xf32, #tpu.memory_space<vmem>> -> memref<4x8x129xf32, #tpu.memory_space<vmem>>
        tpu.vector_store_idx %scatter3A_1565[%select_n3A, %select_n3A_85, %add3A_1556], %get3A_1560 : memref<4x8x129xf32, #tpu.memory_space<vmem>>[vector<16xi32>, vector<16xi32>, vector<16xi32>], vector<16xf32>,
        %get3A_1566 = arith.index_cast %select_n3A_1248 : i32 to index
        %get3A_1567 = arith.index_cast %add3A_1552 : i32 to index
        %get3A_1568 = arith.constant 16 : index
        %get3A_1569 = tpu.vector_load %arg6[%get3A_1566, %get3A_1567, %get3A_1568] {strides = array<i32>} : memref<6x128x32xf32, #tpu.memory_space<vmem>>, vector<16xf32>,
        %scatter3A_1570 = arith.constant 0 : i32
        %scatter3A_1571 = arith.constant 0 : i32
        %scatter3A_1572 = arith.constant 0 : i32
        %scatter3A_1573 = tpu.memref_slice %arg7[%select_n3A_1264, %scatter3A_1570, %scatter3A_1571, %scatter3A_1572] : memref<2x4x8x129xf32, #tpu.memory_space<vmem>> -> memref<1x4x8x129xf32, #tpu.memory_space<vmem>>
        %scatter3A_1574 = tpu.memref_squeeze %scatter3A_1573 : memref<1x4x8x129xf32, #tpu.memory_space<vmem>> -> memref<4x8x129xf32, #tpu.memory_space<vmem>>
        tpu.vector_store_idx %scatter3A_1574[%select_n3A_62, %select_n3A_110, %add3A_1556], %get3A_1569 : memref<4x8x129xf32, #tpu.memory_space<vmem>>[vector<16xi32>, vector<16xi32>, vector<16xi32>], vector<16xf32>,
        %add3A_1575 = arith.constant 5 : i32
        %add3A_1576 = arith.addi %mul3A_1457, %add3A_1575 : i32
        %broadcast_in_dim3A_1577 = arith.constant 0 : i32
        %broadcast_in_dim3A_1578 = vector.broadcast %broadcast_in_dim3A_1577 : i32 to vector<16xi32>
        %add3A_1579 = vector.broadcast %add3A_1576 : i32 to vector<16xi32>
        %add3A_1580 = arith.addi %broadcast_in_dim3A_1578, %add3A_1579 : vector<16xi32>
        %get3A_1581 = arith.index_cast %select_n3A_1248 : i32 to index
        %get3A_1582 = arith.index_cast %add3A_1576 : i32 to index
        %get3A_1583 = arith.constant 0 : index
        %get3A_1584 = tpu.vector_load %arg6[%get3A_1581, %get3A_1582, %get3A_1583] {strides = array<i32>} : memref<6x128x32xf32, #tpu.memory_space<vmem>>, vector<16xf32>,
        %scatter3A_1585 = arith.constant 0 : i32
        %scatter3A_1586 = arith.constant 0 : i32
        %scatter3A_1587 = arith.constant 0 : i32
        %scatter3A_1588 = tpu.memref_slice %arg7[%select_n3A_1264, %scatter3A_1585, %scatter3A_1586, %scatter3A_1587] : memref<2x4x8x129xf32, #tpu.memory_space<vmem>> -> memref<1x4x8x129xf32, #tpu.memory_space<vmem>>
        %scatter3A_1589 = tpu.memref_squeeze %scatter3A_1588 : memref<1x4x8x129xf32, #tpu.memory_space<vmem>> -> memref<4x8x129xf32, #tpu.memory_space<vmem>>
        tpu.vector_store_idx %scatter3A_1589[%select_n3A, %select_n3A_85, %add3A_1580], %get3A_1584 : memref<4x8x129xf32, #tpu.memory_space<vmem>>[vector<16xi32>, vector<16xi32>, vector<16xi32>], vector<16xf32>,
        %get3A_1590 = arith.index_cast %select_n3A_1248 : i32 to index
        %get3A_1591 = arith.index_cast %add3A_1576 : i32 to index
        %get3A_1592 = arith.constant 16 : index
        %get3A_1593 = tpu.vector_load %arg6[%get3A_1590, %get3A_1591, %get3A_1592] {strides = array<i32>} : memref<6x128x32xf32, #tpu.memory_space<vmem>>, vector<16xf32>,
        %scatter3A_1594 = arith.constant 0 : i32
        %scatter3A_1595 = arith.constant 0 : i32
        %scatter3A_1596 = arith.constant 0 : i32
        %scatter3A_1597 = tpu.memref_slice %arg7[%select_n3A_1264, %scatter3A_1594, %scatter3A_1595, %scatter3A_1596] : memref<2x4x8x129xf32, #tpu.memory_space<vmem>> -> memref<1x4x8x129xf32, #tpu.memory_space<vmem>>
        %scatter3A_1598 = tpu.memref_squeeze %scatter3A_1597 : memref<1x4x8x129xf32, #tpu.memory_space<vmem>> -> memref<4x8x129xf32, #tpu.memory_space<vmem>>
        tpu.vector_store_idx %scatter3A_1598[%select_n3A_62, %select_n3A_110, %add3A_1580], %get3A_1593 : memref<4x8x129xf32, #tpu.memory_space<vmem>>[vector<16xi32>, vector<16xi32>, vector<16xi32>], vector<16xf32>,
        %add3A_1599 = arith.constant 6 : i32
        %add3A_1600 = arith.addi %mul3A_1457, %add3A_1599 : i32
        %broadcast_in_dim3A_1601 = arith.constant 0 : i32
        %broadcast_in_dim3A_1602 = vector.broadcast %broadcast_in_dim3A_1601 : i32 to vector<16xi32>
        %add3A_1603 = vector.broadcast %add3A_1600 : i32 to vector<16xi32>
        %add3A_1604 = arith.addi %broadcast_in_dim3A_1602, %add3A_1603 : vector<16xi32>
        %get3A_1605 = arith.index_cast %select_n3A_1248 : i32 to index
        %get3A_1606 = arith.index_cast %add3A_1600 : i32 to index
        %get3A_1607 = arith.constant 0 : index
        %get3A_1608 = tpu.vector_load %arg6[%get3A_1605, %get3A_1606, %get3A_1607] {strides = array<i32>} : memref<6x128x32xf32, #tpu.memory_space<vmem>>, vector<16xf32>,
        %scatter3A_1609 = arith.constant 0 : i32
        %scatter3A_1610 = arith.constant 0 : i32
        %scatter3A_1611 = arith.constant 0 : i32
        %scatter3A_1612 = tpu.memref_slice %arg7[%select_n3A_1264, %scatter3A_1609, %scatter3A_1610, %scatter3A_1611] : memref<2x4x8x129xf32, #tpu.memory_space<vmem>> -> memref<1x4x8x129xf32, #tpu.memory_space<vmem>>
        %scatter3A_1613 = tpu.memref_squeeze %scatter3A_1612 : memref<1x4x8x129xf32, #tpu.memory_space<vmem>> -> memref<4x8x129xf32, #tpu.memory_space<vmem>>
        tpu.vector_store_idx %scatter3A_1613[%select_n3A, %select_n3A_85, %add3A_1604], %get3A_1608 : memref<4x8x129xf32, #tpu.memory_space<vmem>>[vector<16xi32>, vector<16xi32>, vector<16xi32>], vector<16xf32>,
        %get3A_1614 = arith.index_cast %select_n3A_1248 : i32 to index
        %get3A_1615 = arith.index_cast %add3A_1600 : i32 to index
        %get3A_1616 = arith.constant 16 : index
        %get3A_1617 = tpu.vector_load %arg6[%get3A_1614, %get3A_1615, %get3A_1616] {strides = array<i32>} : memref<6x128x32xf32, #tpu.memory_space<vmem>>, vector<16xf32>,
        %scatter3A_1618 = arith.constant 0 : i32
        %scatter3A_1619 = arith.constant 0 : i32
        %scatter3A_1620 = arith.constant 0 : i32
        %scatter3A_1621 = tpu.memref_slice %arg7[%select_n3A_1264, %scatter3A_1618, %scatter3A_1619, %scatter3A_1620] : memref<2x4x8x129xf32, #tpu.memory_space<vmem>> -> memref<1x4x8x129xf32, #tpu.memory_space<vmem>>
        %scatter3A_1622 = tpu.memref_squeeze %scatter3A_1621 : memref<1x4x8x129xf32, #tpu.memory_space<vmem>> -> memref<4x8x129xf32, #tpu.memory_space<vmem>>
        tpu.vector_store_idx %scatter3A_1622[%select_n3A_62, %select_n3A_110, %add3A_1604], %get3A_1617 : memref<4x8x129xf32, #tpu.memory_space<vmem>>[vector<16xi32>, vector<16xi32>, vector<16xi32>], vector<16xf32>,
        %add3A_1623 = arith.constant 7 : i32
        %add3A_1624 = arith.addi %mul3A_1457, %add3A_1623 : i32
        %broadcast_in_dim3A_1625 = arith.constant 0 : i32
        %broadcast_in_dim3A_1626 = vector.broadcast %broadcast_in_dim3A_1625 : i32 to vector<16xi32>
        %add3A_1627 = vector.broadcast %add3A_1624 : i32 to vector<16xi32>
        %add3A_1628 = arith.addi %broadcast_in_dim3A_1626, %add3A_1627 : vector<16xi32>
        %get3A_1629 = arith.index_cast %select_n3A_1248 : i32 to index
        %get3A_1630 = arith.index_cast %add3A_1624 : i32 to index
        %get3A_1631 = arith.constant 0 : index
        %get3A_1632 = tpu.vector_load %arg6[%get3A_1629, %get3A_1630, %get3A_1631] {strides = array<i32>} : memref<6x128x32xf32, #tpu.memory_space<vmem>>, vector<16xf32>,
        %scatter3A_1633 = arith.constant 0 : i32
        %scatter3A_1634 = arith.constant 0 : i32
        %scatter3A_1635 = arith.constant 0 : i32
        %scatter3A_1636 = tpu.memref_slice %arg7[%select_n3A_1264, %scatter3A_1633, %scatter3A_1634, %scatter3A_1635] : memref<2x4x8x129xf32, #tpu.memory_space<vmem>> -> memref<1x4x8x129xf32, #tpu.memory_space<vmem>>
        %scatter3A_1637 = tpu.memref_squeeze %scatter3A_1636 : memref<1x4x8x129xf32, #tpu.memory_space<vmem>> -> memref<4x8x129xf32, #tpu.memory_space<vmem>>
        tpu.vector_store_idx %scatter3A_1637[%select_n3A, %select_n3A_85, %add3A_1628], %get3A_1632 : memref<4x8x129xf32, #tpu.memory_space<vmem>>[vector<16xi32>, vector<16xi32>, vector<16xi32>], vector<16xf32>,
        %get3A_1638 = arith.index_cast %select_n3A_1248 : i32 to index
        %get3A_1639 = arith.index_cast %add3A_1624 : i32 to index
        %get3A_1640 = arith.constant 16 : index
        %get3A_1641 = tpu.vector_load %arg6[%get3A_1638, %get3A_1639, %get3A_1640] {strides = array<i32>} : memref<6x128x32xf32, #tpu.memory_space<vmem>>, vector<16xf32>,
        %scatter3A_1642 = arith.constant 0 : i32
        %scatter3A_1643 = arith.constant 0 : i32
        %scatter3A_1644 = arith.constant 0 : i32
        %scatter3A_1645 = tpu.memref_slice %arg7[%select_n3A_1264, %scatter3A_1642, %scatter3A_1643, %scatter3A_1644] : memref<2x4x8x129xf32, #tpu.memory_space<vmem>> -> memref<1x4x8x129xf32, #tpu.memory_space<vmem>>
        %scatter3A_1646 = tpu.memref_squeeze %scatter3A_1645 : memref<1x4x8x129xf32, #tpu.memory_space<vmem>> -> memref<4x8x129xf32, #tpu.memory_space<vmem>>
        tpu.vector_store_idx %scatter3A_1646[%select_n3A_62, %select_n3A_110, %add3A_1628], %get3A_1641 : memref<4x8x129xf32, #tpu.memory_space<vmem>>[vector<16xi32>, vector<16xi32>, vector<16xi32>], vector<16xf32>,
      }
      %scan3A_1270 = arith.constant 16 : i32
      %add3A_1271 = arith.addi %mul3A_2, %scan3A_1206 : i32
      %jit3A_1272 = arith.constant 128 : i32
      %div3A_1273 = arith.divsi %add3A_1271, %jit3A_1272 : i32
      %sign3A_1274 = arith.constant 0 : i32
      %sign3A_1275 = arith.cmpi sgt, %add3A_1271, %sign3A_1274 : i32
      %sign3A_1276 = arith.extui %sign3A_1275 : i1 to i32
      %sign3A_1277 = arith.constant 0 : i32
      %sign3A_1278 = arith.cmpi slt, %add3A_1271, %sign3A_1277 : i32
      %sign3A_1279 = arith.extui %sign3A_1278 : i1 to i32
      %sign3A_1280 = arith.subi %sign3A_1276, %sign3A_1279 : i32
      %sign3A_1281 = arith.constant 0 : i32
      %sign3A_1282 = arith.cmpi sgt, %jit3A_1272, %sign3A_1281 : i32
      %sign3A_1283 = arith.extui %sign3A_1282 : i1 to i32
      %sign3A_1284 = arith.constant 0 : i32
      %sign3A_1285 = arith.cmpi slt, %jit3A_1272, %sign3A_1284 : i32
      %sign3A_1286 = arith.extui %sign3A_1285 : i1 to i32
      %sign3A_1287 = arith.subi %sign3A_1283, %sign3A_1286 : i32
      %ne3A_1288 = arith.cmpi ne, %sign3A_1280, %sign3A_1287 : i32
      %rem3A_1289 = arith.remsi %add3A_1271, %jit3A_1272 : i32
      %ne3A_1290 = arith.constant 0 : i32
      %ne3A_1291 = arith.cmpi ne, %rem3A_1289, %ne3A_1290 : i32
      %and3A_1292 = arith.andi %ne3A_1288, %ne3A_1291 : i1
      %sub3A_1293 = arith.constant 1 : i32
      %sub3A_1294 = arith.subi %div3A_1273, %sub3A_1293 : i32
      %select_n3A_1295 = arith.select %and3A_1292, %sub3A_1294, %div3A_1273 : i32
      %jit3A_1296 = arith.constant 128 : i32
      %eq3A_1297 = arith.constant 0 : i32
      %eq3A_1298 = arith.cmpi eq, %jit3A_1296, %eq3A_1297 : i32
      %jit3A_1299 = arith.constant 1 : i32
      %select_n3A_1300 = arith.select %eq3A_1298, %jit3A_1299, %jit3A_1296 : i32
      %rem3A_1301 = arith.remsi %add3A_1271, %select_n3A_1300 : i32
      %ne3A_1302 = arith.constant 0 : i32
      %ne3A_1303 = arith.cmpi ne, %rem3A_1301, %ne3A_1302 : i32
      %lt3A_1304 = arith.constant 0 : i32
      %lt3A_1305 = arith.cmpi slt, %rem3A_1301, %lt3A_1304 : i32
      %lt3A_1306 = arith.constant 0 : i32
      %lt3A_1307 = arith.cmpi slt, %select_n3A_1300, %lt3A_1306 : i32
      %ne3A_1308 = arith.xori %lt3A_1305, %lt3A_1307 : i1
      %and3A_1309 = arith.andi %ne3A_1308, %ne3A_1303 : i1
      %add3A_1310 = arith.addi %rem3A_1301, %select_n3A_1300 : i32
      %select_n3A_1311 = arith.select %and3A_1309, %add3A_1310, %rem3A_1301 : i32
      %jit3A_1312 = arith.constant 2 : i32
      %eq3A_1313 = arith.constant 0 : i32
      %eq3A_1314 = arith.cmpi eq, %jit3A_1312, %eq3A_1313 : i32
      %jit3A_1315 = arith.constant 1 : i32
      %select_n3A_1316 = arith.select %eq3A_1314, %jit3A_1315, %jit3A_1312 : i32
      %rem3A_1317 = arith.remsi %scan3A_1206, %select_n3A_1316 : i32
      %ne3A_1318 = arith.constant 0 : i32
      %ne3A_1319 = arith.cmpi ne, %rem3A_1317, %ne3A_1318 : i32
      %lt3A_1320 = arith.constant 0 : i32
      %lt3A_1321 = arith.cmpi slt, %rem3A_1317, %lt3A_1320 : i32
      %lt3A_1322 = arith.constant 0 : i32
      %lt3A_1323 = arith.cmpi slt, %select_n3A_1316, %lt3A_1322 : i32
      %ne3A_1324 = arith.xori %lt3A_1321, %lt3A_1323 : i1
      %and3A_1325 = arith.andi %ne3A_1324, %ne3A_1319 : i1
      %add3A_1326 = arith.addi %rem3A_1317, %select_n3A_1316 : i32
      %select_n3A_1327 = arith.select %and3A_1325, %add3A_1326, %rem3A_1317 : i32
      %dma_start3A_1328 = arith.constant 0 : i32
      %dma_start3A_1329 = arith.constant 0 : i32
      %dma_start3A_1330 = arith.constant 0 : i32
      %dma_start3A_1331 = tpu.memref_slice %arg7[%select_n3A_1327, %dma_start3A_1328, %dma_start3A_1329, %dma_start3A_1330] : memref<2x4x8x129xf32, #tpu.memory_space<vmem>> -> memref<1x4x8x128xf32, #tpu.memory_space<vmem>>
      %dma_start3A_1332 = tpu.memref_squeeze %dma_start3A_1331 : memref<1x4x8x128xf32, #tpu.memory_space<vmem>> -> memref<4x8x128xf32, #tpu.memory_space<vmem>>
      %dma_start3A_1333 = arith.constant 0 : i32
      %dma_start3A_1334 = arith.constant 0 : i32
      %dma_start3A_1335 = arith.constant 0 : i32
      %dma_start3A_1336 = tpu.memref_slice %arg4[%select_n3A_1295, %dma_start3A_1333, %select_n3A_1311, %dma_start3A_1334, %dma_start3A_1335] : memref<26x4x128x8x128xf32, #tpu.memory_space<hbm>> -> memref<1x4x1x8x128xf32, #tpu.memory_space<hbm>>
      %dma_start3A_1337 = tpu.memref_squeeze %dma_start3A_1336 : memref<1x4x1x8x128xf32, #tpu.memory_space<hbm>> -> memref<4x8x128xf32, #tpu.memory_space<hbm>>
      %dma_start3A_1338 = arith.constant 0 : i32
      %dma_start3A_1339 = arith.constant 0 : i32
      %dma_start3A_1340 = arith.constant 0 : i32
      %dma_start3A_1341 = tpu.memref_slice %arg4[%select_n3A_1295, %dma_start3A_1338, %select_n3A_1311, %dma_start3A_1339, %dma_start3A_1340] : memref<26x4x128x8x128xf32, #tpu.memory_space<hbm>> -> memref<1x4x1x8x128xf32, #tpu.memory_space<hbm>>
      %dma_start3A_1342 = tpu.memref_squeeze %dma_start3A_1341 : memref<1x4x1x8x128xf32, #tpu.memory_space<hbm>> -> memref<4x8x128xf32, #tpu.memory_space<hbm>>
      %dma_start3A_1343 = arith.constant 0 : i32
      %dma_start3A_1344 = arith.constant 0 : i32
      %dma_start3A_1345 = arith.constant 0 : i32
      %dma_start3A_1346 = tpu.memref_slice %arg7[%select_n3A_1327, %dma_start3A_1343, %dma_start3A_1344, %dma_start3A_1345] : memref<2x4x8x129xf32, #tpu.memory_space<vmem>> -> memref<1x4x8x128xf32, #tpu.memory_space<vmem>>
      %dma_start3A_1347 = tpu.memref_squeeze %dma_start3A_1346 : memref<1x4x8x128xf32, #tpu.memory_space<vmem>> -> memref<4x8x128xf32, #tpu.memory_space<vmem>>
      tpu.enqueue_dma source(%dma_start3A_1347 : memref<4x8x128xf32, #tpu.memory_space<vmem>>) target(%dma_start3A_1342 : memref<4x8x128xf32, #tpu.memory_space<hbm>>) target_semaphore(%arg9 : memref<!tpu.dma_semaphore, #tpu.memory_space<semaphore_mem>>)
      %sub3A_1348 = arith.constant 1 : i32
      %sub3A_1349 = arith.subi %scan3A_1206, %sub3A_1348 : i32
      %add3A_1350 = arith.addi %mul3A_2, %sub3A_1349 : i32
      %jit3A_1351 = arith.constant 128 : i32
      %div3A_1352 = arith.divsi %add3A_1350, %jit3A_1351 : i32
      %sign3A_1353 = arith.constant 0 : i32
      %sign3A_1354 = arith.cmpi sgt, %add3A_1350, %sign3A_1353 : i32
      %sign3A_1355 = arith.extui %sign3A_1354 : i1 to i32
      %sign3A_1356 = arith.constant 0 : i32
      %sign3A_1357 = arith.cmpi slt, %add3A_1350, %sign3A_1356 : i32
      %sign3A_1358 = arith.extui %sign3A_1357 : i1 to i32
      %sign3A_1359 = arith.subi %sign3A_1355, %sign3A_1358 : i32
      %sign3A_1360 = arith.constant 0 : i32
      %sign3A_1361 = arith.cmpi sgt, %jit3A_1351, %sign3A_1360 : i32
      %sign3A_1362 = arith.extui %sign3A_1361 : i1 to i32
      %sign3A_1363 = arith.constant 0 : i32
      %sign3A_1364 = arith.cmpi slt, %jit3A_1351, %sign3A_1363 : i32
      %sign3A_1365 = arith.extui %sign3A_1364 : i1 to i32
      %sign3A_1366 = arith.subi %sign3A_1362, %sign3A_1365 : i32
      %ne3A_1367 = arith.cmpi ne, %sign3A_1359, %sign3A_1366 : i32
      %rem3A_1368 = arith.remsi %add3A_1350, %jit3A_1351 : i32
      %ne3A_1369 = arith.constant 0 : i32
      %ne3A_1370 = arith.cmpi ne, %rem3A_1368, %ne3A_1369 : i32
      %and3A_1371 = arith.andi %ne3A_1367, %ne3A_1370 : i1
      %sub3A_1372 = arith.constant 1 : i32
      %sub3A_1373 = arith.subi %div3A_1352, %sub3A_1372 : i32
      %select_n3A_1374 = arith.select %and3A_1371, %sub3A_1373, %div3A_1352 : i32
      %jit3A_1375 = arith.constant 128 : i32
      %eq3A_1376 = arith.constant 0 : i32
      %eq3A_1377 = arith.cmpi eq, %jit3A_1375, %eq3A_1376 : i32
      %jit3A_1378 = arith.constant 1 : i32
      %select_n3A_1379 = arith.select %eq3A_1377, %jit3A_1378, %jit3A_1375 : i32
      %rem3A_1380 = arith.remsi %add3A_1350, %select_n3A_1379 : i32
      %ne3A_1381 = arith.constant 0 : i32
      %ne3A_1382 = arith.cmpi ne, %rem3A_1380, %ne3A_1381 : i32
      %lt3A_1383 = arith.constant 0 : i32
      %lt3A_1384 = arith.cmpi slt, %rem3A_1380, %lt3A_1383 : i32
      %lt3A_1385 = arith.constant 0 : i32
      %lt3A_1386 = arith.cmpi slt, %select_n3A_1379, %lt3A_1385 : i32
      %ne3A_1387 = arith.xori %lt3A_1384, %lt3A_1386 : i1
      %and3A_1388 = arith.andi %ne3A_1387, %ne3A_1382 : i1
      %add3A_1389 = arith.addi %rem3A_1380, %select_n3A_1379 : i32
      %select_n3A_1390 = arith.select %and3A_1388, %add3A_1389, %rem3A_1380 : i32
      %jit3A_1391 = arith.constant 2 : i32
      %eq3A_1392 = arith.constant 0 : i32
      %eq3A_1393 = arith.cmpi eq, %jit3A_1391, %eq3A_1392 : i32
      %jit3A_1394 = arith.constant 1 : i32
      %select_n3A_1395 = arith.select %eq3A_1393, %jit3A_1394, %jit3A_1391 : i32
      %rem3A_1396 = arith.remsi %sub3A_1349, %select_n3A_1395 : i32
      %ne3A_1397 = arith.constant 0 : i32
      %ne3A_1398 = arith.cmpi ne, %rem3A_1396, %ne3A_1397 : i32
      %lt3A_1399 = arith.constant 0 : i32
      %lt3A_1400 = arith.cmpi slt, %rem3A_1396, %lt3A_1399 : i32
      %lt3A_1401 = arith.constant 0 : i32
      %lt3A_1402 = arith.cmpi slt, %select_n3A_1395, %lt3A_1401 : i32
      %ne3A_1403 = arith.xori %lt3A_1400, %lt3A_1402 : i1
      %and3A_1404 = arith.andi %ne3A_1403, %ne3A_1398 : i1
      %add3A_1405 = arith.addi %rem3A_1396, %select_n3A_1395 : i32
      %select_n3A_1406 = arith.select %and3A_1404, %add3A_1405, %rem3A_1396 : i32
      %dma_wait3A_1407 = arith.constant 0 : i32
      %dma_wait3A_1408 = arith.constant 0 : i32
      %dma_wait3A_1409 = arith.constant 0 : i32
      %dma_wait3A_1410 = tpu.memref_slice %arg7[%select_n3A_1406, %dma_wait3A_1407, %dma_wait3A_1408, %dma_wait3A_1409] : memref<2x4x8x129xf32, #tpu.memory_space<vmem>> -> memref<1x4x8x128xf32, #tpu.memory_space<vmem>>
      %dma_wait3A_1411 = tpu.memref_squeeze %dma_wait3A_1410 : memref<1x4x8x128xf32, #tpu.memory_space<vmem>> -> memref<4x8x128xf32, #tpu.memory_space<vmem>>
      %dma_wait3A_1412 = arith.constant 0 : i32
      %dma_wait3A_1413 = arith.constant 0 : i32
      %dma_wait3A_1414 = arith.constant 0 : i32
      %dma_wait3A_1415 = tpu.memref_slice %arg4[%select_n3A_1374, %dma_wait3A_1412, %select_n3A_1390, %dma_wait3A_1413, %dma_wait3A_1414] : memref<26x4x128x8x128xf32, #tpu.memory_space<hbm>> -> memref<1x4x1x8x128xf32, #tpu.memory_space<hbm>>
      %dma_wait3A_1416 = tpu.memref_squeeze %dma_wait3A_1415 : memref<1x4x1x8x128xf32, #tpu.memory_space<hbm>> -> memref<4x8x128xf32, #tpu.memory_space<hbm>>
      %dma_wait3A_1417 = arith.constant 0 : i32
      %dma_wait3A_1418 = arith.constant 0 : i32
      %dma_wait3A_1419 = arith.constant 0 : i32
      %dma_wait3A_1420 = tpu.memref_slice %arg4[%select_n3A_1374, %dma_wait3A_1417, %select_n3A_1390, %dma_wait3A_1418, %dma_wait3A_1419] : memref<26x4x128x8x128xf32, #tpu.memory_space<hbm>> -> memref<1x4x1x8x128xf32, #tpu.memory_space<hbm>>
      %dma_wait3A_1421 = tpu.memref_squeeze %dma_wait3A_1420 : memref<1x4x1x8x128xf32, #tpu.memory_space<hbm>> -> memref<4x8x128xf32, #tpu.memory_space<hbm>>
      %dma_wait3A_1422 = arith.constant 0 : i32
      %dma_wait3A_1423 = arith.constant 0 : i32
      %dma_wait3A_1424 = arith.constant 0 : i32
      %dma_wait3A_1425 = tpu.memref_slice %arg7[%select_n3A_1406, %dma_wait3A_1422, %dma_wait3A_1423, %dma_wait3A_1424] : memref<2x4x8x129xf32, #tpu.memory_space<vmem>> -> memref<1x4x8x128xf32, #tpu.memory_space<vmem>>
      %dma_wait3A_1426 = tpu.memref_squeeze %dma_wait3A_1425 : memref<1x4x8x128xf32, #tpu.memory_space<vmem>> -> memref<4x8x128xf32, #tpu.memory_space<vmem>>
      tpu.wait_dma2 semaphore(%arg9 : memref<!tpu.dma_semaphore, #tpu.memory_space<semaphore_mem>>) src(%dma_wait3A_1426 : memref<4x8x128xf32, #tpu.memory_space<vmem>>) dst(%dma_wait3A_1421 : memref<4x8x128xf32, #tpu.memory_space<hbm>>)
      %add3A_1427 = arith.constant 6 : i32
      %add3A_1428 = arith.addi %scan3A_1206, %add3A_1427 : i32
      %jit3A_1429 = arith.constant 6 : i32
      %eq3A_1430 = arith.constant 0 : i32
      %eq3A_1431 = arith.cmpi eq, %jit3A_1429, %eq3A_1430 : i32
      %jit3A_1432 = arith.constant 1 : i32
      %select_n3A_1433 = arith.select %eq3A_1431, %jit3A_1432, %jit3A_1429 : i32
      %rem3A_1434 = arith.remsi %add3A_1428, %select_n3A_1433 : i32
      %ne3A_1435 = arith.constant 0 : i32
      %ne3A_1436 = arith.cmpi ne, %rem3A_1434, %ne3A_1435 : i32
      %lt3A_1437 = arith.constant 0 : i32
      %lt3A_1438 = arith.cmpi slt, %rem3A_1434, %lt3A_1437 : i32
      %lt3A_1439 = arith.constant 0 : i32
      %lt3A_1440 = arith.cmpi slt, %select_n3A_1433, %lt3A_1439 : i32
      %ne3A_1441 = arith.xori %lt3A_1438, %lt3A_1440 : i1
      %and3A_1442 = arith.andi %ne3A_1441, %ne3A_1436 : i1
      %add3A_1443 = arith.addi %rem3A_1434, %select_n3A_1433 : i32
      %select_n3A_1444 = arith.select %and3A_1442, %add3A_1443, %rem3A_1434 : i32
      %dma_start3A_1445 = arith.constant 0 : i32
      %dma_start3A_1446 = arith.constant 0 : i32
      %dma_start3A_1447 = tpu.memref_slice %arg6[%select_n3A_1444, %dma_start3A_1445, %dma_start3A_1446] : memref<6x128x32xf32, #tpu.memory_space<vmem>> -> memref<1x128x32xf32, #tpu.memory_space<vmem>>
      %dma_start3A_1448 = tpu.memref_squeeze %dma_start3A_1447 : memref<1x128x32xf32, #tpu.memory_space<vmem>> -> memref<128x32xf32, #tpu.memory_space<vmem>>
      %dma_start3A_1449 = arith.constant 0 : i32
      %dma_start3A_1450 = tpu.memref_slice %arg5[%add3A_1428, %dma_start3A_1449] : memref<104x128xi32, #tpu.memory_space<vmem>> -> memref<1x128xi32, #tpu.memory_space<vmem>>
      %dma_start3A_1451 = tpu.memref_squeeze %dma_start3A_1450 : memref<1x128xi32, #tpu.memory_space<vmem>> -> memref<128xi32, #tpu.memory_space<vmem>>
      %dma_start3A_1452 = arith.constant 0 : i32
      %dma_start3A_1453 = arith.constant 0 : i32
      %dma_start3A_1454 = tpu.memref_slice %arg2[%dma_start3A_1452, %dma_start3A_1453] : memref<4000000x32xf32, #tpu.memory_space<hbm>> -> memref<4000000x32xf32, #tpu.memory_space<hbm>>
      tpu.enqueue_indirect_dma source(%dma_start3A_1454 : memref<4000000x32xf32, #tpu.memory_space<hbm>>) target(%dma_start3A_1448 : memref<128x32xf32, #tpu.memory_space<vmem>>) offsets(%dma_start3A_1451 : memref<128xi32, #tpu.memory_space<vmem>>) semaphore(%arg8 : memref<!tpu.dma_semaphore, #tpu.memory_space<semaphore_mem>>)
    }
    %scan3A_278 = arith.constant 97 : i32
    %dma_wait3A_279 = arith.constant 98 : i32
    %dma_wait3A_280 = arith.constant 2 : i32
    %dma_wait3A_281 = arith.constant 0 : i32
    %dma_wait3A_282 = arith.constant 0 : i32
    %dma_wait3A_283 = tpu.memref_slice %arg6[%dma_wait3A_280, %dma_wait3A_281, %dma_wait3A_282] : memref<6x128x32xf32, #tpu.memory_space<vmem>> -> memref<1x128x32xf32, #tpu.memory_space<vmem>>
    %dma_wait3A_284 = tpu.memref_squeeze %dma_wait3A_283 : memref<1x128x32xf32, #tpu.memory_space<vmem>> -> memref<128x32xf32, #tpu.memory_space<vmem>>
    %dma_wait3A_285 = arith.constant 0 : i32
    %dma_wait3A_286 = tpu.memref_slice %arg5[%dma_wait3A_279, %dma_wait3A_285] : memref<104x128xi32, #tpu.memory_space<vmem>> -> memref<1x128xi32, #tpu.memory_space<vmem>>
    %dma_wait3A_287 = tpu.memref_squeeze %dma_wait3A_286 : memref<1x128xi32, #tpu.memory_space<vmem>> -> memref<128xi32, #tpu.memory_space<vmem>>
    %dma_wait3A_288 = arith.constant 0 : i32
    %dma_wait3A_289 = arith.constant 0 : i32
    %dma_wait3A_290 = tpu.memref_slice %arg2[%dma_wait3A_288, %dma_wait3A_289] : memref<4000000x32xf32, #tpu.memory_space<hbm>> -> memref<4000000x32xf32, #tpu.memory_space<hbm>>
    tpu.wait_indirect_dma semaphore(%arg8 : memref<!tpu.dma_semaphore, #tpu.memory_space<semaphore_mem>>) src(%dma_wait3A_290 : memref<4000000x32xf32, #tpu.memory_space<hbm>>) dst(%dma_wait3A_284 : memref<128x32xf32, #tpu.memory_space<vmem>>)
    %scan3A_291 = arith.constant 0 : i32
    %scan3A_292 = arith.constant 0 : i32
    %scan3A_293 = arith.constant 16 : i32
    %scan3A_294 = arith.addi %scan3A_292, %scan3A_293 : i32
    %scan3A_295 = arith.constant 1 : i32
    scf.for %scan3A_1206 = %scan3A_292 to %scan3A_294 step %scan3A_295  : i32 {
      %mul3A_1207 = arith.constant 8 : i32
      %mul3A_1208 = arith.muli %scan3A_1206, %mul3A_1207 : i32
      %add3A_1209 = arith.constant 0 : i32
      %add3A_1210 = arith.addi %mul3A_1208, %add3A_1209 : i32
      %broadcast_in_dim3A = arith.constant 0 : i32
      %broadcast_in_dim3A_1211 = vector.broadcast %broadcast_in_dim3A : i32 to vector<16xi32>
      %add3A_1212 = vector.broadcast %add3A_1210 : i32 to vector<16xi32>
      %add3A_1213 = arith.addi %broadcast_in_dim3A_1211, %add3A_1212 : vector<16xi32>
      %get3A = arith.constant 2 : i32
      %get3A_1214 = arith.index_cast %get3A : i32 to index
      %get3A_1215 = arith.index_cast %add3A_1210 : i32 to index
      %get3A_1216 = arith.constant 0 : index
      %get3A_1217 = tpu.vector_load %arg6[%get3A_1214, %get3A_1215, %get3A_1216] {strides = array<i32>} : memref<6x128x32xf32, #tpu.memory_space<vmem>>, vector<16xf32>,
      %scatter3A = arith.constant 0 : i32
      %scatter3A_1218 = arith.constant 0 : i32
      %scatter3A_1219 = arith.constant 0 : i32
      %scatter3A_1220 = arith.constant 0 : i32
      %scatter3A_1221 = tpu.memref_slice %arg7[%scatter3A, %scatter3A_1218, %scatter3A_1219, %scatter3A_1220] : memref<2x4x8x129xf32, #tpu.memory_space<vmem>> -> memref<1x4x8x129xf32, #tpu.memory_space<vmem>>
      %scatter3A_1222 = tpu.memref_squeeze %scatter3A_1221 : memref<1x4x8x129xf32, #tpu.memory_space<vmem>> -> memref<4x8x129xf32, #tpu.memory_space<vmem>>
      tpu.vector_store_idx %scatter3A_1222[%select_n3A, %select_n3A_85, %add3A_1213], %get3A_1217 : memref<4x8x129xf32, #tpu.memory_space<vmem>>[vector<16xi32>, vector<16xi32>, vector<16xi32>], vector<16xf32>,
      %get3A_1223 = arith.constant 2 : i32
      %get3A_1224 = arith.index_cast %get3A_1223 : i32 to index
      %get3A_1225 = arith.index_cast %add3A_1210 : i32 to index
      %get3A_1226 = arith.constant 16 : index
      %get3A_1227 = tpu.vector_load %arg6[%get3A_1224, %get3A_1225, %get3A_1226] {strides = array<i32>} : memref<6x128x32xf32, #tpu.memory_space<vmem>>, vector<16xf32>,
      %scatter3A_1228 = arith.constant 0 : i32
      %scatter3A_1229 = arith.constant 0 : i32
      %scatter3A_1230 = arith.constant 0 : i32
      %scatter3A_1231 = arith.constant 0 : i32
      %scatter3A_1232 = tpu.memref_slice %arg7[%scatter3A_1228, %scatter3A_1229, %scatter3A_1230, %scatter3A_1231] : memref<2x4x8x129xf32, #tpu.memory_space<vmem>> -> memref<1x4x8x129xf32, #tpu.memory_space<vmem>>
      %scatter3A_1233 = tpu.memref_squeeze %scatter3A_1232 : memref<1x4x8x129xf32, #tpu.memory_space<vmem>> -> memref<4x8x129xf32, #tpu.memory_space<vmem>>
      tpu.vector_store_idx %scatter3A_1233[%select_n3A_62, %select_n3A_110, %add3A_1213], %get3A_1227 : memref<4x8x129xf32, #tpu.memory_space<vmem>>[vector<16xi32>, vector<16xi32>, vector<16xi32>], vector<16xf32>,
      %add3A_1234 = arith.constant 1 : i32
      %add3A_1235 = arith.addi %mul3A_1208, %add3A_1234 : i32
      %broadcast_in_dim3A_1236 = arith.constant 0 : i32
      %broadcast_in_dim3A_1237 = vector.broadcast %broadcast_in_dim3A_1236 : i32 to vector<16xi32>
      %add3A_1238 = vector.broadcast %add3A_1235 : i32 to vector<16xi32>
      %add3A_1239 = arith.addi %broadcast_in_dim3A_1237, %add3A_1238 : vector<16xi32>
      %get3A_1240 = arith.constant 2 : i32
      %get3A_1241 = arith.index_cast %get3A_1240 : i32 to index
      %get3A_1242 = arith.index_cast %add3A_1235 : i32 to index
      %get3A_1243 = arith.constant 0 : index
      %get3A_1244 = tpu.vector_load %arg6[%get3A_1241, %get3A_1242, %get3A_1243] {strides = array<i32>} : memref<6x128x32xf32, #tpu.memory_space<vmem>>, vector<16xf32>,
      %scatter3A_1245 = arith.constant 0 : i32
      %scatter3A_1246 = arith.constant 0 : i32
      %scatter3A_1247 = arith.constant 0 : i32
      %scatter3A_1248 = arith.constant 0 : i32
      %scatter3A_1249 = tpu.memref_slice %arg7[%scatter3A_1245, %scatter3A_1246, %scatter3A_1247, %scatter3A_1248] : memref<2x4x8x129xf32, #tpu.memory_space<vmem>> -> memref<1x4x8x129xf32, #tpu.memory_space<vmem>>
      %scatter3A_1250 = tpu.memref_squeeze %scatter3A_1249 : memref<1x4x8x129xf32, #tpu.memory_space<vmem>> -> memref<4x8x129xf32, #tpu.memory_space<vmem>>
      tpu.vector_store_idx %scatter3A_1250[%select_n3A, %select_n3A_85, %add3A_1239], %get3A_1244 : memref<4x8x129xf32, #tpu.memory_space<vmem>>[vector<16xi32>, vector<16xi32>, vector<16xi32>], vector<16xf32>,
      %get3A_1251 = arith.constant 2 : i32
      %get3A_1252 = arith.index_cast %get3A_1251 : i32 to index
      %get3A_1253 = arith.index_cast %add3A_1235 : i32 to index
      %get3A_1254 = arith.constant 16 : index
      %get3A_1255 = tpu.vector_load %arg6[%get3A_1252, %get3A_1253, %get3A_1254] {strides = array<i32>} : memref<6x128x32xf32, #tpu.memory_space<vmem>>, vector<16xf32>,
      %scatter3A_1256 = arith.constant 0 : i32
      %scatter3A_1257 = arith.constant 0 : i32
      %scatter3A_1258 = arith.constant 0 : i32
      %scatter3A_1259 = arith.constant 0 : i32
      %scatter3A_1260 = tpu.memref_slice %arg7[%scatter3A_1256, %scatter3A_1257, %scatter3A_1258, %scatter3A_1259] : memref<2x4x8x129xf32, #tpu.memory_space<vmem>> -> memref<1x4x8x129xf32, #tpu.memory_space<vmem>>
      %scatter3A_1261 = tpu.memref_squeeze %scatter3A_1260 : memref<1x4x8x129xf32, #tpu.memory_space<vmem>> -> memref<4x8x129xf32, #tpu.memory_space<vmem>>
      tpu.vector_store_idx %scatter3A_1261[%select_n3A_62, %select_n3A_110, %add3A_1239], %get3A_1255 : memref<4x8x129xf32, #tpu.memory_space<vmem>>[vector<16xi32>, vector<16xi32>, vector<16xi32>], vector<16xf32>,
      %add3A_1262 = arith.constant 2 : i32
      %add3A_1263 = arith.addi %mul3A_1208, %add3A_1262 : i32
      %broadcast_in_dim3A_1264 = arith.constant 0 : i32
      %broadcast_in_dim3A_1265 = vector.broadcast %broadcast_in_dim3A_1264 : i32 to vector<16xi32>
      %add3A_1266 = vector.broadcast %add3A_1263 : i32 to vector<16xi32>
      %add3A_1267 = arith.addi %broadcast_in_dim3A_1265, %add3A_1266 : vector<16xi32>
      %get3A_1268 = arith.constant 2 : i32
      %get3A_1269 = arith.index_cast %get3A_1268 : i32 to index
      %get3A_1270 = arith.index_cast %add3A_1263 : i32 to index
      %get3A_1271 = arith.constant 0 : index
      %get3A_1272 = tpu.vector_load %arg6[%get3A_1269, %get3A_1270, %get3A_1271] {strides = array<i32>} : memref<6x128x32xf32, #tpu.memory_space<vmem>>, vector<16xf32>,
      %scatter3A_1273 = arith.constant 0 : i32
      %scatter3A_1274 = arith.constant 0 : i32
      %scatter3A_1275 = arith.constant 0 : i32
      %scatter3A_1276 = arith.constant 0 : i32
      %scatter3A_1277 = tpu.memref_slice %arg7[%scatter3A_1273, %scatter3A_1274, %scatter3A_1275, %scatter3A_1276] : memref<2x4x8x129xf32, #tpu.memory_space<vmem>> -> memref<1x4x8x129xf32, #tpu.memory_space<vmem>>
      %scatter3A_1278 = tpu.memref_squeeze %scatter3A_1277 : memref<1x4x8x129xf32, #tpu.memory_space<vmem>> -> memref<4x8x129xf32, #tpu.memory_space<vmem>>
      tpu.vector_store_idx %scatter3A_1278[%select_n3A, %select_n3A_85, %add3A_1267], %get3A_1272 : memref<4x8x129xf32, #tpu.memory_space<vmem>>[vector<16xi32>, vector<16xi32>, vector<16xi32>], vector<16xf32>,
      %get3A_1279 = arith.constant 2 : i32
      %get3A_1280 = arith.index_cast %get3A_1279 : i32 to index
      %get3A_1281 = arith.index_cast %add3A_1263 : i32 to index
      %get3A_1282 = arith.constant 16 : index
      %get3A_1283 = tpu.vector_load %arg6[%get3A_1280, %get3A_1281, %get3A_1282] {strides = array<i32>} : memref<6x128x32xf32, #tpu.memory_space<vmem>>, vector<16xf32>,
      %scatter3A_1284 = arith.constant 0 : i32
      %scatter3A_1285 = arith.constant 0 : i32
      %scatter3A_1286 = arith.constant 0 : i32
      %scatter3A_1287 = arith.constant 0 : i32
      %scatter3A_1288 = tpu.memref_slice %arg7[%scatter3A_1284, %scatter3A_1285, %scatter3A_1286, %scatter3A_1287] : memref<2x4x8x129xf32, #tpu.memory_space<vmem>> -> memref<1x4x8x129xf32, #tpu.memory_space<vmem>>
      %scatter3A_1289 = tpu.memref_squeeze %scatter3A_1288 : memref<1x4x8x129xf32, #tpu.memory_space<vmem>> -> memref<4x8x129xf32, #tpu.memory_space<vmem>>
      tpu.vector_store_idx %scatter3A_1289[%select_n3A_62, %select_n3A_110, %add3A_1267], %get3A_1283 : memref<4x8x129xf32, #tpu.memory_space<vmem>>[vector<16xi32>, vector<16xi32>, vector<16xi32>], vector<16xf32>,
      %add3A_1290 = arith.constant 3 : i32
      %add3A_1291 = arith.addi %mul3A_1208, %add3A_1290 : i32
      %broadcast_in_dim3A_1292 = arith.constant 0 : i32
      %broadcast_in_dim3A_1293 = vector.broadcast %broadcast_in_dim3A_1292 : i32 to vector<16xi32>
      %add3A_1294 = vector.broadcast %add3A_1291 : i32 to vector<16xi32>
      %add3A_1295 = arith.addi %broadcast_in_dim3A_1293, %add3A_1294 : vector<16xi32>
      %get3A_1296 = arith.constant 2 : i32
      %get3A_1297 = arith.index_cast %get3A_1296 : i32 to index
      %get3A_1298 = arith.index_cast %add3A_1291 : i32 to index
      %get3A_1299 = arith.constant 0 : index
      %get3A_1300 = tpu.vector_load %arg6[%get3A_1297, %get3A_1298, %get3A_1299] {strides = array<i32>} : memref<6x128x32xf32, #tpu.memory_space<vmem>>, vector<16xf32>,
      %scatter3A_1301 = arith.constant 0 : i32
      %scatter3A_1302 = arith.constant 0 : i32
      %scatter3A_1303 = arith.constant 0 : i32
      %scatter3A_1304 = arith.constant 0 : i32
      %scatter3A_1305 = tpu.memref_slice %arg7[%scatter3A_1301, %scatter3A_1302, %scatter3A_1303, %scatter3A_1304] : memref<2x4x8x129xf32, #tpu.memory_space<vmem>> -> memref<1x4x8x129xf32, #tpu.memory_space<vmem>>
      %scatter3A_1306 = tpu.memref_squeeze %scatter3A_1305 : memref<1x4x8x129xf32, #tpu.memory_space<vmem>> -> memref<4x8x129xf32, #tpu.memory_space<vmem>>
      tpu.vector_store_idx %scatter3A_1306[%select_n3A, %select_n3A_85, %add3A_1295], %get3A_1300 : memref<4x8x129xf32, #tpu.memory_space<vmem>>[vector<16xi32>, vector<16xi32>, vector<16xi32>], vector<16xf32>,
      %get3A_1307 = arith.constant 2 : i32
      %get3A_1308 = arith.index_cast %get3A_1307 : i32 to index
      %get3A_1309 = arith.index_cast %add3A_1291 : i32 to index
      %get3A_1310 = arith.constant 16 : index
      %get3A_1311 = tpu.vector_load %arg6[%get3A_1308, %get3A_1309, %get3A_1310] {strides = array<i32>} : memref<6x128x32xf32, #tpu.memory_space<vmem>>, vector<16xf32>,
      %scatter3A_1312 = arith.constant 0 : i32
      %scatter3A_1313 = arith.constant 0 : i32
      %scatter3A_1314 = arith.constant 0 : i32
      %scatter3A_1315 = arith.constant 0 : i32
      %scatter3A_1316 = tpu.memref_slice %arg7[%scatter3A_1312, %scatter3A_1313, %scatter3A_1314, %scatter3A_1315] : memref<2x4x8x129xf32, #tpu.memory_space<vmem>> -> memref<1x4x8x129xf32, #tpu.memory_space<vmem>>
      %scatter3A_1317 = tpu.memref_squeeze %scatter3A_1316 : memref<1x4x8x129xf32, #tpu.memory_space<vmem>> -> memref<4x8x129xf32, #tpu.memory_space<vmem>>
      tpu.vector_store_idx %scatter3A_1317[%select_n3A_62, %select_n3A_110, %add3A_1295], %get3A_1311 : memref<4x8x129xf32, #tpu.memory_space<vmem>>[vector<16xi32>, vector<16xi32>, vector<16xi32>], vector<16xf32>,
      %add3A_1318 = arith.constant 4 : i32
      %add3A_1319 = arith.addi %mul3A_1208, %add3A_1318 : i32
      %broadcast_in_dim3A_1320 = arith.constant 0 : i32
      %broadcast_in_dim3A_1321 = vector.broadcast %broadcast_in_dim3A_1320 : i32 to vector<16xi32>
      %add3A_1322 = vector.broadcast %add3A_1319 : i32 to vector<16xi32>
      %add3A_1323 = arith.addi %broadcast_in_dim3A_1321, %add3A_1322 : vector<16xi32>
      %get3A_1324 = arith.constant 2 : i32
      %get3A_1325 = arith.index_cast %get3A_1324 : i32 to index
      %get3A_1326 = arith.index_cast %add3A_1319 : i32 to index
      %get3A_1327 = arith.constant 0 : index
      %get3A_1328 = tpu.vector_load %arg6[%get3A_1325, %get3A_1326, %get3A_1327] {strides = array<i32>} : memref<6x128x32xf32, #tpu.memory_space<vmem>>, vector<16xf32>,
      %scatter3A_1329 = arith.constant 0 : i32
      %scatter3A_1330 = arith.constant 0 : i32
      %scatter3A_1331 = arith.constant 0 : i32
      %scatter3A_1332 = arith.constant 0 : i32
      %scatter3A_1333 = tpu.memref_slice %arg7[%scatter3A_1329, %scatter3A_1330, %scatter3A_1331, %scatter3A_1332] : memref<2x4x8x129xf32, #tpu.memory_space<vmem>> -> memref<1x4x8x129xf32, #tpu.memory_space<vmem>>
      %scatter3A_1334 = tpu.memref_squeeze %scatter3A_1333 : memref<1x4x8x129xf32, #tpu.memory_space<vmem>> -> memref<4x8x129xf32, #tpu.memory_space<vmem>>
      tpu.vector_store_idx %scatter3A_1334[%select_n3A, %select_n3A_85, %add3A_1323], %get3A_1328 : memref<4x8x129xf32, #tpu.memory_space<vmem>>[vector<16xi32>, vector<16xi32>, vector<16xi32>], vector<16xf32>,
      %get3A_1335 = arith.constant 2 : i32
      %get3A_1336 = arith.index_cast %get3A_1335 : i32 to index
      %get3A_1337 = arith.index_cast %add3A_1319 : i32 to index
      %get3A_1338 = arith.constant 16 : index
      %get3A_1339 = tpu.vector_load %arg6[%get3A_1336, %get3A_1337, %get3A_1338] {strides = array<i32>} : memref<6x128x32xf32, #tpu.memory_space<vmem>>, vector<16xf32>,
      %scatter3A_1340 = arith.constant 0 : i32
      %scatter3A_1341 = arith.constant 0 : i32
      %scatter3A_1342 = arith.constant 0 : i32
      %scatter3A_1343 = arith.constant 0 : i32
      %scatter3A_1344 = tpu.memref_slice %arg7[%scatter3A_1340, %scatter3A_1341, %scatter3A_1342, %scatter3A_1343] : memref<2x4x8x129xf32, #tpu.memory_space<vmem>> -> memref<1x4x8x129xf32, #tpu.memory_space<vmem>>
      %scatter3A_1345 = tpu.memref_squeeze %scatter3A_1344 : memref<1x4x8x129xf32, #tpu.memory_space<vmem>> -> memref<4x8x129xf32, #tpu.memory_space<vmem>>
      tpu.vector_store_idx %scatter3A_1345[%select_n3A_62, %select_n3A_110, %add3A_1323], %get3A_1339 : memref<4x8x129xf32, #tpu.memory_space<vmem>>[vector<16xi32>, vector<16xi32>, vector<16xi32>], vector<16xf32>,
      %add3A_1346 = arith.constant 5 : i32
      %add3A_1347 = arith.addi %mul3A_1208, %add3A_1346 : i32
      %broadcast_in_dim3A_1348 = arith.constant 0 : i32
      %broadcast_in_dim3A_1349 = vector.broadcast %broadcast_in_dim3A_1348 : i32 to vector<16xi32>
      %add3A_1350 = vector.broadcast %add3A_1347 : i32 to vector<16xi32>
      %add3A_1351 = arith.addi %broadcast_in_dim3A_1349, %add3A_1350 : vector<16xi32>
      %get3A_1352 = arith.constant 2 : i32
      %get3A_1353 = arith.index_cast %get3A_1352 : i32 to index
      %get3A_1354 = arith.index_cast %add3A_1347 : i32 to index
      %get3A_1355 = arith.constant 0 : index
      %get3A_1356 = tpu.vector_load %arg6[%get3A_1353, %get3A_1354, %get3A_1355] {strides = array<i32>} : memref<6x128x32xf32, #tpu.memory_space<vmem>>, vector<16xf32>,
      %scatter3A_1357 = arith.constant 0 : i32
      %scatter3A_1358 = arith.constant 0 : i32
      %scatter3A_1359 = arith.constant 0 : i32
      %scatter3A_1360 = arith.constant 0 : i32
      %scatter3A_1361 = tpu.memref_slice %arg7[%scatter3A_1357, %scatter3A_1358, %scatter3A_1359, %scatter3A_1360] : memref<2x4x8x129xf32, #tpu.memory_space<vmem>> -> memref<1x4x8x129xf32, #tpu.memory_space<vmem>>
      %scatter3A_1362 = tpu.memref_squeeze %scatter3A_1361 : memref<1x4x8x129xf32, #tpu.memory_space<vmem>> -> memref<4x8x129xf32, #tpu.memory_space<vmem>>
      tpu.vector_store_idx %scatter3A_1362[%select_n3A, %select_n3A_85, %add3A_1351], %get3A_1356 : memref<4x8x129xf32, #tpu.memory_space<vmem>>[vector<16xi32>, vector<16xi32>, vector<16xi32>], vector<16xf32>,
      %get3A_1363 = arith.constant 2 : i32
      %get3A_1364 = arith.index_cast %get3A_1363 : i32 to index
      %get3A_1365 = arith.index_cast %add3A_1347 : i32 to index
      %get3A_1366 = arith.constant 16 : index
      %get3A_1367 = tpu.vector_load %arg6[%get3A_1364, %get3A_1365, %get3A_1366] {strides = array<i32>} : memref<6x128x32xf32, #tpu.memory_space<vmem>>, vector<16xf32>,
      %scatter3A_1368 = arith.constant 0 : i32
      %scatter3A_1369 = arith.constant 0 : i32
      %scatter3A_1370 = arith.constant 0 : i32
      %scatter3A_1371 = arith.constant 0 : i32
      %scatter3A_1372 = tpu.memref_slice %arg7[%scatter3A_1368, %scatter3A_1369, %scatter3A_1370, %scatter3A_1371] : memref<2x4x8x129xf32, #tpu.memory_space<vmem>> -> memref<1x4x8x129xf32, #tpu.memory_space<vmem>>
      %scatter3A_1373 = tpu.memref_squeeze %scatter3A_1372 : memref<1x4x8x129xf32, #tpu.memory_space<vmem>> -> memref<4x8x129xf32, #tpu.memory_space<vmem>>
      tpu.vector_store_idx %scatter3A_1373[%select_n3A_62, %select_n3A_110, %add3A_1351], %get3A_1367 : memref<4x8x129xf32, #tpu.memory_space<vmem>>[vector<16xi32>, vector<16xi32>, vector<16xi32>], vector<16xf32>,
      %add3A_1374 = arith.constant 6 : i32
      %add3A_1375 = arith.addi %mul3A_1208, %add3A_1374 : i32
      %broadcast_in_dim3A_1376 = arith.constant 0 : i32
      %broadcast_in_dim3A_1377 = vector.broadcast %broadcast_in_dim3A_1376 : i32 to vector<16xi32>
      %add3A_1378 = vector.broadcast %add3A_1375 : i32 to vector<16xi32>
      %add3A_1379 = arith.addi %broadcast_in_dim3A_1377, %add3A_1378 : vector<16xi32>
      %get3A_1380 = arith.constant 2 : i32
      %get3A_1381 = arith.index_cast %get3A_1380 : i32 to index
      %get3A_1382 = arith.index_cast %add3A_1375 : i32 to index
      %get3A_1383 = arith.constant 0 : index
      %get3A_1384 = tpu.vector_load %arg6[%get3A_1381, %get3A_1382, %get3A_1383] {strides = array<i32>} : memref<6x128x32xf32, #tpu.memory_space<vmem>>, vector<16xf32>,
      %scatter3A_1385 = arith.constant 0 : i32
      %scatter3A_1386 = arith.constant 0 : i32
      %scatter3A_1387 = arith.constant 0 : i32
      %scatter3A_1388 = arith.constant 0 : i32
      %scatter3A_1389 = tpu.memref_slice %arg7[%scatter3A_1385, %scatter3A_1386, %scatter3A_1387, %scatter3A_1388] : memref<2x4x8x129xf32, #tpu.memory_space<vmem>> -> memref<1x4x8x129xf32, #tpu.memory_space<vmem>>
      %scatter3A_1390 = tpu.memref_squeeze %scatter3A_1389 : memref<1x4x8x129xf32, #tpu.memory_space<vmem>> -> memref<4x8x129xf32, #tpu.memory_space<vmem>>
      tpu.vector_store_idx %scatter3A_1390[%select_n3A, %select_n3A_85, %add3A_1379], %get3A_1384 : memref<4x8x129xf32, #tpu.memory_space<vmem>>[vector<16xi32>, vector<16xi32>, vector<16xi32>], vector<16xf32>,
      %get3A_1391 = arith.constant 2 : i32
      %get3A_1392 = arith.index_cast %get3A_1391 : i32 to index
      %get3A_1393 = arith.index_cast %add3A_1375 : i32 to index
      %get3A_1394 = arith.constant 16 : index
      %get3A_1395 = tpu.vector_load %arg6[%get3A_1392, %get3A_1393, %get3A_1394] {strides = array<i32>} : memref<6x128x32xf32, #tpu.memory_space<vmem>>, vector<16xf32>,
      %scatter3A_1396 = arith.constant 0 : i32
      %scatter3A_1397 = arith.constant 0 : i32
      %scatter3A_1398 = arith.constant 0 : i32
      %scatter3A_1399 = arith.constant 0 : i32
      %scatter3A_1400 = tpu.memref_slice %arg7[%scatter3A_1396, %scatter3A_1397, %scatter3A_1398, %scatter3A_1399] : memref<2x4x8x129xf32, #tpu.memory_space<vmem>> -> memref<1x4x8x129xf32, #tpu.memory_space<vmem>>
      %scatter3A_1401 = tpu.memref_squeeze %scatter3A_1400 : memref<1x4x8x129xf32, #tpu.memory_space<vmem>> -> memref<4x8x129xf32, #tpu.memory_space<vmem>>
      tpu.vector_store_idx %scatter3A_1401[%select_n3A_62, %select_n3A_110, %add3A_1379], %get3A_1395 : memref<4x8x129xf32, #tpu.memory_space<vmem>>[vector<16xi32>, vector<16xi32>, vector<16xi32>], vector<16xf32>,
      %add3A_1402 = arith.constant 7 : i32
      %add3A_1403 = arith.addi %mul3A_1208, %add3A_1402 : i32
      %broadcast_in_dim3A_1404 = arith.constant 0 : i32
      %broadcast_in_dim3A_1405 = vector.broadcast %broadcast_in_dim3A_1404 : i32 to vector<16xi32>
      %add3A_1406 = vector.broadcast %add3A_1403 : i32 to vector<16xi32>
      %add3A_1407 = arith.addi %broadcast_in_dim3A_1405, %add3A_1406 : vector<16xi32>
      %get3A_1408 = arith.constant 2 : i32
      %get3A_1409 = arith.index_cast %get3A_1408 : i32 to index
      %get3A_1410 = arith.index_cast %add3A_1403 : i32 to index
      %get3A_1411 = arith.constant 0 : index
      %get3A_1412 = tpu.vector_load %arg6[%get3A_1409, %get3A_1410, %get3A_1411] {strides = array<i32>} : memref<6x128x32xf32, #tpu.memory_space<vmem>>, vector<16xf32>,
      %scatter3A_1413 = arith.constant 0 : i32
      %scatter3A_1414 = arith.constant 0 : i32
      %scatter3A_1415 = arith.constant 0 : i32
      %scatter3A_1416 = arith.constant 0 : i32
      %scatter3A_1417 = tpu.memref_slice %arg7[%scatter3A_1413, %scatter3A_1414, %scatter3A_1415, %scatter3A_1416] : memref<2x4x8x129xf32, #tpu.memory_space<vmem>> -> memref<1x4x8x129xf32, #tpu.memory_space<vmem>>
      %scatter3A_1418 = tpu.memref_squeeze %scatter3A_1417 : memref<1x4x8x129xf32, #tpu.memory_space<vmem>> -> memref<4x8x129xf32, #tpu.memory_space<vmem>>
      tpu.vector_store_idx %scatter3A_1418[%select_n3A, %select_n3A_85, %add3A_1407], %get3A_1412 : memref<4x8x129xf32, #tpu.memory_space<vmem>>[vector<16xi32>, vector<16xi32>, vector<16xi32>], vector<16xf32>,
      %get3A_1419 = arith.constant 2 : i32
      %get3A_1420 = arith.index_cast %get3A_1419 : i32 to index
      %get3A_1421 = arith.index_cast %add3A_1403 : i32 to index
      %get3A_1422 = arith.constant 16 : index
      %get3A_1423 = tpu.vector_load %arg6[%get3A_1420, %get3A_1421, %get3A_1422] {strides = array<i32>} : memref<6x128x32xf32, #tpu.memory_space<vmem>>, vector<16xf32>,
      %scatter3A_1424 = arith.constant 0 : i32
      %scatter3A_1425 = arith.constant 0 : i32
      %scatter3A_1426 = arith.constant 0 : i32
      %scatter3A_1427 = arith.constant 0 : i32
      %scatter3A_1428 = tpu.memref_slice %arg7[%scatter3A_1424, %scatter3A_1425, %scatter3A_1426, %scatter3A_1427] : memref<2x4x8x129xf32, #tpu.memory_space<vmem>> -> memref<1x4x8x129xf32, #tpu.memory_space<vmem>>
      %scatter3A_1429 = tpu.memref_squeeze %scatter3A_1428 : memref<1x4x8x129xf32, #tpu.memory_space<vmem>> -> memref<4x8x129xf32, #tpu.memory_space<vmem>>
      tpu.vector_store_idx %scatter3A_1429[%select_n3A_62, %select_n3A_110, %add3A_1407], %get3A_1423 : memref<4x8x129xf32, #tpu.memory_space<vmem>>[vector<16xi32>, vector<16xi32>, vector<16xi32>], vector<16xf32>,
    }
    %scan3A_296 = arith.constant 16 : i32
    %add3A_297 = arith.constant 98 : i32
    %add3A_298 = arith.addi %mul3A_2, %add3A_297 : i32
    %jit3A_299 = arith.constant 128 : i32
    %div3A_300 = arith.divsi %add3A_298, %jit3A_299 : i32
    %sign3A_301 = arith.constant 0 : i32
    %sign3A_302 = arith.cmpi sgt, %add3A_298, %sign3A_301 : i32
    %sign3A_303 = arith.extui %sign3A_302 : i1 to i32
    %sign3A_304 = arith.constant 0 : i32
    %sign3A_305 = arith.cmpi slt, %add3A_298, %sign3A_304 : i32
    %sign3A_306 = arith.extui %sign3A_305 : i1 to i32
    %sign3A_307 = arith.subi %sign3A_303, %sign3A_306 : i32
    %sign3A_308 = arith.constant 0 : i32
    %sign3A_309 = arith.cmpi sgt, %jit3A_299, %sign3A_308 : i32
    %sign3A_310 = arith.extui %sign3A_309 : i1 to i32
    %sign3A_311 = arith.constant 0 : i32
    %sign3A_312 = arith.cmpi slt, %jit3A_299, %sign3A_311 : i32
    %sign3A_313 = arith.extui %sign3A_312 : i1 to i32
    %sign3A_314 = arith.subi %sign3A_310, %sign3A_313 : i32
    %ne3A_315 = arith.cmpi ne, %sign3A_307, %sign3A_314 : i32
    %rem3A_316 = arith.remsi %add3A_298, %jit3A_299 : i32
    %ne3A_317 = arith.constant 0 : i32
    %ne3A_318 = arith.cmpi ne, %rem3A_316, %ne3A_317 : i32
    %and3A_319 = arith.andi %ne3A_315, %ne3A_318 : i1
    %sub3A_320 = arith.constant 1 : i32
    %sub3A_321 = arith.subi %div3A_300, %sub3A_320 : i32
    %select_n3A_322 = arith.select %and3A_319, %sub3A_321, %div3A_300 : i32
    %jit3A_323 = arith.constant 128 : i32
    %eq3A_324 = arith.constant 0 : i32
    %eq3A_325 = arith.cmpi eq, %jit3A_323, %eq3A_324 : i32
    %jit3A_326 = arith.constant 1 : i32
    %select_n3A_327 = arith.select %eq3A_325, %jit3A_326, %jit3A_323 : i32
    %rem3A_328 = arith.remsi %add3A_298, %select_n3A_327 : i32
    %ne3A_329 = arith.constant 0 : i32
    %ne3A_330 = arith.cmpi ne, %rem3A_328, %ne3A_329 : i32
    %lt3A_331 = arith.constant 0 : i32
    %lt3A_332 = arith.cmpi slt, %rem3A_328, %lt3A_331 : i32
    %lt3A_333 = arith.constant 0 : i32
    %lt3A_334 = arith.cmpi slt, %select_n3A_327, %lt3A_333 : i32
    %ne3A_335 = arith.xori %lt3A_332, %lt3A_334 : i1
    %and3A_336 = arith.andi %ne3A_335, %ne3A_330 : i1
    %add3A_337 = arith.addi %rem3A_328, %select_n3A_327 : i32
    %select_n3A_338 = arith.select %and3A_336, %add3A_337, %rem3A_328 : i32
    %dma_start3A_339 = arith.constant 0 : i32
    %dma_start3A_340 = arith.constant 0 : i32
    %dma_start3A_341 = arith.constant 0 : i32
    %dma_start3A_342 = arith.constant 0 : i32
    %dma_start3A_343 = tpu.memref_slice %arg7[%dma_start3A_339, %dma_start3A_340, %dma_start3A_341, %dma_start3A_342] : memref<2x4x8x129xf32, #tpu.memory_space<vmem>> -> memref<1x4x8x128xf32, #tpu.memory_space<vmem>>
    %dma_start3A_344 = tpu.memref_squeeze %dma_start3A_343 : memref<1x4x8x128xf32, #tpu.memory_space<vmem>> -> memref<4x8x128xf32, #tpu.memory_space<vmem>>
    %dma_start3A_345 = arith.constant 0 : i32
    %dma_start3A_346 = arith.constant 0 : i32
    %dma_start3A_347 = arith.constant 0 : i32
    %dma_start3A_348 = tpu.memref_slice %arg4[%select_n3A_322, %dma_start3A_345, %select_n3A_338, %dma_start3A_346, %dma_start3A_347] : memref<26x4x128x8x128xf32, #tpu.memory_space<hbm>> -> memref<1x4x1x8x128xf32, #tpu.memory_space<hbm>>
    %dma_start3A_349 = tpu.memref_squeeze %dma_start3A_348 : memref<1x4x1x8x128xf32, #tpu.memory_space<hbm>> -> memref<4x8x128xf32, #tpu.memory_space<hbm>>
    %dma_start3A_350 = arith.constant 0 : i32
    %dma_start3A_351 = arith.constant 0 : i32
    %dma_start3A_352 = arith.constant 0 : i32
    %dma_start3A_353 = tpu.memref_slice %arg4[%select_n3A_322, %dma_start3A_350, %select_n3A_338, %dma_start3A_351, %dma_start3A_352] : memref<26x4x128x8x128xf32, #tpu.memory_space<hbm>> -> memref<1x4x1x8x128xf32, #tpu.memory_space<hbm>>
    %dma_start3A_354 = tpu.memref_squeeze %dma_start3A_353 : memref<1x4x1x8x128xf32, #tpu.memory_space<hbm>> -> memref<4x8x128xf32, #tpu.memory_space<hbm>>
    %dma_start3A_355 = arith.constant 0 : i32
    %dma_start3A_356 = arith.constant 0 : i32
    %dma_start3A_357 = arith.constant 0 : i32
    %dma_start3A_358 = tpu.memref_slice %arg7[%dma_start3A_339, %dma_start3A_355, %dma_start3A_356, %dma_start3A_357] : memref<2x4x8x129xf32, #tpu.memory_space<vmem>> -> memref<1x4x8x128xf32, #tpu.memory_space<vmem>>
    %dma_start3A_359 = tpu.memref_squeeze %dma_start3A_358 : memref<1x4x8x128xf32, #tpu.memory_space<vmem>> -> memref<4x8x128xf32, #tpu.memory_space<vmem>>
    tpu.enqueue_dma source(%dma_start3A_359 : memref<4x8x128xf32, #tpu.memory_space<vmem>>) target(%dma_start3A_354 : memref<4x8x128xf32, #tpu.memory_space<hbm>>) target_semaphore(%arg9 : memref<!tpu.dma_semaphore, #tpu.memory_space<semaphore_mem>>)
    %add3A_360 = arith.constant 97 : i32
    %add3A_361 = arith.addi %mul3A_2, %add3A_360 : i32
    %jit3A_362 = arith.constant 128 : i32
    %div3A_363 = arith.divsi %add3A_361, %jit3A_362 : i32
    %sign3A_364 = arith.constant 0 : i32
    %sign3A_365 = arith.cmpi sgt, %add3A_361, %sign3A_364 : i32
    %sign3A_366 = arith.extui %sign3A_365 : i1 to i32
    %sign3A_367 = arith.constant 0 : i32
    %sign3A_368 = arith.cmpi slt, %add3A_361, %sign3A_367 : i32
    %sign3A_369 = arith.extui %sign3A_368 : i1 to i32
    %sign3A_370 = arith.subi %sign3A_366, %sign3A_369 : i32
    %sign3A_371 = arith.constant 0 : i32
    %sign3A_372 = arith.cmpi sgt, %jit3A_362, %sign3A_371 : i32
    %sign3A_373 = arith.extui %sign3A_372 : i1 to i32
    %sign3A_374 = arith.constant 0 : i32
    %sign3A_375 = arith.cmpi slt, %jit3A_362, %sign3A_374 : i32
    %sign3A_376 = arith.extui %sign3A_375 : i1 to i32
    %sign3A_377 = arith.subi %sign3A_373, %sign3A_376 : i32
    %ne3A_378 = arith.cmpi ne, %sign3A_370, %sign3A_377 : i32
    %rem3A_379 = arith.remsi %add3A_361, %jit3A_362 : i32
    %ne3A_380 = arith.constant 0 : i32
    %ne3A_381 = arith.cmpi ne, %rem3A_379, %ne3A_380 : i32
    %and3A_382 = arith.andi %ne3A_378, %ne3A_381 : i1
    %sub3A_383 = arith.constant 1 : i32
    %sub3A_384 = arith.subi %div3A_363, %sub3A_383 : i32
    %select_n3A_385 = arith.select %and3A_382, %sub3A_384, %div3A_363 : i32
    %jit3A_386 = arith.constant 128 : i32
    %eq3A_387 = arith.constant 0 : i32
    %eq3A_388 = arith.cmpi eq, %jit3A_386, %eq3A_387 : i32
    %jit3A_389 = arith.constant 1 : i32
    %select_n3A_390 = arith.select %eq3A_388, %jit3A_389, %jit3A_386 : i32
    %rem3A_391 = arith.remsi %add3A_361, %select_n3A_390 : i32
    %ne3A_392 = arith.constant 0 : i32
    %ne3A_393 = arith.cmpi ne, %rem3A_391, %ne3A_392 : i32
    %lt3A_394 = arith.constant 0 : i32
    %lt3A_395 = arith.cmpi slt, %rem3A_391, %lt3A_394 : i32
    %lt3A_396 = arith.constant 0 : i32
    %lt3A_397 = arith.cmpi slt, %select_n3A_390, %lt3A_396 : i32
    %ne3A_398 = arith.xori %lt3A_395, %lt3A_397 : i1
    %and3A_399 = arith.andi %ne3A_398, %ne3A_393 : i1
    %add3A_400 = arith.addi %rem3A_391, %select_n3A_390 : i32
    %select_n3A_401 = arith.select %and3A_399, %add3A_400, %rem3A_391 : i32
    %dma_wait3A_402 = arith.constant 1 : i32
    %dma_wait3A_403 = arith.constant 0 : i32
    %dma_wait3A_404 = arith.constant 0 : i32
    %dma_wait3A_405 = arith.constant 0 : i32
    %dma_wait3A_406 = tpu.memref_slice %arg7[%dma_wait3A_402, %dma_wait3A_403, %dma_wait3A_404, %dma_wait3A_405] : memref<2x4x8x129xf32, #tpu.memory_space<vmem>> -> memref<1x4x8x128xf32, #tpu.memory_space<vmem>>
    %dma_wait3A_407 = tpu.memref_squeeze %dma_wait3A_406 : memref<1x4x8x128xf32, #tpu.memory_space<vmem>> -> memref<4x8x128xf32, #tpu.memory_space<vmem>>
    %dma_wait3A_408 = arith.constant 0 : i32
    %dma_wait3A_409 = arith.constant 0 : i32
    %dma_wait3A_410 = arith.constant 0 : i32
    %dma_wait3A_411 = tpu.memref_slice %arg4[%select_n3A_385, %dma_wait3A_408, %select_n3A_401, %dma_wait3A_409, %dma_wait3A_410] : memref<26x4x128x8x128xf32, #tpu.memory_space<hbm>> -> memref<1x4x1x8x128xf32, #tpu.memory_space<hbm>>
    %dma_wait3A_412 = tpu.memref_squeeze %dma_wait3A_411 : memref<1x4x1x8x128xf32, #tpu.memory_space<hbm>> -> memref<4x8x128xf32, #tpu.memory_space<hbm>>
    %dma_wait3A_413 = arith.constant 0 : i32
    %dma_wait3A_414 = arith.constant 0 : i32
    %dma_wait3A_415 = arith.constant 0 : i32
    %dma_wait3A_416 = tpu.memref_slice %arg4[%select_n3A_385, %dma_wait3A_413, %select_n3A_401, %dma_wait3A_414, %dma_wait3A_415] : memref<26x4x128x8x128xf32, #tpu.memory_space<hbm>> -> memref<1x4x1x8x128xf32, #tpu.memory_space<hbm>>
    %dma_wait3A_417 = tpu.memref_squeeze %dma_wait3A_416 : memref<1x4x1x8x128xf32, #tpu.memory_space<hbm>> -> memref<4x8x128xf32, #tpu.memory_space<hbm>>
    %dma_wait3A_418 = arith.constant 0 : i32
    %dma_wait3A_419 = arith.constant 0 : i32
    %dma_wait3A_420 = arith.constant 0 : i32
    %dma_wait3A_421 = tpu.memref_slice %arg7[%dma_wait3A_402, %dma_wait3A_418, %dma_wait3A_419, %dma_wait3A_420] : memref<2x4x8x129xf32, #tpu.memory_space<vmem>> -> memref<1x4x8x128xf32, #tpu.memory_space<vmem>>
    %dma_wait3A_422 = tpu.memref_squeeze %dma_wait3A_421 : memref<1x4x8x128xf32, #tpu.memory_space<vmem>> -> memref<4x8x128xf32, #tpu.memory_space<vmem>>
    tpu.wait_dma2 semaphore(%arg9 : memref<!tpu.dma_semaphore, #tpu.memory_space<semaphore_mem>>) src(%dma_wait3A_422 : memref<4x8x128xf32, #tpu.memory_space<vmem>>) dst(%dma_wait3A_417 : memref<4x8x128xf32, #tpu.memory_space<hbm>>)
    %dma_wait3A_423 = arith.constant 99 : i32
    %dma_wait3A_424 = arith.constant 3 : i32
    %dma_wait3A_425 = arith.constant 0 : i32
    %dma_wait3A_426 = arith.constant 0 : i32
    %dma_wait3A_427 = tpu.memref_slice %arg6[%dma_wait3A_424, %dma_wait3A_425, %dma_wait3A_426] : memref<6x128x32xf32, #tpu.memory_space<vmem>> -> memref<1x128x32xf32, #tpu.memory_space<vmem>>
    %dma_wait3A_428 = tpu.memref_squeeze %dma_wait3A_427 : memref<1x128x32xf32, #tpu.memory_space<vmem>> -> memref<128x32xf32, #tpu.memory_space<vmem>>
    %dma_wait3A_429 = arith.constant 0 : i32
    %dma_wait3A_430 = tpu.memref_slice %arg5[%dma_wait3A_423, %dma_wait3A_429] : memref<104x128xi32, #tpu.memory_space<vmem>> -> memref<1x128xi32, #tpu.memory_space<vmem>>
    %dma_wait3A_431 = tpu.memref_squeeze %dma_wait3A_430 : memref<1x128xi32, #tpu.memory_space<vmem>> -> memref<128xi32, #tpu.memory_space<vmem>>
    %dma_wait3A_432 = arith.constant 0 : i32
    %dma_wait3A_433 = arith.constant 0 : i32
    %dma_wait3A_434 = tpu.memref_slice %arg2[%dma_wait3A_432, %dma_wait3A_433] : memref<4000000x32xf32, #tpu.memory_space<hbm>> -> memref<4000000x32xf32, #tpu.memory_space<hbm>>
    tpu.wait_indirect_dma semaphore(%arg8 : memref<!tpu.dma_semaphore, #tpu.memory_space<semaphore_mem>>) src(%dma_wait3A_434 : memref<4000000x32xf32, #tpu.memory_space<hbm>>) dst(%dma_wait3A_428 : memref<128x32xf32, #tpu.memory_space<vmem>>)
    %scan3A_435 = arith.constant 0 : i32
    %scan3A_436 = arith.constant 0 : i32
    %scan3A_437 = arith.constant 16 : i32
    %scan3A_438 = arith.addi %scan3A_436, %scan3A_437 : i32
    %scan3A_439 = arith.constant 1 : i32
    scf.for %scan3A_1206 = %scan3A_436 to %scan3A_438 step %scan3A_439  : i32 {
      %mul3A_1207 = arith.constant 8 : i32
      %mul3A_1208 = arith.muli %scan3A_1206, %mul3A_1207 : i32
      %add3A_1209 = arith.constant 0 : i32
      %add3A_1210 = arith.addi %mul3A_1208, %add3A_1209 : i32
      %broadcast_in_dim3A = arith.constant 0 : i32
      %broadcast_in_dim3A_1211 = vector.broadcast %broadcast_in_dim3A : i32 to vector<16xi32>
      %add3A_1212 = vector.broadcast %add3A_1210 : i32 to vector<16xi32>
      %add3A_1213 = arith.addi %broadcast_in_dim3A_1211, %add3A_1212 : vector<16xi32>
      %get3A = arith.constant 3 : i32
      %get3A_1214 = arith.index_cast %get3A : i32 to index
      %get3A_1215 = arith.index_cast %add3A_1210 : i32 to index
      %get3A_1216 = arith.constant 0 : index
      %get3A_1217 = tpu.vector_load %arg6[%get3A_1214, %get3A_1215, %get3A_1216] {strides = array<i32>} : memref<6x128x32xf32, #tpu.memory_space<vmem>>, vector<16xf32>,
      %scatter3A = arith.constant 1 : i32
      %scatter3A_1218 = arith.constant 0 : i32
      %scatter3A_1219 = arith.constant 0 : i32
      %scatter3A_1220 = arith.constant 0 : i32
      %scatter3A_1221 = tpu.memref_slice %arg7[%scatter3A, %scatter3A_1218, %scatter3A_1219, %scatter3A_1220] : memref<2x4x8x129xf32, #tpu.memory_space<vmem>> -> memref<1x4x8x129xf32, #tpu.memory_space<vmem>>
      %scatter3A_1222 = tpu.memref_squeeze %scatter3A_1221 : memref<1x4x8x129xf32, #tpu.memory_space<vmem>> -> memref<4x8x129xf32, #tpu.memory_space<vmem>>
      tpu.vector_store_idx %scatter3A_1222[%select_n3A, %select_n3A_85, %add3A_1213], %get3A_1217 : memref<4x8x129xf32, #tpu.memory_space<vmem>>[vector<16xi32>, vector<16xi32>, vector<16xi32>], vector<16xf32>,
      %get3A_1223 = arith.constant 3 : i32
      %get3A_1224 = arith.index_cast %get3A_1223 : i32 to index
      %get3A_1225 = arith.index_cast %add3A_1210 : i32 to index
      %get3A_1226 = arith.constant 16 : index
      %get3A_1227 = tpu.vector_load %arg6[%get3A_1224, %get3A_1225, %get3A_1226] {strides = array<i32>} : memref<6x128x32xf32, #tpu.memory_space<vmem>>, vector<16xf32>,
      %scatter3A_1228 = arith.constant 1 : i32
      %scatter3A_1229 = arith.constant 0 : i32
      %scatter3A_1230 = arith.constant 0 : i32
      %scatter3A_1231 = arith.constant 0 : i32
      %scatter3A_1232 = tpu.memref_slice %arg7[%scatter3A_1228, %scatter3A_1229, %scatter3A_1230, %scatter3A_1231] : memref<2x4x8x129xf32, #tpu.memory_space<vmem>> -> memref<1x4x8x129xf32, #tpu.memory_space<vmem>>
      %scatter3A_1233 = tpu.memref_squeeze %scatter3A_1232 : memref<1x4x8x129xf32, #tpu.memory_space<vmem>> -> memref<4x8x129xf32, #tpu.memory_space<vmem>>
      tpu.vector_store_idx %scatter3A_1233[%select_n3A_62, %select_n3A_110, %add3A_1213], %get3A_1227 : memref<4x8x129xf32, #tpu.memory_space<vmem>>[vector<16xi32>, vector<16xi32>, vector<16xi32>], vector<16xf32>,
      %add3A_1234 = arith.constant 1 : i32
      %add3A_1235 = arith.addi %mul3A_1208, %add3A_1234 : i32
      %broadcast_in_dim3A_1236 = arith.constant 0 : i32
      %broadcast_in_dim3A_1237 = vector.broadcast %broadcast_in_dim3A_1236 : i32 to vector<16xi32>
      %add3A_1238 = vector.broadcast %add3A_1235 : i32 to vector<16xi32>
      %add3A_1239 = arith.addi %broadcast_in_dim3A_1237, %add3A_1238 : vector<16xi32>
      %get3A_1240 = arith.constant 3 : i32
      %get3A_1241 = arith.index_cast %get3A_1240 : i32 to index
      %get3A_1242 = arith.index_cast %add3A_1235 : i32 to index
      %get3A_1243 = arith.constant 0 : index
      %get3A_1244 = tpu.vector_load %arg6[%get3A_1241, %get3A_1242, %get3A_1243] {strides = array<i32>} : memref<6x128x32xf32, #tpu.memory_space<vmem>>, vector<16xf32>,
      %scatter3A_1245 = arith.constant 1 : i32
      %scatter3A_1246 = arith.constant 0 : i32
      %scatter3A_1247 = arith.constant 0 : i32
      %scatter3A_1248 = arith.constant 0 : i32
      %scatter3A_1249 = tpu.memref_slice %arg7[%scatter3A_1245, %scatter3A_1246, %scatter3A_1247, %scatter3A_1248] : memref<2x4x8x129xf32, #tpu.memory_space<vmem>> -> memref<1x4x8x129xf32, #tpu.memory_space<vmem>>
      %scatter3A_1250 = tpu.memref_squeeze %scatter3A_1249 : memref<1x4x8x129xf32, #tpu.memory_space<vmem>> -> memref<4x8x129xf32, #tpu.memory_space<vmem>>
      tpu.vector_store_idx %scatter3A_1250[%select_n3A, %select_n3A_85, %add3A_1239], %get3A_1244 : memref<4x8x129xf32, #tpu.memory_space<vmem>>[vector<16xi32>, vector<16xi32>, vector<16xi32>], vector<16xf32>,
      %get3A_1251 = arith.constant 3 : i32
      %get3A_1252 = arith.index_cast %get3A_1251 : i32 to index
      %get3A_1253 = arith.index_cast %add3A_1235 : i32 to index
      %get3A_1254 = arith.constant 16 : index
      %get3A_1255 = tpu.vector_load %arg6[%get3A_1252, %get3A_1253, %get3A_1254] {strides = array<i32>} : memref<6x128x32xf32, #tpu.memory_space<vmem>>, vector<16xf32>,
      %scatter3A_1256 = arith.constant 1 : i32
      %scatter3A_1257 = arith.constant 0 : i32
      %scatter3A_1258 = arith.constant 0 : i32
      %scatter3A_1259 = arith.constant 0 : i32
      %scatter3A_1260 = tpu.memref_slice %arg7[%scatter3A_1256, %scatter3A_1257, %scatter3A_1258, %scatter3A_1259] : memref<2x4x8x129xf32, #tpu.memory_space<vmem>> -> memref<1x4x8x129xf32, #tpu.memory_space<vmem>>
      %scatter3A_1261 = tpu.memref_squeeze %scatter3A_1260 : memref<1x4x8x129xf32, #tpu.memory_space<vmem>> -> memref<4x8x129xf32, #tpu.memory_space<vmem>>
      tpu.vector_store_idx %scatter3A_1261[%select_n3A_62, %select_n3A_110, %add3A_1239], %get3A_1255 : memref<4x8x129xf32, #tpu.memory_space<vmem>>[vector<16xi32>, vector<16xi32>, vector<16xi32>], vector<16xf32>,
      %add3A_1262 = arith.constant 2 : i32
      %add3A_1263 = arith.addi %mul3A_1208, %add3A_1262 : i32
      %broadcast_in_dim3A_1264 = arith.constant 0 : i32
      %broadcast_in_dim3A_1265 = vector.broadcast %broadcast_in_dim3A_1264 : i32 to vector<16xi32>
      %add3A_1266 = vector.broadcast %add3A_1263 : i32 to vector<16xi32>
      %add3A_1267 = arith.addi %broadcast_in_dim3A_1265, %add3A_1266 : vector<16xi32>
      %get3A_1268 = arith.constant 3 : i32
      %get3A_1269 = arith.index_cast %get3A_1268 : i32 to index
      %get3A_1270 = arith.index_cast %add3A_1263 : i32 to index
      %get3A_1271 = arith.constant 0 : index
      %get3A_1272 = tpu.vector_load %arg6[%get3A_1269, %get3A_1270, %get3A_1271] {strides = array<i32>} : memref<6x128x32xf32, #tpu.memory_space<vmem>>, vector<16xf32>,
      %scatter3A_1273 = arith.constant 1 : i32
      %scatter3A_1274 = arith.constant 0 : i32
      %scatter3A_1275 = arith.constant 0 : i32
      %scatter3A_1276 = arith.constant 0 : i32
      %scatter3A_1277 = tpu.memref_slice %arg7[%scatter3A_1273, %scatter3A_1274, %scatter3A_1275, %scatter3A_1276] : memref<2x4x8x129xf32, #tpu.memory_space<vmem>> -> memref<1x4x8x129xf32, #tpu.memory_space<vmem>>
      %scatter3A_1278 = tpu.memref_squeeze %scatter3A_1277 : memref<1x4x8x129xf32, #tpu.memory_space<vmem>> -> memref<4x8x129xf32, #tpu.memory_space<vmem>>
      tpu.vector_store_idx %scatter3A_1278[%select_n3A, %select_n3A_85, %add3A_1267], %get3A_1272 : memref<4x8x129xf32, #tpu.memory_space<vmem>>[vector<16xi32>, vector<16xi32>, vector<16xi32>], vector<16xf32>,
      %get3A_1279 = arith.constant 3 : i32
      %get3A_1280 = arith.index_cast %get3A_1279 : i32 to index
      %get3A_1281 = arith.index_cast %add3A_1263 : i32 to index
      %get3A_1282 = arith.constant 16 : index
      %get3A_1283 = tpu.vector_load %arg6[%get3A_1280, %get3A_1281, %get3A_1282] {strides = array<i32>} : memref<6x128x32xf32, #tpu.memory_space<vmem>>, vector<16xf32>,
      %scatter3A_1284 = arith.constant 1 : i32
      %scatter3A_1285 = arith.constant 0 : i32
      %scatter3A_1286 = arith.constant 0 : i32
      %scatter3A_1287 = arith.constant 0 : i32
      %scatter3A_1288 = tpu.memref_slice %arg7[%scatter3A_1284, %scatter3A_1285, %scatter3A_1286, %scatter3A_1287] : memref<2x4x8x129xf32, #tpu.memory_space<vmem>> -> memref<1x4x8x129xf32, #tpu.memory_space<vmem>>
      %scatter3A_1289 = tpu.memref_squeeze %scatter3A_1288 : memref<1x4x8x129xf32, #tpu.memory_space<vmem>> -> memref<4x8x129xf32, #tpu.memory_space<vmem>>
      tpu.vector_store_idx %scatter3A_1289[%select_n3A_62, %select_n3A_110, %add3A_1267], %get3A_1283 : memref<4x8x129xf32, #tpu.memory_space<vmem>>[vector<16xi32>, vector<16xi32>, vector<16xi32>], vector<16xf32>,
      %add3A_1290 = arith.constant 3 : i32
      %add3A_1291 = arith.addi %mul3A_1208, %add3A_1290 : i32
      %broadcast_in_dim3A_1292 = arith.constant 0 : i32
      %broadcast_in_dim3A_1293 = vector.broadcast %broadcast_in_dim3A_1292 : i32 to vector<16xi32>
      %add3A_1294 = vector.broadcast %add3A_1291 : i32 to vector<16xi32>
      %add3A_1295 = arith.addi %broadcast_in_dim3A_1293, %add3A_1294 : vector<16xi32>
      %get3A_1296 = arith.constant 3 : i32
      %get3A_1297 = arith.index_cast %get3A_1296 : i32 to index
      %get3A_1298 = arith.index_cast %add3A_1291 : i32 to index
      %get3A_1299 = arith.constant 0 : index
      %get3A_1300 = tpu.vector_load %arg6[%get3A_1297, %get3A_1298, %get3A_1299] {strides = array<i32>} : memref<6x128x32xf32, #tpu.memory_space<vmem>>, vector<16xf32>,
      %scatter3A_1301 = arith.constant 1 : i32
      %scatter3A_1302 = arith.constant 0 : i32
      %scatter3A_1303 = arith.constant 0 : i32
      %scatter3A_1304 = arith.constant 0 : i32
      %scatter3A_1305 = tpu.memref_slice %arg7[%scatter3A_1301, %scatter3A_1302, %scatter3A_1303, %scatter3A_1304] : memref<2x4x8x129xf32, #tpu.memory_space<vmem>> -> memref<1x4x8x129xf32, #tpu.memory_space<vmem>>
      %scatter3A_1306 = tpu.memref_squeeze %scatter3A_1305 : memref<1x4x8x129xf32, #tpu.memory_space<vmem>> -> memref<4x8x129xf32, #tpu.memory_space<vmem>>
      tpu.vector_store_idx %scatter3A_1306[%select_n3A, %select_n3A_85, %add3A_1295], %get3A_1300 : memref<4x8x129xf32, #tpu.memory_space<vmem>>[vector<16xi32>, vector<16xi32>, vector<16xi32>], vector<16xf32>,
      %get3A_1307 = arith.constant 3 : i32
      %get3A_1308 = arith.index_cast %get3A_1307 : i32 to index
      %get3A_1309 = arith.index_cast %add3A_1291 : i32 to index
      %get3A_1310 = arith.constant 16 : index
      %get3A_1311 = tpu.vector_load %arg6[%get3A_1308, %get3A_1309, %get3A_1310] {strides = array<i32>} : memref<6x128x32xf32, #tpu.memory_space<vmem>>, vector<16xf32>,
      %scatter3A_1312 = arith.constant 1 : i32
      %scatter3A_1313 = arith.constant 0 : i32
      %scatter3A_1314 = arith.constant 0 : i32
      %scatter3A_1315 = arith.constant 0 : i32
      %scatter3A_1316 = tpu.memref_slice %arg7[%scatter3A_1312, %scatter3A_1313, %scatter3A_1314, %scatter3A_1315] : memref<2x4x8x129xf32, #tpu.memory_space<vmem>> -> memref<1x4x8x129xf32, #tpu.memory_space<vmem>>
      %scatter3A_1317 = tpu.memref_squeeze %scatter3A_1316 : memref<1x4x8x129xf32, #tpu.memory_space<vmem>> -> memref<4x8x129xf32, #tpu.memory_space<vmem>>
      tpu.vector_store_idx %scatter3A_1317[%select_n3A_62, %select_n3A_110, %add3A_1295], %get3A_1311 : memref<4x8x129xf32, #tpu.memory_space<vmem>>[vector<16xi32>, vector<16xi32>, vector<16xi32>], vector<16xf32>,
      %add3A_1318 = arith.constant 4 : i32
      %add3A_1319 = arith.addi %mul3A_1208, %add3A_1318 : i32
      %broadcast_in_dim3A_1320 = arith.constant 0 : i32
      %broadcast_in_dim3A_1321 = vector.broadcast %broadcast_in_dim3A_1320 : i32 to vector<16xi32>
      %add3A_1322 = vector.broadcast %add3A_1319 : i32 to vector<16xi32>
      %add3A_1323 = arith.addi %broadcast_in_dim3A_1321, %add3A_1322 : vector<16xi32>
      %get3A_1324 = arith.constant 3 : i32
      %get3A_1325 = arith.index_cast %get3A_1324 : i32 to index
      %get3A_1326 = arith.index_cast %add3A_1319 : i32 to index
      %get3A_1327 = arith.constant 0 : index
      %get3A_1328 = tpu.vector_load %arg6[%get3A_1325, %get3A_1326, %get3A_1327] {strides = array<i32>} : memref<6x128x32xf32, #tpu.memory_space<vmem>>, vector<16xf32>,
      %scatter3A_1329 = arith.constant 1 : i32
      %scatter3A_1330 = arith.constant 0 : i32
      %scatter3A_1331 = arith.constant 0 : i32
      %scatter3A_1332 = arith.constant 0 : i32
      %scatter3A_1333 = tpu.memref_slice %arg7[%scatter3A_1329, %scatter3A_1330, %scatter3A_1331, %scatter3A_1332] : memref<2x4x8x129xf32, #tpu.memory_space<vmem>> -> memref<1x4x8x129xf32, #tpu.memory_space<vmem>>
      %scatter3A_1334 = tpu.memref_squeeze %scatter3A_1333 : memref<1x4x8x129xf32, #tpu.memory_space<vmem>> -> memref<4x8x129xf32, #tpu.memory_space<vmem>>
      tpu.vector_store_idx %scatter3A_1334[%select_n3A, %select_n3A_85, %add3A_1323], %get3A_1328 : memref<4x8x129xf32, #tpu.memory_space<vmem>>[vector<16xi32>, vector<16xi32>, vector<16xi32>], vector<16xf32>,
      %get3A_1335 = arith.constant 3 : i32
      %get3A_1336 = arith.index_cast %get3A_1335 : i32 to index
      %get3A_1337 = arith.index_cast %add3A_1319 : i32 to index
      %get3A_1338 = arith.constant 16 : index
      %get3A_1339 = tpu.vector_load %arg6[%get3A_1336, %get3A_1337, %get3A_1338] {strides = array<i32>} : memref<6x128x32xf32, #tpu.memory_space<vmem>>, vector<16xf32>,
      %scatter3A_1340 = arith.constant 1 : i32
      %scatter3A_1341 = arith.constant 0 : i32
      %scatter3A_1342 = arith.constant 0 : i32
      %scatter3A_1343 = arith.constant 0 : i32
      %scatter3A_1344 = tpu.memref_slice %arg7[%scatter3A_1340, %scatter3A_1341, %scatter3A_1342, %scatter3A_1343] : memref<2x4x8x129xf32, #tpu.memory_space<vmem>> -> memref<1x4x8x129xf32, #tpu.memory_space<vmem>>
      %scatter3A_1345 = tpu.memref_squeeze %scatter3A_1344 : memref<1x4x8x129xf32, #tpu.memory_space<vmem>> -> memref<4x8x129xf32, #tpu.memory_space<vmem>>
      tpu.vector_store_idx %scatter3A_1345[%select_n3A_62, %select_n3A_110, %add3A_1323], %get3A_1339 : memref<4x8x129xf32, #tpu.memory_space<vmem>>[vector<16xi32>, vector<16xi32>, vector<16xi32>], vector<16xf32>,
      %add3A_1346 = arith.constant 5 : i32
      %add3A_1347 = arith.addi %mul3A_1208, %add3A_1346 : i32
      %broadcast_in_dim3A_1348 = arith.constant 0 : i32
      %broadcast_in_dim3A_1349 = vector.broadcast %broadcast_in_dim3A_1348 : i32 to vector<16xi32>
      %add3A_1350 = vector.broadcast %add3A_1347 : i32 to vector<16xi32>
      %add3A_1351 = arith.addi %broadcast_in_dim3A_1349, %add3A_1350 : vector<16xi32>
      %get3A_1352 = arith.constant 3 : i32
      %get3A_1353 = arith.index_cast %get3A_1352 : i32 to index
      %get3A_1354 = arith.index_cast %add3A_1347 : i32 to index
      %get3A_1355 = arith.constant 0 : index
      %get3A_1356 = tpu.vector_load %arg6[%get3A_1353, %get3A_1354, %get3A_1355] {strides = array<i32>} : memref<6x128x32xf32, #tpu.memory_space<vmem>>, vector<16xf32>,
      %scatter3A_1357 = arith.constant 1 : i32
      %scatter3A_1358 = arith.constant 0 : i32
      %scatter3A_1359 = arith.constant 0 : i32
      %scatter3A_1360 = arith.constant 0 : i32
      %scatter3A_1361 = tpu.memref_slice %arg7[%scatter3A_1357, %scatter3A_1358, %scatter3A_1359, %scatter3A_1360] : memref<2x4x8x129xf32, #tpu.memory_space<vmem>> -> memref<1x4x8x129xf32, #tpu.memory_space<vmem>>
      %scatter3A_1362 = tpu.memref_squeeze %scatter3A_1361 : memref<1x4x8x129xf32, #tpu.memory_space<vmem>> -> memref<4x8x129xf32, #tpu.memory_space<vmem>>
      tpu.vector_store_idx %scatter3A_1362[%select_n3A, %select_n3A_85, %add3A_1351], %get3A_1356 : memref<4x8x129xf32, #tpu.memory_space<vmem>>[vector<16xi32>, vector<16xi32>, vector<16xi32>], vector<16xf32>,
      %get3A_1363 = arith.constant 3 : i32
      %get3A_1364 = arith.index_cast %get3A_1363 : i32 to index
      %get3A_1365 = arith.index_cast %add3A_1347 : i32 to index
      %get3A_1366 = arith.constant 16 : index
      %get3A_1367 = tpu.vector_load %arg6[%get3A_1364, %get3A_1365, %get3A_1366] {strides = array<i32>} : memref<6x128x32xf32, #tpu.memory_space<vmem>>, vector<16xf32>,
      %scatter3A_1368 = arith.constant 1 : i32
      %scatter3A_1369 = arith.constant 0 : i32
      %scatter3A_1370 = arith.constant 0 : i32
      %scatter3A_1371 = arith.constant 0 : i32
      %scatter3A_1372 = tpu.memref_slice %arg7[%scatter3A_1368, %scatter3A_1369, %scatter3A_1370, %scatter3A_1371] : memref<2x4x8x129xf32, #tpu.memory_space<vmem>> -> memref<1x4x8x129xf32, #tpu.memory_space<vmem>>
      %scatter3A_1373 = tpu.memref_squeeze %scatter3A_1372 : memref<1x4x8x129xf32, #tpu.memory_space<vmem>> -> memref<4x8x129xf32, #tpu.memory_space<vmem>>
      tpu.vector_store_idx %scatter3A_1373[%select_n3A_62, %select_n3A_110, %add3A_1351], %get3A_1367 : memref<4x8x129xf32, #tpu.memory_space<vmem>>[vector<16xi32>, vector<16xi32>, vector<16xi32>], vector<16xf32>,
      %add3A_1374 = arith.constant 6 : i32
      %add3A_1375 = arith.addi %mul3A_1208, %add3A_1374 : i32
      %broadcast_in_dim3A_1376 = arith.constant 0 : i32
      %broadcast_in_dim3A_1377 = vector.broadcast %broadcast_in_dim3A_1376 : i32 to vector<16xi32>
      %add3A_1378 = vector.broadcast %add3A_1375 : i32 to vector<16xi32>
      %add3A_1379 = arith.addi %broadcast_in_dim3A_1377, %add3A_1378 : vector<16xi32>
      %get3A_1380 = arith.constant 3 : i32
      %get3A_1381 = arith.index_cast %get3A_1380 : i32 to index
      %get3A_1382 = arith.index_cast %add3A_1375 : i32 to index
      %get3A_1383 = arith.constant 0 : index
      %get3A_1384 = tpu.vector_load %arg6[%get3A_1381, %get3A_1382, %get3A_1383] {strides = array<i32>} : memref<6x128x32xf32, #tpu.memory_space<vmem>>, vector<16xf32>,
      %scatter3A_1385 = arith.constant 1 : i32
      %scatter3A_1386 = arith.constant 0 : i32
      %scatter3A_1387 = arith.constant 0 : i32
      %scatter3A_1388 = arith.constant 0 : i32
      %scatter3A_1389 = tpu.memref_slice %arg7[%scatter3A_1385, %scatter3A_1386, %scatter3A_1387, %scatter3A_1388] : memref<2x4x8x129xf32, #tpu.memory_space<vmem>> -> memref<1x4x8x129xf32, #tpu.memory_space<vmem>>
      %scatter3A_1390 = tpu.memref_squeeze %scatter3A_1389 : memref<1x4x8x129xf32, #tpu.memory_space<vmem>> -> memref<4x8x129xf32, #tpu.memory_space<vmem>>
      tpu.vector_store_idx %scatter3A_1390[%select_n3A, %select_n3A_85, %add3A_1379], %get3A_1384 : memref<4x8x129xf32, #tpu.memory_space<vmem>>[vector<16xi32>, vector<16xi32>, vector<16xi32>], vector<16xf32>,
      %get3A_1391 = arith.constant 3 : i32
      %get3A_1392 = arith.index_cast %get3A_1391 : i32 to index
      %get3A_1393 = arith.index_cast %add3A_1375 : i32 to index
      %get3A_1394 = arith.constant 16 : index
      %get3A_1395 = tpu.vector_load %arg6[%get3A_1392, %get3A_1393, %get3A_1394] {strides = array<i32>} : memref<6x128x32xf32, #tpu.memory_space<vmem>>, vector<16xf32>,
      %scatter3A_1396 = arith.constant 1 : i32
      %scatter3A_1397 = arith.constant 0 : i32
      %scatter3A_1398 = arith.constant 0 : i32
      %scatter3A_1399 = arith.constant 0 : i32
      %scatter3A_1400 = tpu.memref_slice %arg7[%scatter3A_1396, %scatter3A_1397, %scatter3A_1398, %scatter3A_1399] : memref<2x4x8x129xf32, #tpu.memory_space<vmem>> -> memref<1x4x8x129xf32, #tpu.memory_space<vmem>>
      %scatter3A_1401 = tpu.memref_squeeze %scatter3A_1400 : memref<1x4x8x129xf32, #tpu.memory_space<vmem>> -> memref<4x8x129xf32, #tpu.memory_space<vmem>>
      tpu.vector_store_idx %scatter3A_1401[%select_n3A_62, %select_n3A_110, %add3A_1379], %get3A_1395 : memref<4x8x129xf32, #tpu.memory_space<vmem>>[vector<16xi32>, vector<16xi32>, vector<16xi32>], vector<16xf32>,
      %add3A_1402 = arith.constant 7 : i32
      %add3A_1403 = arith.addi %mul3A_1208, %add3A_1402 : i32
      %broadcast_in_dim3A_1404 = arith.constant 0 : i32
      %broadcast_in_dim3A_1405 = vector.broadcast %broadcast_in_dim3A_1404 : i32 to vector<16xi32>
      %add3A_1406 = vector.broadcast %add3A_1403 : i32 to vector<16xi32>
      %add3A_1407 = arith.addi %broadcast_in_dim3A_1405, %add3A_1406 : vector<16xi32>
      %get3A_1408 = arith.constant 3 : i32
      %get3A_1409 = arith.index_cast %get3A_1408 : i32 to index
      %get3A_1410 = arith.index_cast %add3A_1403 : i32 to index
      %get3A_1411 = arith.constant 0 : index
      %get3A_1412 = tpu.vector_load %arg6[%get3A_1409, %get3A_1410, %get3A_1411] {strides = array<i32>} : memref<6x128x32xf32, #tpu.memory_space<vmem>>, vector<16xf32>,
      %scatter3A_1413 = arith.constant 1 : i32
      %scatter3A_1414 = arith.constant 0 : i32
      %scatter3A_1415 = arith.constant 0 : i32
      %scatter3A_1416 = arith.constant 0 : i32
      %scatter3A_1417 = tpu.memref_slice %arg7[%scatter3A_1413, %scatter3A_1414, %scatter3A_1415, %scatter3A_1416] : memref<2x4x8x129xf32, #tpu.memory_space<vmem>> -> memref<1x4x8x129xf32, #tpu.memory_space<vmem>>
      %scatter3A_1418 = tpu.memref_squeeze %scatter3A_1417 : memref<1x4x8x129xf32, #tpu.memory_space<vmem>> -> memref<4x8x129xf32, #tpu.memory_space<vmem>>
      tpu.vector_store_idx %scatter3A_1418[%select_n3A, %select_n3A_85, %add3A_1407], %get3A_1412 : memref<4x8x129xf32, #tpu.memory_space<vmem>>[vector<16xi32>, vector<16xi32>, vector<16xi32>], vector<16xf32>,
      %get3A_1419 = arith.constant 3 : i32
      %get3A_1420 = arith.index_cast %get3A_1419 : i32 to index
      %get3A_1421 = arith.index_cast %add3A_1403 : i32 to index
      %get3A_1422 = arith.constant 16 : index
      %get3A_1423 = tpu.vector_load %arg6[%get3A_1420, %get3A_1421, %get3A_1422] {strides = array<i32>} : memref<6x128x32xf32, #tpu.memory_space<vmem>>, vector<16xf32>,
      %scatter3A_1424 = arith.constant 1 : i32
      %scatter3A_1425 = arith.constant 0 : i32
      %scatter3A_1426 = arith.constant 0 : i32
      %scatter3A_1427 = arith.constant 0 : i32
      %scatter3A_1428 = tpu.memref_slice %arg7[%scatter3A_1424, %scatter3A_1425, %scatter3A_1426, %scatter3A_1427] : memref<2x4x8x129xf32, #tpu.memory_space<vmem>> -> memref<1x4x8x129xf32, #tpu.memory_space<vmem>>
      %scatter3A_1429 = tpu.memref_squeeze %scatter3A_1428 : memref<1x4x8x129xf32, #tpu.memory_space<vmem>> -> memref<4x8x129xf32, #tpu.memory_space<vmem>>
      tpu.vector_store_idx %scatter3A_1429[%select_n3A_62, %select_n3A_110, %add3A_1407], %get3A_1423 : memref<4x8x129xf32, #tpu.memory_space<vmem>>[vector<16xi32>, vector<16xi32>, vector<16xi32>], vector<16xf32>,
    }
    %scan3A_440 = arith.constant 16 : i32
    %add3A_441 = arith.constant 99 : i32
    %add3A_442 = arith.addi %mul3A_2, %add3A_441 : i32
    %jit3A_443 = arith.constant 128 : i32
    %div3A_444 = arith.divsi %add3A_442, %jit3A_443 : i32
    %sign3A_445 = arith.constant 0 : i32
    %sign3A_446 = arith.cmpi sgt, %add3A_442, %sign3A_445 : i32
    %sign3A_447 = arith.extui %sign3A_446 : i1 to i32
    %sign3A_448 = arith.constant 0 : i32
    %sign3A_449 = arith.cmpi slt, %add3A_442, %sign3A_448 : i32
    %sign3A_450 = arith.extui %sign3A_449 : i1 to i32
    %sign3A_451 = arith.subi %sign3A_447, %sign3A_450 : i32
    %sign3A_452 = arith.constant 0 : i32
    %sign3A_453 = arith.cmpi sgt, %jit3A_443, %sign3A_452 : i32
    %sign3A_454 = arith.extui %sign3A_453 : i1 to i32
    %sign3A_455 = arith.constant 0 : i32
    %sign3A_456 = arith.cmpi slt, %jit3A_443, %sign3A_455 : i32
    %sign3A_457 = arith.extui %sign3A_456 : i1 to i32
    %sign3A_458 = arith.subi %sign3A_454, %sign3A_457 : i32
    %ne3A_459 = arith.cmpi ne, %sign3A_451, %sign3A_458 : i32
    %rem3A_460 = arith.remsi %add3A_442, %jit3A_443 : i32
    %ne3A_461 = arith.constant 0 : i32
    %ne3A_462 = arith.cmpi ne, %rem3A_460, %ne3A_461 : i32
    %and3A_463 = arith.andi %ne3A_459, %ne3A_462 : i1
    %sub3A_464 = arith.constant 1 : i32
    %sub3A_465 = arith.subi %div3A_444, %sub3A_464 : i32
    %select_n3A_466 = arith.select %and3A_463, %sub3A_465, %div3A_444 : i32
    %jit3A_467 = arith.constant 128 : i32
    %eq3A_468 = arith.constant 0 : i32
    %eq3A_469 = arith.cmpi eq, %jit3A_467, %eq3A_468 : i32
    %jit3A_470 = arith.constant 1 : i32
    %select_n3A_471 = arith.select %eq3A_469, %jit3A_470, %jit3A_467 : i32
    %rem3A_472 = arith.remsi %add3A_442, %select_n3A_471 : i32
    %ne3A_473 = arith.constant 0 : i32
    %ne3A_474 = arith.cmpi ne, %rem3A_472, %ne3A_473 : i32
    %lt3A_475 = arith.constant 0 : i32
    %lt3A_476 = arith.cmpi slt, %rem3A_472, %lt3A_475 : i32
    %lt3A_477 = arith.constant 0 : i32
    %lt3A_478 = arith.cmpi slt, %select_n3A_471, %lt3A_477 : i32
    %ne3A_479 = arith.xori %lt3A_476, %lt3A_478 : i1
    %and3A_480 = arith.andi %ne3A_479, %ne3A_474 : i1
    %add3A_481 = arith.addi %rem3A_472, %select_n3A_471 : i32
    %select_n3A_482 = arith.select %and3A_480, %add3A_481, %rem3A_472 : i32
    %dma_start3A_483 = arith.constant 1 : i32
    %dma_start3A_484 = arith.constant 0 : i32
    %dma_start3A_485 = arith.constant 0 : i32
    %dma_start3A_486 = arith.constant 0 : i32
    %dma_start3A_487 = tpu.memref_slice %arg7[%dma_start3A_483, %dma_start3A_484, %dma_start3A_485, %dma_start3A_486] : memref<2x4x8x129xf32, #tpu.memory_space<vmem>> -> memref<1x4x8x128xf32, #tpu.memory_space<vmem>>
    %dma_start3A_488 = tpu.memref_squeeze %dma_start3A_487 : memref<1x4x8x128xf32, #tpu.memory_space<vmem>> -> memref<4x8x128xf32, #tpu.memory_space<vmem>>
    %dma_start3A_489 = arith.constant 0 : i32
    %dma_start3A_490 = arith.constant 0 : i32
    %dma_start3A_491 = arith.constant 0 : i32
    %dma_start3A_492 = tpu.memref_slice %arg4[%select_n3A_466, %dma_start3A_489, %select_n3A_482, %dma_start3A_490, %dma_start3A_491] : memref<26x4x128x8x128xf32, #tpu.memory_space<hbm>> -> memref<1x4x1x8x128xf32, #tpu.memory_space<hbm>>
    %dma_start3A_493 = tpu.memref_squeeze %dma_start3A_492 : memref<1x4x1x8x128xf32, #tpu.memory_space<hbm>> -> memref<4x8x128xf32, #tpu.memory_space<hbm>>
    %dma_start3A_494 = arith.constant 0 : i32
    %dma_start3A_495 = arith.constant 0 : i32
    %dma_start3A_496 = arith.constant 0 : i32
    %dma_start3A_497 = tpu.memref_slice %arg4[%select_n3A_466, %dma_start3A_494, %select_n3A_482, %dma_start3A_495, %dma_start3A_496] : memref<26x4x128x8x128xf32, #tpu.memory_space<hbm>> -> memref<1x4x1x8x128xf32, #tpu.memory_space<hbm>>
    %dma_start3A_498 = tpu.memref_squeeze %dma_start3A_497 : memref<1x4x1x8x128xf32, #tpu.memory_space<hbm>> -> memref<4x8x128xf32, #tpu.memory_space<hbm>>
    %dma_start3A_499 = arith.constant 0 : i32
    %dma_start3A_500 = arith.constant 0 : i32
    %dma_start3A_501 = arith.constant 0 : i32
    %dma_start3A_502 = tpu.memref_slice %arg7[%dma_start3A_483, %dma_start3A_499, %dma_start3A_500, %dma_start3A_501] : memref<2x4x8x129xf32, #tpu.memory_space<vmem>> -> memref<1x4x8x128xf32, #tpu.memory_space<vmem>>
    %dma_start3A_503 = tpu.memref_squeeze %dma_start3A_502 : memref<1x4x8x128xf32, #tpu.memory_space<vmem>> -> memref<4x8x128xf32, #tpu.memory_space<vmem>>
    tpu.enqueue_dma source(%dma_start3A_503 : memref<4x8x128xf32, #tpu.memory_space<vmem>>) target(%dma_start3A_498 : memref<4x8x128xf32, #tpu.memory_space<hbm>>) target_semaphore(%arg9 : memref<!tpu.dma_semaphore, #tpu.memory_space<semaphore_mem>>)
    %add3A_504 = arith.constant 98 : i32
    %add3A_505 = arith.addi %mul3A_2, %add3A_504 : i32
    %jit3A_506 = arith.constant 128 : i32
    %div3A_507 = arith.divsi %add3A_505, %jit3A_506 : i32
    %sign3A_508 = arith.constant 0 : i32
    %sign3A_509 = arith.cmpi sgt, %add3A_505, %sign3A_508 : i32
    %sign3A_510 = arith.extui %sign3A_509 : i1 to i32
    %sign3A_511 = arith.constant 0 : i32
    %sign3A_512 = arith.cmpi slt, %add3A_505, %sign3A_511 : i32
    %sign3A_513 = arith.extui %sign3A_512 : i1 to i32
    %sign3A_514 = arith.subi %sign3A_510, %sign3A_513 : i32
    %sign3A_515 = arith.constant 0 : i32
    %sign3A_516 = arith.cmpi sgt, %jit3A_506, %sign3A_515 : i32
    %sign3A_517 = arith.extui %sign3A_516 : i1 to i32
    %sign3A_518 = arith.constant 0 : i32
    %sign3A_519 = arith.cmpi slt, %jit3A_506, %sign3A_518 : i32
    %sign3A_520 = arith.extui %sign3A_519 : i1 to i32
    %sign3A_521 = arith.subi %sign3A_517, %sign3A_520 : i32
    %ne3A_522 = arith.cmpi ne, %sign3A_514, %sign3A_521 : i32
    %rem3A_523 = arith.remsi %add3A_505, %jit3A_506 : i32
    %ne3A_524 = arith.constant 0 : i32
    %ne3A_525 = arith.cmpi ne, %rem3A_523, %ne3A_524 : i32
    %and3A_526 = arith.andi %ne3A_522, %ne3A_525 : i1
    %sub3A_527 = arith.constant 1 : i32
    %sub3A_528 = arith.subi %div3A_507, %sub3A_527 : i32
    %select_n3A_529 = arith.select %and3A_526, %sub3A_528, %div3A_507 : i32
    %jit3A_530 = arith.constant 128 : i32
    %eq3A_531 = arith.constant 0 : i32
    %eq3A_532 = arith.cmpi eq, %jit3A_530, %eq3A_531 : i32
    %jit3A_533 = arith.constant 1 : i32
    %select_n3A_534 = arith.select %eq3A_532, %jit3A_533, %jit3A_530 : i32
    %rem3A_535 = arith.remsi %add3A_505, %select_n3A_534 : i32
    %ne3A_536 = arith.constant 0 : i32
    %ne3A_537 = arith.cmpi ne, %rem3A_535, %ne3A_536 : i32
    %lt3A_538 = arith.constant 0 : i32
    %lt3A_539 = arith.cmpi slt, %rem3A_535, %lt3A_538 : i32
    %lt3A_540 = arith.constant 0 : i32
    %lt3A_541 = arith.cmpi slt, %select_n3A_534, %lt3A_540 : i32
    %ne3A_542 = arith.xori %lt3A_539, %lt3A_541 : i1
    %and3A_543 = arith.andi %ne3A_542, %ne3A_537 : i1
    %add3A_544 = arith.addi %rem3A_535, %select_n3A_534 : i32
    %select_n3A_545 = arith.select %and3A_543, %add3A_544, %rem3A_535 : i32
    %dma_wait3A_546 = arith.constant 0 : i32
    %dma_wait3A_547 = arith.constant 0 : i32
    %dma_wait3A_548 = arith.constant 0 : i32
    %dma_wait3A_549 = arith.constant 0 : i32
    %dma_wait3A_550 = tpu.memref_slice %arg7[%dma_wait3A_546, %dma_wait3A_547, %dma_wait3A_548, %dma_wait3A_549] : memref<2x4x8x129xf32, #tpu.memory_space<vmem>> -> memref<1x4x8x128xf32, #tpu.memory_space<vmem>>
    %dma_wait3A_551 = tpu.memref_squeeze %dma_wait3A_550 : memref<1x4x8x128xf32, #tpu.memory_space<vmem>> -> memref<4x8x128xf32, #tpu.memory_space<vmem>>
    %dma_wait3A_552 = arith.constant 0 : i32
    %dma_wait3A_553 = arith.constant 0 : i32
    %dma_wait3A_554 = arith.constant 0 : i32
    %dma_wait3A_555 = tpu.memref_slice %arg4[%select_n3A_529, %dma_wait3A_552, %select_n3A_545, %dma_wait3A_553, %dma_wait3A_554] : memref<26x4x128x8x128xf32, #tpu.memory_space<hbm>> -> memref<1x4x1x8x128xf32, #tpu.memory_space<hbm>>
    %dma_wait3A_556 = tpu.memref_squeeze %dma_wait3A_555 : memref<1x4x1x8x128xf32, #tpu.memory_space<hbm>> -> memref<4x8x128xf32, #tpu.memory_space<hbm>>
    %dma_wait3A_557 = arith.constant 0 : i32
    %dma_wait3A_558 = arith.constant 0 : i32
    %dma_wait3A_559 = arith.constant 0 : i32
    %dma_wait3A_560 = tpu.memref_slice %arg4[%select_n3A_529, %dma_wait3A_557, %select_n3A_545, %dma_wait3A_558, %dma_wait3A_559] : memref<26x4x128x8x128xf32, #tpu.memory_space<hbm>> -> memref<1x4x1x8x128xf32, #tpu.memory_space<hbm>>
    %dma_wait3A_561 = tpu.memref_squeeze %dma_wait3A_560 : memref<1x4x1x8x128xf32, #tpu.memory_space<hbm>> -> memref<4x8x128xf32, #tpu.memory_space<hbm>>
    %dma_wait3A_562 = arith.constant 0 : i32
    %dma_wait3A_563 = arith.constant 0 : i32
    %dma_wait3A_564 = arith.constant 0 : i32
    %dma_wait3A_565 = tpu.memref_slice %arg7[%dma_wait3A_546, %dma_wait3A_562, %dma_wait3A_563, %dma_wait3A_564] : memref<2x4x8x129xf32, #tpu.memory_space<vmem>> -> memref<1x4x8x128xf32, #tpu.memory_space<vmem>>
    %dma_wait3A_566 = tpu.memref_squeeze %dma_wait3A_565 : memref<1x4x8x128xf32, #tpu.memory_space<vmem>> -> memref<4x8x128xf32, #tpu.memory_space<vmem>>
    tpu.wait_dma2 semaphore(%arg9 : memref<!tpu.dma_semaphore, #tpu.memory_space<semaphore_mem>>) src(%dma_wait3A_566 : memref<4x8x128xf32, #tpu.memory_space<vmem>>) dst(%dma_wait3A_561 : memref<4x8x128xf32, #tpu.memory_space<hbm>>)
    %dma_wait3A_567 = arith.constant 100 : i32
    %dma_wait3A_568 = arith.constant 4 : i32
    %dma_wait3A_569 = arith.constant 0 : i32
    %dma_wait3A_570 = arith.constant 0 : i32
    %dma_wait3A_571 = tpu.memref_slice %arg6[%dma_wait3A_568, %dma_wait3A_569, %dma_wait3A_570] : memref<6x128x32xf32, #tpu.memory_space<vmem>> -> memref<1x128x32xf32, #tpu.memory_space<vmem>>
    %dma_wait3A_572 = tpu.memref_squeeze %dma_wait3A_571 : memref<1x128x32xf32, #tpu.memory_space<vmem>> -> memref<128x32xf32, #tpu.memory_space<vmem>>
    %dma_wait3A_573 = arith.constant 0 : i32
    %dma_wait3A_574 = tpu.memref_slice %arg5[%dma_wait3A_567, %dma_wait3A_573] : memref<104x128xi32, #tpu.memory_space<vmem>> -> memref<1x128xi32, #tpu.memory_space<vmem>>
    %dma_wait3A_575 = tpu.memref_squeeze %dma_wait3A_574 : memref<1x128xi32, #tpu.memory_space<vmem>> -> memref<128xi32, #tpu.memory_space<vmem>>
    %dma_wait3A_576 = arith.constant 0 : i32
    %dma_wait3A_577 = arith.constant 0 : i32
    %dma_wait3A_578 = tpu.memref_slice %arg2[%dma_wait3A_576, %dma_wait3A_577] : memref<4000000x32xf32, #tpu.memory_space<hbm>> -> memref<4000000x32xf32, #tpu.memory_space<hbm>>
    tpu.wait_indirect_dma semaphore(%arg8 : memref<!tpu.dma_semaphore, #tpu.memory_space<semaphore_mem>>) src(%dma_wait3A_578 : memref<4000000x32xf32, #tpu.memory_space<hbm>>) dst(%dma_wait3A_572 : memref<128x32xf32, #tpu.memory_space<vmem>>)
    %scan3A_579 = arith.constant 0 : i32
    %scan3A_580 = arith.constant 0 : i32
    %scan3A_581 = arith.constant 16 : i32
    %scan3A_582 = arith.addi %scan3A_580, %scan3A_581 : i32
    %scan3A_583 = arith.constant 1 : i32
    scf.for %scan3A_1206 = %scan3A_580 to %scan3A_582 step %scan3A_583  : i32 {
      %mul3A_1207 = arith.constant 8 : i32
      %mul3A_1208 = arith.muli %scan3A_1206, %mul3A_1207 : i32
      %add3A_1209 = arith.constant 0 : i32
      %add3A_1210 = arith.addi %mul3A_1208, %add3A_1209 : i32
      %broadcast_in_dim3A = arith.constant 0 : i32
      %broadcast_in_dim3A_1211 = vector.broadcast %broadcast_in_dim3A : i32 to vector<16xi32>
      %add3A_1212 = vector.broadcast %add3A_1210 : i32 to vector<16xi32>
      %add3A_1213 = arith.addi %broadcast_in_dim3A_1211, %add3A_1212 : vector<16xi32>
      %get3A = arith.constant 4 : i32
      %get3A_1214 = arith.index_cast %get3A : i32 to index
      %get3A_1215 = arith.index_cast %add3A_1210 : i32 to index
      %get3A_1216 = arith.constant 0 : index
      %get3A_1217 = tpu.vector_load %arg6[%get3A_1214, %get3A_1215, %get3A_1216] {strides = array<i32>} : memref<6x128x32xf32, #tpu.memory_space<vmem>>, vector<16xf32>,
      %scatter3A = arith.constant 0 : i32
      %scatter3A_1218 = arith.constant 0 : i32
      %scatter3A_1219 = arith.constant 0 : i32
      %scatter3A_1220 = arith.constant 0 : i32
      %scatter3A_1221 = tpu.memref_slice %arg7[%scatter3A, %scatter3A_1218, %scatter3A_1219, %scatter3A_1220] : memref<2x4x8x129xf32, #tpu.memory_space<vmem>> -> memref<1x4x8x129xf32, #tpu.memory_space<vmem>>
      %scatter3A_1222 = tpu.memref_squeeze %scatter3A_1221 : memref<1x4x8x129xf32, #tpu.memory_space<vmem>> -> memref<4x8x129xf32, #tpu.memory_space<vmem>>
      tpu.vector_store_idx %scatter3A_1222[%select_n3A, %select_n3A_85, %add3A_1213], %get3A_1217 : memref<4x8x129xf32, #tpu.memory_space<vmem>>[vector<16xi32>, vector<16xi32>, vector<16xi32>], vector<16xf32>,
      %get3A_1223 = arith.constant 4 : i32
      %get3A_1224 = arith.index_cast %get3A_1223 : i32 to index
      %get3A_1225 = arith.index_cast %add3A_1210 : i32 to index
      %get3A_1226 = arith.constant 16 : index
      %get3A_1227 = tpu.vector_load %arg6[%get3A_1224, %get3A_1225, %get3A_1226] {strides = array<i32>} : memref<6x128x32xf32, #tpu.memory_space<vmem>>, vector<16xf32>,
      %scatter3A_1228 = arith.constant 0 : i32
      %scatter3A_1229 = arith.constant 0 : i32
      %scatter3A_1230 = arith.constant 0 : i32
      %scatter3A_1231 = arith.constant 0 : i32
      %scatter3A_1232 = tpu.memref_slice %arg7[%scatter3A_1228, %scatter3A_1229, %scatter3A_1230, %scatter3A_1231] : memref<2x4x8x129xf32, #tpu.memory_space<vmem>> -> memref<1x4x8x129xf32, #tpu.memory_space<vmem>>
      %scatter3A_1233 = tpu.memref_squeeze %scatter3A_1232 : memref<1x4x8x129xf32, #tpu.memory_space<vmem>> -> memref<4x8x129xf32, #tpu.memory_space<vmem>>
      tpu.vector_store_idx %scatter3A_1233[%select_n3A_62, %select_n3A_110, %add3A_1213], %get3A_1227 : memref<4x8x129xf32, #tpu.memory_space<vmem>>[vector<16xi32>, vector<16xi32>, vector<16xi32>], vector<16xf32>,
      %add3A_1234 = arith.constant 1 : i32
      %add3A_1235 = arith.addi %mul3A_1208, %add3A_1234 : i32
      %broadcast_in_dim3A_1236 = arith.constant 0 : i32
      %broadcast_in_dim3A_1237 = vector.broadcast %broadcast_in_dim3A_1236 : i32 to vector<16xi32>
      %add3A_1238 = vector.broadcast %add3A_1235 : i32 to vector<16xi32>
      %add3A_1239 = arith.addi %broadcast_in_dim3A_1237, %add3A_1238 : vector<16xi32>
      %get3A_1240 = arith.constant 4 : i32
      %get3A_1241 = arith.index_cast %get3A_1240 : i32 to index
      %get3A_1242 = arith.index_cast %add3A_1235 : i32 to index
      %get3A_1243 = arith.constant 0 : index
      %get3A_1244 = tpu.vector_load %arg6[%get3A_1241, %get3A_1242, %get3A_1243] {strides = array<i32>} : memref<6x128x32xf32, #tpu.memory_space<vmem>>, vector<16xf32>,
      %scatter3A_1245 = arith.constant 0 : i32
      %scatter3A_1246 = arith.constant 0 : i32
      %scatter3A_1247 = arith.constant 0 : i32
      %scatter3A_1248 = arith.constant 0 : i32
      %scatter3A_1249 = tpu.memref_slice %arg7[%scatter3A_1245, %scatter3A_1246, %scatter3A_1247, %scatter3A_1248] : memref<2x4x8x129xf32, #tpu.memory_space<vmem>> -> memref<1x4x8x129xf32, #tpu.memory_space<vmem>>
      %scatter3A_1250 = tpu.memref_squeeze %scatter3A_1249 : memref<1x4x8x129xf32, #tpu.memory_space<vmem>> -> memref<4x8x129xf32, #tpu.memory_space<vmem>>
      tpu.vector_store_idx %scatter3A_1250[%select_n3A, %select_n3A_85, %add3A_1239], %get3A_1244 : memref<4x8x129xf32, #tpu.memory_space<vmem>>[vector<16xi32>, vector<16xi32>, vector<16xi32>], vector<16xf32>,
      %get3A_1251 = arith.constant 4 : i32
      %get3A_1252 = arith.index_cast %get3A_1251 : i32 to index
      %get3A_1253 = arith.index_cast %add3A_1235 : i32 to index
      %get3A_1254 = arith.constant 16 : index
      %get3A_1255 = tpu.vector_load %arg6[%get3A_1252, %get3A_1253, %get3A_1254] {strides = array<i32>} : memref<6x128x32xf32, #tpu.memory_space<vmem>>, vector<16xf32>,
      %scatter3A_1256 = arith.constant 0 : i32
      %scatter3A_1257 = arith.constant 0 : i32
      %scatter3A_1258 = arith.constant 0 : i32
      %scatter3A_1259 = arith.constant 0 : i32
      %scatter3A_1260 = tpu.memref_slice %arg7[%scatter3A_1256, %scatter3A_1257, %scatter3A_1258, %scatter3A_1259] : memref<2x4x8x129xf32, #tpu.memory_space<vmem>> -> memref<1x4x8x129xf32, #tpu.memory_space<vmem>>
      %scatter3A_1261 = tpu.memref_squeeze %scatter3A_1260 : memref<1x4x8x129xf32, #tpu.memory_space<vmem>> -> memref<4x8x129xf32, #tpu.memory_space<vmem>>
      tpu.vector_store_idx %scatter3A_1261[%select_n3A_62, %select_n3A_110, %add3A_1239], %get3A_1255 : memref<4x8x129xf32, #tpu.memory_space<vmem>>[vector<16xi32>, vector<16xi32>, vector<16xi32>], vector<16xf32>,
      %add3A_1262 = arith.constant 2 : i32
      %add3A_1263 = arith.addi %mul3A_1208, %add3A_1262 : i32
      %broadcast_in_dim3A_1264 = arith.constant 0 : i32
      %broadcast_in_dim3A_1265 = vector.broadcast %broadcast_in_dim3A_1264 : i32 to vector<16xi32>
      %add3A_1266 = vector.broadcast %add3A_1263 : i32 to vector<16xi32>
      %add3A_1267 = arith.addi %broadcast_in_dim3A_1265, %add3A_1266 : vector<16xi32>
      %get3A_1268 = arith.constant 4 : i32
      %get3A_1269 = arith.index_cast %get3A_1268 : i32 to index
      %get3A_1270 = arith.index_cast %add3A_1263 : i32 to index
      %get3A_1271 = arith.constant 0 : index
      %get3A_1272 = tpu.vector_load %arg6[%get3A_1269, %get3A_1270, %get3A_1271] {strides = array<i32>} : memref<6x128x32xf32, #tpu.memory_space<vmem>>, vector<16xf32>,
      %scatter3A_1273 = arith.constant 0 : i32
      %scatter3A_1274 = arith.constant 0 : i32
      %scatter3A_1275 = arith.constant 0 : i32
      %scatter3A_1276 = arith.constant 0 : i32
      %scatter3A_1277 = tpu.memref_slice %arg7[%scatter3A_1273, %scatter3A_1274, %scatter3A_1275, %scatter3A_1276] : memref<2x4x8x129xf32, #tpu.memory_space<vmem>> -> memref<1x4x8x129xf32, #tpu.memory_space<vmem>>
      %scatter3A_1278 = tpu.memref_squeeze %scatter3A_1277 : memref<1x4x8x129xf32, #tpu.memory_space<vmem>> -> memref<4x8x129xf32, #tpu.memory_space<vmem>>
      tpu.vector_store_idx %scatter3A_1278[%select_n3A, %select_n3A_85, %add3A_1267], %get3A_1272 : memref<4x8x129xf32, #tpu.memory_space<vmem>>[vector<16xi32>, vector<16xi32>, vector<16xi32>], vector<16xf32>,
      %get3A_1279 = arith.constant 4 : i32
      %get3A_1280 = arith.index_cast %get3A_1279 : i32 to index
      %get3A_1281 = arith.index_cast %add3A_1263 : i32 to index
      %get3A_1282 = arith.constant 16 : index
      %get3A_1283 = tpu.vector_load %arg6[%get3A_1280, %get3A_1281, %get3A_1282] {strides = array<i32>} : memref<6x128x32xf32, #tpu.memory_space<vmem>>, vector<16xf32>,
      %scatter3A_1284 = arith.constant 0 : i32
      %scatter3A_1285 = arith.constant 0 : i32
      %scatter3A_1286 = arith.constant 0 : i32
      %scatter3A_1287 = arith.constant 0 : i32
      %scatter3A_1288 = tpu.memref_slice %arg7[%scatter3A_1284, %scatter3A_1285, %scatter3A_1286, %scatter3A_1287] : memref<2x4x8x129xf32, #tpu.memory_space<vmem>> -> memref<1x4x8x129xf32, #tpu.memory_space<vmem>>
      %scatter3A_1289 = tpu.memref_squeeze %scatter3A_1288 : memref<1x4x8x129xf32, #tpu.memory_space<vmem>> -> memref<4x8x129xf32, #tpu.memory_space<vmem>>
      tpu.vector_store_idx %scatter3A_1289[%select_n3A_62, %select_n3A_110, %add3A_1267], %get3A_1283 : memref<4x8x129xf32, #tpu.memory_space<vmem>>[vector<16xi32>, vector<16xi32>, vector<16xi32>], vector<16xf32>,
      %add3A_1290 = arith.constant 3 : i32
      %add3A_1291 = arith.addi %mul3A_1208, %add3A_1290 : i32
      %broadcast_in_dim3A_1292 = arith.constant 0 : i32
      %broadcast_in_dim3A_1293 = vector.broadcast %broadcast_in_dim3A_1292 : i32 to vector<16xi32>
      %add3A_1294 = vector.broadcast %add3A_1291 : i32 to vector<16xi32>
      %add3A_1295 = arith.addi %broadcast_in_dim3A_1293, %add3A_1294 : vector<16xi32>
      %get3A_1296 = arith.constant 4 : i32
      %get3A_1297 = arith.index_cast %get3A_1296 : i32 to index
      %get3A_1298 = arith.index_cast %add3A_1291 : i32 to index
      %get3A_1299 = arith.constant 0 : index
      %get3A_1300 = tpu.vector_load %arg6[%get3A_1297, %get3A_1298, %get3A_1299] {strides = array<i32>} : memref<6x128x32xf32, #tpu.memory_space<vmem>>, vector<16xf32>,
      %scatter3A_1301 = arith.constant 0 : i32
      %scatter3A_1302 = arith.constant 0 : i32
      %scatter3A_1303 = arith.constant 0 : i32
      %scatter3A_1304 = arith.constant 0 : i32
      %scatter3A_1305 = tpu.memref_slice %arg7[%scatter3A_1301, %scatter3A_1302, %scatter3A_1303, %scatter3A_1304] : memref<2x4x8x129xf32, #tpu.memory_space<vmem>> -> memref<1x4x8x129xf32, #tpu.memory_space<vmem>>
      %scatter3A_1306 = tpu.memref_squeeze %scatter3A_1305 : memref<1x4x8x129xf32, #tpu.memory_space<vmem>> -> memref<4x8x129xf32, #tpu.memory_space<vmem>>
      tpu.vector_store_idx %scatter3A_1306[%select_n3A, %select_n3A_85, %add3A_1295], %get3A_1300 : memref<4x8x129xf32, #tpu.memory_space<vmem>>[vector<16xi32>, vector<16xi32>, vector<16xi32>], vector<16xf32>,
      %get3A_1307 = arith.constant 4 : i32
      %get3A_1308 = arith.index_cast %get3A_1307 : i32 to index
      %get3A_1309 = arith.index_cast %add3A_1291 : i32 to index
      %get3A_1310 = arith.constant 16 : index
      %get3A_1311 = tpu.vector_load %arg6[%get3A_1308, %get3A_1309, %get3A_1310] {strides = array<i32>} : memref<6x128x32xf32, #tpu.memory_space<vmem>>, vector<16xf32>,
      %scatter3A_1312 = arith.constant 0 : i32
      %scatter3A_1313 = arith.constant 0 : i32
      %scatter3A_1314 = arith.constant 0 : i32
      %scatter3A_1315 = arith.constant 0 : i32
      %scatter3A_1316 = tpu.memref_slice %arg7[%scatter3A_1312, %scatter3A_1313, %scatter3A_1314, %scatter3A_1315] : memref<2x4x8x129xf32, #tpu.memory_space<vmem>> -> memref<1x4x8x129xf32, #tpu.memory_space<vmem>>
      %scatter3A_1317 = tpu.memref_squeeze %scatter3A_1316 : memref<1x4x8x129xf32, #tpu.memory_space<vmem>> -> memref<4x8x129xf32, #tpu.memory_space<vmem>>
      tpu.vector_store_idx %scatter3A_1317[%select_n3A_62, %select_n3A_110, %add3A_1295], %get3A_1311 : memref<4x8x129xf32, #tpu.memory_space<vmem>>[vector<16xi32>, vector<16xi32>, vector<16xi32>], vector<16xf32>,
      %add3A_1318 = arith.constant 4 : i32
      %add3A_1319 = arith.addi %mul3A_1208, %add3A_1318 : i32
      %broadcast_in_dim3A_1320 = arith.constant 0 : i32
      %broadcast_in_dim3A_1321 = vector.broadcast %broadcast_in_dim3A_1320 : i32 to vector<16xi32>
      %add3A_1322 = vector.broadcast %add3A_1319 : i32 to vector<16xi32>
      %add3A_1323 = arith.addi %broadcast_in_dim3A_1321, %add3A_1322 : vector<16xi32>
      %get3A_1324 = arith.constant 4 : i32
      %get3A_1325 = arith.index_cast %get3A_1324 : i32 to index
      %get3A_1326 = arith.index_cast %add3A_1319 : i32 to index
      %get3A_1327 = arith.constant 0 : index
      %get3A_1328 = tpu.vector_load %arg6[%get3A_1325, %get3A_1326, %get3A_1327] {strides = array<i32>} : memref<6x128x32xf32, #tpu.memory_space<vmem>>, vector<16xf32>,
      %scatter3A_1329 = arith.constant 0 : i32
      %scatter3A_1330 = arith.constant 0 : i32
      %scatter3A_1331 = arith.constant 0 : i32
      %scatter3A_1332 = arith.constant 0 : i32
      %scatter3A_1333 = tpu.memref_slice %arg7[%scatter3A_1329, %scatter3A_1330, %scatter3A_1331, %scatter3A_1332] : memref<2x4x8x129xf32, #tpu.memory_space<vmem>> -> memref<1x4x8x129xf32, #tpu.memory_space<vmem>>
      %scatter3A_1334 = tpu.memref_squeeze %scatter3A_1333 : memref<1x4x8x129xf32, #tpu.memory_space<vmem>> -> memref<4x8x129xf32, #tpu.memory_space<vmem>>
      tpu.vector_store_idx %scatter3A_1334[%select_n3A, %select_n3A_85, %add3A_1323], %get3A_1328 : memref<4x8x129xf32, #tpu.memory_space<vmem>>[vector<16xi32>, vector<16xi32>, vector<16xi32>], vector<16xf32>,
      %get3A_1335 = arith.constant 4 : i32
      %get3A_1336 = arith.index_cast %get3A_1335 : i32 to index
      %get3A_1337 = arith.index_cast %add3A_1319 : i32 to index
      %get3A_1338 = arith.constant 16 : index
      %get3A_1339 = tpu.vector_load %arg6[%get3A_1336, %get3A_1337, %get3A_1338] {strides = array<i32>} : memref<6x128x32xf32, #tpu.memory_space<vmem>>, vector<16xf32>,
      %scatter3A_1340 = arith.constant 0 : i32
      %scatter3A_1341 = arith.constant 0 : i32
      %scatter3A_1342 = arith.constant 0 : i32
      %scatter3A_1343 = arith.constant 0 : i32
      %scatter3A_1344 = tpu.memref_slice %arg7[%scatter3A_1340, %scatter3A_1341, %scatter3A_1342, %scatter3A_1343] : memref<2x4x8x129xf32, #tpu.memory_space<vmem>> -> memref<1x4x8x129xf32, #tpu.memory_space<vmem>>
      %scatter3A_1345 = tpu.memref_squeeze %scatter3A_1344 : memref<1x4x8x129xf32, #tpu.memory_space<vmem>> -> memref<4x8x129xf32, #tpu.memory_space<vmem>>
      tpu.vector_store_idx %scatter3A_1345[%select_n3A_62, %select_n3A_110, %add3A_1323], %get3A_1339 : memref<4x8x129xf32, #tpu.memory_space<vmem>>[vector<16xi32>, vector<16xi32>, vector<16xi32>], vector<16xf32>,
      %add3A_1346 = arith.constant 5 : i32
      %add3A_1347 = arith.addi %mul3A_1208, %add3A_1346 : i32
      %broadcast_in_dim3A_1348 = arith.constant 0 : i32
      %broadcast_in_dim3A_1349 = vector.broadcast %broadcast_in_dim3A_1348 : i32 to vector<16xi32>
      %add3A_1350 = vector.broadcast %add3A_1347 : i32 to vector<16xi32>
      %add3A_1351 = arith.addi %broadcast_in_dim3A_1349, %add3A_1350 : vector<16xi32>
      %get3A_1352 = arith.constant 4 : i32
      %get3A_1353 = arith.index_cast %get3A_1352 : i32 to index
      %get3A_1354 = arith.index_cast %add3A_1347 : i32 to index
      %get3A_1355 = arith.constant 0 : index
      %get3A_1356 = tpu.vector_load %arg6[%get3A_1353, %get3A_1354, %get3A_1355] {strides = array<i32>} : memref<6x128x32xf32, #tpu.memory_space<vmem>>, vector<16xf32>,
      %scatter3A_1357 = arith.constant 0 : i32
      %scatter3A_1358 = arith.constant 0 : i32
      %scatter3A_1359 = arith.constant 0 : i32
      %scatter3A_1360 = arith.constant 0 : i32
      %scatter3A_1361 = tpu.memref_slice %arg7[%scatter3A_1357, %scatter3A_1358, %scatter3A_1359, %scatter3A_1360] : memref<2x4x8x129xf32, #tpu.memory_space<vmem>> -> memref<1x4x8x129xf32, #tpu.memory_space<vmem>>
      %scatter3A_1362 = tpu.memref_squeeze %scatter3A_1361 : memref<1x4x8x129xf32, #tpu.memory_space<vmem>> -> memref<4x8x129xf32, #tpu.memory_space<vmem>>
      tpu.vector_store_idx %scatter3A_1362[%select_n3A, %select_n3A_85, %add3A_1351], %get3A_1356 : memref<4x8x129xf32, #tpu.memory_space<vmem>>[vector<16xi32>, vector<16xi32>, vector<16xi32>], vector<16xf32>,
      %get3A_1363 = arith.constant 4 : i32
      %get3A_1364 = arith.index_cast %get3A_1363 : i32 to index
      %get3A_1365 = arith.index_cast %add3A_1347 : i32 to index
      %get3A_1366 = arith.constant 16 : index
      %get3A_1367 = tpu.vector_load %arg6[%get3A_1364, %get3A_1365, %get3A_1366] {strides = array<i32>} : memref<6x128x32xf32, #tpu.memory_space<vmem>>, vector<16xf32>,
      %scatter3A_1368 = arith.constant 0 : i32
      %scatter3A_1369 = arith.constant 0 : i32
      %scatter3A_1370 = arith.constant 0 : i32
      %scatter3A_1371 = arith.constant 0 : i32
      %scatter3A_1372 = tpu.memref_slice %arg7[%scatter3A_1368, %scatter3A_1369, %scatter3A_1370, %scatter3A_1371] : memref<2x4x8x129xf32, #tpu.memory_space<vmem>> -> memref<1x4x8x129xf32, #tpu.memory_space<vmem>>
      %scatter3A_1373 = tpu.memref_squeeze %scatter3A_1372 : memref<1x4x8x129xf32, #tpu.memory_space<vmem>> -> memref<4x8x129xf32, #tpu.memory_space<vmem>>
      tpu.vector_store_idx %scatter3A_1373[%select_n3A_62, %select_n3A_110, %add3A_1351], %get3A_1367 : memref<4x8x129xf32, #tpu.memory_space<vmem>>[vector<16xi32>, vector<16xi32>, vector<16xi32>], vector<16xf32>,
      %add3A_1374 = arith.constant 6 : i32
      %add3A_1375 = arith.addi %mul3A_1208, %add3A_1374 : i32
      %broadcast_in_dim3A_1376 = arith.constant 0 : i32
      %broadcast_in_dim3A_1377 = vector.broadcast %broadcast_in_dim3A_1376 : i32 to vector<16xi32>
      %add3A_1378 = vector.broadcast %add3A_1375 : i32 to vector<16xi32>
      %add3A_1379 = arith.addi %broadcast_in_dim3A_1377, %add3A_1378 : vector<16xi32>
      %get3A_1380 = arith.constant 4 : i32
      %get3A_1381 = arith.index_cast %get3A_1380 : i32 to index
      %get3A_1382 = arith.index_cast %add3A_1375 : i32 to index
      %get3A_1383 = arith.constant 0 : index
      %get3A_1384 = tpu.vector_load %arg6[%get3A_1381, %get3A_1382, %get3A_1383] {strides = array<i32>} : memref<6x128x32xf32, #tpu.memory_space<vmem>>, vector<16xf32>,
      %scatter3A_1385 = arith.constant 0 : i32
      %scatter3A_1386 = arith.constant 0 : i32
      %scatter3A_1387 = arith.constant 0 : i32
      %scatter3A_1388 = arith.constant 0 : i32
      %scatter3A_1389 = tpu.memref_slice %arg7[%scatter3A_1385, %scatter3A_1386, %scatter3A_1387, %scatter3A_1388] : memref<2x4x8x129xf32, #tpu.memory_space<vmem>> -> memref<1x4x8x129xf32, #tpu.memory_space<vmem>>
      %scatter3A_1390 = tpu.memref_squeeze %scatter3A_1389 : memref<1x4x8x129xf32, #tpu.memory_space<vmem>> -> memref<4x8x129xf32, #tpu.memory_space<vmem>>
      tpu.vector_store_idx %scatter3A_1390[%select_n3A, %select_n3A_85, %add3A_1379], %get3A_1384 : memref<4x8x129xf32, #tpu.memory_space<vmem>>[vector<16xi32>, vector<16xi32>, vector<16xi32>], vector<16xf32>,
      %get3A_1391 = arith.constant 4 : i32
      %get3A_1392 = arith.index_cast %get3A_1391 : i32 to index
      %get3A_1393 = arith.index_cast %add3A_1375 : i32 to index
      %get3A_1394 = arith.constant 16 : index
      %get3A_1395 = tpu.vector_load %arg6[%get3A_1392, %get3A_1393, %get3A_1394] {strides = array<i32>} : memref<6x128x32xf32, #tpu.memory_space<vmem>>, vector<16xf32>,
      %scatter3A_1396 = arith.constant 0 : i32
      %scatter3A_1397 = arith.constant 0 : i32
      %scatter3A_1398 = arith.constant 0 : i32
      %scatter3A_1399 = arith.constant 0 : i32
      %scatter3A_1400 = tpu.memref_slice %arg7[%scatter3A_1396, %scatter3A_1397, %scatter3A_1398, %scatter3A_1399] : memref<2x4x8x129xf32, #tpu.memory_space<vmem>> -> memref<1x4x8x129xf32, #tpu.memory_space<vmem>>
      %scatter3A_1401 = tpu.memref_squeeze %scatter3A_1400 : memref<1x4x8x129xf32, #tpu.memory_space<vmem>> -> memref<4x8x129xf32, #tpu.memory_space<vmem>>
      tpu.vector_store_idx %scatter3A_1401[%select_n3A_62, %select_n3A_110, %add3A_1379], %get3A_1395 : memref<4x8x129xf32, #tpu.memory_space<vmem>>[vector<16xi32>, vector<16xi32>, vector<16xi32>], vector<16xf32>,
      %add3A_1402 = arith.constant 7 : i32
      %add3A_1403 = arith.addi %mul3A_1208, %add3A_1402 : i32
      %broadcast_in_dim3A_1404 = arith.constant 0 : i32
      %broadcast_in_dim3A_1405 = vector.broadcast %broadcast_in_dim3A_1404 : i32 to vector<16xi32>
      %add3A_1406 = vector.broadcast %add3A_1403 : i32 to vector<16xi32>
      %add3A_1407 = arith.addi %broadcast_in_dim3A_1405, %add3A_1406 : vector<16xi32>
      %get3A_1408 = arith.constant 4 : i32
      %get3A_1409 = arith.index_cast %get3A_1408 : i32 to index
      %get3A_1410 = arith.index_cast %add3A_1403 : i32 to index
      %get3A_1411 = arith.constant 0 : index
      %get3A_1412 = tpu.vector_load %arg6[%get3A_1409, %get3A_1410, %get3A_1411] {strides = array<i32>} : memref<6x128x32xf32, #tpu.memory_space<vmem>>, vector<16xf32>,
      %scatter3A_1413 = arith.constant 0 : i32
      %scatter3A_1414 = arith.constant 0 : i32
      %scatter3A_1415 = arith.constant 0 : i32
      %scatter3A_1416 = arith.constant 0 : i32
      %scatter3A_1417 = tpu.memref_slice %arg7[%scatter3A_1413, %scatter3A_1414, %scatter3A_1415, %scatter3A_1416] : memref<2x4x8x129xf32, #tpu.memory_space<vmem>> -> memref<1x4x8x129xf32, #tpu.memory_space<vmem>>
      %scatter3A_1418 = tpu.memref_squeeze %scatter3A_1417 : memref<1x4x8x129xf32, #tpu.memory_space<vmem>> -> memref<4x8x129xf32, #tpu.memory_space<vmem>>
      tpu.vector_store_idx %scatter3A_1418[%select_n3A, %select_n3A_85, %add3A_1407], %get3A_1412 : memref<4x8x129xf32, #tpu.memory_space<vmem>>[vector<16xi32>, vector<16xi32>, vector<16xi32>], vector<16xf32>,
      %get3A_1419 = arith.constant 4 : i32
      %get3A_1420 = arith.index_cast %get3A_1419 : i32 to index
      %get3A_1421 = arith.index_cast %add3A_1403 : i32 to index
      %get3A_1422 = arith.constant 16 : index
      %get3A_1423 = tpu.vector_load %arg6[%get3A_1420, %get3A_1421, %get3A_1422] {strides = array<i32>} : memref<6x128x32xf32, #tpu.memory_space<vmem>>, vector<16xf32>,
      %scatter3A_1424 = arith.constant 0 : i32
      %scatter3A_1425 = arith.constant 0 : i32
      %scatter3A_1426 = arith.constant 0 : i32
      %scatter3A_1427 = arith.constant 0 : i32
      %scatter3A_1428 = tpu.memref_slice %arg7[%scatter3A_1424, %scatter3A_1425, %scatter3A_1426, %scatter3A_1427] : memref<2x4x8x129xf32, #tpu.memory_space<vmem>> -> memref<1x4x8x129xf32, #tpu.memory_space<vmem>>
      %scatter3A_1429 = tpu.memref_squeeze %scatter3A_1428 : memref<1x4x8x129xf32, #tpu.memory_space<vmem>> -> memref<4x8x129xf32, #tpu.memory_space<vmem>>
      tpu.vector_store_idx %scatter3A_1429[%select_n3A_62, %select_n3A_110, %add3A_1407], %get3A_1423 : memref<4x8x129xf32, #tpu.memory_space<vmem>>[vector<16xi32>, vector<16xi32>, vector<16xi32>], vector<16xf32>,
    }
    %scan3A_584 = arith.constant 16 : i32
    %add3A_585 = arith.constant 100 : i32
    %add3A_586 = arith.addi %mul3A_2, %add3A_585 : i32
    %jit3A_587 = arith.constant 128 : i32
    %div3A_588 = arith.divsi %add3A_586, %jit3A_587 : i32
    %sign3A_589 = arith.constant 0 : i32
    %sign3A_590 = arith.cmpi sgt, %add3A_586, %sign3A_589 : i32
    %sign3A_591 = arith.extui %sign3A_590 : i1 to i32
    %sign3A_592 = arith.constant 0 : i32
    %sign3A_593 = arith.cmpi slt, %add3A_586, %sign3A_592 : i32
    %sign3A_594 = arith.extui %sign3A_593 : i1 to i32
    %sign3A_595 = arith.subi %sign3A_591, %sign3A_594 : i32
    %sign3A_596 = arith.constant 0 : i32
    %sign3A_597 = arith.cmpi sgt, %jit3A_587, %sign3A_596 : i32
    %sign3A_598 = arith.extui %sign3A_597 : i1 to i32
    %sign3A_599 = arith.constant 0 : i32
    %sign3A_600 = arith.cmpi slt, %jit3A_587, %sign3A_599 : i32
    %sign3A_601 = arith.extui %sign3A_600 : i1 to i32
    %sign3A_602 = arith.subi %sign3A_598, %sign3A_601 : i32
    %ne3A_603 = arith.cmpi ne, %sign3A_595, %sign3A_602 : i32
    %rem3A_604 = arith.remsi %add3A_586, %jit3A_587 : i32
    %ne3A_605 = arith.constant 0 : i32
    %ne3A_606 = arith.cmpi ne, %rem3A_604, %ne3A_605 : i32
    %and3A_607 = arith.andi %ne3A_603, %ne3A_606 : i1
    %sub3A_608 = arith.constant 1 : i32
    %sub3A_609 = arith.subi %div3A_588, %sub3A_608 : i32
    %select_n3A_610 = arith.select %and3A_607, %sub3A_609, %div3A_588 : i32
    %jit3A_611 = arith.constant 128 : i32
    %eq3A_612 = arith.constant 0 : i32
    %eq3A_613 = arith.cmpi eq, %jit3A_611, %eq3A_612 : i32
    %jit3A_614 = arith.constant 1 : i32
    %select_n3A_615 = arith.select %eq3A_613, %jit3A_614, %jit3A_611 : i32
    %rem3A_616 = arith.remsi %add3A_586, %select_n3A_615 : i32
    %ne3A_617 = arith.constant 0 : i32
    %ne3A_618 = arith.cmpi ne, %rem3A_616, %ne3A_617 : i32
    %lt3A_619 = arith.constant 0 : i32
    %lt3A_620 = arith.cmpi slt, %rem3A_616, %lt3A_619 : i32
    %lt3A_621 = arith.constant 0 : i32
    %lt3A_622 = arith.cmpi slt, %select_n3A_615, %lt3A_621 : i32
    %ne3A_623 = arith.xori %lt3A_620, %lt3A_622 : i1
    %and3A_624 = arith.andi %ne3A_623, %ne3A_618 : i1
    %add3A_625 = arith.addi %rem3A_616, %select_n3A_615 : i32
    %select_n3A_626 = arith.select %and3A_624, %add3A_625, %rem3A_616 : i32
    %dma_start3A_627 = arith.constant 0 : i32
    %dma_start3A_628 = arith.constant 0 : i32
    %dma_start3A_629 = arith.constant 0 : i32
    %dma_start3A_630 = arith.constant 0 : i32
    %dma_start3A_631 = tpu.memref_slice %arg7[%dma_start3A_627, %dma_start3A_628, %dma_start3A_629, %dma_start3A_630] : memref<2x4x8x129xf32, #tpu.memory_space<vmem>> -> memref<1x4x8x128xf32, #tpu.memory_space<vmem>>
    %dma_start3A_632 = tpu.memref_squeeze %dma_start3A_631 : memref<1x4x8x128xf32, #tpu.memory_space<vmem>> -> memref<4x8x128xf32, #tpu.memory_space<vmem>>
    %dma_start3A_633 = arith.constant 0 : i32
    %dma_start3A_634 = arith.constant 0 : i32
    %dma_start3A_635 = arith.constant 0 : i32
    %dma_start3A_636 = tpu.memref_slice %arg4[%select_n3A_610, %dma_start3A_633, %select_n3A_626, %dma_start3A_634, %dma_start3A_635] : memref<26x4x128x8x128xf32, #tpu.memory_space<hbm>> -> memref<1x4x1x8x128xf32, #tpu.memory_space<hbm>>
    %dma_start3A_637 = tpu.memref_squeeze %dma_start3A_636 : memref<1x4x1x8x128xf32, #tpu.memory_space<hbm>> -> memref<4x8x128xf32, #tpu.memory_space<hbm>>
    %dma_start3A_638 = arith.constant 0 : i32
    %dma_start3A_639 = arith.constant 0 : i32
    %dma_start3A_640 = arith.constant 0 : i32
    %dma_start3A_641 = tpu.memref_slice %arg4[%select_n3A_610, %dma_start3A_638, %select_n3A_626, %dma_start3A_639, %dma_start3A_640] : memref<26x4x128x8x128xf32, #tpu.memory_space<hbm>> -> memref<1x4x1x8x128xf32, #tpu.memory_space<hbm>>
    %dma_start3A_642 = tpu.memref_squeeze %dma_start3A_641 : memref<1x4x1x8x128xf32, #tpu.memory_space<hbm>> -> memref<4x8x128xf32, #tpu.memory_space<hbm>>
    %dma_start3A_643 = arith.constant 0 : i32
    %dma_start3A_644 = arith.constant 0 : i32
    %dma_start3A_645 = arith.constant 0 : i32
    %dma_start3A_646 = tpu.memref_slice %arg7[%dma_start3A_627, %dma_start3A_643, %dma_start3A_644, %dma_start3A_645] : memref<2x4x8x129xf32, #tpu.memory_space<vmem>> -> memref<1x4x8x128xf32, #tpu.memory_space<vmem>>
    %dma_start3A_647 = tpu.memref_squeeze %dma_start3A_646 : memref<1x4x8x128xf32, #tpu.memory_space<vmem>> -> memref<4x8x128xf32, #tpu.memory_space<vmem>>
    tpu.enqueue_dma source(%dma_start3A_647 : memref<4x8x128xf32, #tpu.memory_space<vmem>>) target(%dma_start3A_642 : memref<4x8x128xf32, #tpu.memory_space<hbm>>) target_semaphore(%arg9 : memref<!tpu.dma_semaphore, #tpu.memory_space<semaphore_mem>>)
    %add3A_648 = arith.constant 99 : i32
    %add3A_649 = arith.addi %mul3A_2, %add3A_648 : i32
    %jit3A_650 = arith.constant 128 : i32
    %div3A_651 = arith.divsi %add3A_649, %jit3A_650 : i32
    %sign3A_652 = arith.constant 0 : i32
    %sign3A_653 = arith.cmpi sgt, %add3A_649, %sign3A_652 : i32
    %sign3A_654 = arith.extui %sign3A_653 : i1 to i32
    %sign3A_655 = arith.constant 0 : i32
    %sign3A_656 = arith.cmpi slt, %add3A_649, %sign3A_655 : i32
    %sign3A_657 = arith.extui %sign3A_656 : i1 to i32
    %sign3A_658 = arith.subi %sign3A_654, %sign3A_657 : i32
    %sign3A_659 = arith.constant 0 : i32
    %sign3A_660 = arith.cmpi sgt, %jit3A_650, %sign3A_659 : i32
    %sign3A_661 = arith.extui %sign3A_660 : i1 to i32
    %sign3A_662 = arith.constant 0 : i32
    %sign3A_663 = arith.cmpi slt, %jit3A_650, %sign3A_662 : i32
    %sign3A_664 = arith.extui %sign3A_663 : i1 to i32
    %sign3A_665 = arith.subi %sign3A_661, %sign3A_664 : i32
    %ne3A_666 = arith.cmpi ne, %sign3A_658, %sign3A_665 : i32
    %rem3A_667 = arith.remsi %add3A_649, %jit3A_650 : i32
    %ne3A_668 = arith.constant 0 : i32
    %ne3A_669 = arith.cmpi ne, %rem3A_667, %ne3A_668 : i32
    %and3A_670 = arith.andi %ne3A_666, %ne3A_669 : i1
    %sub3A_671 = arith.constant 1 : i32
    %sub3A_672 = arith.subi %div3A_651, %sub3A_671 : i32
    %select_n3A_673 = arith.select %and3A_670, %sub3A_672, %div3A_651 : i32
    %jit3A_674 = arith.constant 128 : i32
    %eq3A_675 = arith.constant 0 : i32
    %eq3A_676 = arith.cmpi eq, %jit3A_674, %eq3A_675 : i32
    %jit3A_677 = arith.constant 1 : i32
    %select_n3A_678 = arith.select %eq3A_676, %jit3A_677, %jit3A_674 : i32
    %rem3A_679 = arith.remsi %add3A_649, %select_n3A_678 : i32
    %ne3A_680 = arith.constant 0 : i32
    %ne3A_681 = arith.cmpi ne, %rem3A_679, %ne3A_680 : i32
    %lt3A_682 = arith.constant 0 : i32
    %lt3A_683 = arith.cmpi slt, %rem3A_679, %lt3A_682 : i32
    %lt3A_684 = arith.constant 0 : i32
    %lt3A_685 = arith.cmpi slt, %select_n3A_678, %lt3A_684 : i32
    %ne3A_686 = arith.xori %lt3A_683, %lt3A_685 : i1
    %and3A_687 = arith.andi %ne3A_686, %ne3A_681 : i1
    %add3A_688 = arith.addi %rem3A_679, %select_n3A_678 : i32
    %select_n3A_689 = arith.select %and3A_687, %add3A_688, %rem3A_679 : i32
    %dma_wait3A_690 = arith.constant 1 : i32
    %dma_wait3A_691 = arith.constant 0 : i32
    %dma_wait3A_692 = arith.constant 0 : i32
    %dma_wait3A_693 = arith.constant 0 : i32
    %dma_wait3A_694 = tpu.memref_slice %arg7[%dma_wait3A_690, %dma_wait3A_691, %dma_wait3A_692, %dma_wait3A_693] : memref<2x4x8x129xf32, #tpu.memory_space<vmem>> -> memref<1x4x8x128xf32, #tpu.memory_space<vmem>>
    %dma_wait3A_695 = tpu.memref_squeeze %dma_wait3A_694 : memref<1x4x8x128xf32, #tpu.memory_space<vmem>> -> memref<4x8x128xf32, #tpu.memory_space<vmem>>
    %dma_wait3A_696 = arith.constant 0 : i32
    %dma_wait3A_697 = arith.constant 0 : i32
    %dma_wait3A_698 = arith.constant 0 : i32
    %dma_wait3A_699 = tpu.memref_slice %arg4[%select_n3A_673, %dma_wait3A_696, %select_n3A_689, %dma_wait3A_697, %dma_wait3A_698] : memref<26x4x128x8x128xf32, #tpu.memory_space<hbm>> -> memref<1x4x1x8x128xf32, #tpu.memory_space<hbm>>
    %dma_wait3A_700 = tpu.memref_squeeze %dma_wait3A_699 : memref<1x4x1x8x128xf32, #tpu.memory_space<hbm>> -> memref<4x8x128xf32, #tpu.memory_space<hbm>>
    %dma_wait3A_701 = arith.constant 0 : i32
    %dma_wait3A_702 = arith.constant 0 : i32
    %dma_wait3A_703 = arith.constant 0 : i32
    %dma_wait3A_704 = tpu.memref_slice %arg4[%select_n3A_673, %dma_wait3A_701, %select_n3A_689, %dma_wait3A_702, %dma_wait3A_703] : memref<26x4x128x8x128xf32, #tpu.memory_space<hbm>> -> memref<1x4x1x8x128xf32, #tpu.memory_space<hbm>>
    %dma_wait3A_705 = tpu.memref_squeeze %dma_wait3A_704 : memref<1x4x1x8x128xf32, #tpu.memory_space<hbm>> -> memref<4x8x128xf32, #tpu.memory_space<hbm>>
    %dma_wait3A_706 = arith.constant 0 : i32
    %dma_wait3A_707 = arith.constant 0 : i32
    %dma_wait3A_708 = arith.constant 0 : i32
    %dma_wait3A_709 = tpu.memref_slice %arg7[%dma_wait3A_690, %dma_wait3A_706, %dma_wait3A_707, %dma_wait3A_708] : memref<2x4x8x129xf32, #tpu.memory_space<vmem>> -> memref<1x4x8x128xf32, #tpu.memory_space<vmem>>
    %dma_wait3A_710 = tpu.memref_squeeze %dma_wait3A_709 : memref<1x4x8x128xf32, #tpu.memory_space<vmem>> -> memref<4x8x128xf32, #tpu.memory_space<vmem>>
    tpu.wait_dma2 semaphore(%arg9 : memref<!tpu.dma_semaphore, #tpu.memory_space<semaphore_mem>>) src(%dma_wait3A_710 : memref<4x8x128xf32, #tpu.memory_space<vmem>>) dst(%dma_wait3A_705 : memref<4x8x128xf32, #tpu.memory_space<hbm>>)
    %dma_wait3A_711 = arith.constant 101 : i32
    %dma_wait3A_712 = arith.constant 5 : i32
    %dma_wait3A_713 = arith.constant 0 : i32
    %dma_wait3A_714 = arith.constant 0 : i32
    %dma_wait3A_715 = tpu.memref_slice %arg6[%dma_wait3A_712, %dma_wait3A_713, %dma_wait3A_714] : memref<6x128x32xf32, #tpu.memory_space<vmem>> -> memref<1x128x32xf32, #tpu.memory_space<vmem>>
    %dma_wait3A_716 = tpu.memref_squeeze %dma_wait3A_715 : memref<1x128x32xf32, #tpu.memory_space<vmem>> -> memref<128x32xf32, #tpu.memory_space<vmem>>
    %dma_wait3A_717 = arith.constant 0 : i32
    %dma_wait3A_718 = tpu.memref_slice %arg5[%dma_wait3A_711, %dma_wait3A_717] : memref<104x128xi32, #tpu.memory_space<vmem>> -> memref<1x128xi32, #tpu.memory_space<vmem>>
    %dma_wait3A_719 = tpu.memref_squeeze %dma_wait3A_718 : memref<1x128xi32, #tpu.memory_space<vmem>> -> memref<128xi32, #tpu.memory_space<vmem>>
    %dma_wait3A_720 = arith.constant 0 : i32
    %dma_wait3A_721 = arith.constant 0 : i32
    %dma_wait3A_722 = tpu.memref_slice %arg2[%dma_wait3A_720, %dma_wait3A_721] : memref<4000000x32xf32, #tpu.memory_space<hbm>> -> memref<4000000x32xf32, #tpu.memory_space<hbm>>
    tpu.wait_indirect_dma semaphore(%arg8 : memref<!tpu.dma_semaphore, #tpu.memory_space<semaphore_mem>>) src(%dma_wait3A_722 : memref<4000000x32xf32, #tpu.memory_space<hbm>>) dst(%dma_wait3A_716 : memref<128x32xf32, #tpu.memory_space<vmem>>)
    %scan3A_723 = arith.constant 0 : i32
    %scan3A_724 = arith.constant 0 : i32
    %scan3A_725 = arith.constant 16 : i32
    %scan3A_726 = arith.addi %scan3A_724, %scan3A_725 : i32
    %scan3A_727 = arith.constant 1 : i32
    scf.for %scan3A_1206 = %scan3A_724 to %scan3A_726 step %scan3A_727  : i32 {
      %mul3A_1207 = arith.constant 8 : i32
      %mul3A_1208 = arith.muli %scan3A_1206, %mul3A_1207 : i32
      %add3A_1209 = arith.constant 0 : i32
      %add3A_1210 = arith.addi %mul3A_1208, %add3A_1209 : i32
      %broadcast_in_dim3A = arith.constant 0 : i32
      %broadcast_in_dim3A_1211 = vector.broadcast %broadcast_in_dim3A : i32 to vector<16xi32>
      %add3A_1212 = vector.broadcast %add3A_1210 : i32 to vector<16xi32>
      %add3A_1213 = arith.addi %broadcast_in_dim3A_1211, %add3A_1212 : vector<16xi32>
      %get3A = arith.constant 5 : i32
      %get3A_1214 = arith.index_cast %get3A : i32 to index
      %get3A_1215 = arith.index_cast %add3A_1210 : i32 to index
      %get3A_1216 = arith.constant 0 : index
      %get3A_1217 = tpu.vector_load %arg6[%get3A_1214, %get3A_1215, %get3A_1216] {strides = array<i32>} : memref<6x128x32xf32, #tpu.memory_space<vmem>>, vector<16xf32>,
      %scatter3A = arith.constant 1 : i32
      %scatter3A_1218 = arith.constant 0 : i32
      %scatter3A_1219 = arith.constant 0 : i32
      %scatter3A_1220 = arith.constant 0 : i32
      %scatter3A_1221 = tpu.memref_slice %arg7[%scatter3A, %scatter3A_1218, %scatter3A_1219, %scatter3A_1220] : memref<2x4x8x129xf32, #tpu.memory_space<vmem>> -> memref<1x4x8x129xf32, #tpu.memory_space<vmem>>
      %scatter3A_1222 = tpu.memref_squeeze %scatter3A_1221 : memref<1x4x8x129xf32, #tpu.memory_space<vmem>> -> memref<4x8x129xf32, #tpu.memory_space<vmem>>
      tpu.vector_store_idx %scatter3A_1222[%select_n3A, %select_n3A_85, %add3A_1213], %get3A_1217 : memref<4x8x129xf32, #tpu.memory_space<vmem>>[vector<16xi32>, vector<16xi32>, vector<16xi32>], vector<16xf32>,
      %get3A_1223 = arith.constant 5 : i32
      %get3A_1224 = arith.index_cast %get3A_1223 : i32 to index
      %get3A_1225 = arith.index_cast %add3A_1210 : i32 to index
      %get3A_1226 = arith.constant 16 : index
      %get3A_1227 = tpu.vector_load %arg6[%get3A_1224, %get3A_1225, %get3A_1226] {strides = array<i32>} : memref<6x128x32xf32, #tpu.memory_space<vmem>>, vector<16xf32>,
      %scatter3A_1228 = arith.constant 1 : i32
      %scatter3A_1229 = arith.constant 0 : i32
      %scatter3A_1230 = arith.constant 0 : i32
      %scatter3A_1231 = arith.constant 0 : i32
      %scatter3A_1232 = tpu.memref_slice %arg7[%scatter3A_1228, %scatter3A_1229, %scatter3A_1230, %scatter3A_1231] : memref<2x4x8x129xf32, #tpu.memory_space<vmem>> -> memref<1x4x8x129xf32, #tpu.memory_space<vmem>>
      %scatter3A_1233 = tpu.memref_squeeze %scatter3A_1232 : memref<1x4x8x129xf32, #tpu.memory_space<vmem>> -> memref<4x8x129xf32, #tpu.memory_space<vmem>>
      tpu.vector_store_idx %scatter3A_1233[%select_n3A_62, %select_n3A_110, %add3A_1213], %get3A_1227 : memref<4x8x129xf32, #tpu.memory_space<vmem>>[vector<16xi32>, vector<16xi32>, vector<16xi32>], vector<16xf32>,
      %add3A_1234 = arith.constant 1 : i32
      %add3A_1235 = arith.addi %mul3A_1208, %add3A_1234 : i32
      %broadcast_in_dim3A_1236 = arith.constant 0 : i32
      %broadcast_in_dim3A_1237 = vector.broadcast %broadcast_in_dim3A_1236 : i32 to vector<16xi32>
      %add3A_1238 = vector.broadcast %add3A_1235 : i32 to vector<16xi32>
      %add3A_1239 = arith.addi %broadcast_in_dim3A_1237, %add3A_1238 : vector<16xi32>
      %get3A_1240 = arith.constant 5 : i32
      %get3A_1241 = arith.index_cast %get3A_1240 : i32 to index
      %get3A_1242 = arith.index_cast %add3A_1235 : i32 to index
      %get3A_1243 = arith.constant 0 : index
      %get3A_1244 = tpu.vector_load %arg6[%get3A_1241, %get3A_1242, %get3A_1243] {strides = array<i32>} : memref<6x128x32xf32, #tpu.memory_space<vmem>>, vector<16xf32>,
      %scatter3A_1245 = arith.constant 1 : i32
      %scatter3A_1246 = arith.constant 0 : i32
      %scatter3A_1247 = arith.constant 0 : i32
      %scatter3A_1248 = arith.constant 0 : i32
      %scatter3A_1249 = tpu.memref_slice %arg7[%scatter3A_1245, %scatter3A_1246, %scatter3A_1247, %scatter3A_1248] : memref<2x4x8x129xf32, #tpu.memory_space<vmem>> -> memref<1x4x8x129xf32, #tpu.memory_space<vmem>>
      %scatter3A_1250 = tpu.memref_squeeze %scatter3A_1249 : memref<1x4x8x129xf32, #tpu.memory_space<vmem>> -> memref<4x8x129xf32, #tpu.memory_space<vmem>>
      tpu.vector_store_idx %scatter3A_1250[%select_n3A, %select_n3A_85, %add3A_1239], %get3A_1244 : memref<4x8x129xf32, #tpu.memory_space<vmem>>[vector<16xi32>, vector<16xi32>, vector<16xi32>], vector<16xf32>,
      %get3A_1251 = arith.constant 5 : i32
      %get3A_1252 = arith.index_cast %get3A_1251 : i32 to index
      %get3A_1253 = arith.index_cast %add3A_1235 : i32 to index
      %get3A_1254 = arith.constant 16 : index
      %get3A_1255 = tpu.vector_load %arg6[%get3A_1252, %get3A_1253, %get3A_1254] {strides = array<i32>} : memref<6x128x32xf32, #tpu.memory_space<vmem>>, vector<16xf32>,
      %scatter3A_1256 = arith.constant 1 : i32
      %scatter3A_1257 = arith.constant 0 : i32
      %scatter3A_1258 = arith.constant 0 : i32
      %scatter3A_1259 = arith.constant 0 : i32
      %scatter3A_1260 = tpu.memref_slice %arg7[%scatter3A_1256, %scatter3A_1257, %scatter3A_1258, %scatter3A_1259] : memref<2x4x8x129xf32, #tpu.memory_space<vmem>> -> memref<1x4x8x129xf32, #tpu.memory_space<vmem>>
      %scatter3A_1261 = tpu.memref_squeeze %scatter3A_1260 : memref<1x4x8x129xf32, #tpu.memory_space<vmem>> -> memref<4x8x129xf32, #tpu.memory_space<vmem>>
      tpu.vector_store_idx %scatter3A_1261[%select_n3A_62, %select_n3A_110, %add3A_1239], %get3A_1255 : memref<4x8x129xf32, #tpu.memory_space<vmem>>[vector<16xi32>, vector<16xi32>, vector<16xi32>], vector<16xf32>,
      %add3A_1262 = arith.constant 2 : i32
      %add3A_1263 = arith.addi %mul3A_1208, %add3A_1262 : i32
      %broadcast_in_dim3A_1264 = arith.constant 0 : i32
      %broadcast_in_dim3A_1265 = vector.broadcast %broadcast_in_dim3A_1264 : i32 to vector<16xi32>
      %add3A_1266 = vector.broadcast %add3A_1263 : i32 to vector<16xi32>
      %add3A_1267 = arith.addi %broadcast_in_dim3A_1265, %add3A_1266 : vector<16xi32>
      %get3A_1268 = arith.constant 5 : i32
      %get3A_1269 = arith.index_cast %get3A_1268 : i32 to index
      %get3A_1270 = arith.index_cast %add3A_1263 : i32 to index
      %get3A_1271 = arith.constant 0 : index
      %get3A_1272 = tpu.vector_load %arg6[%get3A_1269, %get3A_1270, %get3A_1271] {strides = array<i32>} : memref<6x128x32xf32, #tpu.memory_space<vmem>>, vector<16xf32>,
      %scatter3A_1273 = arith.constant 1 : i32
      %scatter3A_1274 = arith.constant 0 : i32
      %scatter3A_1275 = arith.constant 0 : i32
      %scatter3A_1276 = arith.constant 0 : i32
      %scatter3A_1277 = tpu.memref_slice %arg7[%scatter3A_1273, %scatter3A_1274, %scatter3A_1275, %scatter3A_1276] : memref<2x4x8x129xf32, #tpu.memory_space<vmem>> -> memref<1x4x8x129xf32, #tpu.memory_space<vmem>>
      %scatter3A_1278 = tpu.memref_squeeze %scatter3A_1277 : memref<1x4x8x129xf32, #tpu.memory_space<vmem>> -> memref<4x8x129xf32, #tpu.memory_space<vmem>>
      tpu.vector_store_idx %scatter3A_1278[%select_n3A, %select_n3A_85, %add3A_1267], %get3A_1272 : memref<4x8x129xf32, #tpu.memory_space<vmem>>[vector<16xi32>, vector<16xi32>, vector<16xi32>], vector<16xf32>,
      %get3A_1279 = arith.constant 5 : i32
      %get3A_1280 = arith.index_cast %get3A_1279 : i32 to index
      %get3A_1281 = arith.index_cast %add3A_1263 : i32 to index
      %get3A_1282 = arith.constant 16 : index
      %get3A_1283 = tpu.vector_load %arg6[%get3A_1280, %get3A_1281, %get3A_1282] {strides = array<i32>} : memref<6x128x32xf32, #tpu.memory_space<vmem>>, vector<16xf32>,
      %scatter3A_1284 = arith.constant 1 : i32
      %scatter3A_1285 = arith.constant 0 : i32
      %scatter3A_1286 = arith.constant 0 : i32
      %scatter3A_1287 = arith.constant 0 : i32
      %scatter3A_1288 = tpu.memref_slice %arg7[%scatter3A_1284, %scatter3A_1285, %scatter3A_1286, %scatter3A_1287] : memref<2x4x8x129xf32, #tpu.memory_space<vmem>> -> memref<1x4x8x129xf32, #tpu.memory_space<vmem>>
      %scatter3A_1289 = tpu.memref_squeeze %scatter3A_1288 : memref<1x4x8x129xf32, #tpu.memory_space<vmem>> -> memref<4x8x129xf32, #tpu.memory_space<vmem>>
      tpu.vector_store_idx %scatter3A_1289[%select_n3A_62, %select_n3A_110, %add3A_1267], %get3A_1283 : memref<4x8x129xf32, #tpu.memory_space<vmem>>[vector<16xi32>, vector<16xi32>, vector<16xi32>], vector<16xf32>,
      %add3A_1290 = arith.constant 3 : i32
      %add3A_1291 = arith.addi %mul3A_1208, %add3A_1290 : i32
      %broadcast_in_dim3A_1292 = arith.constant 0 : i32
      %broadcast_in_dim3A_1293 = vector.broadcast %broadcast_in_dim3A_1292 : i32 to vector<16xi32>
      %add3A_1294 = vector.broadcast %add3A_1291 : i32 to vector<16xi32>
      %add3A_1295 = arith.addi %broadcast_in_dim3A_1293, %add3A_1294 : vector<16xi32>
      %get3A_1296 = arith.constant 5 : i32
      %get3A_1297 = arith.index_cast %get3A_1296 : i32 to index
      %get3A_1298 = arith.index_cast %add3A_1291 : i32 to index
      %get3A_1299 = arith.constant 0 : index
      %get3A_1300 = tpu.vector_load %arg6[%get3A_1297, %get3A_1298, %get3A_1299] {strides = array<i32>} : memref<6x128x32xf32, #tpu.memory_space<vmem>>, vector<16xf32>,
      %scatter3A_1301 = arith.constant 1 : i32
      %scatter3A_1302 = arith.constant 0 : i32
      %scatter3A_1303 = arith.constant 0 : i32
      %scatter3A_1304 = arith.constant 0 : i32
      %scatter3A_1305 = tpu.memref_slice %arg7[%scatter3A_1301, %scatter3A_1302, %scatter3A_1303, %scatter3A_1304] : memref<2x4x8x129xf32, #tpu.memory_space<vmem>> -> memref<1x4x8x129xf32, #tpu.memory_space<vmem>>
      %scatter3A_1306 = tpu.memref_squeeze %scatter3A_1305 : memref<1x4x8x129xf32, #tpu.memory_space<vmem>> -> memref<4x8x129xf32, #tpu.memory_space<vmem>>
      tpu.vector_store_idx %scatter3A_1306[%select_n3A, %select_n3A_85, %add3A_1295], %get3A_1300 : memref<4x8x129xf32, #tpu.memory_space<vmem>>[vector<16xi32>, vector<16xi32>, vector<16xi32>], vector<16xf32>,
      %get3A_1307 = arith.constant 5 : i32
      %get3A_1308 = arith.index_cast %get3A_1307 : i32 to index
      %get3A_1309 = arith.index_cast %add3A_1291 : i32 to index
      %get3A_1310 = arith.constant 16 : index
      %get3A_1311 = tpu.vector_load %arg6[%get3A_1308, %get3A_1309, %get3A_1310] {strides = array<i32>} : memref<6x128x32xf32, #tpu.memory_space<vmem>>, vector<16xf32>,
      %scatter3A_1312 = arith.constant 1 : i32
      %scatter3A_1313 = arith.constant 0 : i32
      %scatter3A_1314 = arith.constant 0 : i32
      %scatter3A_1315 = arith.constant 0 : i32
      %scatter3A_1316 = tpu.memref_slice %arg7[%scatter3A_1312, %scatter3A_1313, %scatter3A_1314, %scatter3A_1315] : memref<2x4x8x129xf32, #tpu.memory_space<vmem>> -> memref<1x4x8x129xf32, #tpu.memory_space<vmem>>
      %scatter3A_1317 = tpu.memref_squeeze %scatter3A_1316 : memref<1x4x8x129xf32, #tpu.memory_space<vmem>> -> memref<4x8x129xf32, #tpu.memory_space<vmem>>
      tpu.vector_store_idx %scatter3A_1317[%select_n3A_62, %select_n3A_110, %add3A_1295], %get3A_1311 : memref<4x8x129xf32, #tpu.memory_space<vmem>>[vector<16xi32>, vector<16xi32>, vector<16xi32>], vector<16xf32>,
      %add3A_1318 = arith.constant 4 : i32
      %add3A_1319 = arith.addi %mul3A_1208, %add3A_1318 : i32
      %broadcast_in_dim3A_1320 = arith.constant 0 : i32
      %broadcast_in_dim3A_1321 = vector.broadcast %broadcast_in_dim3A_1320 : i32 to vector<16xi32>
      %add3A_1322 = vector.broadcast %add3A_1319 : i32 to vector<16xi32>
      %add3A_1323 = arith.addi %broadcast_in_dim3A_1321, %add3A_1322 : vector<16xi32>
      %get3A_1324 = arith.constant 5 : i32
      %get3A_1325 = arith.index_cast %get3A_1324 : i32 to index
      %get3A_1326 = arith.index_cast %add3A_1319 : i32 to index
      %get3A_1327 = arith.constant 0 : index
      %get3A_1328 = tpu.vector_load %arg6[%get3A_1325, %get3A_1326, %get3A_1327] {strides = array<i32>} : memref<6x128x32xf32, #tpu.memory_space<vmem>>, vector<16xf32>,
      %scatter3A_1329 = arith.constant 1 : i32
      %scatter3A_1330 = arith.constant 0 : i32
      %scatter3A_1331 = arith.constant 0 : i32
      %scatter3A_1332 = arith.constant 0 : i32
      %scatter3A_1333 = tpu.memref_slice %arg7[%scatter3A_1329, %scatter3A_1330, %scatter3A_1331, %scatter3A_1332] : memref<2x4x8x129xf32, #tpu.memory_space<vmem>> -> memref<1x4x8x129xf32, #tpu.memory_space<vmem>>
      %scatter3A_1334 = tpu.memref_squeeze %scatter3A_1333 : memref<1x4x8x129xf32, #tpu.memory_space<vmem>> -> memref<4x8x129xf32, #tpu.memory_space<vmem>>
      tpu.vector_store_idx %scatter3A_1334[%select_n3A, %select_n3A_85, %add3A_1323], %get3A_1328 : memref<4x8x129xf32, #tpu.memory_space<vmem>>[vector<16xi32>, vector<16xi32>, vector<16xi32>], vector<16xf32>,
      %get3A_1335 = arith.constant 5 : i32
      %get3A_1336 = arith.index_cast %get3A_1335 : i32 to index
      %get3A_1337 = arith.index_cast %add3A_1319 : i32 to index
      %get3A_1338 = arith.constant 16 : index
      %get3A_1339 = tpu.vector_load %arg6[%get3A_1336, %get3A_1337, %get3A_1338] {strides = array<i32>} : memref<6x128x32xf32, #tpu.memory_space<vmem>>, vector<16xf32>,
      %scatter3A_1340 = arith.constant 1 : i32
      %scatter3A_1341 = arith.constant 0 : i32
      %scatter3A_1342 = arith.constant 0 : i32
      %scatter3A_1343 = arith.constant 0 : i32
      %scatter3A_1344 = tpu.memref_slice %arg7[%scatter3A_1340, %scatter3A_1341, %scatter3A_1342, %scatter3A_1343] : memref<2x4x8x129xf32, #tpu.memory_space<vmem>> -> memref<1x4x8x129xf32, #tpu.memory_space<vmem>>
      %scatter3A_1345 = tpu.memref_squeeze %scatter3A_1344 : memref<1x4x8x129xf32, #tpu.memory_space<vmem>> -> memref<4x8x129xf32, #tpu.memory_space<vmem>>
      tpu.vector_store_idx %scatter3A_1345[%select_n3A_62, %select_n3A_110, %add3A_1323], %get3A_1339 : memref<4x8x129xf32, #tpu.memory_space<vmem>>[vector<16xi32>, vector<16xi32>, vector<16xi32>], vector<16xf32>,
      %add3A_1346 = arith.constant 5 : i32
      %add3A_1347 = arith.addi %mul3A_1208, %add3A_1346 : i32
      %broadcast_in_dim3A_1348 = arith.constant 0 : i32
      %broadcast_in_dim3A_1349 = vector.broadcast %broadcast_in_dim3A_1348 : i32 to vector<16xi32>
      %add3A_1350 = vector.broadcast %add3A_1347 : i32 to vector<16xi32>
      %add3A_1351 = arith.addi %broadcast_in_dim3A_1349, %add3A_1350 : vector<16xi32>
      %get3A_1352 = arith.constant 5 : i32
      %get3A_1353 = arith.index_cast %get3A_1352 : i32 to index
      %get3A_1354 = arith.index_cast %add3A_1347 : i32 to index
      %get3A_1355 = arith.constant 0 : index
      %get3A_1356 = tpu.vector_load %arg6[%get3A_1353, %get3A_1354, %get3A_1355] {strides = array<i32>} : memref<6x128x32xf32, #tpu.memory_space<vmem>>, vector<16xf32>,
      %scatter3A_1357 = arith.constant 1 : i32
      %scatter3A_1358 = arith.constant 0 : i32
      %scatter3A_1359 = arith.constant 0 : i32
      %scatter3A_1360 = arith.constant 0 : i32
      %scatter3A_1361 = tpu.memref_slice %arg7[%scatter3A_1357, %scatter3A_1358, %scatter3A_1359, %scatter3A_1360] : memref<2x4x8x129xf32, #tpu.memory_space<vmem>> -> memref<1x4x8x129xf32, #tpu.memory_space<vmem>>
      %scatter3A_1362 = tpu.memref_squeeze %scatter3A_1361 : memref<1x4x8x129xf32, #tpu.memory_space<vmem>> -> memref<4x8x129xf32, #tpu.memory_space<vmem>>
      tpu.vector_store_idx %scatter3A_1362[%select_n3A, %select_n3A_85, %add3A_1351], %get3A_1356 : memref<4x8x129xf32, #tpu.memory_space<vmem>>[vector<16xi32>, vector<16xi32>, vector<16xi32>], vector<16xf32>,
      %get3A_1363 = arith.constant 5 : i32
      %get3A_1364 = arith.index_cast %get3A_1363 : i32 to index
      %get3A_1365 = arith.index_cast %add3A_1347 : i32 to index
      %get3A_1366 = arith.constant 16 : index
      %get3A_1367 = tpu.vector_load %arg6[%get3A_1364, %get3A_1365, %get3A_1366] {strides = array<i32>} : memref<6x128x32xf32, #tpu.memory_space<vmem>>, vector<16xf32>,
      %scatter3A_1368 = arith.constant 1 : i32
      %scatter3A_1369 = arith.constant 0 : i32
      %scatter3A_1370 = arith.constant 0 : i32
      %scatter3A_1371 = arith.constant 0 : i32
      %scatter3A_1372 = tpu.memref_slice %arg7[%scatter3A_1368, %scatter3A_1369, %scatter3A_1370, %scatter3A_1371] : memref<2x4x8x129xf32, #tpu.memory_space<vmem>> -> memref<1x4x8x129xf32, #tpu.memory_space<vmem>>
      %scatter3A_1373 = tpu.memref_squeeze %scatter3A_1372 : memref<1x4x8x129xf32, #tpu.memory_space<vmem>> -> memref<4x8x129xf32, #tpu.memory_space<vmem>>
      tpu.vector_store_idx %scatter3A_1373[%select_n3A_62, %select_n3A_110, %add3A_1351], %get3A_1367 : memref<4x8x129xf32, #tpu.memory_space<vmem>>[vector<16xi32>, vector<16xi32>, vector<16xi32>], vector<16xf32>,
      %add3A_1374 = arith.constant 6 : i32
      %add3A_1375 = arith.addi %mul3A_1208, %add3A_1374 : i32
      %broadcast_in_dim3A_1376 = arith.constant 0 : i32
      %broadcast_in_dim3A_1377 = vector.broadcast %broadcast_in_dim3A_1376 : i32 to vector<16xi32>
      %add3A_1378 = vector.broadcast %add3A_1375 : i32 to vector<16xi32>
      %add3A_1379 = arith.addi %broadcast_in_dim3A_1377, %add3A_1378 : vector<16xi32>
      %get3A_1380 = arith.constant 5 : i32
      %get3A_1381 = arith.index_cast %get3A_1380 : i32 to index
      %get3A_1382 = arith.index_cast %add3A_1375 : i32 to index
      %get3A_1383 = arith.constant 0 : index
      %get3A_1384 = tpu.vector_load %arg6[%get3A_1381, %get3A_1382, %get3A_1383] {strides = array<i32>} : memref<6x128x32xf32, #tpu.memory_space<vmem>>, vector<16xf32>,
      %scatter3A_1385 = arith.constant 1 : i32
      %scatter3A_1386 = arith.constant 0 : i32
      %scatter3A_1387 = arith.constant 0 : i32
      %scatter3A_1388 = arith.constant 0 : i32
      %scatter3A_1389 = tpu.memref_slice %arg7[%scatter3A_1385, %scatter3A_1386, %scatter3A_1387, %scatter3A_1388] : memref<2x4x8x129xf32, #tpu.memory_space<vmem>> -> memref<1x4x8x129xf32, #tpu.memory_space<vmem>>
      %scatter3A_1390 = tpu.memref_squeeze %scatter3A_1389 : memref<1x4x8x129xf32, #tpu.memory_space<vmem>> -> memref<4x8x129xf32, #tpu.memory_space<vmem>>
      tpu.vector_store_idx %scatter3A_1390[%select_n3A, %select_n3A_85, %add3A_1379], %get3A_1384 : memref<4x8x129xf32, #tpu.memory_space<vmem>>[vector<16xi32>, vector<16xi32>, vector<16xi32>], vector<16xf32>,
      %get3A_1391 = arith.constant 5 : i32
      %get3A_1392 = arith.index_cast %get3A_1391 : i32 to index
      %get3A_1393 = arith.index_cast %add3A_1375 : i32 to index
      %get3A_1394 = arith.constant 16 : index
      %get3A_1395 = tpu.vector_load %arg6[%get3A_1392, %get3A_1393, %get3A_1394] {strides = array<i32>} : memref<6x128x32xf32, #tpu.memory_space<vmem>>, vector<16xf32>,
      %scatter3A_1396 = arith.constant 1 : i32
      %scatter3A_1397 = arith.constant 0 : i32
      %scatter3A_1398 = arith.constant 0 : i32
      %scatter3A_1399 = arith.constant 0 : i32
      %scatter3A_1400 = tpu.memref_slice %arg7[%scatter3A_1396, %scatter3A_1397, %scatter3A_1398, %scatter3A_1399] : memref<2x4x8x129xf32, #tpu.memory_space<vmem>> -> memref<1x4x8x129xf32, #tpu.memory_space<vmem>>
      %scatter3A_1401 = tpu.memref_squeeze %scatter3A_1400 : memref<1x4x8x129xf32, #tpu.memory_space<vmem>> -> memref<4x8x129xf32, #tpu.memory_space<vmem>>
      tpu.vector_store_idx %scatter3A_1401[%select_n3A_62, %select_n3A_110, %add3A_1379], %get3A_1395 : memref<4x8x129xf32, #tpu.memory_space<vmem>>[vector<16xi32>, vector<16xi32>, vector<16xi32>], vector<16xf32>,
      %add3A_1402 = arith.constant 7 : i32
      %add3A_1403 = arith.addi %mul3A_1208, %add3A_1402 : i32
      %broadcast_in_dim3A_1404 = arith.constant 0 : i32
      %broadcast_in_dim3A_1405 = vector.broadcast %broadcast_in_dim3A_1404 : i32 to vector<16xi32>
      %add3A_1406 = vector.broadcast %add3A_1403 : i32 to vector<16xi32>
      %add3A_1407 = arith.addi %broadcast_in_dim3A_1405, %add3A_1406 : vector<16xi32>
      %get3A_1408 = arith.constant 5 : i32
      %get3A_1409 = arith.index_cast %get3A_1408 : i32 to index
      %get3A_1410 = arith.index_cast %add3A_1403 : i32 to index
      %get3A_1411 = arith.constant 0 : index
      %get3A_1412 = tpu.vector_load %arg6[%get3A_1409, %get3A_1410, %get3A_1411] {strides = array<i32>} : memref<6x128x32xf32, #tpu.memory_space<vmem>>, vector<16xf32>,
      %scatter3A_1413 = arith.constant 1 : i32
      %scatter3A_1414 = arith.constant 0 : i32
      %scatter3A_1415 = arith.constant 0 : i32
      %scatter3A_1416 = arith.constant 0 : i32
      %scatter3A_1417 = tpu.memref_slice %arg7[%scatter3A_1413, %scatter3A_1414, %scatter3A_1415, %scatter3A_1416] : memref<2x4x8x129xf32, #tpu.memory_space<vmem>> -> memref<1x4x8x129xf32, #tpu.memory_space<vmem>>
      %scatter3A_1418 = tpu.memref_squeeze %scatter3A_1417 : memref<1x4x8x129xf32, #tpu.memory_space<vmem>> -> memref<4x8x129xf32, #tpu.memory_space<vmem>>
      tpu.vector_store_idx %scatter3A_1418[%select_n3A, %select_n3A_85, %add3A_1407], %get3A_1412 : memref<4x8x129xf32, #tpu.memory_space<vmem>>[vector<16xi32>, vector<16xi32>, vector<16xi32>], vector<16xf32>,
      %get3A_1419 = arith.constant 5 : i32
      %get3A_1420 = arith.index_cast %get3A_1419 : i32 to index
      %get3A_1421 = arith.index_cast %add3A_1403 : i32 to index
      %get3A_1422 = arith.constant 16 : index
      %get3A_1423 = tpu.vector_load %arg6[%get3A_1420, %get3A_1421, %get3A_1422] {strides = array<i32>} : memref<6x128x32xf32, #tpu.memory_space<vmem>>, vector<16xf32>,
      %scatter3A_1424 = arith.constant 1 : i32
      %scatter3A_1425 = arith.constant 0 : i32
      %scatter3A_1426 = arith.constant 0 : i32
      %scatter3A_1427 = arith.constant 0 : i32
      %scatter3A_1428 = tpu.memref_slice %arg7[%scatter3A_1424, %scatter3A_1425, %scatter3A_1426, %scatter3A_1427] : memref<2x4x8x129xf32, #tpu.memory_space<vmem>> -> memref<1x4x8x129xf32, #tpu.memory_space<vmem>>
      %scatter3A_1429 = tpu.memref_squeeze %scatter3A_1428 : memref<1x4x8x129xf32, #tpu.memory_space<vmem>> -> memref<4x8x129xf32, #tpu.memory_space<vmem>>
      tpu.vector_store_idx %scatter3A_1429[%select_n3A_62, %select_n3A_110, %add3A_1407], %get3A_1423 : memref<4x8x129xf32, #tpu.memory_space<vmem>>[vector<16xi32>, vector<16xi32>, vector<16xi32>], vector<16xf32>,
    }
    %scan3A_728 = arith.constant 16 : i32
    %add3A_729 = arith.constant 101 : i32
    %add3A_730 = arith.addi %mul3A_2, %add3A_729 : i32
    %jit3A_731 = arith.constant 128 : i32
    %div3A_732 = arith.divsi %add3A_730, %jit3A_731 : i32
    %sign3A_733 = arith.constant 0 : i32
    %sign3A_734 = arith.cmpi sgt, %add3A_730, %sign3A_733 : i32
    %sign3A_735 = arith.extui %sign3A_734 : i1 to i32
    %sign3A_736 = arith.constant 0 : i32
    %sign3A_737 = arith.cmpi slt, %add3A_730, %sign3A_736 : i32
    %sign3A_738 = arith.extui %sign3A_737 : i1 to i32
    %sign3A_739 = arith.subi %sign3A_735, %sign3A_738 : i32
    %sign3A_740 = arith.constant 0 : i32
    %sign3A_741 = arith.cmpi sgt, %jit3A_731, %sign3A_740 : i32
    %sign3A_742 = arith.extui %sign3A_741 : i1 to i32
    %sign3A_743 = arith.constant 0 : i32
    %sign3A_744 = arith.cmpi slt, %jit3A_731, %sign3A_743 : i32
    %sign3A_745 = arith.extui %sign3A_744 : i1 to i32
    %sign3A_746 = arith.subi %sign3A_742, %sign3A_745 : i32
    %ne3A_747 = arith.cmpi ne, %sign3A_739, %sign3A_746 : i32
    %rem3A_748 = arith.remsi %add3A_730, %jit3A_731 : i32
    %ne3A_749 = arith.constant 0 : i32
    %ne3A_750 = arith.cmpi ne, %rem3A_748, %ne3A_749 : i32
    %and3A_751 = arith.andi %ne3A_747, %ne3A_750 : i1
    %sub3A_752 = arith.constant 1 : i32
    %sub3A_753 = arith.subi %div3A_732, %sub3A_752 : i32
    %select_n3A_754 = arith.select %and3A_751, %sub3A_753, %div3A_732 : i32
    %jit3A_755 = arith.constant 128 : i32
    %eq3A_756 = arith.constant 0 : i32
    %eq3A_757 = arith.cmpi eq, %jit3A_755, %eq3A_756 : i32
    %jit3A_758 = arith.constant 1 : i32
    %select_n3A_759 = arith.select %eq3A_757, %jit3A_758, %jit3A_755 : i32
    %rem3A_760 = arith.remsi %add3A_730, %select_n3A_759 : i32
    %ne3A_761 = arith.constant 0 : i32
    %ne3A_762 = arith.cmpi ne, %rem3A_760, %ne3A_761 : i32
    %lt3A_763 = arith.constant 0 : i32
    %lt3A_764 = arith.cmpi slt, %rem3A_760, %lt3A_763 : i32
    %lt3A_765 = arith.constant 0 : i32
    %lt3A_766 = arith.cmpi slt, %select_n3A_759, %lt3A_765 : i32
    %ne3A_767 = arith.xori %lt3A_764, %lt3A_766 : i1
    %and3A_768 = arith.andi %ne3A_767, %ne3A_762 : i1
    %add3A_769 = arith.addi %rem3A_760, %select_n3A_759 : i32
    %select_n3A_770 = arith.select %and3A_768, %add3A_769, %rem3A_760 : i32
    %dma_start3A_771 = arith.constant 1 : i32
    %dma_start3A_772 = arith.constant 0 : i32
    %dma_start3A_773 = arith.constant 0 : i32
    %dma_start3A_774 = arith.constant 0 : i32
    %dma_start3A_775 = tpu.memref_slice %arg7[%dma_start3A_771, %dma_start3A_772, %dma_start3A_773, %dma_start3A_774] : memref<2x4x8x129xf32, #tpu.memory_space<vmem>> -> memref<1x4x8x128xf32, #tpu.memory_space<vmem>>
    %dma_start3A_776 = tpu.memref_squeeze %dma_start3A_775 : memref<1x4x8x128xf32, #tpu.memory_space<vmem>> -> memref<4x8x128xf32, #tpu.memory_space<vmem>>
    %dma_start3A_777 = arith.constant 0 : i32
    %dma_start3A_778 = arith.constant 0 : i32
    %dma_start3A_779 = arith.constant 0 : i32
    %dma_start3A_780 = tpu.memref_slice %arg4[%select_n3A_754, %dma_start3A_777, %select_n3A_770, %dma_start3A_778, %dma_start3A_779] : memref<26x4x128x8x128xf32, #tpu.memory_space<hbm>> -> memref<1x4x1x8x128xf32, #tpu.memory_space<hbm>>
    %dma_start3A_781 = tpu.memref_squeeze %dma_start3A_780 : memref<1x4x1x8x128xf32, #tpu.memory_space<hbm>> -> memref<4x8x128xf32, #tpu.memory_space<hbm>>
    %dma_start3A_782 = arith.constant 0 : i32
    %dma_start3A_783 = arith.constant 0 : i32
    %dma_start3A_784 = arith.constant 0 : i32
    %dma_start3A_785 = tpu.memref_slice %arg4[%select_n3A_754, %dma_start3A_782, %select_n3A_770, %dma_start3A_783, %dma_start3A_784] : memref<26x4x128x8x128xf32, #tpu.memory_space<hbm>> -> memref<1x4x1x8x128xf32, #tpu.memory_space<hbm>>
    %dma_start3A_786 = tpu.memref_squeeze %dma_start3A_785 : memref<1x4x1x8x128xf32, #tpu.memory_space<hbm>> -> memref<4x8x128xf32, #tpu.memory_space<hbm>>
    %dma_start3A_787 = arith.constant 0 : i32
    %dma_start3A_788 = arith.constant 0 : i32
    %dma_start3A_789 = arith.constant 0 : i32
    %dma_start3A_790 = tpu.memref_slice %arg7[%dma_start3A_771, %dma_start3A_787, %dma_start3A_788, %dma_start3A_789] : memref<2x4x8x129xf32, #tpu.memory_space<vmem>> -> memref<1x4x8x128xf32, #tpu.memory_space<vmem>>
    %dma_start3A_791 = tpu.memref_squeeze %dma_start3A_790 : memref<1x4x8x128xf32, #tpu.memory_space<vmem>> -> memref<4x8x128xf32, #tpu.memory_space<vmem>>
    tpu.enqueue_dma source(%dma_start3A_791 : memref<4x8x128xf32, #tpu.memory_space<vmem>>) target(%dma_start3A_786 : memref<4x8x128xf32, #tpu.memory_space<hbm>>) target_semaphore(%arg9 : memref<!tpu.dma_semaphore, #tpu.memory_space<semaphore_mem>>)
    %add3A_792 = arith.constant 100 : i32
    %add3A_793 = arith.addi %mul3A_2, %add3A_792 : i32
    %jit3A_794 = arith.constant 128 : i32
    %div3A_795 = arith.divsi %add3A_793, %jit3A_794 : i32
    %sign3A_796 = arith.constant 0 : i32
    %sign3A_797 = arith.cmpi sgt, %add3A_793, %sign3A_796 : i32
    %sign3A_798 = arith.extui %sign3A_797 : i1 to i32
    %sign3A_799 = arith.constant 0 : i32
    %sign3A_800 = arith.cmpi slt, %add3A_793, %sign3A_799 : i32
    %sign3A_801 = arith.extui %sign3A_800 : i1 to i32
    %sign3A_802 = arith.subi %sign3A_798, %sign3A_801 : i32
    %sign3A_803 = arith.constant 0 : i32
    %sign3A_804 = arith.cmpi sgt, %jit3A_794, %sign3A_803 : i32
    %sign3A_805 = arith.extui %sign3A_804 : i1 to i32
    %sign3A_806 = arith.constant 0 : i32
    %sign3A_807 = arith.cmpi slt, %jit3A_794, %sign3A_806 : i32
    %sign3A_808 = arith.extui %sign3A_807 : i1 to i32
    %sign3A_809 = arith.subi %sign3A_805, %sign3A_808 : i32
    %ne3A_810 = arith.cmpi ne, %sign3A_802, %sign3A_809 : i32
    %rem3A_811 = arith.remsi %add3A_793, %jit3A_794 : i32
    %ne3A_812 = arith.constant 0 : i32
    %ne3A_813 = arith.cmpi ne, %rem3A_811, %ne3A_812 : i32
    %and3A_814 = arith.andi %ne3A_810, %ne3A_813 : i1
    %sub3A_815 = arith.constant 1 : i32
    %sub3A_816 = arith.subi %div3A_795, %sub3A_815 : i32
    %select_n3A_817 = arith.select %and3A_814, %sub3A_816, %div3A_795 : i32
    %jit3A_818 = arith.constant 128 : i32
    %eq3A_819 = arith.constant 0 : i32
    %eq3A_820 = arith.cmpi eq, %jit3A_818, %eq3A_819 : i32
    %jit3A_821 = arith.constant 1 : i32
    %select_n3A_822 = arith.select %eq3A_820, %jit3A_821, %jit3A_818 : i32
    %rem3A_823 = arith.remsi %add3A_793, %select_n3A_822 : i32
    %ne3A_824 = arith.constant 0 : i32
    %ne3A_825 = arith.cmpi ne, %rem3A_823, %ne3A_824 : i32
    %lt3A_826 = arith.constant 0 : i32
    %lt3A_827 = arith.cmpi slt, %rem3A_823, %lt3A_826 : i32
    %lt3A_828 = arith.constant 0 : i32
    %lt3A_829 = arith.cmpi slt, %select_n3A_822, %lt3A_828 : i32
    %ne3A_830 = arith.xori %lt3A_827, %lt3A_829 : i1
    %and3A_831 = arith.andi %ne3A_830, %ne3A_825 : i1
    %add3A_832 = arith.addi %rem3A_823, %select_n3A_822 : i32
    %select_n3A_833 = arith.select %and3A_831, %add3A_832, %rem3A_823 : i32
    %dma_wait3A_834 = arith.constant 0 : i32
    %dma_wait3A_835 = arith.constant 0 : i32
    %dma_wait3A_836 = arith.constant 0 : i32
    %dma_wait3A_837 = arith.constant 0 : i32
    %dma_wait3A_838 = tpu.memref_slice %arg7[%dma_wait3A_834, %dma_wait3A_835, %dma_wait3A_836, %dma_wait3A_837] : memref<2x4x8x129xf32, #tpu.memory_space<vmem>> -> memref<1x4x8x128xf32, #tpu.memory_space<vmem>>
    %dma_wait3A_839 = tpu.memref_squeeze %dma_wait3A_838 : memref<1x4x8x128xf32, #tpu.memory_space<vmem>> -> memref<4x8x128xf32, #tpu.memory_space<vmem>>
    %dma_wait3A_840 = arith.constant 0 : i32
    %dma_wait3A_841 = arith.constant 0 : i32
    %dma_wait3A_842 = arith.constant 0 : i32
    %dma_wait3A_843 = tpu.memref_slice %arg4[%select_n3A_817, %dma_wait3A_840, %select_n3A_833, %dma_wait3A_841, %dma_wait3A_842] : memref<26x4x128x8x128xf32, #tpu.memory_space<hbm>> -> memref<1x4x1x8x128xf32, #tpu.memory_space<hbm>>
    %dma_wait3A_844 = tpu.memref_squeeze %dma_wait3A_843 : memref<1x4x1x8x128xf32, #tpu.memory_space<hbm>> -> memref<4x8x128xf32, #tpu.memory_space<hbm>>
    %dma_wait3A_845 = arith.constant 0 : i32
    %dma_wait3A_846 = arith.constant 0 : i32
    %dma_wait3A_847 = arith.constant 0 : i32
    %dma_wait3A_848 = tpu.memref_slice %arg4[%select_n3A_817, %dma_wait3A_845, %select_n3A_833, %dma_wait3A_846, %dma_wait3A_847] : memref<26x4x128x8x128xf32, #tpu.memory_space<hbm>> -> memref<1x4x1x8x128xf32, #tpu.memory_space<hbm>>
    %dma_wait3A_849 = tpu.memref_squeeze %dma_wait3A_848 : memref<1x4x1x8x128xf32, #tpu.memory_space<hbm>> -> memref<4x8x128xf32, #tpu.memory_space<hbm>>
    %dma_wait3A_850 = arith.constant 0 : i32
    %dma_wait3A_851 = arith.constant 0 : i32
    %dma_wait3A_852 = arith.constant 0 : i32
    %dma_wait3A_853 = tpu.memref_slice %arg7[%dma_wait3A_834, %dma_wait3A_850, %dma_wait3A_851, %dma_wait3A_852] : memref<2x4x8x129xf32, #tpu.memory_space<vmem>> -> memref<1x4x8x128xf32, #tpu.memory_space<vmem>>
    %dma_wait3A_854 = tpu.memref_squeeze %dma_wait3A_853 : memref<1x4x8x128xf32, #tpu.memory_space<vmem>> -> memref<4x8x128xf32, #tpu.memory_space<vmem>>
    tpu.wait_dma2 semaphore(%arg9 : memref<!tpu.dma_semaphore, #tpu.memory_space<semaphore_mem>>) src(%dma_wait3A_854 : memref<4x8x128xf32, #tpu.memory_space<vmem>>) dst(%dma_wait3A_849 : memref<4x8x128xf32, #tpu.memory_space<hbm>>)
    %dma_wait3A_855 = arith.constant 102 : i32
    %dma_wait3A_856 = arith.constant 0 : i32
    %dma_wait3A_857 = arith.constant 0 : i32
    %dma_wait3A_858 = arith.constant 0 : i32
    %dma_wait3A_859 = tpu.memref_slice %arg6[%dma_wait3A_856, %dma_wait3A_857, %dma_wait3A_858] : memref<6x128x32xf32, #tpu.memory_space<vmem>> -> memref<1x128x32xf32, #tpu.memory_space<vmem>>
    %dma_wait3A_860 = tpu.memref_squeeze %dma_wait3A_859 : memref<1x128x32xf32, #tpu.memory_space<vmem>> -> memref<128x32xf32, #tpu.memory_space<vmem>>
    %dma_wait3A_861 = arith.constant 0 : i32
    %dma_wait3A_862 = tpu.memref_slice %arg5[%dma_wait3A_855, %dma_wait3A_861] : memref<104x128xi32, #tpu.memory_space<vmem>> -> memref<1x128xi32, #tpu.memory_space<vmem>>
    %dma_wait3A_863 = tpu.memref_squeeze %dma_wait3A_862 : memref<1x128xi32, #tpu.memory_space<vmem>> -> memref<128xi32, #tpu.memory_space<vmem>>
    %dma_wait3A_864 = arith.constant 0 : i32
    %dma_wait3A_865 = arith.constant 0 : i32
    %dma_wait3A_866 = tpu.memref_slice %arg2[%dma_wait3A_864, %dma_wait3A_865] : memref<4000000x32xf32, #tpu.memory_space<hbm>> -> memref<4000000x32xf32, #tpu.memory_space<hbm>>
    tpu.wait_indirect_dma semaphore(%arg8 : memref<!tpu.dma_semaphore, #tpu.memory_space<semaphore_mem>>) src(%dma_wait3A_866 : memref<4000000x32xf32, #tpu.memory_space<hbm>>) dst(%dma_wait3A_860 : memref<128x32xf32, #tpu.memory_space<vmem>>)
    %scan3A_867 = arith.constant 0 : i32
    %scan3A_868 = arith.constant 0 : i32
    %scan3A_869 = arith.constant 16 : i32
    %scan3A_870 = arith.addi %scan3A_868, %scan3A_869 : i32
    %scan3A_871 = arith.constant 1 : i32
    scf.for %scan3A_1206 = %scan3A_868 to %scan3A_870 step %scan3A_871  : i32 {
      %mul3A_1207 = arith.constant 8 : i32
      %mul3A_1208 = arith.muli %scan3A_1206, %mul3A_1207 : i32
      %add3A_1209 = arith.constant 0 : i32
      %add3A_1210 = arith.addi %mul3A_1208, %add3A_1209 : i32
      %broadcast_in_dim3A = arith.constant 0 : i32
      %broadcast_in_dim3A_1211 = vector.broadcast %broadcast_in_dim3A : i32 to vector<16xi32>
      %add3A_1212 = vector.broadcast %add3A_1210 : i32 to vector<16xi32>
      %add3A_1213 = arith.addi %broadcast_in_dim3A_1211, %add3A_1212 : vector<16xi32>
      %get3A = arith.constant 0 : i32
      %get3A_1214 = arith.index_cast %get3A : i32 to index
      %get3A_1215 = arith.index_cast %add3A_1210 : i32 to index
      %get3A_1216 = arith.constant 0 : index
      %get3A_1217 = tpu.vector_load %arg6[%get3A_1214, %get3A_1215, %get3A_1216] {strides = array<i32>} : memref<6x128x32xf32, #tpu.memory_space<vmem>>, vector<16xf32>,
      %scatter3A = arith.constant 0 : i32
      %scatter3A_1218 = arith.constant 0 : i32
      %scatter3A_1219 = arith.constant 0 : i32
      %scatter3A_1220 = arith.constant 0 : i32
      %scatter3A_1221 = tpu.memref_slice %arg7[%scatter3A, %scatter3A_1218, %scatter3A_1219, %scatter3A_1220] : memref<2x4x8x129xf32, #tpu.memory_space<vmem>> -> memref<1x4x8x129xf32, #tpu.memory_space<vmem>>
      %scatter3A_1222 = tpu.memref_squeeze %scatter3A_1221 : memref<1x4x8x129xf32, #tpu.memory_space<vmem>> -> memref<4x8x129xf32, #tpu.memory_space<vmem>>
      tpu.vector_store_idx %scatter3A_1222[%select_n3A, %select_n3A_85, %add3A_1213], %get3A_1217 : memref<4x8x129xf32, #tpu.memory_space<vmem>>[vector<16xi32>, vector<16xi32>, vector<16xi32>], vector<16xf32>,
      %get3A_1223 = arith.constant 0 : i32
      %get3A_1224 = arith.index_cast %get3A_1223 : i32 to index
      %get3A_1225 = arith.index_cast %add3A_1210 : i32 to index
      %get3A_1226 = arith.constant 16 : index
      %get3A_1227 = tpu.vector_load %arg6[%get3A_1224, %get3A_1225, %get3A_1226] {strides = array<i32>} : memref<6x128x32xf32, #tpu.memory_space<vmem>>, vector<16xf32>,
      %scatter3A_1228 = arith.constant 0 : i32
      %scatter3A_1229 = arith.constant 0 : i32
      %scatter3A_1230 = arith.constant 0 : i32
      %scatter3A_1231 = arith.constant 0 : i32
      %scatter3A_1232 = tpu.memref_slice %arg7[%scatter3A_1228, %scatter3A_1229, %scatter3A_1230, %scatter3A_1231] : memref<2x4x8x129xf32, #tpu.memory_space<vmem>> -> memref<1x4x8x129xf32, #tpu.memory_space<vmem>>
      %scatter3A_1233 = tpu.memref_squeeze %scatter3A_1232 : memref<1x4x8x129xf32, #tpu.memory_space<vmem>> -> memref<4x8x129xf32, #tpu.memory_space<vmem>>
      tpu.vector_store_idx %scatter3A_1233[%select_n3A_62, %select_n3A_110, %add3A_1213], %get3A_1227 : memref<4x8x129xf32, #tpu.memory_space<vmem>>[vector<16xi32>, vector<16xi32>, vector<16xi32>], vector<16xf32>,
      %add3A_1234 = arith.constant 1 : i32
      %add3A_1235 = arith.addi %mul3A_1208, %add3A_1234 : i32
      %broadcast_in_dim3A_1236 = arith.constant 0 : i32
      %broadcast_in_dim3A_1237 = vector.broadcast %broadcast_in_dim3A_1236 : i32 to vector<16xi32>
      %add3A_1238 = vector.broadcast %add3A_1235 : i32 to vector<16xi32>
      %add3A_1239 = arith.addi %broadcast_in_dim3A_1237, %add3A_1238 : vector<16xi32>
      %get3A_1240 = arith.constant 0 : i32
      %get3A_1241 = arith.index_cast %get3A_1240 : i32 to index
      %get3A_1242 = arith.index_cast %add3A_1235 : i32 to index
      %get3A_1243 = arith.constant 0 : index
      %get3A_1244 = tpu.vector_load %arg6[%get3A_1241, %get3A_1242, %get3A_1243] {strides = array<i32>} : memref<6x128x32xf32, #tpu.memory_space<vmem>>, vector<16xf32>,
      %scatter3A_1245 = arith.constant 0 : i32
      %scatter3A_1246 = arith.constant 0 : i32
      %scatter3A_1247 = arith.constant 0 : i32
      %scatter3A_1248 = arith.constant 0 : i32
      %scatter3A_1249 = tpu.memref_slice %arg7[%scatter3A_1245, %scatter3A_1246, %scatter3A_1247, %scatter3A_1248] : memref<2x4x8x129xf32, #tpu.memory_space<vmem>> -> memref<1x4x8x129xf32, #tpu.memory_space<vmem>>
      %scatter3A_1250 = tpu.memref_squeeze %scatter3A_1249 : memref<1x4x8x129xf32, #tpu.memory_space<vmem>> -> memref<4x8x129xf32, #tpu.memory_space<vmem>>
      tpu.vector_store_idx %scatter3A_1250[%select_n3A, %select_n3A_85, %add3A_1239], %get3A_1244 : memref<4x8x129xf32, #tpu.memory_space<vmem>>[vector<16xi32>, vector<16xi32>, vector<16xi32>], vector<16xf32>,
      %get3A_1251 = arith.constant 0 : i32
      %get3A_1252 = arith.index_cast %get3A_1251 : i32 to index
      %get3A_1253 = arith.index_cast %add3A_1235 : i32 to index
      %get3A_1254 = arith.constant 16 : index
      %get3A_1255 = tpu.vector_load %arg6[%get3A_1252, %get3A_1253, %get3A_1254] {strides = array<i32>} : memref<6x128x32xf32, #tpu.memory_space<vmem>>, vector<16xf32>,
      %scatter3A_1256 = arith.constant 0 : i32
      %scatter3A_1257 = arith.constant 0 : i32
      %scatter3A_1258 = arith.constant 0 : i32
      %scatter3A_1259 = arith.constant 0 : i32
      %scatter3A_1260 = tpu.memref_slice %arg7[%scatter3A_1256, %scatter3A_1257, %scatter3A_1258, %scatter3A_1259] : memref<2x4x8x129xf32, #tpu.memory_space<vmem>> -> memref<1x4x8x129xf32, #tpu.memory_space<vmem>>
      %scatter3A_1261 = tpu.memref_squeeze %scatter3A_1260 : memref<1x4x8x129xf32, #tpu.memory_space<vmem>> -> memref<4x8x129xf32, #tpu.memory_space<vmem>>
      tpu.vector_store_idx %scatter3A_1261[%select_n3A_62, %select_n3A_110, %add3A_1239], %get3A_1255 : memref<4x8x129xf32, #tpu.memory_space<vmem>>[vector<16xi32>, vector<16xi32>, vector<16xi32>], vector<16xf32>,
      %add3A_1262 = arith.constant 2 : i32
      %add3A_1263 = arith.addi %mul3A_1208, %add3A_1262 : i32
      %broadcast_in_dim3A_1264 = arith.constant 0 : i32
      %broadcast_in_dim3A_1265 = vector.broadcast %broadcast_in_dim3A_1264 : i32 to vector<16xi32>
      %add3A_1266 = vector.broadcast %add3A_1263 : i32 to vector<16xi32>
      %add3A_1267 = arith.addi %broadcast_in_dim3A_1265, %add3A_1266 : vector<16xi32>
      %get3A_1268 = arith.constant 0 : i32
      %get3A_1269 = arith.index_cast %get3A_1268 : i32 to index
      %get3A_1270 = arith.index_cast %add3A_1263 : i32 to index
      %get3A_1271 = arith.constant 0 : index
      %get3A_1272 = tpu.vector_load %arg6[%get3A_1269, %get3A_1270, %get3A_1271] {strides = array<i32>} : memref<6x128x32xf32, #tpu.memory_space<vmem>>, vector<16xf32>,
      %scatter3A_1273 = arith.constant 0 : i32
      %scatter3A_1274 = arith.constant 0 : i32
      %scatter3A_1275 = arith.constant 0 : i32
      %scatter3A_1276 = arith.constant 0 : i32
      %scatter3A_1277 = tpu.memref_slice %arg7[%scatter3A_1273, %scatter3A_1274, %scatter3A_1275, %scatter3A_1276] : memref<2x4x8x129xf32, #tpu.memory_space<vmem>> -> memref<1x4x8x129xf32, #tpu.memory_space<vmem>>
      %scatter3A_1278 = tpu.memref_squeeze %scatter3A_1277 : memref<1x4x8x129xf32, #tpu.memory_space<vmem>> -> memref<4x8x129xf32, #tpu.memory_space<vmem>>
      tpu.vector_store_idx %scatter3A_1278[%select_n3A, %select_n3A_85, %add3A_1267], %get3A_1272 : memref<4x8x129xf32, #tpu.memory_space<vmem>>[vector<16xi32>, vector<16xi32>, vector<16xi32>], vector<16xf32>,
      %get3A_1279 = arith.constant 0 : i32
      %get3A_1280 = arith.index_cast %get3A_1279 : i32 to index
      %get3A_1281 = arith.index_cast %add3A_1263 : i32 to index
      %get3A_1282 = arith.constant 16 : index
      %get3A_1283 = tpu.vector_load %arg6[%get3A_1280, %get3A_1281, %get3A_1282] {strides = array<i32>} : memref<6x128x32xf32, #tpu.memory_space<vmem>>, vector<16xf32>,
      %scatter3A_1284 = arith.constant 0 : i32
      %scatter3A_1285 = arith.constant 0 : i32
      %scatter3A_1286 = arith.constant 0 : i32
      %scatter3A_1287 = arith.constant 0 : i32
      %scatter3A_1288 = tpu.memref_slice %arg7[%scatter3A_1284, %scatter3A_1285, %scatter3A_1286, %scatter3A_1287] : memref<2x4x8x129xf32, #tpu.memory_space<vmem>> -> memref<1x4x8x129xf32, #tpu.memory_space<vmem>>
      %scatter3A_1289 = tpu.memref_squeeze %scatter3A_1288 : memref<1x4x8x129xf32, #tpu.memory_space<vmem>> -> memref<4x8x129xf32, #tpu.memory_space<vmem>>
      tpu.vector_store_idx %scatter3A_1289[%select_n3A_62, %select_n3A_110, %add3A_1267], %get3A_1283 : memref<4x8x129xf32, #tpu.memory_space<vmem>>[vector<16xi32>, vector<16xi32>, vector<16xi32>], vector<16xf32>,
      %add3A_1290 = arith.constant 3 : i32
      %add3A_1291 = arith.addi %mul3A_1208, %add3A_1290 : i32
      %broadcast_in_dim3A_1292 = arith.constant 0 : i32
      %broadcast_in_dim3A_1293 = vector.broadcast %broadcast_in_dim3A_1292 : i32 to vector<16xi32>
      %add3A_1294 = vector.broadcast %add3A_1291 : i32 to vector<16xi32>
      %add3A_1295 = arith.addi %broadcast_in_dim3A_1293, %add3A_1294 : vector<16xi32>
      %get3A_1296 = arith.constant 0 : i32
      %get3A_1297 = arith.index_cast %get3A_1296 : i32 to index
      %get3A_1298 = arith.index_cast %add3A_1291 : i32 to index
      %get3A_1299 = arith.constant 0 : index
      %get3A_1300 = tpu.vector_load %arg6[%get3A_1297, %get3A_1298, %get3A_1299] {strides = array<i32>} : memref<6x128x32xf32, #tpu.memory_space<vmem>>, vector<16xf32>,
      %scatter3A_1301 = arith.constant 0 : i32
      %scatter3A_1302 = arith.constant 0 : i32
      %scatter3A_1303 = arith.constant 0 : i32
      %scatter3A_1304 = arith.constant 0 : i32
      %scatter3A_1305 = tpu.memref_slice %arg7[%scatter3A_1301, %scatter3A_1302, %scatter3A_1303, %scatter3A_1304] : memref<2x4x8x129xf32, #tpu.memory_space<vmem>> -> memref<1x4x8x129xf32, #tpu.memory_space<vmem>>
      %scatter3A_1306 = tpu.memref_squeeze %scatter3A_1305 : memref<1x4x8x129xf32, #tpu.memory_space<vmem>> -> memref<4x8x129xf32, #tpu.memory_space<vmem>>
      tpu.vector_store_idx %scatter3A_1306[%select_n3A, %select_n3A_85, %add3A_1295], %get3A_1300 : memref<4x8x129xf32, #tpu.memory_space<vmem>>[vector<16xi32>, vector<16xi32>, vector<16xi32>], vector<16xf32>,
      %get3A_1307 = arith.constant 0 : i32
      %get3A_1308 = arith.index_cast %get3A_1307 : i32 to index
      %get3A_1309 = arith.index_cast %add3A_1291 : i32 to index
      %get3A_1310 = arith.constant 16 : index
      %get3A_1311 = tpu.vector_load %arg6[%get3A_1308, %get3A_1309, %get3A_1310] {strides = array<i32>} : memref<6x128x32xf32, #tpu.memory_space<vmem>>, vector<16xf32>,
      %scatter3A_1312 = arith.constant 0 : i32
      %scatter3A_1313 = arith.constant 0 : i32
      %scatter3A_1314 = arith.constant 0 : i32
      %scatter3A_1315 = arith.constant 0 : i32
      %scatter3A_1316 = tpu.memref_slice %arg7[%scatter3A_1312, %scatter3A_1313, %scatter3A_1314, %scatter3A_1315] : memref<2x4x8x129xf32, #tpu.memory_space<vmem>> -> memref<1x4x8x129xf32, #tpu.memory_space<vmem>>
      %scatter3A_1317 = tpu.memref_squeeze %scatter3A_1316 : memref<1x4x8x129xf32, #tpu.memory_space<vmem>> -> memref<4x8x129xf32, #tpu.memory_space<vmem>>
      tpu.vector_store_idx %scatter3A_1317[%select_n3A_62, %select_n3A_110, %add3A_1295], %get3A_1311 : memref<4x8x129xf32, #tpu.memory_space<vmem>>[vector<16xi32>, vector<16xi32>, vector<16xi32>], vector<16xf32>,
      %add3A_1318 = arith.constant 4 : i32
      %add3A_1319 = arith.addi %mul3A_1208, %add3A_1318 : i32
      %broadcast_in_dim3A_1320 = arith.constant 0 : i32
      %broadcast_in_dim3A_1321 = vector.broadcast %broadcast_in_dim3A_1320 : i32 to vector<16xi32>
      %add3A_1322 = vector.broadcast %add3A_1319 : i32 to vector<16xi32>
      %add3A_1323 = arith.addi %broadcast_in_dim3A_1321, %add3A_1322 : vector<16xi32>
      %get3A_1324 = arith.constant 0 : i32
      %get3A_1325 = arith.index_cast %get3A_1324 : i32 to index
      %get3A_1326 = arith.index_cast %add3A_1319 : i32 to index
      %get3A_1327 = arith.constant 0 : index
      %get3A_1328 = tpu.vector_load %arg6[%get3A_1325, %get3A_1326, %get3A_1327] {strides = array<i32>} : memref<6x128x32xf32, #tpu.memory_space<vmem>>, vector<16xf32>,
      %scatter3A_1329 = arith.constant 0 : i32
      %scatter3A_1330 = arith.constant 0 : i32
      %scatter3A_1331 = arith.constant 0 : i32
      %scatter3A_1332 = arith.constant 0 : i32
      %scatter3A_1333 = tpu.memref_slice %arg7[%scatter3A_1329, %scatter3A_1330, %scatter3A_1331, %scatter3A_1332] : memref<2x4x8x129xf32, #tpu.memory_space<vmem>> -> memref<1x4x8x129xf32, #tpu.memory_space<vmem>>
      %scatter3A_1334 = tpu.memref_squeeze %scatter3A_1333 : memref<1x4x8x129xf32, #tpu.memory_space<vmem>> -> memref<4x8x129xf32, #tpu.memory_space<vmem>>
      tpu.vector_store_idx %scatter3A_1334[%select_n3A, %select_n3A_85, %add3A_1323], %get3A_1328 : memref<4x8x129xf32, #tpu.memory_space<vmem>>[vector<16xi32>, vector<16xi32>, vector<16xi32>], vector<16xf32>,
      %get3A_1335 = arith.constant 0 : i32
      %get3A_1336 = arith.index_cast %get3A_1335 : i32 to index
      %get3A_1337 = arith.index_cast %add3A_1319 : i32 to index
      %get3A_1338 = arith.constant 16 : index
      %get3A_1339 = tpu.vector_load %arg6[%get3A_1336, %get3A_1337, %get3A_1338] {strides = array<i32>} : memref<6x128x32xf32, #tpu.memory_space<vmem>>, vector<16xf32>,
      %scatter3A_1340 = arith.constant 0 : i32
      %scatter3A_1341 = arith.constant 0 : i32
      %scatter3A_1342 = arith.constant 0 : i32
      %scatter3A_1343 = arith.constant 0 : i32
      %scatter3A_1344 = tpu.memref_slice %arg7[%scatter3A_1340, %scatter3A_1341, %scatter3A_1342, %scatter3A_1343] : memref<2x4x8x129xf32, #tpu.memory_space<vmem>> -> memref<1x4x8x129xf32, #tpu.memory_space<vmem>>
      %scatter3A_1345 = tpu.memref_squeeze %scatter3A_1344 : memref<1x4x8x129xf32, #tpu.memory_space<vmem>> -> memref<4x8x129xf32, #tpu.memory_space<vmem>>
      tpu.vector_store_idx %scatter3A_1345[%select_n3A_62, %select_n3A_110, %add3A_1323], %get3A_1339 : memref<4x8x129xf32, #tpu.memory_space<vmem>>[vector<16xi32>, vector<16xi32>, vector<16xi32>], vector<16xf32>,
      %add3A_1346 = arith.constant 5 : i32
      %add3A_1347 = arith.addi %mul3A_1208, %add3A_1346 : i32
      %broadcast_in_dim3A_1348 = arith.constant 0 : i32
      %broadcast_in_dim3A_1349 = vector.broadcast %broadcast_in_dim3A_1348 : i32 to vector<16xi32>
      %add3A_1350 = vector.broadcast %add3A_1347 : i32 to vector<16xi32>
      %add3A_1351 = arith.addi %broadcast_in_dim3A_1349, %add3A_1350 : vector<16xi32>
      %get3A_1352 = arith.constant 0 : i32
      %get3A_1353 = arith.index_cast %get3A_1352 : i32 to index
      %get3A_1354 = arith.index_cast %add3A_1347 : i32 to index
      %get3A_1355 = arith.constant 0 : index
      %get3A_1356 = tpu.vector_load %arg6[%get3A_1353, %get3A_1354, %get3A_1355] {strides = array<i32>} : memref<6x128x32xf32, #tpu.memory_space<vmem>>, vector<16xf32>,
      %scatter3A_1357 = arith.constant 0 : i32
      %scatter3A_1358 = arith.constant 0 : i32
      %scatter3A_1359 = arith.constant 0 : i32
      %scatter3A_1360 = arith.constant 0 : i32
      %scatter3A_1361 = tpu.memref_slice %arg7[%scatter3A_1357, %scatter3A_1358, %scatter3A_1359, %scatter3A_1360] : memref<2x4x8x129xf32, #tpu.memory_space<vmem>> -> memref<1x4x8x129xf32, #tpu.memory_space<vmem>>
      %scatter3A_1362 = tpu.memref_squeeze %scatter3A_1361 : memref<1x4x8x129xf32, #tpu.memory_space<vmem>> -> memref<4x8x129xf32, #tpu.memory_space<vmem>>
      tpu.vector_store_idx %scatter3A_1362[%select_n3A, %select_n3A_85, %add3A_1351], %get3A_1356 : memref<4x8x129xf32, #tpu.memory_space<vmem>>[vector<16xi32>, vector<16xi32>, vector<16xi32>], vector<16xf32>,
      %get3A_1363 = arith.constant 0 : i32
      %get3A_1364 = arith.index_cast %get3A_1363 : i32 to index
      %get3A_1365 = arith.index_cast %add3A_1347 : i32 to index
      %get3A_1366 = arith.constant 16 : index
      %get3A_1367 = tpu.vector_load %arg6[%get3A_1364, %get3A_1365, %get3A_1366] {strides = array<i32>} : memref<6x128x32xf32, #tpu.memory_space<vmem>>, vector<16xf32>,
      %scatter3A_1368 = arith.constant 0 : i32
      %scatter3A_1369 = arith.constant 0 : i32
      %scatter3A_1370 = arith.constant 0 : i32
      %scatter3A_1371 = arith.constant 0 : i32
      %scatter3A_1372 = tpu.memref_slice %arg7[%scatter3A_1368, %scatter3A_1369, %scatter3A_1370, %scatter3A_1371] : memref<2x4x8x129xf32, #tpu.memory_space<vmem>> -> memref<1x4x8x129xf32, #tpu.memory_space<vmem>>
      %scatter3A_1373 = tpu.memref_squeeze %scatter3A_1372 : memref<1x4x8x129xf32, #tpu.memory_space<vmem>> -> memref<4x8x129xf32, #tpu.memory_space<vmem>>
      tpu.vector_store_idx %scatter3A_1373[%select_n3A_62, %select_n3A_110, %add3A_1351], %get3A_1367 : memref<4x8x129xf32, #tpu.memory_space<vmem>>[vector<16xi32>, vector<16xi32>, vector<16xi32>], vector<16xf32>,
      %add3A_1374 = arith.constant 6 : i32
      %add3A_1375 = arith.addi %mul3A_1208, %add3A_1374 : i32
      %broadcast_in_dim3A_1376 = arith.constant 0 : i32
      %broadcast_in_dim3A_1377 = vector.broadcast %broadcast_in_dim3A_1376 : i32 to vector<16xi32>
      %add3A_1378 = vector.broadcast %add3A_1375 : i32 to vector<16xi32>
      %add3A_1379 = arith.addi %broadcast_in_dim3A_1377, %add3A_1378 : vector<16xi32>
      %get3A_1380 = arith.constant 0 : i32
      %get3A_1381 = arith.index_cast %get3A_1380 : i32 to index
      %get3A_1382 = arith.index_cast %add3A_1375 : i32 to index
      %get3A_1383 = arith.constant 0 : index
      %get3A_1384 = tpu.vector_load %arg6[%get3A_1381, %get3A_1382, %get3A_1383] {strides = array<i32>} : memref<6x128x32xf32, #tpu.memory_space<vmem>>, vector<16xf32>,
      %scatter3A_1385 = arith.constant 0 : i32
      %scatter3A_1386 = arith.constant 0 : i32
      %scatter3A_1387 = arith.constant 0 : i32
      %scatter3A_1388 = arith.constant 0 : i32
      %scatter3A_1389 = tpu.memref_slice %arg7[%scatter3A_1385, %scatter3A_1386, %scatter3A_1387, %scatter3A_1388] : memref<2x4x8x129xf32, #tpu.memory_space<vmem>> -> memref<1x4x8x129xf32, #tpu.memory_space<vmem>>
      %scatter3A_1390 = tpu.memref_squeeze %scatter3A_1389 : memref<1x4x8x129xf32, #tpu.memory_space<vmem>> -> memref<4x8x129xf32, #tpu.memory_space<vmem>>
      tpu.vector_store_idx %scatter3A_1390[%select_n3A, %select_n3A_85, %add3A_1379], %get3A_1384 : memref<4x8x129xf32, #tpu.memory_space<vmem>>[vector<16xi32>, vector<16xi32>, vector<16xi32>], vector<16xf32>,
      %get3A_1391 = arith.constant 0 : i32
      %get3A_1392 = arith.index_cast %get3A_1391 : i32 to index
      %get3A_1393 = arith.index_cast %add3A_1375 : i32 to index
      %get3A_1394 = arith.constant 16 : index
      %get3A_1395 = tpu.vector_load %arg6[%get3A_1392, %get3A_1393, %get3A_1394] {strides = array<i32>} : memref<6x128x32xf32, #tpu.memory_space<vmem>>, vector<16xf32>,
      %scatter3A_1396 = arith.constant 0 : i32
      %scatter3A_1397 = arith.constant 0 : i32
      %scatter3A_1398 = arith.constant 0 : i32
      %scatter3A_1399 = arith.constant 0 : i32
      %scatter3A_1400 = tpu.memref_slice %arg7[%scatter3A_1396, %scatter3A_1397, %scatter3A_1398, %scatter3A_1399] : memref<2x4x8x129xf32, #tpu.memory_space<vmem>> -> memref<1x4x8x129xf32, #tpu.memory_space<vmem>>
      %scatter3A_1401 = tpu.memref_squeeze %scatter3A_1400 : memref<1x4x8x129xf32, #tpu.memory_space<vmem>> -> memref<4x8x129xf32, #tpu.memory_space<vmem>>
      tpu.vector_store_idx %scatter3A_1401[%select_n3A_62, %select_n3A_110, %add3A_1379], %get3A_1395 : memref<4x8x129xf32, #tpu.memory_space<vmem>>[vector<16xi32>, vector<16xi32>, vector<16xi32>], vector<16xf32>,
      %add3A_1402 = arith.constant 7 : i32
      %add3A_1403 = arith.addi %mul3A_1208, %add3A_1402 : i32
      %broadcast_in_dim3A_1404 = arith.constant 0 : i32
      %broadcast_in_dim3A_1405 = vector.broadcast %broadcast_in_dim3A_1404 : i32 to vector<16xi32>
      %add3A_1406 = vector.broadcast %add3A_1403 : i32 to vector<16xi32>
      %add3A_1407 = arith.addi %broadcast_in_dim3A_1405, %add3A_1406 : vector<16xi32>
      %get3A_1408 = arith.constant 0 : i32
      %get3A_1409 = arith.index_cast %get3A_1408 : i32 to index
      %get3A_1410 = arith.index_cast %add3A_1403 : i32 to index
      %get3A_1411 = arith.constant 0 : index
      %get3A_1412 = tpu.vector_load %arg6[%get3A_1409, %get3A_1410, %get3A_1411] {strides = array<i32>} : memref<6x128x32xf32, #tpu.memory_space<vmem>>, vector<16xf32>,
      %scatter3A_1413 = arith.constant 0 : i32
      %scatter3A_1414 = arith.constant 0 : i32
      %scatter3A_1415 = arith.constant 0 : i32
      %scatter3A_1416 = arith.constant 0 : i32
      %scatter3A_1417 = tpu.memref_slice %arg7[%scatter3A_1413, %scatter3A_1414, %scatter3A_1415, %scatter3A_1416] : memref<2x4x8x129xf32, #tpu.memory_space<vmem>> -> memref<1x4x8x129xf32, #tpu.memory_space<vmem>>
      %scatter3A_1418 = tpu.memref_squeeze %scatter3A_1417 : memref<1x4x8x129xf32, #tpu.memory_space<vmem>> -> memref<4x8x129xf32, #tpu.memory_space<vmem>>
      tpu.vector_store_idx %scatter3A_1418[%select_n3A, %select_n3A_85, %add3A_1407], %get3A_1412 : memref<4x8x129xf32, #tpu.memory_space<vmem>>[vector<16xi32>, vector<16xi32>, vector<16xi32>], vector<16xf32>,
      %get3A_1419 = arith.constant 0 : i32
      %get3A_1420 = arith.index_cast %get3A_1419 : i32 to index
      %get3A_1421 = arith.index_cast %add3A_1403 : i32 to index
      %get3A_1422 = arith.constant 16 : index
      %get3A_1423 = tpu.vector_load %arg6[%get3A_1420, %get3A_1421, %get3A_1422] {strides = array<i32>} : memref<6x128x32xf32, #tpu.memory_space<vmem>>, vector<16xf32>,
      %scatter3A_1424 = arith.constant 0 : i32
      %scatter3A_1425 = arith.constant 0 : i32
      %scatter3A_1426 = arith.constant 0 : i32
      %scatter3A_1427 = arith.constant 0 : i32
      %scatter3A_1428 = tpu.memref_slice %arg7[%scatter3A_1424, %scatter3A_1425, %scatter3A_1426, %scatter3A_1427] : memref<2x4x8x129xf32, #tpu.memory_space<vmem>> -> memref<1x4x8x129xf32, #tpu.memory_space<vmem>>
      %scatter3A_1429 = tpu.memref_squeeze %scatter3A_1428 : memref<1x4x8x129xf32, #tpu.memory_space<vmem>> -> memref<4x8x129xf32, #tpu.memory_space<vmem>>
      tpu.vector_store_idx %scatter3A_1429[%select_n3A_62, %select_n3A_110, %add3A_1407], %get3A_1423 : memref<4x8x129xf32, #tpu.memory_space<vmem>>[vector<16xi32>, vector<16xi32>, vector<16xi32>], vector<16xf32>,
    }
    %scan3A_872 = arith.constant 16 : i32
    %add3A_873 = arith.constant 102 : i32
    %add3A_874 = arith.addi %mul3A_2, %add3A_873 : i32
    %jit3A_875 = arith.constant 128 : i32
    %div3A_876 = arith.divsi %add3A_874, %jit3A_875 : i32
    %sign3A_877 = arith.constant 0 : i32
    %sign3A_878 = arith.cmpi sgt, %add3A_874, %sign3A_877 : i32
    %sign3A_879 = arith.extui %sign3A_878 : i1 to i32
    %sign3A_880 = arith.constant 0 : i32
    %sign3A_881 = arith.cmpi slt, %add3A_874, %sign3A_880 : i32
    %sign3A_882 = arith.extui %sign3A_881 : i1 to i32
    %sign3A_883 = arith.subi %sign3A_879, %sign3A_882 : i32
    %sign3A_884 = arith.constant 0 : i32
    %sign3A_885 = arith.cmpi sgt, %jit3A_875, %sign3A_884 : i32
    %sign3A_886 = arith.extui %sign3A_885 : i1 to i32
    %sign3A_887 = arith.constant 0 : i32
    %sign3A_888 = arith.cmpi slt, %jit3A_875, %sign3A_887 : i32
    %sign3A_889 = arith.extui %sign3A_888 : i1 to i32
    %sign3A_890 = arith.subi %sign3A_886, %sign3A_889 : i32
    %ne3A_891 = arith.cmpi ne, %sign3A_883, %sign3A_890 : i32
    %rem3A_892 = arith.remsi %add3A_874, %jit3A_875 : i32
    %ne3A_893 = arith.constant 0 : i32
    %ne3A_894 = arith.cmpi ne, %rem3A_892, %ne3A_893 : i32
    %and3A_895 = arith.andi %ne3A_891, %ne3A_894 : i1
    %sub3A_896 = arith.constant 1 : i32
    %sub3A_897 = arith.subi %div3A_876, %sub3A_896 : i32
    %select_n3A_898 = arith.select %and3A_895, %sub3A_897, %div3A_876 : i32
    %jit3A_899 = arith.constant 128 : i32
    %eq3A_900 = arith.constant 0 : i32
    %eq3A_901 = arith.cmpi eq, %jit3A_899, %eq3A_900 : i32
    %jit3A_902 = arith.constant 1 : i32
    %select_n3A_903 = arith.select %eq3A_901, %jit3A_902, %jit3A_899 : i32
    %rem3A_904 = arith.remsi %add3A_874, %select_n3A_903 : i32
    %ne3A_905 = arith.constant 0 : i32
    %ne3A_906 = arith.cmpi ne, %rem3A_904, %ne3A_905 : i32
    %lt3A_907 = arith.constant 0 : i32
    %lt3A_908 = arith.cmpi slt, %rem3A_904, %lt3A_907 : i32
    %lt3A_909 = arith.constant 0 : i32
    %lt3A_910 = arith.cmpi slt, %select_n3A_903, %lt3A_909 : i32
    %ne3A_911 = arith.xori %lt3A_908, %lt3A_910 : i1
    %and3A_912 = arith.andi %ne3A_911, %ne3A_906 : i1
    %add3A_913 = arith.addi %rem3A_904, %select_n3A_903 : i32
    %select_n3A_914 = arith.select %and3A_912, %add3A_913, %rem3A_904 : i32
    %dma_start3A_915 = arith.constant 0 : i32
    %dma_start3A_916 = arith.constant 0 : i32
    %dma_start3A_917 = arith.constant 0 : i32
    %dma_start3A_918 = arith.constant 0 : i32
    %dma_start3A_919 = tpu.memref_slice %arg7[%dma_start3A_915, %dma_start3A_916, %dma_start3A_917, %dma_start3A_918] : memref<2x4x8x129xf32, #tpu.memory_space<vmem>> -> memref<1x4x8x128xf32, #tpu.memory_space<vmem>>
    %dma_start3A_920 = tpu.memref_squeeze %dma_start3A_919 : memref<1x4x8x128xf32, #tpu.memory_space<vmem>> -> memref<4x8x128xf32, #tpu.memory_space<vmem>>
    %dma_start3A_921 = arith.constant 0 : i32
    %dma_start3A_922 = arith.constant 0 : i32
    %dma_start3A_923 = arith.constant 0 : i32
    %dma_start3A_924 = tpu.memref_slice %arg4[%select_n3A_898, %dma_start3A_921, %select_n3A_914, %dma_start3A_922, %dma_start3A_923] : memref<26x4x128x8x128xf32, #tpu.memory_space<hbm>> -> memref<1x4x1x8x128xf32, #tpu.memory_space<hbm>>
    %dma_start3A_925 = tpu.memref_squeeze %dma_start3A_924 : memref<1x4x1x8x128xf32, #tpu.memory_space<hbm>> -> memref<4x8x128xf32, #tpu.memory_space<hbm>>
    %dma_start3A_926 = arith.constant 0 : i32
    %dma_start3A_927 = arith.constant 0 : i32
    %dma_start3A_928 = arith.constant 0 : i32
    %dma_start3A_929 = tpu.memref_slice %arg4[%select_n3A_898, %dma_start3A_926, %select_n3A_914, %dma_start3A_927, %dma_start3A_928] : memref<26x4x128x8x128xf32, #tpu.memory_space<hbm>> -> memref<1x4x1x8x128xf32, #tpu.memory_space<hbm>>
    %dma_start3A_930 = tpu.memref_squeeze %dma_start3A_929 : memref<1x4x1x8x128xf32, #tpu.memory_space<hbm>> -> memref<4x8x128xf32, #tpu.memory_space<hbm>>
    %dma_start3A_931 = arith.constant 0 : i32
    %dma_start3A_932 = arith.constant 0 : i32
    %dma_start3A_933 = arith.constant 0 : i32
    %dma_start3A_934 = tpu.memref_slice %arg7[%dma_start3A_915, %dma_start3A_931, %dma_start3A_932, %dma_start3A_933] : memref<2x4x8x129xf32, #tpu.memory_space<vmem>> -> memref<1x4x8x128xf32, #tpu.memory_space<vmem>>
    %dma_start3A_935 = tpu.memref_squeeze %dma_start3A_934 : memref<1x4x8x128xf32, #tpu.memory_space<vmem>> -> memref<4x8x128xf32, #tpu.memory_space<vmem>>
    tpu.enqueue_dma source(%dma_start3A_935 : memref<4x8x128xf32, #tpu.memory_space<vmem>>) target(%dma_start3A_930 : memref<4x8x128xf32, #tpu.memory_space<hbm>>) target_semaphore(%arg9 : memref<!tpu.dma_semaphore, #tpu.memory_space<semaphore_mem>>)
    %add3A_936 = arith.constant 101 : i32
    %add3A_937 = arith.addi %mul3A_2, %add3A_936 : i32
    %jit3A_938 = arith.constant 128 : i32
    %div3A_939 = arith.divsi %add3A_937, %jit3A_938 : i32
    %sign3A_940 = arith.constant 0 : i32
    %sign3A_941 = arith.cmpi sgt, %add3A_937, %sign3A_940 : i32
    %sign3A_942 = arith.extui %sign3A_941 : i1 to i32
    %sign3A_943 = arith.constant 0 : i32
    %sign3A_944 = arith.cmpi slt, %add3A_937, %sign3A_943 : i32
    %sign3A_945 = arith.extui %sign3A_944 : i1 to i32
    %sign3A_946 = arith.subi %sign3A_942, %sign3A_945 : i32
    %sign3A_947 = arith.constant 0 : i32
    %sign3A_948 = arith.cmpi sgt, %jit3A_938, %sign3A_947 : i32
    %sign3A_949 = arith.extui %sign3A_948 : i1 to i32
    %sign3A_950 = arith.constant 0 : i32
    %sign3A_951 = arith.cmpi slt, %jit3A_938, %sign3A_950 : i32
    %sign3A_952 = arith.extui %sign3A_951 : i1 to i32
    %sign3A_953 = arith.subi %sign3A_949, %sign3A_952 : i32
    %ne3A_954 = arith.cmpi ne, %sign3A_946, %sign3A_953 : i32
    %rem3A_955 = arith.remsi %add3A_937, %jit3A_938 : i32
    %ne3A_956 = arith.constant 0 : i32
    %ne3A_957 = arith.cmpi ne, %rem3A_955, %ne3A_956 : i32
    %and3A_958 = arith.andi %ne3A_954, %ne3A_957 : i1
    %sub3A_959 = arith.constant 1 : i32
    %sub3A_960 = arith.subi %div3A_939, %sub3A_959 : i32
    %select_n3A_961 = arith.select %and3A_958, %sub3A_960, %div3A_939 : i32
    %jit3A_962 = arith.constant 128 : i32
    %eq3A_963 = arith.constant 0 : i32
    %eq3A_964 = arith.cmpi eq, %jit3A_962, %eq3A_963 : i32
    %jit3A_965 = arith.constant 1 : i32
    %select_n3A_966 = arith.select %eq3A_964, %jit3A_965, %jit3A_962 : i32
    %rem3A_967 = arith.remsi %add3A_937, %select_n3A_966 : i32
    %ne3A_968 = arith.constant 0 : i32
    %ne3A_969 = arith.cmpi ne, %rem3A_967, %ne3A_968 : i32
    %lt3A_970 = arith.constant 0 : i32
    %lt3A_971 = arith.cmpi slt, %rem3A_967, %lt3A_970 : i32
    %lt3A_972 = arith.constant 0 : i32
    %lt3A_973 = arith.cmpi slt, %select_n3A_966, %lt3A_972 : i32
    %ne3A_974 = arith.xori %lt3A_971, %lt3A_973 : i1
    %and3A_975 = arith.andi %ne3A_974, %ne3A_969 : i1
    %add3A_976 = arith.addi %rem3A_967, %select_n3A_966 : i32
    %select_n3A_977 = arith.select %and3A_975, %add3A_976, %rem3A_967 : i32
    %dma_wait3A_978 = arith.constant 1 : i32
    %dma_wait3A_979 = arith.constant 0 : i32
    %dma_wait3A_980 = arith.constant 0 : i32
    %dma_wait3A_981 = arith.constant 0 : i32
    %dma_wait3A_982 = tpu.memref_slice %arg7[%dma_wait3A_978, %dma_wait3A_979, %dma_wait3A_980, %dma_wait3A_981] : memref<2x4x8x129xf32, #tpu.memory_space<vmem>> -> memref<1x4x8x128xf32, #tpu.memory_space<vmem>>
    %dma_wait3A_983 = tpu.memref_squeeze %dma_wait3A_982 : memref<1x4x8x128xf32, #tpu.memory_space<vmem>> -> memref<4x8x128xf32, #tpu.memory_space<vmem>>
    %dma_wait3A_984 = arith.constant 0 : i32
    %dma_wait3A_985 = arith.constant 0 : i32
    %dma_wait3A_986 = arith.constant 0 : i32
    %dma_wait3A_987 = tpu.memref_slice %arg4[%select_n3A_961, %dma_wait3A_984, %select_n3A_977, %dma_wait3A_985, %dma_wait3A_986] : memref<26x4x128x8x128xf32, #tpu.memory_space<hbm>> -> memref<1x4x1x8x128xf32, #tpu.memory_space<hbm>>
    %dma_wait3A_988 = tpu.memref_squeeze %dma_wait3A_987 : memref<1x4x1x8x128xf32, #tpu.memory_space<hbm>> -> memref<4x8x128xf32, #tpu.memory_space<hbm>>
    %dma_wait3A_989 = arith.constant 0 : i32
    %dma_wait3A_990 = arith.constant 0 : i32
    %dma_wait3A_991 = arith.constant 0 : i32
    %dma_wait3A_992 = tpu.memref_slice %arg4[%select_n3A_961, %dma_wait3A_989, %select_n3A_977, %dma_wait3A_990, %dma_wait3A_991] : memref<26x4x128x8x128xf32, #tpu.memory_space<hbm>> -> memref<1x4x1x8x128xf32, #tpu.memory_space<hbm>>
    %dma_wait3A_993 = tpu.memref_squeeze %dma_wait3A_992 : memref<1x4x1x8x128xf32, #tpu.memory_space<hbm>> -> memref<4x8x128xf32, #tpu.memory_space<hbm>>
    %dma_wait3A_994 = arith.constant 0 : i32
    %dma_wait3A_995 = arith.constant 0 : i32
    %dma_wait3A_996 = arith.constant 0 : i32
    %dma_wait3A_997 = tpu.memref_slice %arg7[%dma_wait3A_978, %dma_wait3A_994, %dma_wait3A_995, %dma_wait3A_996] : memref<2x4x8x129xf32, #tpu.memory_space<vmem>> -> memref<1x4x8x128xf32, #tpu.memory_space<vmem>>
    %dma_wait3A_998 = tpu.memref_squeeze %dma_wait3A_997 : memref<1x4x8x128xf32, #tpu.memory_space<vmem>> -> memref<4x8x128xf32, #tpu.memory_space<vmem>>
    tpu.wait_dma2 semaphore(%arg9 : memref<!tpu.dma_semaphore, #tpu.memory_space<semaphore_mem>>) src(%dma_wait3A_998 : memref<4x8x128xf32, #tpu.memory_space<vmem>>) dst(%dma_wait3A_993 : memref<4x8x128xf32, #tpu.memory_space<hbm>>)
    %dma_wait3A_999 = arith.constant 103 : i32
    %dma_wait3A_1000 = arith.constant 1 : i32
    %dma_wait3A_1001 = arith.constant 0 : i32
    %dma_wait3A_1002 = arith.constant 0 : i32
    %dma_wait3A_1003 = tpu.memref_slice %arg6[%dma_wait3A_1000, %dma_wait3A_1001, %dma_wait3A_1002] : memref<6x128x32xf32, #tpu.memory_space<vmem>> -> memref<1x128x32xf32, #tpu.memory_space<vmem>>
    %dma_wait3A_1004 = tpu.memref_squeeze %dma_wait3A_1003 : memref<1x128x32xf32, #tpu.memory_space<vmem>> -> memref<128x32xf32, #tpu.memory_space<vmem>>
    %dma_wait3A_1005 = arith.constant 0 : i32
    %dma_wait3A_1006 = tpu.memref_slice %arg5[%dma_wait3A_999, %dma_wait3A_1005] : memref<104x128xi32, #tpu.memory_space<vmem>> -> memref<1x128xi32, #tpu.memory_space<vmem>>
    %dma_wait3A_1007 = tpu.memref_squeeze %dma_wait3A_1006 : memref<1x128xi32, #tpu.memory_space<vmem>> -> memref<128xi32, #tpu.memory_space<vmem>>
    %dma_wait3A_1008 = arith.constant 0 : i32
    %dma_wait3A_1009 = arith.constant 0 : i32
    %dma_wait3A_1010 = tpu.memref_slice %arg2[%dma_wait3A_1008, %dma_wait3A_1009] : memref<4000000x32xf32, #tpu.memory_space<hbm>> -> memref<4000000x32xf32, #tpu.memory_space<hbm>>
    tpu.wait_indirect_dma semaphore(%arg8 : memref<!tpu.dma_semaphore, #tpu.memory_space<semaphore_mem>>) src(%dma_wait3A_1010 : memref<4000000x32xf32, #tpu.memory_space<hbm>>) dst(%dma_wait3A_1004 : memref<128x32xf32, #tpu.memory_space<vmem>>)
    %scan3A_1011 = arith.constant 0 : i32
    %scan3A_1012 = arith.constant 0 : i32
    %scan3A_1013 = arith.constant 16 : i32
    %scan3A_1014 = arith.addi %scan3A_1012, %scan3A_1013 : i32
    %scan3A_1015 = arith.constant 1 : i32
    scf.for %scan3A_1206 = %scan3A_1012 to %scan3A_1014 step %scan3A_1015  : i32 {
      %mul3A_1207 = arith.constant 8 : i32
      %mul3A_1208 = arith.muli %scan3A_1206, %mul3A_1207 : i32
      %add3A_1209 = arith.constant 0 : i32
      %add3A_1210 = arith.addi %mul3A_1208, %add3A_1209 : i32
      %broadcast_in_dim3A = arith.constant 0 : i32
      %broadcast_in_dim3A_1211 = vector.broadcast %broadcast_in_dim3A : i32 to vector<16xi32>
      %add3A_1212 = vector.broadcast %add3A_1210 : i32 to vector<16xi32>
      %add3A_1213 = arith.addi %broadcast_in_dim3A_1211, %add3A_1212 : vector<16xi32>
      %get3A = arith.constant 1 : i32
      %get3A_1214 = arith.index_cast %get3A : i32 to index
      %get3A_1215 = arith.index_cast %add3A_1210 : i32 to index
      %get3A_1216 = arith.constant 0 : index
      %get3A_1217 = tpu.vector_load %arg6[%get3A_1214, %get3A_1215, %get3A_1216] {strides = array<i32>} : memref<6x128x32xf32, #tpu.memory_space<vmem>>, vector<16xf32>,
      %scatter3A = arith.constant 1 : i32
      %scatter3A_1218 = arith.constant 0 : i32
      %scatter3A_1219 = arith.constant 0 : i32
      %scatter3A_1220 = arith.constant 0 : i32
      %scatter3A_1221 = tpu.memref_slice %arg7[%scatter3A, %scatter3A_1218, %scatter3A_1219, %scatter3A_1220] : memref<2x4x8x129xf32, #tpu.memory_space<vmem>> -> memref<1x4x8x129xf32, #tpu.memory_space<vmem>>
      %scatter3A_1222 = tpu.memref_squeeze %scatter3A_1221 : memref<1x4x8x129xf32, #tpu.memory_space<vmem>> -> memref<4x8x129xf32, #tpu.memory_space<vmem>>
      tpu.vector_store_idx %scatter3A_1222[%select_n3A, %select_n3A_85, %add3A_1213], %get3A_1217 : memref<4x8x129xf32, #tpu.memory_space<vmem>>[vector<16xi32>, vector<16xi32>, vector<16xi32>], vector<16xf32>,
      %get3A_1223 = arith.constant 1 : i32
      %get3A_1224 = arith.index_cast %get3A_1223 : i32 to index
      %get3A_1225 = arith.index_cast %add3A_1210 : i32 to index
      %get3A_1226 = arith.constant 16 : index
      %get3A_1227 = tpu.vector_load %arg6[%get3A_1224, %get3A_1225, %get3A_1226] {strides = array<i32>} : memref<6x128x32xf32, #tpu.memory_space<vmem>>, vector<16xf32>,
      %scatter3A_1228 = arith.constant 1 : i32
      %scatter3A_1229 = arith.constant 0 : i32
      %scatter3A_1230 = arith.constant 0 : i32
      %scatter3A_1231 = arith.constant 0 : i32
      %scatter3A_1232 = tpu.memref_slice %arg7[%scatter3A_1228, %scatter3A_1229, %scatter3A_1230, %scatter3A_1231] : memref<2x4x8x129xf32, #tpu.memory_space<vmem>> -> memref<1x4x8x129xf32, #tpu.memory_space<vmem>>
      %scatter3A_1233 = tpu.memref_squeeze %scatter3A_1232 : memref<1x4x8x129xf32, #tpu.memory_space<vmem>> -> memref<4x8x129xf32, #tpu.memory_space<vmem>>
      tpu.vector_store_idx %scatter3A_1233[%select_n3A_62, %select_n3A_110, %add3A_1213], %get3A_1227 : memref<4x8x129xf32, #tpu.memory_space<vmem>>[vector<16xi32>, vector<16xi32>, vector<16xi32>], vector<16xf32>,
      %add3A_1234 = arith.constant 1 : i32
      %add3A_1235 = arith.addi %mul3A_1208, %add3A_1234 : i32
      %broadcast_in_dim3A_1236 = arith.constant 0 : i32
      %broadcast_in_dim3A_1237 = vector.broadcast %broadcast_in_dim3A_1236 : i32 to vector<16xi32>
      %add3A_1238 = vector.broadcast %add3A_1235 : i32 to vector<16xi32>
      %add3A_1239 = arith.addi %broadcast_in_dim3A_1237, %add3A_1238 : vector<16xi32>
      %get3A_1240 = arith.constant 1 : i32
      %get3A_1241 = arith.index_cast %get3A_1240 : i32 to index
      %get3A_1242 = arith.index_cast %add3A_1235 : i32 to index
      %get3A_1243 = arith.constant 0 : index
      %get3A_1244 = tpu.vector_load %arg6[%get3A_1241, %get3A_1242, %get3A_1243] {strides = array<i32>} : memref<6x128x32xf32, #tpu.memory_space<vmem>>, vector<16xf32>,
      %scatter3A_1245 = arith.constant 1 : i32
      %scatter3A_1246 = arith.constant 0 : i32
      %scatter3A_1247 = arith.constant 0 : i32
      %scatter3A_1248 = arith.constant 0 : i32
      %scatter3A_1249 = tpu.memref_slice %arg7[%scatter3A_1245, %scatter3A_1246, %scatter3A_1247, %scatter3A_1248] : memref<2x4x8x129xf32, #tpu.memory_space<vmem>> -> memref<1x4x8x129xf32, #tpu.memory_space<vmem>>
      %scatter3A_1250 = tpu.memref_squeeze %scatter3A_1249 : memref<1x4x8x129xf32, #tpu.memory_space<vmem>> -> memref<4x8x129xf32, #tpu.memory_space<vmem>>
      tpu.vector_store_idx %scatter3A_1250[%select_n3A, %select_n3A_85, %add3A_1239], %get3A_1244 : memref<4x8x129xf32, #tpu.memory_space<vmem>>[vector<16xi32>, vector<16xi32>, vector<16xi32>], vector<16xf32>,
      %get3A_1251 = arith.constant 1 : i32
      %get3A_1252 = arith.index_cast %get3A_1251 : i32 to index
      %get3A_1253 = arith.index_cast %add3A_1235 : i32 to index
      %get3A_1254 = arith.constant 16 : index
      %get3A_1255 = tpu.vector_load %arg6[%get3A_1252, %get3A_1253, %get3A_1254] {strides = array<i32>} : memref<6x128x32xf32, #tpu.memory_space<vmem>>, vector<16xf32>,
      %scatter3A_1256 = arith.constant 1 : i32
      %scatter3A_1257 = arith.constant 0 : i32
      %scatter3A_1258 = arith.constant 0 : i32
      %scatter3A_1259 = arith.constant 0 : i32
      %scatter3A_1260 = tpu.memref_slice %arg7[%scatter3A_1256, %scatter3A_1257, %scatter3A_1258, %scatter3A_1259] : memref<2x4x8x129xf32, #tpu.memory_space<vmem>> -> memref<1x4x8x129xf32, #tpu.memory_space<vmem>>
      %scatter3A_1261 = tpu.memref_squeeze %scatter3A_1260 : memref<1x4x8x129xf32, #tpu.memory_space<vmem>> -> memref<4x8x129xf32, #tpu.memory_space<vmem>>
      tpu.vector_store_idx %scatter3A_1261[%select_n3A_62, %select_n3A_110, %add3A_1239], %get3A_1255 : memref<4x8x129xf32, #tpu.memory_space<vmem>>[vector<16xi32>, vector<16xi32>, vector<16xi32>], vector<16xf32>,
      %add3A_1262 = arith.constant 2 : i32
      %add3A_1263 = arith.addi %mul3A_1208, %add3A_1262 : i32
      %broadcast_in_dim3A_1264 = arith.constant 0 : i32
      %broadcast_in_dim3A_1265 = vector.broadcast %broadcast_in_dim3A_1264 : i32 to vector<16xi32>
      %add3A_1266 = vector.broadcast %add3A_1263 : i32 to vector<16xi32>
      %add3A_1267 = arith.addi %broadcast_in_dim3A_1265, %add3A_1266 : vector<16xi32>
      %get3A_1268 = arith.constant 1 : i32
      %get3A_1269 = arith.index_cast %get3A_1268 : i32 to index
      %get3A_1270 = arith.index_cast %add3A_1263 : i32 to index
      %get3A_1271 = arith.constant 0 : index
      %get3A_1272 = tpu.vector_load %arg6[%get3A_1269, %get3A_1270, %get3A_1271] {strides = array<i32>} : memref<6x128x32xf32, #tpu.memory_space<vmem>>, vector<16xf32>,
      %scatter3A_1273 = arith.constant 1 : i32
      %scatter3A_1274 = arith.constant 0 : i32
      %scatter3A_1275 = arith.constant 0 : i32
      %scatter3A_1276 = arith.constant 0 : i32
      %scatter3A_1277 = tpu.memref_slice %arg7[%scatter3A_1273, %scatter3A_1274, %scatter3A_1275, %scatter3A_1276] : memref<2x4x8x129xf32, #tpu.memory_space<vmem>> -> memref<1x4x8x129xf32, #tpu.memory_space<vmem>>
      %scatter3A_1278 = tpu.memref_squeeze %scatter3A_1277 : memref<1x4x8x129xf32, #tpu.memory_space<vmem>> -> memref<4x8x129xf32, #tpu.memory_space<vmem>>
      tpu.vector_store_idx %scatter3A_1278[%select_n3A, %select_n3A_85, %add3A_1267], %get3A_1272 : memref<4x8x129xf32, #tpu.memory_space<vmem>>[vector<16xi32>, vector<16xi32>, vector<16xi32>], vector<16xf32>,
      %get3A_1279 = arith.constant 1 : i32
      %get3A_1280 = arith.index_cast %get3A_1279 : i32 to index
      %get3A_1281 = arith.index_cast %add3A_1263 : i32 to index
      %get3A_1282 = arith.constant 16 : index
      %get3A_1283 = tpu.vector_load %arg6[%get3A_1280, %get3A_1281, %get3A_1282] {strides = array<i32>} : memref<6x128x32xf32, #tpu.memory_space<vmem>>, vector<16xf32>,
      %scatter3A_1284 = arith.constant 1 : i32
      %scatter3A_1285 = arith.constant 0 : i32
      %scatter3A_1286 = arith.constant 0 : i32
      %scatter3A_1287 = arith.constant 0 : i32
      %scatter3A_1288 = tpu.memref_slice %arg7[%scatter3A_1284, %scatter3A_1285, %scatter3A_1286, %scatter3A_1287] : memref<2x4x8x129xf32, #tpu.memory_space<vmem>> -> memref<1x4x8x129xf32, #tpu.memory_space<vmem>>
      %scatter3A_1289 = tpu.memref_squeeze %scatter3A_1288 : memref<1x4x8x129xf32, #tpu.memory_space<vmem>> -> memref<4x8x129xf32, #tpu.memory_space<vmem>>
      tpu.vector_store_idx %scatter3A_1289[%select_n3A_62, %select_n3A_110, %add3A_1267], %get3A_1283 : memref<4x8x129xf32, #tpu.memory_space<vmem>>[vector<16xi32>, vector<16xi32>, vector<16xi32>], vector<16xf32>,
      %add3A_1290 = arith.constant 3 : i32
      %add3A_1291 = arith.addi %mul3A_1208, %add3A_1290 : i32
      %broadcast_in_dim3A_1292 = arith.constant 0 : i32
      %broadcast_in_dim3A_1293 = vector.broadcast %broadcast_in_dim3A_1292 : i32 to vector<16xi32>
      %add3A_1294 = vector.broadcast %add3A_1291 : i32 to vector<16xi32>
      %add3A_1295 = arith.addi %broadcast_in_dim3A_1293, %add3A_1294 : vector<16xi32>
      %get3A_1296 = arith.constant 1 : i32
      %get3A_1297 = arith.index_cast %get3A_1296 : i32 to index
      %get3A_1298 = arith.index_cast %add3A_1291 : i32 to index
      %get3A_1299 = arith.constant 0 : index
      %get3A_1300 = tpu.vector_load %arg6[%get3A_1297, %get3A_1298, %get3A_1299] {strides = array<i32>} : memref<6x128x32xf32, #tpu.memory_space<vmem>>, vector<16xf32>,
      %scatter3A_1301 = arith.constant 1 : i32
      %scatter3A_1302 = arith.constant 0 : i32
      %scatter3A_1303 = arith.constant 0 : i32
      %scatter3A_1304 = arith.constant 0 : i32
      %scatter3A_1305 = tpu.memref_slice %arg7[%scatter3A_1301, %scatter3A_1302, %scatter3A_1303, %scatter3A_1304] : memref<2x4x8x129xf32, #tpu.memory_space<vmem>> -> memref<1x4x8x129xf32, #tpu.memory_space<vmem>>
      %scatter3A_1306 = tpu.memref_squeeze %scatter3A_1305 : memref<1x4x8x129xf32, #tpu.memory_space<vmem>> -> memref<4x8x129xf32, #tpu.memory_space<vmem>>
      tpu.vector_store_idx %scatter3A_1306[%select_n3A, %select_n3A_85, %add3A_1295], %get3A_1300 : memref<4x8x129xf32, #tpu.memory_space<vmem>>[vector<16xi32>, vector<16xi32>, vector<16xi32>], vector<16xf32>,
      %get3A_1307 = arith.constant 1 : i32
      %get3A_1308 = arith.index_cast %get3A_1307 : i32 to index
      %get3A_1309 = arith.index_cast %add3A_1291 : i32 to index
      %get3A_1310 = arith.constant 16 : index
      %get3A_1311 = tpu.vector_load %arg6[%get3A_1308, %get3A_1309, %get3A_1310] {strides = array<i32>} : memref<6x128x32xf32, #tpu.memory_space<vmem>>, vector<16xf32>,
      %scatter3A_1312 = arith.constant 1 : i32
      %scatter3A_1313 = arith.constant 0 : i32
      %scatter3A_1314 = arith.constant 0 : i32
      %scatter3A_1315 = arith.constant 0 : i32
      %scatter3A_1316 = tpu.memref_slice %arg7[%scatter3A_1312, %scatter3A_1313, %scatter3A_1314, %scatter3A_1315] : memref<2x4x8x129xf32, #tpu.memory_space<vmem>> -> memref<1x4x8x129xf32, #tpu.memory_space<vmem>>
      %scatter3A_1317 = tpu.memref_squeeze %scatter3A_1316 : memref<1x4x8x129xf32, #tpu.memory_space<vmem>> -> memref<4x8x129xf32, #tpu.memory_space<vmem>>
      tpu.vector_store_idx %scatter3A_1317[%select_n3A_62, %select_n3A_110, %add3A_1295], %get3A_1311 : memref<4x8x129xf32, #tpu.memory_space<vmem>>[vector<16xi32>, vector<16xi32>, vector<16xi32>], vector<16xf32>,
      %add3A_1318 = arith.constant 4 : i32
      %add3A_1319 = arith.addi %mul3A_1208, %add3A_1318 : i32
      %broadcast_in_dim3A_1320 = arith.constant 0 : i32
      %broadcast_in_dim3A_1321 = vector.broadcast %broadcast_in_dim3A_1320 : i32 to vector<16xi32>
      %add3A_1322 = vector.broadcast %add3A_1319 : i32 to vector<16xi32>
      %add3A_1323 = arith.addi %broadcast_in_dim3A_1321, %add3A_1322 : vector<16xi32>
      %get3A_1324 = arith.constant 1 : i32
      %get3A_1325 = arith.index_cast %get3A_1324 : i32 to index
      %get3A_1326 = arith.index_cast %add3A_1319 : i32 to index
      %get3A_1327 = arith.constant 0 : index
      %get3A_1328 = tpu.vector_load %arg6[%get3A_1325, %get3A_1326, %get3A_1327] {strides = array<i32>} : memref<6x128x32xf32, #tpu.memory_space<vmem>>, vector<16xf32>,
      %scatter3A_1329 = arith.constant 1 : i32
      %scatter3A_1330 = arith.constant 0 : i32
      %scatter3A_1331 = arith.constant 0 : i32
      %scatter3A_1332 = arith.constant 0 : i32
      %scatter3A_1333 = tpu.memref_slice %arg7[%scatter3A_1329, %scatter3A_1330, %scatter3A_1331, %scatter3A_1332] : memref<2x4x8x129xf32, #tpu.memory_space<vmem>> -> memref<1x4x8x129xf32, #tpu.memory_space<vmem>>
      %scatter3A_1334 = tpu.memref_squeeze %scatter3A_1333 : memref<1x4x8x129xf32, #tpu.memory_space<vmem>> -> memref<4x8x129xf32, #tpu.memory_space<vmem>>
      tpu.vector_store_idx %scatter3A_1334[%select_n3A, %select_n3A_85, %add3A_1323], %get3A_1328 : memref<4x8x129xf32, #tpu.memory_space<vmem>>[vector<16xi32>, vector<16xi32>, vector<16xi32>], vector<16xf32>,
      %get3A_1335 = arith.constant 1 : i32
      %get3A_1336 = arith.index_cast %get3A_1335 : i32 to index
      %get3A_1337 = arith.index_cast %add3A_1319 : i32 to index
      %get3A_1338 = arith.constant 16 : index
      %get3A_1339 = tpu.vector_load %arg6[%get3A_1336, %get3A_1337, %get3A_1338] {strides = array<i32>} : memref<6x128x32xf32, #tpu.memory_space<vmem>>, vector<16xf32>,
      %scatter3A_1340 = arith.constant 1 : i32
      %scatter3A_1341 = arith.constant 0 : i32
      %scatter3A_1342 = arith.constant 0 : i32
      %scatter3A_1343 = arith.constant 0 : i32
      %scatter3A_1344 = tpu.memref_slice %arg7[%scatter3A_1340, %scatter3A_1341, %scatter3A_1342, %scatter3A_1343] : memref<2x4x8x129xf32, #tpu.memory_space<vmem>> -> memref<1x4x8x129xf32, #tpu.memory_space<vmem>>
      %scatter3A_1345 = tpu.memref_squeeze %scatter3A_1344 : memref<1x4x8x129xf32, #tpu.memory_space<vmem>> -> memref<4x8x129xf32, #tpu.memory_space<vmem>>
      tpu.vector_store_idx %scatter3A_1345[%select_n3A_62, %select_n3A_110, %add3A_1323], %get3A_1339 : memref<4x8x129xf32, #tpu.memory_space<vmem>>[vector<16xi32>, vector<16xi32>, vector<16xi32>], vector<16xf32>,
      %add3A_1346 = arith.constant 5 : i32
      %add3A_1347 = arith.addi %mul3A_1208, %add3A_1346 : i32
      %broadcast_in_dim3A_1348 = arith.constant 0 : i32
      %broadcast_in_dim3A_1349 = vector.broadcast %broadcast_in_dim3A_1348 : i32 to vector<16xi32>
      %add3A_1350 = vector.broadcast %add3A_1347 : i32 to vector<16xi32>
      %add3A_1351 = arith.addi %broadcast_in_dim3A_1349, %add3A_1350 : vector<16xi32>
      %get3A_1352 = arith.constant 1 : i32
      %get3A_1353 = arith.index_cast %get3A_1352 : i32 to index
      %get3A_1354 = arith.index_cast %add3A_1347 : i32 to index
      %get3A_1355 = arith.constant 0 : index
      %get3A_1356 = tpu.vector_load %arg6[%get3A_1353, %get3A_1354, %get3A_1355] {strides = array<i32>} : memref<6x128x32xf32, #tpu.memory_space<vmem>>, vector<16xf32>,
      %scatter3A_1357 = arith.constant 1 : i32
      %scatter3A_1358 = arith.constant 0 : i32
      %scatter3A_1359 = arith.constant 0 : i32
      %scatter3A_1360 = arith.constant 0 : i32
      %scatter3A_1361 = tpu.memref_slice %arg7[%scatter3A_1357, %scatter3A_1358, %scatter3A_1359, %scatter3A_1360] : memref<2x4x8x129xf32, #tpu.memory_space<vmem>> -> memref<1x4x8x129xf32, #tpu.memory_space<vmem>>
      %scatter3A_1362 = tpu.memref_squeeze %scatter3A_1361 : memref<1x4x8x129xf32, #tpu.memory_space<vmem>> -> memref<4x8x129xf32, #tpu.memory_space<vmem>>
      tpu.vector_store_idx %scatter3A_1362[%select_n3A, %select_n3A_85, %add3A_1351], %get3A_1356 : memref<4x8x129xf32, #tpu.memory_space<vmem>>[vector<16xi32>, vector<16xi32>, vector<16xi32>], vector<16xf32>,
      %get3A_1363 = arith.constant 1 : i32
      %get3A_1364 = arith.index_cast %get3A_1363 : i32 to index
      %get3A_1365 = arith.index_cast %add3A_1347 : i32 to index
      %get3A_1366 = arith.constant 16 : index
      %get3A_1367 = tpu.vector_load %arg6[%get3A_1364, %get3A_1365, %get3A_1366] {strides = array<i32>} : memref<6x128x32xf32, #tpu.memory_space<vmem>>, vector<16xf32>,
      %scatter3A_1368 = arith.constant 1 : i32
      %scatter3A_1369 = arith.constant 0 : i32
      %scatter3A_1370 = arith.constant 0 : i32
      %scatter3A_1371 = arith.constant 0 : i32
      %scatter3A_1372 = tpu.memref_slice %arg7[%scatter3A_1368, %scatter3A_1369, %scatter3A_1370, %scatter3A_1371] : memref<2x4x8x129xf32, #tpu.memory_space<vmem>> -> memref<1x4x8x129xf32, #tpu.memory_space<vmem>>
      %scatter3A_1373 = tpu.memref_squeeze %scatter3A_1372 : memref<1x4x8x129xf32, #tpu.memory_space<vmem>> -> memref<4x8x129xf32, #tpu.memory_space<vmem>>
      tpu.vector_store_idx %scatter3A_1373[%select_n3A_62, %select_n3A_110, %add3A_1351], %get3A_1367 : memref<4x8x129xf32, #tpu.memory_space<vmem>>[vector<16xi32>, vector<16xi32>, vector<16xi32>], vector<16xf32>,
      %add3A_1374 = arith.constant 6 : i32
      %add3A_1375 = arith.addi %mul3A_1208, %add3A_1374 : i32
      %broadcast_in_dim3A_1376 = arith.constant 0 : i32
      %broadcast_in_dim3A_1377 = vector.broadcast %broadcast_in_dim3A_1376 : i32 to vector<16xi32>
      %add3A_1378 = vector.broadcast %add3A_1375 : i32 to vector<16xi32>
      %add3A_1379 = arith.addi %broadcast_in_dim3A_1377, %add3A_1378 : vector<16xi32>
      %get3A_1380 = arith.constant 1 : i32
      %get3A_1381 = arith.index_cast %get3A_1380 : i32 to index
      %get3A_1382 = arith.index_cast %add3A_1375 : i32 to index
      %get3A_1383 = arith.constant 0 : index
      %get3A_1384 = tpu.vector_load %arg6[%get3A_1381, %get3A_1382, %get3A_1383] {strides = array<i32>} : memref<6x128x32xf32, #tpu.memory_space<vmem>>, vector<16xf32>,
      %scatter3A_1385 = arith.constant 1 : i32
      %scatter3A_1386 = arith.constant 0 : i32
      %scatter3A_1387 = arith.constant 0 : i32
      %scatter3A_1388 = arith.constant 0 : i32
      %scatter3A_1389 = tpu.memref_slice %arg7[%scatter3A_1385, %scatter3A_1386, %scatter3A_1387, %scatter3A_1388] : memref<2x4x8x129xf32, #tpu.memory_space<vmem>> -> memref<1x4x8x129xf32, #tpu.memory_space<vmem>>
      %scatter3A_1390 = tpu.memref_squeeze %scatter3A_1389 : memref<1x4x8x129xf32, #tpu.memory_space<vmem>> -> memref<4x8x129xf32, #tpu.memory_space<vmem>>
      tpu.vector_store_idx %scatter3A_1390[%select_n3A, %select_n3A_85, %add3A_1379], %get3A_1384 : memref<4x8x129xf32, #tpu.memory_space<vmem>>[vector<16xi32>, vector<16xi32>, vector<16xi32>], vector<16xf32>,
      %get3A_1391 = arith.constant 1 : i32
      %get3A_1392 = arith.index_cast %get3A_1391 : i32 to index
      %get3A_1393 = arith.index_cast %add3A_1375 : i32 to index
      %get3A_1394 = arith.constant 16 : index
      %get3A_1395 = tpu.vector_load %arg6[%get3A_1392, %get3A_1393, %get3A_1394] {strides = array<i32>} : memref<6x128x32xf32, #tpu.memory_space<vmem>>, vector<16xf32>,
      %scatter3A_1396 = arith.constant 1 : i32
      %scatter3A_1397 = arith.constant 0 : i32
      %scatter3A_1398 = arith.constant 0 : i32
      %scatter3A_1399 = arith.constant 0 : i32
      %scatter3A_1400 = tpu.memref_slice %arg7[%scatter3A_1396, %scatter3A_1397, %scatter3A_1398, %scatter3A_1399] : memref<2x4x8x129xf32, #tpu.memory_space<vmem>> -> memref<1x4x8x129xf32, #tpu.memory_space<vmem>>
      %scatter3A_1401 = tpu.memref_squeeze %scatter3A_1400 : memref<1x4x8x129xf32, #tpu.memory_space<vmem>> -> memref<4x8x129xf32, #tpu.memory_space<vmem>>
      tpu.vector_store_idx %scatter3A_1401[%select_n3A_62, %select_n3A_110, %add3A_1379], %get3A_1395 : memref<4x8x129xf32, #tpu.memory_space<vmem>>[vector<16xi32>, vector<16xi32>, vector<16xi32>], vector<16xf32>,
      %add3A_1402 = arith.constant 7 : i32
      %add3A_1403 = arith.addi %mul3A_1208, %add3A_1402 : i32
      %broadcast_in_dim3A_1404 = arith.constant 0 : i32
      %broadcast_in_dim3A_1405 = vector.broadcast %broadcast_in_dim3A_1404 : i32 to vector<16xi32>
      %add3A_1406 = vector.broadcast %add3A_1403 : i32 to vector<16xi32>
      %add3A_1407 = arith.addi %broadcast_in_dim3A_1405, %add3A_1406 : vector<16xi32>
      %get3A_1408 = arith.constant 1 : i32
      %get3A_1409 = arith.index_cast %get3A_1408 : i32 to index
      %get3A_1410 = arith.index_cast %add3A_1403 : i32 to index
      %get3A_1411 = arith.constant 0 : index
      %get3A_1412 = tpu.vector_load %arg6[%get3A_1409, %get3A_1410, %get3A_1411] {strides = array<i32>} : memref<6x128x32xf32, #tpu.memory_space<vmem>>, vector<16xf32>,
      %scatter3A_1413 = arith.constant 1 : i32
      %scatter3A_1414 = arith.constant 0 : i32
      %scatter3A_1415 = arith.constant 0 : i32
      %scatter3A_1416 = arith.constant 0 : i32
      %scatter3A_1417 = tpu.memref_slice %arg7[%scatter3A_1413, %scatter3A_1414, %scatter3A_1415, %scatter3A_1416] : memref<2x4x8x129xf32, #tpu.memory_space<vmem>> -> memref<1x4x8x129xf32, #tpu.memory_space<vmem>>
      %scatter3A_1418 = tpu.memref_squeeze %scatter3A_1417 : memref<1x4x8x129xf32, #tpu.memory_space<vmem>> -> memref<4x8x129xf32, #tpu.memory_space<vmem>>
      tpu.vector_store_idx %scatter3A_1418[%select_n3A, %select_n3A_85, %add3A_1407], %get3A_1412 : memref<4x8x129xf32, #tpu.memory_space<vmem>>[vector<16xi32>, vector<16xi32>, vector<16xi32>], vector<16xf32>,
      %get3A_1419 = arith.constant 1 : i32
      %get3A_1420 = arith.index_cast %get3A_1419 : i32 to index
      %get3A_1421 = arith.index_cast %add3A_1403 : i32 to index
      %get3A_1422 = arith.constant 16 : index
      %get3A_1423 = tpu.vector_load %arg6[%get3A_1420, %get3A_1421, %get3A_1422] {strides = array<i32>} : memref<6x128x32xf32, #tpu.memory_space<vmem>>, vector<16xf32>,
      %scatter3A_1424 = arith.constant 1 : i32
      %scatter3A_1425 = arith.constant 0 : i32
      %scatter3A_1426 = arith.constant 0 : i32
      %scatter3A_1427 = arith.constant 0 : i32
      %scatter3A_1428 = tpu.memref_slice %arg7[%scatter3A_1424, %scatter3A_1425, %scatter3A_1426, %scatter3A_1427] : memref<2x4x8x129xf32, #tpu.memory_space<vmem>> -> memref<1x4x8x129xf32, #tpu.memory_space<vmem>>
      %scatter3A_1429 = tpu.memref_squeeze %scatter3A_1428 : memref<1x4x8x129xf32, #tpu.memory_space<vmem>> -> memref<4x8x129xf32, #tpu.memory_space<vmem>>
      tpu.vector_store_idx %scatter3A_1429[%select_n3A_62, %select_n3A_110, %add3A_1407], %get3A_1423 : memref<4x8x129xf32, #tpu.memory_space<vmem>>[vector<16xi32>, vector<16xi32>, vector<16xi32>], vector<16xf32>,
    }
    %scan3A_1016 = arith.constant 16 : i32
    %add3A_1017 = arith.constant 103 : i32
    %add3A_1018 = arith.addi %mul3A_2, %add3A_1017 : i32
    %jit3A_1019 = arith.constant 128 : i32
    %div3A_1020 = arith.divsi %add3A_1018, %jit3A_1019 : i32
    %sign3A_1021 = arith.constant 0 : i32
    %sign3A_1022 = arith.cmpi sgt, %add3A_1018, %sign3A_1021 : i32
    %sign3A_1023 = arith.extui %sign3A_1022 : i1 to i32
    %sign3A_1024 = arith.constant 0 : i32
    %sign3A_1025 = arith.cmpi slt, %add3A_1018, %sign3A_1024 : i32
    %sign3A_1026 = arith.extui %sign3A_1025 : i1 to i32
    %sign3A_1027 = arith.subi %sign3A_1023, %sign3A_1026 : i32
    %sign3A_1028 = arith.constant 0 : i32
    %sign3A_1029 = arith.cmpi sgt, %jit3A_1019, %sign3A_1028 : i32
    %sign3A_1030 = arith.extui %sign3A_1029 : i1 to i32
    %sign3A_1031 = arith.constant 0 : i32
    %sign3A_1032 = arith.cmpi slt, %jit3A_1019, %sign3A_1031 : i32
    %sign3A_1033 = arith.extui %sign3A_1032 : i1 to i32
    %sign3A_1034 = arith.subi %sign3A_1030, %sign3A_1033 : i32
    %ne3A_1035 = arith.cmpi ne, %sign3A_1027, %sign3A_1034 : i32
    %rem3A_1036 = arith.remsi %add3A_1018, %jit3A_1019 : i32
    %ne3A_1037 = arith.constant 0 : i32
    %ne3A_1038 = arith.cmpi ne, %rem3A_1036, %ne3A_1037 : i32
    %and3A_1039 = arith.andi %ne3A_1035, %ne3A_1038 : i1
    %sub3A_1040 = arith.constant 1 : i32
    %sub3A_1041 = arith.subi %div3A_1020, %sub3A_1040 : i32
    %select_n3A_1042 = arith.select %and3A_1039, %sub3A_1041, %div3A_1020 : i32
    %jit3A_1043 = arith.constant 128 : i32
    %eq3A_1044 = arith.constant 0 : i32
    %eq3A_1045 = arith.cmpi eq, %jit3A_1043, %eq3A_1044 : i32
    %jit3A_1046 = arith.constant 1 : i32
    %select_n3A_1047 = arith.select %eq3A_1045, %jit3A_1046, %jit3A_1043 : i32
    %rem3A_1048 = arith.remsi %add3A_1018, %select_n3A_1047 : i32
    %ne3A_1049 = arith.constant 0 : i32
    %ne3A_1050 = arith.cmpi ne, %rem3A_1048, %ne3A_1049 : i32
    %lt3A_1051 = arith.constant 0 : i32
    %lt3A_1052 = arith.cmpi slt, %rem3A_1048, %lt3A_1051 : i32
    %lt3A_1053 = arith.constant 0 : i32
    %lt3A_1054 = arith.cmpi slt, %select_n3A_1047, %lt3A_1053 : i32
    %ne3A_1055 = arith.xori %lt3A_1052, %lt3A_1054 : i1
    %and3A_1056 = arith.andi %ne3A_1055, %ne3A_1050 : i1
    %add3A_1057 = arith.addi %rem3A_1048, %select_n3A_1047 : i32
    %select_n3A_1058 = arith.select %and3A_1056, %add3A_1057, %rem3A_1048 : i32
    %dma_start3A_1059 = arith.constant 1 : i32
    %dma_start3A_1060 = arith.constant 0 : i32
    %dma_start3A_1061 = arith.constant 0 : i32
    %dma_start3A_1062 = arith.constant 0 : i32
    %dma_start3A_1063 = tpu.memref_slice %arg7[%dma_start3A_1059, %dma_start3A_1060, %dma_start3A_1061, %dma_start3A_1062] : memref<2x4x8x129xf32, #tpu.memory_space<vmem>> -> memref<1x4x8x128xf32, #tpu.memory_space<vmem>>
    %dma_start3A_1064 = tpu.memref_squeeze %dma_start3A_1063 : memref<1x4x8x128xf32, #tpu.memory_space<vmem>> -> memref<4x8x128xf32, #tpu.memory_space<vmem>>
    %dma_start3A_1065 = arith.constant 0 : i32
    %dma_start3A_1066 = arith.constant 0 : i32
    %dma_start3A_1067 = arith.constant 0 : i32
    %dma_start3A_1068 = tpu.memref_slice %arg4[%select_n3A_1042, %dma_start3A_1065, %select_n3A_1058, %dma_start3A_1066, %dma_start3A_1067] : memref<26x4x128x8x128xf32, #tpu.memory_space<hbm>> -> memref<1x4x1x8x128xf32, #tpu.memory_space<hbm>>
    %dma_start3A_1069 = tpu.memref_squeeze %dma_start3A_1068 : memref<1x4x1x8x128xf32, #tpu.memory_space<hbm>> -> memref<4x8x128xf32, #tpu.memory_space<hbm>>
    %dma_start3A_1070 = arith.constant 0 : i32
    %dma_start3A_1071 = arith.constant 0 : i32
    %dma_start3A_1072 = arith.constant 0 : i32
    %dma_start3A_1073 = tpu.memref_slice %arg4[%select_n3A_1042, %dma_start3A_1070, %select_n3A_1058, %dma_start3A_1071, %dma_start3A_1072] : memref<26x4x128x8x128xf32, #tpu.memory_space<hbm>> -> memref<1x4x1x8x128xf32, #tpu.memory_space<hbm>>
    %dma_start3A_1074 = tpu.memref_squeeze %dma_start3A_1073 : memref<1x4x1x8x128xf32, #tpu.memory_space<hbm>> -> memref<4x8x128xf32, #tpu.memory_space<hbm>>
    %dma_start3A_1075 = arith.constant 0 : i32
    %dma_start3A_1076 = arith.constant 0 : i32
    %dma_start3A_1077 = arith.constant 0 : i32
    %dma_start3A_1078 = tpu.memref_slice %arg7[%dma_start3A_1059, %dma_start3A_1075, %dma_start3A_1076, %dma_start3A_1077] : memref<2x4x8x129xf32, #tpu.memory_space<vmem>> -> memref<1x4x8x128xf32, #tpu.memory_space<vmem>>
    %dma_start3A_1079 = tpu.memref_squeeze %dma_start3A_1078 : memref<1x4x8x128xf32, #tpu.memory_space<vmem>> -> memref<4x8x128xf32, #tpu.memory_space<vmem>>
    tpu.enqueue_dma source(%dma_start3A_1079 : memref<4x8x128xf32, #tpu.memory_space<vmem>>) target(%dma_start3A_1074 : memref<4x8x128xf32, #tpu.memory_space<hbm>>) target_semaphore(%arg9 : memref<!tpu.dma_semaphore, #tpu.memory_space<semaphore_mem>>)
    %add3A_1080 = arith.constant 102 : i32
    %add3A_1081 = arith.addi %mul3A_2, %add3A_1080 : i32
    %jit3A_1082 = arith.constant 128 : i32
    %div3A_1083 = arith.divsi %add3A_1081, %jit3A_1082 : i32
    %sign3A_1084 = arith.constant 0 : i32
    %sign3A_1085 = arith.cmpi sgt, %add3A_1081, %sign3A_1084 : i32
    %sign3A_1086 = arith.extui %sign3A_1085 : i1 to i32
    %sign3A_1087 = arith.constant 0 : i32
    %sign3A_1088 = arith.cmpi slt, %add3A_1081, %sign3A_1087 : i32
    %sign3A_1089 = arith.extui %sign3A_1088 : i1 to i32
    %sign3A_1090 = arith.subi %sign3A_1086, %sign3A_1089 : i32
    %sign3A_1091 = arith.constant 0 : i32
    %sign3A_1092 = arith.cmpi sgt, %jit3A_1082, %sign3A_1091 : i32
    %sign3A_1093 = arith.extui %sign3A_1092 : i1 to i32
    %sign3A_1094 = arith.constant 0 : i32
    %sign3A_1095 = arith.cmpi slt, %jit3A_1082, %sign3A_1094 : i32
    %sign3A_1096 = arith.extui %sign3A_1095 : i1 to i32
    %sign3A_1097 = arith.subi %sign3A_1093, %sign3A_1096 : i32
    %ne3A_1098 = arith.cmpi ne, %sign3A_1090, %sign3A_1097 : i32
    %rem3A_1099 = arith.remsi %add3A_1081, %jit3A_1082 : i32
    %ne3A_1100 = arith.constant 0 : i32
    %ne3A_1101 = arith.cmpi ne, %rem3A_1099, %ne3A_1100 : i32
    %and3A_1102 = arith.andi %ne3A_1098, %ne3A_1101 : i1
    %sub3A_1103 = arith.constant 1 : i32
    %sub3A_1104 = arith.subi %div3A_1083, %sub3A_1103 : i32
    %select_n3A_1105 = arith.select %and3A_1102, %sub3A_1104, %div3A_1083 : i32
    %jit3A_1106 = arith.constant 128 : i32
    %eq3A_1107 = arith.constant 0 : i32
    %eq3A_1108 = arith.cmpi eq, %jit3A_1106, %eq3A_1107 : i32
    %jit3A_1109 = arith.constant 1 : i32
    %select_n3A_1110 = arith.select %eq3A_1108, %jit3A_1109, %jit3A_1106 : i32
    %rem3A_1111 = arith.remsi %add3A_1081, %select_n3A_1110 : i32
    %ne3A_1112 = arith.constant 0 : i32
    %ne3A_1113 = arith.cmpi ne, %rem3A_1111, %ne3A_1112 : i32
    %lt3A_1114 = arith.constant 0 : i32
    %lt3A_1115 = arith.cmpi slt, %rem3A_1111, %lt3A_1114 : i32
    %lt3A_1116 = arith.constant 0 : i32
    %lt3A_1117 = arith.cmpi slt, %select_n3A_1110, %lt3A_1116 : i32
    %ne3A_1118 = arith.xori %lt3A_1115, %lt3A_1117 : i1
    %and3A_1119 = arith.andi %ne3A_1118, %ne3A_1113 : i1
    %add3A_1120 = arith.addi %rem3A_1111, %select_n3A_1110 : i32
    %select_n3A_1121 = arith.select %and3A_1119, %add3A_1120, %rem3A_1111 : i32
    %dma_wait3A_1122 = arith.constant 0 : i32
    %dma_wait3A_1123 = arith.constant 0 : i32
    %dma_wait3A_1124 = arith.constant 0 : i32
    %dma_wait3A_1125 = arith.constant 0 : i32
    %dma_wait3A_1126 = tpu.memref_slice %arg7[%dma_wait3A_1122, %dma_wait3A_1123, %dma_wait3A_1124, %dma_wait3A_1125] : memref<2x4x8x129xf32, #tpu.memory_space<vmem>> -> memref<1x4x8x128xf32, #tpu.memory_space<vmem>>
    %dma_wait3A_1127 = tpu.memref_squeeze %dma_wait3A_1126 : memref<1x4x8x128xf32, #tpu.memory_space<vmem>> -> memref<4x8x128xf32, #tpu.memory_space<vmem>>
    %dma_wait3A_1128 = arith.constant 0 : i32
    %dma_wait3A_1129 = arith.constant 0 : i32
    %dma_wait3A_1130 = arith.constant 0 : i32
    %dma_wait3A_1131 = tpu.memref_slice %arg4[%select_n3A_1105, %dma_wait3A_1128, %select_n3A_1121, %dma_wait3A_1129, %dma_wait3A_1130] : memref<26x4x128x8x128xf32, #tpu.memory_space<hbm>> -> memref<1x4x1x8x128xf32, #tpu.memory_space<hbm>>
    %dma_wait3A_1132 = tpu.memref_squeeze %dma_wait3A_1131 : memref<1x4x1x8x128xf32, #tpu.memory_space<hbm>> -> memref<4x8x128xf32, #tpu.memory_space<hbm>>
    %dma_wait3A_1133 = arith.constant 0 : i32
    %dma_wait3A_1134 = arith.constant 0 : i32
    %dma_wait3A_1135 = arith.constant 0 : i32
    %dma_wait3A_1136 = tpu.memref_slice %arg4[%select_n3A_1105, %dma_wait3A_1133, %select_n3A_1121, %dma_wait3A_1134, %dma_wait3A_1135] : memref<26x4x128x8x128xf32, #tpu.memory_space<hbm>> -> memref<1x4x1x8x128xf32, #tpu.memory_space<hbm>>
    %dma_wait3A_1137 = tpu.memref_squeeze %dma_wait3A_1136 : memref<1x4x1x8x128xf32, #tpu.memory_space<hbm>> -> memref<4x8x128xf32, #tpu.memory_space<hbm>>
    %dma_wait3A_1138 = arith.constant 0 : i32
    %dma_wait3A_1139 = arith.constant 0 : i32
    %dma_wait3A_1140 = arith.constant 0 : i32
    %dma_wait3A_1141 = tpu.memref_slice %arg7[%dma_wait3A_1122, %dma_wait3A_1138, %dma_wait3A_1139, %dma_wait3A_1140] : memref<2x4x8x129xf32, #tpu.memory_space<vmem>> -> memref<1x4x8x128xf32, #tpu.memory_space<vmem>>
    %dma_wait3A_1142 = tpu.memref_squeeze %dma_wait3A_1141 : memref<1x4x8x128xf32, #tpu.memory_space<vmem>> -> memref<4x8x128xf32, #tpu.memory_space<vmem>>
    tpu.wait_dma2 semaphore(%arg9 : memref<!tpu.dma_semaphore, #tpu.memory_space<semaphore_mem>>) src(%dma_wait3A_1142 : memref<4x8x128xf32, #tpu.memory_space<vmem>>) dst(%dma_wait3A_1137 : memref<4x8x128xf32, #tpu.memory_space<hbm>>)
    %add3A_1143 = arith.constant 103 : i32
    %add3A_1144 = arith.addi %mul3A_2, %add3A_1143 : i32
    %jit3A_1145 = arith.constant 128 : i32
    %div3A_1146 = arith.divsi %add3A_1144, %jit3A_1145 : i32
    %sign3A_1147 = arith.constant 0 : i32
    %sign3A_1148 = arith.cmpi sgt, %add3A_1144, %sign3A_1147 : i32
    %sign3A_1149 = arith.extui %sign3A_1148 : i1 to i32
    %sign3A_1150 = arith.constant 0 : i32
    %sign3A_1151 = arith.cmpi slt, %add3A_1144, %sign3A_1150 : i32
    %sign3A_1152 = arith.extui %sign3A_1151 : i1 to i32
    %sign3A_1153 = arith.subi %sign3A_1149, %sign3A_1152 : i32
    %sign3A_1154 = arith.constant 0 : i32
    %sign3A_1155 = arith.cmpi sgt, %jit3A_1145, %sign3A_1154 : i32
    %sign3A_1156 = arith.extui %sign3A_1155 : i1 to i32
    %sign3A_1157 = arith.constant 0 : i32
    %sign3A_1158 = arith.cmpi slt, %jit3A_1145, %sign3A_1157 : i32
    %sign3A_1159 = arith.extui %sign3A_1158 : i1 to i32
    %sign3A_1160 = arith.subi %sign3A_1156, %sign3A_1159 : i32
    %ne3A_1161 = arith.cmpi ne, %sign3A_1153, %sign3A_1160 : i32
    %rem3A_1162 = arith.remsi %add3A_1144, %jit3A_1145 : i32
    %ne3A_1163 = arith.constant 0 : i32
    %ne3A_1164 = arith.cmpi ne, %rem3A_1162, %ne3A_1163 : i32
    %and3A_1165 = arith.andi %ne3A_1161, %ne3A_1164 : i1
    %sub3A_1166 = arith.constant 1 : i32
    %sub3A_1167 = arith.subi %div3A_1146, %sub3A_1166 : i32
    %select_n3A_1168 = arith.select %and3A_1165, %sub3A_1167, %div3A_1146 : i32
    %jit3A_1169 = arith.constant 128 : i32
    %eq3A_1170 = arith.constant 0 : i32
    %eq3A_1171 = arith.cmpi eq, %jit3A_1169, %eq3A_1170 : i32
    %jit3A_1172 = arith.constant 1 : i32
    %select_n3A_1173 = arith.select %eq3A_1171, %jit3A_1172, %jit3A_1169 : i32
    %rem3A_1174 = arith.remsi %add3A_1144, %select_n3A_1173 : i32
    %ne3A_1175 = arith.constant 0 : i32
    %ne3A_1176 = arith.cmpi ne, %rem3A_1174, %ne3A_1175 : i32
    %lt3A_1177 = arith.constant 0 : i32
    %lt3A_1178 = arith.cmpi slt, %rem3A_1174, %lt3A_1177 : i32
    %lt3A_1179 = arith.constant 0 : i32
    %lt3A_1180 = arith.cmpi slt, %select_n3A_1173, %lt3A_1179 : i32
    %ne3A_1181 = arith.xori %lt3A_1178, %lt3A_1180 : i1
    %and3A_1182 = arith.andi %ne3A_1181, %ne3A_1176 : i1
    %add3A_1183 = arith.addi %rem3A_1174, %select_n3A_1173 : i32
    %select_n3A_1184 = arith.select %and3A_1182, %add3A_1183, %rem3A_1174 : i32
    %dma_wait3A_1185 = arith.constant 1 : i32
    %dma_wait3A_1186 = arith.constant 0 : i32
    %dma_wait3A_1187 = arith.constant 0 : i32
    %dma_wait3A_1188 = arith.constant 0 : i32
    %dma_wait3A_1189 = tpu.memref_slice %arg7[%dma_wait3A_1185, %dma_wait3A_1186, %dma_wait3A_1187, %dma_wait3A_1188] : memref<2x4x8x129xf32, #tpu.memory_space<vmem>> -> memref<1x4x8x128xf32, #tpu.memory_space<vmem>>
    %dma_wait3A_1190 = tpu.memref_squeeze %dma_wait3A_1189 : memref<1x4x8x128xf32, #tpu.memory_space<vmem>> -> memref<4x8x128xf32, #tpu.memory_space<vmem>>
    %dma_wait3A_1191 = arith.constant 0 : i32
    %dma_wait3A_1192 = arith.constant 0 : i32
    %dma_wait3A_1193 = arith.constant 0 : i32
    %dma_wait3A_1194 = tpu.memref_slice %arg4[%select_n3A_1168, %dma_wait3A_1191, %select_n3A_1184, %dma_wait3A_1192, %dma_wait3A_1193] : memref<26x4x128x8x128xf32, #tpu.memory_space<hbm>> -> memref<1x4x1x8x128xf32, #tpu.memory_space<hbm>>
    %dma_wait3A_1195 = tpu.memref_squeeze %dma_wait3A_1194 : memref<1x4x1x8x128xf32, #tpu.memory_space<hbm>> -> memref<4x8x128xf32, #tpu.memory_space<hbm>>
    %dma_wait3A_1196 = arith.constant 0 : i32
    %dma_wait3A_1197 = arith.constant 0 : i32
    %dma_wait3A_1198 = arith.constant 0 : i32
    %dma_wait3A_1199 = tpu.memref_slice %arg4[%select_n3A_1168, %dma_wait3A_1196, %select_n3A_1184, %dma_wait3A_1197, %dma_wait3A_1198] : memref<26x4x128x8x128xf32, #tpu.memory_space<hbm>> -> memref<1x4x1x8x128xf32, #tpu.memory_space<hbm>>
    %dma_wait3A_1200 = tpu.memref_squeeze %dma_wait3A_1199 : memref<1x4x1x8x128xf32, #tpu.memory_space<hbm>> -> memref<4x8x128xf32, #tpu.memory_space<hbm>>
    %dma_wait3A_1201 = arith.constant 0 : i32
    %dma_wait3A_1202 = arith.constant 0 : i32
    %dma_wait3A_1203 = arith.constant 0 : i32
    %dma_wait3A_1204 = tpu.memref_slice %arg7[%dma_wait3A_1185, %dma_wait3A_1201, %dma_wait3A_1202, %dma_wait3A_1203] : memref<2x4x8x129xf32, #tpu.memory_space<vmem>> -> memref<1x4x8x128xf32, #tpu.memory_space<vmem>>
    %dma_wait3A_1205 = tpu.memref_squeeze %dma_wait3A_1204 : memref<1x4x8x128xf32, #tpu.memory_space<vmem>> -> memref<4x8x128xf32, #tpu.memory_space<vmem>>
    tpu.wait_dma2 semaphore(%arg9 : memref<!tpu.dma_semaphore, #tpu.memory_space<semaphore_mem>>) src(%dma_wait3A_1205 : memref<4x8x128xf32, #tpu.memory_space<vmem>>) dst(%dma_wait3A_1200 : memref<4x8x128xf32, #tpu.memory_space<hbm>>)
    return
  }
}

module attributes {stable_mosaic.version = 14 : i64} {
  func.func @body(%arg0: i32, %arg1: memref<32x16384xf32, #tpu.memory_space<vmem>>, %arg2: memref<16384x128xf32, #tpu.memory_space<vmem>>) attributes {dimension_semantics = [#tpu.dimension_semantics<arbitrary>], iteration_bounds = array<i64: 62>, scalar_prefetch = 0 : i64, scratch_operands = 0 : i64, tpu.core_type = #tpu.core_type<tc>, window_params = [{transform_indices = @transform_0, window_bounds = array<i64: 32, 16384>}, {transform_indices = @transform_1, window_bounds = array<i64: 16384, 128>}]} {
    %get3A = arith.constant 0 : index
    %get3A_0 = arith.constant 0 : index
    %get3A_1 = vector.load %arg1[%get3A, %get3A_0] : memref<32x16384xf32, #tpu.memory_space<vmem>>, vector<32x16384xf32>
    %transpose3A = tpu.transpose %get3A_1, [1, 0] : vector<32x16384xf32> -> vector<16384x32xf32>
    %swap3A = arith.constant 0 : index
    %swap3A_2 = arith.constant 0 : index
    %swap3A_3 = vector.load %arg2[%swap3A, %swap3A_2] : memref<16384x128xf32, #tpu.memory_space<vmem>>, vector<16384x32xf32>
    tpu.vector_store %arg2[%swap3A, %swap3A_2], %transpose3A {strides = array<i32>} : memref<16384x128xf32, #tpu.memory_space<vmem>>, vector<16384x32xf32>,
    return
  }
  func.func @transform_0(%arg0: i32) -> (i32, i32) {
    %c0_i32 = arith.constant 0 : i32
    %c0_i32_0 = arith.constant 0 : i32
    return %c0_i32, %arg0 : i32, i32
  }
  func.func @transform_1(%arg0: i32) -> (i32, i32) {
    %c0_i32 = arith.constant 0 : i32
    %c0_i32_0 = arith.constant 0 : i32
    return %arg0, %c0_i32 : i32, i32
  }
}

module attributes {stable_mosaic.version = 14 : i64} {
  func.func @body(%arg0: i32, %arg1: memref<26x2048xi32, #tpu.memory_space<vmem>>, %arg2: memref<26x16x128xi32, #tpu.memory_space<vmem>>) attributes {dimension_semantics = [#tpu.dimension_semantics<arbitrary>], iteration_bounds = array<i64: 8>, scalar_prefetch = 0 : i64, scratch_operands = 0 : i64, tpu.core_type = #tpu.core_type<tc>, window_params = [{transform_indices = @transform_0, window_bounds = array<i64: 26, 2048>}, {transform_indices = @transform_1, window_bounds = array<i64: 26, 16, 128>}]} {
    %get3A = arith.constant 0 : index
    %get3A_0 = arith.constant 0 : index
    %get3A_1 = vector.load %arg1[%get3A, %get3A_0] : memref<26x2048xi32, #tpu.memory_space<vmem>>, vector<26x2048xi32>
    %mul3A = arith.constant 4 : i32
    %mul3A_2 = vector.broadcast %mul3A : i32 to vector<26x2048xi32>
    %mul3A_3 = arith.muli %get3A_1, %mul3A_2 : vector<26x2048xi32>
    %reshape3A = vector.shape_cast %mul3A_3 : vector<26x2048xi32> to vector<26x16x128xi32>
    %swap3A = arith.constant 0 : index
    %swap3A_4 = arith.constant 0 : index
    %swap3A_5 = arith.constant 0 : index
    %swap3A_6 = vector.load %arg2[%swap3A, %swap3A_4, %swap3A_5] : memref<26x16x128xi32, #tpu.memory_space<vmem>>, vector<26x16x128xi32>
    tpu.vector_store %arg2[%swap3A, %swap3A_4, %swap3A_5], %reshape3A {strides = array<i32>} : memref<26x16x128xi32, #tpu.memory_space<vmem>>, vector<26x16x128xi32>,
    return
  }
  func.func @transform_0(%arg0: i32) -> (i32, i32) {
    %c0_i32 = arith.constant 0 : i32
    %c0_i32_0 = arith.constant 0 : i32
    return %c0_i32, %arg0 : i32, i32
  }
  func.func @transform_1(%arg0: i32) -> (i32, i32, i32) {
    %c0_i32 = arith.constant 0 : i32
    %c0_i32_0 = arith.constant 0 : i32
    %c0_i32_1 = arith.constant 0 : i32
    return %c0_i32, %arg0, %c0_i32_0 : i32, i32, i32
  }
}

</mosaic_0001>

<sc_bundles>
// kernel: kernel.5.cloned.1.call-start
scs
__scs_entry_jumppad:
0x0: {  	(pc) =	sbr.rel $0x88, $3  }
0x1: {  	(tag) =	ssettag $0x0;
	lr =	simm.s32 $0x1  }
0x2: {  	[smem:$0x3F9F] =	sst lr;
	_ =	strace $0xD0000000  }
0x3: {  	_ = 	snop  }
0x4: {  	_ = 	snop  }
0x5: {  	_ = 	snop  }
0x6: {  	_ = 	snop  }
0x7: {  	_ = 	snop  }
__scs_overlays_trampoline_lowered:
0x8: {  	[smem:$0x3FAE] =	sst s0  }
0x9: {  	[smem:$0x3FAF] =	sst s1  }
0xa: {  	[smem:$0x3FB0] =	sst s2  }
0xb: {  	[smem:$0x3FB1] =	sst s3  }
0xc: {  	[smem:$0x3FB2] =	sst s4  }
0xd: {  	[smem:$0x3FB3] =	sst s5  }
0xe: {  	[smem:$0x3FB4] =	sst s6  }
0xf: {  	[smem:$0x3FB5] =	sst s7  }
0x10: {  	[smem:$0x3FB6] =	sst s8  }
0x11: {  	[smem:$0x3FB7] =	sst s9;
	s0 =	simm.s32 @!p0 $0x0  }
0x12: {  	s1 =	sld [smem:$0x3F9D];
	s0 =	simm.s32 @p0 $0x1  }
0x13: {  	[smem:$0x3FB8] =	sst s0;
	s0 =	simm.s32 @!p1 $0x0  }
0x14: {  	s2 =	sld [smem:$0x3F9C];
	s0 =	simm.s32 @p1 $0x1  }
0x15: {  	[smem:$0x3FB9] =	sst s0;
	s0 =	simm.s32 @!p2 $0x0  }
0x16: {  	s3 =	sld [smem:$0x3FDB];
	s0 =	simm.s32 @p2 $0x1  }
0x17: {  	s4 =	simm.s32 $0x1BF5;
	[smem:$0x3FBB] =	sst s0  }
0x18: {  	s0 =	sld [smem:$0x3F9E];
	_ =	swait.ge [sflag:s4], $0x0  }
0x19: {  	s7 =	sld [smem:$0x3F9F]  }
0x1a: {  	s8 =	sadd.s32 $0xFFFFE003, lr  }
0x1b: {  	s9 =	sadd.s32 $0xFFFFFEF7, lr;
	s5 =	simm.s32 $0xFFFFFFFF;
	p2 =	slt.u32 s8, $0xFFFFF086  }
0x1c: {  	p1 =	slt.u32 s9, $0xF7A;
	s5 =	simm.s32 @!p2 $0x0  }
0x1d: {  	s5 =	simm.s32 @p1 $0x1;
	p0 =	seq.s32 s7, s2  }
0x1e: {  	s7 =	smul.u32 @!p0 $0xF7A, s2;
	p2 =	seq.s32 @!p0 s5, $0x0  }
0x1f: {  	s9 =	smul.u32 $0xF7A, s1;
	s8 =	simm.s32 @!p0 $0x1BF5;
	p2 =	por !p2, p0  }
0x20: {  	[sflag:s8] =	ssyncset.s32 @!p0 $0xFFFFF086;
	s6 =	sadd.s32 @!p0 s3, s7;
	s7 =	simm.s32 @!p0 $0x108  }
0x21: {  	s3 =	sadd.s32 s3, s9;
	s6 =	sadd.s32 @!p0 $0x88, s6;
	s7 =	simm.s32 @p2 $0x1082  }
0x22: {  	[simem:s7], [sflag:s8] =	dma.local @!p0 [hbm:s6], $0xF7A  }
0x23: {  	s9 =	sor.u32 $0xD0000000, s2;
	s6 =	simm.s32 $0x108;
	_ =	swait.ge @!p0 [sflag:s8], $0x0  }
0x24: {  	s3 =	sadd.s32 $0x88, s3;
	s6 =	simm.s32 @!p1 $0x1082;
	[sflag:s4] =	ssyncset.s32 $0xFFFFF086  }
0x25: {  	[simem:s6], [sflag:s4] =	dma.local [hbm:s3], $0xF7A  }
0x26: {  	[smem:$0x3F9F] =	sst s1;
	(tag) =	ssettag s2;
	_ =	strace s9  }
0x27: {  	s1 =	sld [smem:$0x3FAF]  }
0x28: {  	s2 =	sld [smem:$0x3FB0]  }
0x29: {  	s4 =	sld [smem:$0x3FB2]  }
0x2a: {  	p0 =	seq.s32 s5, $0x0;
	s5 =	sld [smem:$0x3FB3]  }
0x2b: {  	s6 =	sld [smem:$0x3FB4]  }
0x2c: {  	s7 =	sld [smem:$0x3FB5]  }
0x2d: {  	s3 =	simm.s32 $0x108;
	s8 =	sld [smem:$0x3FB6]  }
0x2e: {  	s3 =	simm.s32 @!p0 $0x1082;
	s9 =	sld [smem:$0x3FB7]  }
0x2f: {  	lr =	sadd.s32 s0, s3;
	s0 =	sld [smem:$0x3FAE]  }
0x30: {  	s3 =	sld [smem:$0x3FB1]  }
0x31: {  	[smem:$0x3FBA] =	sst s10  }
0x32: {  	s10 =	sld [smem:$0x3FB8];
	_ =	sdelay $0x3  }
0x33: {  	p0 =	seq.s32 s10, $0x1;
	s10 =	sld [smem:$0x3FBA];
	_ =	sdelay $0x3  }
0x34: {  	[smem:$0x3FBA] =	sst s10  }
0x35: {  	s10 =	sld [smem:$0x3FB9];
	_ =	sdelay $0x3  }
0x36: {  	p1 =	seq.s32 s10, $0x1;
	s10 =	sld [smem:$0x3FBA];
	_ =	sdelay $0x3  }
0x37: {  	[smem:$0x3FBA] =	sst s10  }
0x38: {  	s10 =	sld [smem:$0x3FBB]  }
0x39: {  	_ = 	snop;
	(pc) =	sbr.ind lr, $3  }
0x3a: {  	_ = 	snop  }
0x3b: {  	_ = 	snop  }
0x3c: {  	p2 =	seq.s32 s10, $0x1;
	s10 =	sld [smem:$0x3FBA]  }
0x3d: {  	_ =	shalt  }
0x3e: {  	_ =	shalt  }
0x3f: {  	_ =	shalt  }
0x40: {  	_ =	shalt  }
0x41: {  	_ =	shalt  }
0x42: {  	_ =	shalt  }
0x43: {  	_ =	shalt  }
0x44: {  	_ =	shalt  }
0x45: {  	_ =	shalt  }
0x46: {  	_ =	shalt  }
0x47: {  	_ =	shalt  }
0x48: {  	_ =	shalt  }
0x49: {  	_ =	shalt  }
0x4a: {  	_ =	shalt  }
0x4b: {  	_ =	shalt  }
0x4c: {  	_ =	shalt  }
0x4d: {  	_ =	shalt  }
0x4e: {  	_ =	shalt  }
0x4f: {  	_ =	shalt  }
0x50: {  	_ =	shalt  }
0x51: {  	_ =	shalt  }
0x52: {  	_ =	shalt  }
0x53: {  	_ =	shalt  }
0x54: {  	_ =	shalt  }
0x55: {  	_ =	shalt  }
0x56: {  	_ =	shalt  }
0x57: {  	_ =	shalt  }
0x58: {  	_ =	shalt  }
0x59: {  	_ =	shalt  }
0x5a: {  	_ =	shalt  }
0x5b: {  	_ =	shalt  }
0x5c: {  	_ =	shalt  }
0x5d: {  	_ =	shalt  }
0x5e: {  	_ =	shalt  }
0x5f: {  	_ =	shalt  }
0x60: {  	_ =	shalt  }
0x61: {  	_ =	shalt  }
0x62: {  	_ =	shalt  }
0x63: {  	_ =	shalt  }
0x64: {  	_ =	shalt  }
0x65: {  	_ =	shalt  }
0x66: {  	_ =	shalt  }
0x67: {  	_ =	shalt  }
0x68: {  	_ =	shalt  }
0x69: {  	_ =	shalt  }
0x6a: {  	_ =	shalt  }
0x6b: {  	_ =	shalt  }
0x6c: {  	_ =	shalt  }
0x6d: {  	_ =	shalt  }
0x6e: {  	_ =	shalt  }
0x6f: {  	_ =	shalt  }
0x70: {  	_ =	shalt  }
0x71: {  	_ =	shalt  }
0x72: {  	_ =	shalt  }
0x73: {  	_ =	shalt  }
0x74: {  	_ =	shalt  }
0x75: {  	_ =	shalt  }
0x76: {  	_ =	shalt  }
0x77: {  	_ =	shalt  }
0x78: {  	_ =	shalt  }
0x79: {  	_ =	shalt  }
0x7a: {  	_ =	shalt  }
0x7b: {  	_ =	shalt  }
0x7c: {  	_ =	shalt  }
0x7d: {  	_ =	shalt  }
0x7e: {  	_ =	shalt  }
0x7f: {  	_ =	shalt  }
0x80: {  	_ =	shalt  }
0x81: {  	_ =	shalt  }
0x82: {  	_ =	shalt  }
0x83: {  	_ =	shalt  }
0x84: {  	_ =	shalt  }
0x85: {  	_ =	shalt  }
0x86: {  	_ =	shalt  }
0x87: {  	_ =	shalt  }
.Lfunc_end0:
.L_simem_size_0:
called_computation_lowered:
.L_overlay_start_0:
0x88: {  	s2 =	sld [smem:$0x3FD9]  }
0x89: {  	s3 =	sld [smem:$0x3FFE];
	_ =	sdelay $0x1  }
0x8a: {  	s1 =	srdreg.scid  }
0x8b: {  	s0 =	sand.u32 $0x1, s1  }
0x8c: {  	s17 =	sshll.u32 s0, $0xA;
	s2 =	sadd.s32 s3, s2  }
0x8d: {  	s2 =	sadd.s32 s2, s17  }
0x8e: {  	[smem:$0x3FC6] =	sst s2  }
0x8f: {  	_ = 	snop  }
0x90: {  	s2 =	sld [smem:$0x3FD0];
	(tm) =	ssettm $0x1  }
0x91: {  	s18 =	sld [smem:$0x3FFB];
	_ =	sdelay $0x3  }
0x92: {  	_ =	strace s18  }
0x93: {  	s3 =	sld [smem:$0x3FFC];
	_ =	sdelay $0x3  }
0x94: {  	_ =	strace s3  }
0x95: {  	s3 =	sld [smem:$0x3FFD];
	_ =	sdelay $0x3  }
0x96: {  	_ =	strace s3  }
0x97: {  	_ =	strace $0x8FFFFFFF  }
0x98: {  	s19 =	sld [smem:$0x3FDB];
	_ =	sdelay $0x1  }
0x99: {  	s4 =	simm.s32 $_scs_section_size  }
0x9a: {  	s5 =	simm.s32 $_size__tile_overlayer_lowered;
	s6 =	simm.s32 $_tile_overlayer_lowered  }
0x9b: {  	s22 =	simm.s32 $0x1BFF;
	s21 =	sshll.u32 s6, $0x1;
	s3 =	sadd.s32 s4, s19  }
0x9c: {  	s7 =	simm.s32 $0x0;
	s20 =	sshll.u32 s5, $0x1;
	s5 =	sadd.s32 s21, s3  }
0x9d: {  	[timem:s7], [sflag:s22] =	dma.local [hbm:s5], s20  }
0x9e: {  	_ =	swait.ge [sflag:s22], s20  }
0x9f: {  	s4 =	ssub.s32 $0x0, s20;
	[sflag:s22] =	ssyncset.done $0x0  }
0xa0: {  	[sflag:s22] =	ssyncadd.s32 s4;
	_ =	sdelay $0x1  }
0xa1: {  	s23 =	simm.s32 $0x1B8B  }
0xa2: {  	_ =	swait.ge [sflag:s23], $0x1  }
0xa3: {  	[sflag:s23] =	ssyncset.done $0x0  }
0xa4: {  	s25 =	simm.s32 $0x1B8E;
	s24 =	sld [smem:$0x3FFE];
	[sflag:s23] =	ssyncadd.s32 $0xFFFFFFFF  }
0xa5: {  	s26 =	simm.s32 $execute0_lowered;
	[smem:$0x3FD2] =	sst s25  }
0xa6: {  	s5 =	sshll.u32 s26, $0x1;
	_ =	strace $0x80000046;
	[dreg:$0x1] =	wrdreg $0xFFFFFFFF  }
0xa7: {  	s28 =	simm.s32 $_size_execute0_lowered;
	s3 =	sadd.s32 s3, s5;
	[dreg:$0x0] =	wrdreg $0x0  }
0xa8: {  	s5 =	sshll.u32 s28, $0x1;
	[dreg:$0x2] =	wrdreg s3  }
0xa9: {  	[dreg:$0x3] =	wrdreg s5  }
0xaa: {  	[dreg:$0x4] =	wrdreg $0xC0  }
0xab: {  	_ =	task [dreg:s7], $0x5FFFF  }
0xac: {  	[dreg:$0x1] =	wrdreg $0xFFFFFFFF  }
0xad: {  	[dreg:$0x0] =	wrdreg $0x60  }
0xae: {  	[dreg:$0x2] =	wrdreg s24  }
0xaf: {  	[dreg:$0x3] =	wrdreg s2  }
0xb0: {  	[dreg:$0x4] =	wrdreg $0x9  }
0xb1: {  	_ =	task.clear_ibuf [dreg:s7], $0x5FFFF;
	_ =	strace $0x90000046  }
0xb2: {  	s29 =	simm.s32 $0x9;
	_ =	strace $0x80000048  }
0xb3: {  	_ =	swait.ge [sflag:s29], $0x1  }
0xb4: {  	[sflag:s29] =	ssyncadd.s32 $0xFFFFFFFF  }
0xb5: {  	_ =	strace $0x90000048  }
0xb6: {  	_ =	sfence  }
0xb7: {  	s30 =	sld [smem:$0x0];
	_ =	sdelay $0x2  }
0xb8: {  	s31 =	sshll.u32 s1, $0xD;
	s1 =	sshrl.u32 s1, $0x2  }
0xb9: {  	s3 =	sand.u32 $0x4000, s31;
	s1 =	sadd.s32 s1, s30  }
0xba: {  	s0 =	sor.u32 s3, s0;
	s1 =	sshll.u32 s1, $0x11  }
0xbb: {  	s0 =	sor.u32 s1, s0  }
0xbc: {  	s0 =	sadd.s32 $0x8F2B, s0  }
0xbd: {  	[sflag:s0] =	ssyncadd.remote.s32 $0x1  }
0xbe: {  	_ =	sfence.sel $0xFFFF  }
0xbf: {  	[dreg:$0x0] =	wrdreg $0xFFFFFFFF;
	(pc) =	sbr.abs _section_cstart, $3  }
0xc0: {  	[dreg:$0x1] =	wrdreg $0xFFFFFFFF  }
0xc1: {  	_ =	task.clear_ibuf [dreg:s7], $0x2FFFF;
	_ =	strace $0x9FFFFFFF  }
0xc2: {  	(tm) =	ssettm $0x7FFFFFFF  }
0xc3: {  	_ =	shalt  }
tec
execute0_lowered:
.L_overlay_start_1:
0x0: {  	(tag) =	ssettag $0x1  }
0x1: {  	s0 =	srdreg.scid;
	s1 =	stileid.u32  }
0x2: {  	s6 =	rddreg [dreg:$0x0];
	s0 =	sand.u32 $0x1, s0;
	s1 =	sshll.u32 s1, $0x1  }
0x3: {  	s2 =	rddreg [dreg:$0x1];
	s1 =	sor.u32 s0, s1  }
0x4: {  	s3 =	simm.s32 $0x0;
	s28 =	simm.s32 $0x1;
	s7 =	smul.u32 $0x680, s1  }
0x5: {  	s29 =	simm.s32 $0x9400;
	s30 =	simm.s32 $0x9598;
	s4 =	smul.u32 $0x68, s1  }
0x6: {  	s31 =	simm.s32 $0x9620;
	s0 =	ssub.s32 $0x2, s0;
	s8 =	smul.u32 $0x68000, s1  }
0x7: {  	[smem:$0x7FF] =	sst s3;
	s9 =	sshrl.u32 s0, $0x1;
	s1 =	smul.u32 $0x1A000, s1  }
0x8: {  	s5 =	sadd.s32 $0xD800, s6;
	_ =	strace $0x80000047;
	s0 =	ssub.s32 s0, s9  }
0x9: {  	s6 =	sadd.s32 s7, s6;
	s14 =	sand.u32 $0xF80000, s8;
	s1 =	sand.u32 $0x1E000, s1  }
0xa: {  	s15 =	sadd.s32 $0x62, s4;
	s18 =	sadd.s32 $0x63, s4;
	s10 =	sadd.s32 $0x64, s4  }
0xb: {  	s23 =	sadd.s32 $0x65, s4;
	s26 =	sadd.s32 $0x66, s4;
	s13 =	sadd.s32 $0x67, s4  }
0xc: {  	s0 =	smax.u32 s0, $0x1;
	s6 =	sadd.s32 $0x800, s6;
	s1 =	sor.u32 s1, s14  }
0xd: {  	s16 =	sshll.u32 s15, $0x7;
	s17 =	sshll.u32 s15, $0x9;
	s19 =	sshll.u32 s18, $0x7  }
0xe: {  	s20 =	sshll.u32 s18, $0x9;
	s11 =	sshll.u32 s10, $0x7;
	s21 =	sshll.u32 s10, $0x9  }
0xf: {  	s24 =	sshll.u32 s23, $0x9;
	s25 =	sshll.u32 s23, $0x7;
	s12 =	sshll.u32 s26, $0x9  }
0x10: {  	s14 =	sshll.u32 s13, $0x7;
	s13 =	sshll.u32 s13, $0x9;
	[dreg:$0x4] =	wrdreg s0  }
0x11: {  	s23 =	simm.s32 $0xA2E0;
	[dreg:$0x3] =	wrdreg s6;
	s1 =	sshrl.u32 s1, $0x3  }
0x12: {  	s6 =	sand.u32 $0x3D00, s16;
	s8 =	sand.u32 $0x3F0000, s17;
	s22 =	sand.u32 $0x3E00, s11  }
0x13: {  	s12 =	sand.u32 $0x3F0000, s12;
	s11 =	sshll.u32 s26, $0x7;
	s14 =	sand.u32 $0x3F80, s14  }
0x14: {  	s13 =	sand.u32 $0x3F0000, s13;
	s16 =	simm.s32 $0x80;
	s26 =	simm.s32 $0xA478  }
0x15: {  	s6 =	sadd.s32 s2, s6;
	s7 =	sadd.s32 s2, s1;
	s1 =	sand.u32 $0x3D80, s19  }
0x16: {  	v0 =	vlaneseq.u32;
	s11 =	sand.u32 $0x3F00, s11;
	s14 =	sadd.s32 s2, s14;
	s8 =	sadd.s32 s8, s6  }
0x17: {  	v1 =	vimm.s32 $0x0;
	vm0 =	vcmask $0x300;
	v0 =	vmul.u32 $0x88, v0;
	s6 =	sand.u32 $0x3F0000, s20;
	s1 =	sadd.s32 s2, s1;
	s15 =	sadd.s32 s2, s11  }
0x18: {  	v1 =	vsel vm0, $0x3, v1;
	s13 =	sadd.s32 s13, s14;
	s20 =	simm.s32 $0x9488;
	s14 =	simm.s32 $0xA500  }
0x19: {  	v2 =	vadd.s32 $0x880, v0;
	v3 =	vor.u32 $0x1, v0;
	v4 =	vadd.s32 $0x881, v0;
	s9 =	sadd.s32 s6, s1;
	s1 =	sand.u32 $0x3F0000, s21;
	s6 =	sadd.s32 s2, s22  }
0x1a: {  	v5 =	vor.u32 $0x2, v0;
	v6 =	vadd.s32 $0x882, v0;
	v7 =	vor.u32 $0x3, v0;
	s12 =	sadd.s32 s12, s15;
	s21 =	simm.s32 $0x9510;
	s22 =	simm.s32 $0xA258  }
0x1b: {  	v8 =	vadd.s32 $0x883, v0;
	v9 =	vor.u32 $0x4, v0;
	v10 =	vadd.s32 $0x884, v0;
	s15 =	simm.s32 $0x0;
	s10 =	sadd.s32 s1, s6;
	s6 =	sand.u32 $0x3E80, s25  }
0x1c: {  	v11 =	vor.u32 $0x5, v0;
	v12 =	vadd.s32 $0x885, v0;
	v13 =	vor.u32 $0x6, v0;
	s1 =	sand.u32 $0x3F0000, s24;
	s24 =	simm.s32 $0xA368;
	s6 =	sadd.s32 s2, s6  }
0x1d: {  	v14 =	vadd.s32 $0x886, v0;
	v15 =	vor.u32 $0x7, v0;
	v16 =	vadd.s32 $0x887, v0;
	s25 =	simm.s32 $0xA3F0;
	s11 =	sadd.s32 s1, s6;
	s6 =	simm.s32 $0x2  }
.LBB2_1:
0x1e: {  	s0 =	rddreg [dreg:$0x3];
	s1 =	simm.s32 $0x3  }
0x1f: {  	[tilespmem:s3], [sflag:$0x3] =	stream.linear.gather [hbm4b:s0+s3], $0x3400, $0x38;
	[tilespmem:$0xB600] =	vst v63  }
0x20: {  	_ =	swait.ge [sflag:s1], $0x3400  }
0x21: {  	[sflag:s1] =	ssyncset.done $0x0  }
0x22: {  	s17 =	simm.s32 $0x3400;
	[sflag:s1] =	ssyncadd.s32 $0xFFFFCC00  }
0x23: {  	[tilespmem:s17], [sflag:$0x1] =	stream.indirect.gather [hbm4b:s5+s16], $0x20, s3, s16, $0xb8;
	[tilespmem:$0xB600] =	vst v63  }
0x24: {  	s18 =	simm.s32 $0x4400  }
0x25: {  	[tilespmem:s18], [sflag:$0x1] =	stream.indirect.gather [hbm4b:s5+s16], $0x20, s16, s16, $0xb8;
	[tilespmem:$0xB600] =	vst v63  }
0x26: {  	s19 =	simm.s32 $0x100;
	s1 =	simm.s32 $0x5400  }
0x27: {  	[tilespmem:s1], [sflag:$0x1] =	stream.indirect.gather [hbm4b:s5+s16], $0x20, s19, s16, $0xb8;
	[tilespmem:$0xB600] =	vst v63  }
0x28: {  	s17 =	simm.s32 $0x6400;
	s1 =	simm.s32 $0x180  }
0x29: {  	[tilespmem:s17], [sflag:$0x1] =	stream.indirect.gather [hbm4b:s5+s16], $0x20, s1, s16, $0xb8;
	[tilespmem:$0xB600] =	vst v63  }
0x2a: {  	s18 =	simm.s32 $0x200;
	s19 =	simm.s32 $0x7400;
	s1 =	simm.s32 $0x0  }
0x2b: {  	[tilespmem:s19], [sflag:$0x1] =	stream.indirect.gather [hbm4b:s5+s16], $0x20, s18, s16, $0xb8;
	[tilespmem:$0xB600] =	vst v63  }
0x2c: {  	s17 =	simm.s32 $0x280;
	v17 =	vmov s1;
	s18 =	simm.s32 $0x8400  }
0x2d: {  	v17 =	vshrl.u32 v17, $0x3;
	[tilespmem:s18], [sflag:$0x1] =	stream.indirect.gather [hbm4b:s5+s16], $0x20, s17, s16, $0xb8;
	[tilespmem:$0xB600] =	vst v63  }
0x2e: {  	v17 =	vshll.u32 v17, v1;
	_ =	swait.ge [sflag:s28], $0x1000  }
0x2f: {  	v17 =	vbroadcast v17, $0x0;
	[sflag:s28] =	ssyncset.done $0x0  }
0x30: {  	s0 =	simm.s32 $0x3480;
	[sflag:s28] =	ssyncadd.s32 $0xFFFFF000  }
0x31: {  	v19 =	vadd.s32 v0, v17;
	v18 =	vld [tilespmem:s0+$0xFFFFFF80];
	_ =	sdelay $0x4  }
0x32: {  	[tilespmem:v19+s29+$0x0] =	vst.idx.msk $0xffff, v18  }
0x33: {  	s19 =	simm.s32 $0x1;
	v17 =	vadd.s32 v2, v17;
	v18 =	vld [tilespmem:s0+$0xFFFFFF90]  }
0x34: {  	v19 =	vmov s19  }
0x35: {  	v19 =	vshrl.u32 v19, $0x3  }
0x36: {  	v19 =	vshll.u32 v19, v1  }
0x37: {  	v19 =	vbroadcast v19, $0x0  }
0x38: {  	[tilespmem:v17+s29+$0x0] =	vst.idx.msk $0xffff, v18  }
0x39: {  	v18 =	vadd.s32 v3, v19;
	v17 =	vld [tilespmem:s0+$0xFFFFFFA0];
	_ =	sdelay $0x4  }
0x3a: {  	[tilespmem:v18+s29+$0x0] =	vst.idx.msk $0xffff, v17  }
0x3b: {  	s17 =	simm.s32 $0x2;
	v18 =	vadd.s32 v4, v19;
	v17 =	vld [tilespmem:s0+$0xFFFFFFB0]  }
0x3c: {  	v19 =	vmov s17  }
0x3d: {  	v19 =	vshrl.u32 v19, $0x3  }
0x3e: {  	v19 =	vshll.u32 v19, v1  }
0x3f: {  	v19 =	vbroadcast v19, $0x0  }
0x40: {  	[tilespmem:v18+s29+$0x0] =	vst.idx.msk $0xffff, v17  }
0x41: {  	v18 =	vadd.s32 v5, v19;
	v17 =	vld [tilespmem:s0+$0xFFFFFFC0];
	_ =	sdelay $0x4  }
0x42: {  	[tilespmem:v18+s29+$0x0] =	vst.idx.msk $0xffff, v17  }
0x43: {  	s18 =	simm.s32 $0x3;
	v18 =	vadd.s32 v6, v19;
	v17 =	vld [tilespmem:s0+$0xFFFFFFD0]  }
0x44: {  	v19 =	vmov s18  }
0x45: {  	v19 =	vshrl.u32 v19, $0x3  }
0x46: {  	v19 =	vshll.u32 v19, v1  }
0x47: {  	v19 =	vbroadcast v19, $0x0  }
0x48: {  	[tilespmem:v18+s29+$0x0] =	vst.idx.msk $0xffff, v17  }
0x49: {  	v18 =	vadd.s32 v7, v19;
	v17 =	vld [tilespmem:s0+$0xFFFFFFE0];
	_ =	sdelay $0x4  }
0x4a: {  	[tilespmem:v18+s29+$0x0] =	vst.idx.msk $0xffff, v17  }
0x4b: {  	s19 =	simm.s32 $0x4;
	v18 =	vadd.s32 v8, v19;
	v17 =	vld [tilespmem:s0+$0xFFFFFFF0]  }
0x4c: {  	v19 =	vmov s19  }
0x4d: {  	v19 =	vshrl.u32 v19, $0x3  }
0x4e: {  	v19 =	vshll.u32 v19, v1  }
0x4f: {  	v19 =	vbroadcast v19, $0x0  }
0x50: {  	[tilespmem:v18+s29+$0x0] =	vst.idx.msk $0xffff, v17  }
0x51: {  	v18 =	vadd.s32 v9, v19;
	v17 =	vld [tilespmem:s0+$0x0];
	_ =	sdelay $0x4  }
0x52: {  	[tilespmem:v18+s29+$0x0] =	vst.idx.msk $0xffff, v17  }
0x53: {  	s17 =	simm.s32 $0x5;
	v18 =	vadd.s32 v10, v19;
	v17 =	vld [tilespmem:s0+$0x10]  }
0x54: {  	v19 =	vmov s17  }
0x55: {  	v19 =	vshrl.u32 v19, $0x3  }
0x56: {  	v19 =	vshll.u32 v19, v1  }
0x57: {  	v19 =	vbroadcast v19, $0x0  }
0x58: {  	[tilespmem:v18+s29+$0x0] =	vst.idx.msk $0xffff, v17  }
0x59: {  	v18 =	vadd.s32 v11, v19;
	v17 =	vld [tilespmem:s0+$0x20];
	_ =	sdelay $0x4  }
0x5a: {  	[tilespmem:v18+s29+$0x0] =	vst.idx.msk $0xffff, v17  }
0x5b: {  	s18 =	simm.s32 $0x6;
	v18 =	vadd.s32 v12, v19;
	v17 =	vld [tilespmem:s0+$0x30]  }
0x5c: {  	v19 =	vmov s18  }
0x5d: {  	v19 =	vshrl.u32 v19, $0x3  }
0x5e: {  	v19 =	vshll.u32 v19, v1  }
0x5f: {  	v19 =	vbroadcast v19, $0x0  }
0x60: {  	[tilespmem:v18+s29+$0x0] =	vst.idx.msk $0xffff, v17  }
0x61: {  	v18 =	vadd.s32 v13, v19;
	v17 =	vld [tilespmem:s0+$0x40];
	_ =	sdelay $0x4  }
0x62: {  	[tilespmem:v18+s29+$0x0] =	vst.idx.msk $0xffff, v17  }
0x63: {  	s19 =	simm.s32 $0x7;
	v18 =	vadd.s32 v14, v19;
	v17 =	vld [tilespmem:s0+$0x50]  }
0x64: {  	v19 =	vmov s19  }
0x65: {  	v19 =	vshrl.u32 v19, $0x3  }
0x66: {  	v19 =	vshll.u32 v19, v1  }
0x67: {  	v19 =	vbroadcast v19, $0x0  }
0x68: {  	[tilespmem:v18+s29+$0x0] =	vst.idx.msk $0xffff, v17  }
0x69: {  	v18 =	vadd.s32 v15, v19;
	v17 =	vld [tilespmem:s0+$0x60];
	_ =	sdelay $0x4  }
0x6a: {  	[tilespmem:v18+s29+$0x0] =	vst.idx.msk $0xffff, v17  }
0x6b: {  	s1 =	simm.s32 $0xF;
	s17 =	simm.s32 $0x17;
	s18 =	simm.s32 $0x8;
	v18 =	vadd.s32 v16, v19;
	v17 =	vld [tilespmem:s0+$0x70]  }
.LBB2_2:
0x6c: {  	p0 =	sne.s32 s17, $0x7F;
	v19 =	vmov s18  }
0x6d: {  	v19 =	vshrl.u32 v19, $0x3  }
0x6e: {  	v19 =	vshll.u32 v19, v1  }
0x6f: {  	v19 =	vbroadcast v19, $0x0  }
0x70: {  	s0 =	sadd.s32 $0x100, s0;
	[tilespmem:v18+s29+$0x0] =	vst.idx.msk $0xffff, v17  }
0x71: {  	v17 =	vld [tilespmem:s0+$0xFFFFFF80];
	v18 =	vadd.s32 v0, v19;
	_ =	sdelay $0x4  }
0x72: {  	[tilespmem:v18+s29+$0x0] =	vst.idx.msk $0xffff, v17  }
0x73: {  	s18 =	sadd.s32 $0xFFFFFFFA, s1;
	v18 =	vadd.s32 v2, v19;
	v17 =	vld [tilespmem:s0+$0xFFFFFF90]  }
0x74: {  	v19 =	vmov s18  }
0x75: {  	v19 =	vshrl.u32 v19, $0x3  }
0x76: {  	v19 =	vshll.u32 v19, v1  }
0x77: {  	v19 =	vbroadcast v19, $0x0  }
0x78: {  	[tilespmem:v18+s29+$0x0] =	vst.idx.msk $0xffff, v17  }
0x79: {  	v18 =	vadd.s32 v3, v19;
	v17 =	vld [tilespmem:s0+$0xFFFFFFA0];
	_ =	sdelay $0x4  }
0x7a: {  	[tilespmem:v18+s29+$0x0] =	vst.idx.msk $0xffff, v17  }
0x7b: {  	s18 =	sadd.s32 $0xFFFFFFFB, s1;
	v18 =	vadd.s32 v4, v19;
	v17 =	vld [tilespmem:s0+$0xFFFFFFB0]  }
0x7c: {  	v19 =	vmov s18  }
0x7d: {  	v19 =	vshrl.u32 v19, $0x3  }
0x7e: {  	v19 =	vshll.u32 v19, v1  }
0x7f: {  	v19 =	vbroadcast v19, $0x0  }
0x80: {  	[tilespmem:v18+s29+$0x0] =	vst.idx.msk $0xffff, v17  }
0x81: {  	v18 =	vadd.s32 v5, v19;
	v17 =	vld [tilespmem:s0+$0xFFFFFFC0];
	_ =	sdelay $0x4  }
0x82: {  	[tilespmem:v18+s29+$0x0] =	vst.idx.msk $0xffff, v17  }
0x83: {  	s18 =	sadd.s32 $0xFFFFFFFC, s1;
	v18 =	vadd.s32 v6, v19;
	v17 =	vld [tilespmem:s0+$0xFFFFFFD0]  }
0x84: {  	v19 =	vmov s18  }
0x85: {  	v19 =	vshrl.u32 v19, $0x3  }
0x86: {  	v19 =	vshll.u32 v19, v1  }
0x87: {  	v19 =	vbroadcast v19, $0x0  }
0x88: {  	[tilespmem:v18+s29+$0x0] =	vst.idx.msk $0xffff, v17  }
0x89: {  	v18 =	vadd.s32 v7, v19;
	v17 =	vld [tilespmem:s0+$0xFFFFFFE0];
	_ =	sdelay $0x4  }
0x8a: {  	[tilespmem:v18+s29+$0x0] =	vst.idx.msk $0xffff, v17  }
0x8b: {  	s18 =	sadd.s32 $0xFFFFFFFD, s1;
	v18 =	vadd.s32 v8, v19;
	v17 =	vld [tilespmem:s0+$0xFFFFFFF0]  }
0x8c: {  	v19 =	vmov s18  }
0x8d: {  	v19 =	vshrl.u32 v19, $0x3  }
0x8e: {  	v19 =	vshll.u32 v19, v1  }
0x8f: {  	v19 =	vbroadcast v19, $0x0  }
0x90: {  	[tilespmem:v18+s29+$0x0] =	vst.idx.msk $0xffff, v17  }
0x91: {  	v18 =	vadd.s32 v9, v19;
	v17 =	vld [tilespmem:s0+$0x0];
	_ =	sdelay $0x4  }
0x92: {  	[tilespmem:v18+s29+$0x0] =	vst.idx.msk $0xffff, v17  }
0x93: {  	s18 =	sadd.s32 $0xFFFFFFFE, s1;
	v18 =	vadd.s32 v10, v19;
	v17 =	vld [tilespmem:s0+$0x10]  }
0x94: {  	v19 =	vmov s18  }
0x95: {  	v19 =	vshrl.u32 v19, $0x3  }
0x96: {  	v19 =	vshll.u32 v19, v1  }
0x97: {  	v19 =	vbroadcast v19, $0x0  }
0x98: {  	[tilespmem:v18+s29+$0x0] =	vst.idx.msk $0xffff, v17  }
0x99: {  	v18 =	vadd.s32 v11, v19;
	v17 =	vld [tilespmem:s0+$0x20];
	_ =	sdelay $0x4  }
0x9a: {  	[tilespmem:v18+s29+$0x0] =	vst.idx.msk $0xffff, v17  }
0x9b: {  	s18 =	sadd.s32 $0xFFFFFFFF, s1;
	v18 =	vadd.s32 v12, v19;
	v17 =	vld [tilespmem:s0+$0x30]  }
0x9c: {  	v19 =	vmov s18  }
0x9d: {  	v19 =	vshrl.u32 v19, $0x3  }
0x9e: {  	v19 =	vshll.u32 v19, v1  }
0x9f: {  	v19 =	vbroadcast v19, $0x0  }
0xa0: {  	[tilespmem:v18+s29+$0x0] =	vst.idx.msk $0xffff, v17  }
0xa1: {  	v18 =	vadd.s32 v13, v19;
	v17 =	vld [tilespmem:s0+$0x40];
	_ =	sdelay $0x4  }
0xa2: {  	[tilespmem:v18+s29+$0x0] =	vst.idx.msk $0xffff, v17  }
0xa3: {  	v18 =	vadd.s32 v14, v19;
	v17 =	vld [tilespmem:s0+$0x50]  }
0xa4: {  	v19 =	vmov s1;
	s1 =	smov.u32 s17  }
0xa5: {  	v19 =	vshrl.u32 v19, $0x3  }
0xa6: {  	v19 =	vshll.u32 v19, v1  }
0xa7: {  	v19 =	vbroadcast v19, $0x0  }
0xa8: {  	[tilespmem:v18+s29+$0x0] =	vst.idx.msk $0xffff, v17  }
0xa9: {  	v18 =	vadd.s32 v15, v19;
	v17 =	vld [tilespmem:s0+$0x60];
	_ =	sdelay $0x1  }
.Ltmp0:
0xaa: {  	(pc) =	sbr.rel @p0 .LBB2_2-.Ltmp0, $3  }
0xab: {  	_ =	sdelay $0x1  }
0xac: {  	[tilespmem:v18+s29+$0x0] =	vst.idx.msk $0xffff, v17  }
0xad: {  	s17 =	sadd.s32 $0x8, s17;
	s18 =	sadd.s32 $0xFFFFFFF9, s1;
	v18 =	vadd.s32 v16, v19;
	v17 =	vld [tilespmem:s0+$0x70]  }
0xae: {  	v19 =	vmov s18  }
0xaf: {  	v19 =	vshrl.u32 v19, $0x3  }
0xb0: {  	v19 =	vshll.u32 v19, v1  }
0xb1: {  	v19 =	vbroadcast v19, $0x0  }
0xb2: {  	s0 =	sadd.s32 $0x100, s0;
	[tilespmem:v18+s29+$0x0] =	vst.idx.msk $0xffff, v17  }
0xb3: {  	v17 =	vld [tilespmem:s0+$0xFFFFFF80];
	v18 =	vadd.s32 v0, v19;
	_ =	sdelay $0x4  }
0xb4: {  	[tilespmem:v18+s29+$0x0] =	vst.idx.msk $0xffff, v17  }
0xb5: {  	s17 =	sadd.s32 $0xFFFFFFFA, s1;
	v18 =	vadd.s32 v2, v19;
	v17 =	vld [tilespmem:s0+$0xFFFFFF90]  }
0xb6: {  	v19 =	vmov s17  }
0xb7: {  	v19 =	vshrl.u32 v19, $0x3  }
0xb8: {  	v19 =	vshll.u32 v19, v1  }
0xb9: {  	v19 =	vbroadcast v19, $0x0  }
0xba: {  	[tilespmem:v18+s29+$0x0] =	vst.idx.msk $0xffff, v17  }
0xbb: {  	v18 =	vadd.s32 v3, v19;
	v17 =	vld [tilespmem:s0+$0xFFFFFFA0];
	_ =	sdelay $0x4  }
0xbc: {  	[tilespmem:v18+s29+$0x0] =	vst.idx.msk $0xffff, v17  }
0xbd: {  	s19 =	sadd.s32 $0xFFFFFFFB, s1;
	v18 =	vadd.s32 v4, v19;
	v17 =	vld [tilespmem:s0+$0xFFFFFFB0]  }
0xbe: {  	v19 =	vmov s19  }
0xbf: {  	v19 =	vshrl.u32 v19, $0x3  }
0xc0: {  	v19 =	vshll.u32 v19, v1  }
0xc1: {  	v19 =	vbroadcast v19, $0x0  }
0xc2: {  	[tilespmem:v18+s29+$0x0] =	vst.idx.msk $0xffff, v17  }
0xc3: {  	v18 =	vadd.s32 v5, v19;
	v17 =	vld [tilespmem:s0+$0xFFFFFFC0];
	_ =	sdelay $0x4  }
0xc4: {  	[tilespmem:v18+s29+$0x0] =	vst.idx.msk $0xffff, v17  }
0xc5: {  	s18 =	sadd.s32 $0xFFFFFFFC, s1;
	v18 =	vadd.s32 v6, v19;
	v17 =	vld [tilespmem:s0+$0xFFFFFFD0]  }
0xc6: {  	v19 =	vmov s18  }
0xc7: {  	v19 =	vshrl.u32 v19, $0x3  }
0xc8: {  	v19 =	vshll.u32 v19, v1  }
0xc9: {  	v19 =	vbroadcast v19, $0x0  }
0xca: {  	[tilespmem:v18+s29+$0x0] =	vst.idx.msk $0xffff, v17  }
0xcb: {  	v18 =	vadd.s32 v7, v19;
	v17 =	vld [tilespmem:s0+$0xFFFFFFE0];
	_ =	sdelay $0x4  }
0xcc: {  	[tilespmem:v18+s29+$0x0] =	vst.idx.msk $0xffff, v17  }
0xcd: {  	s19 =	sadd.s32 $0xFFFFFFFD, s1;
	v18 =	vadd.s32 v8, v19;
	v17 =	vld [tilespmem:s0+$0xFFFFFFF0]  }
0xce: {  	v19 =	vmov s19  }
0xcf: {  	v19 =	vshrl.u32 v19, $0x3  }
0xd0: {  	v19 =	vshll.u32 v19, v1  }
0xd1: {  	v19 =	vbroadcast v19, $0x0  }
0xd2: {  	[tilespmem:v18+s29+$0x0] =	vst.idx.msk $0xffff, v17  }
0xd3: {  	v18 =	vadd.s32 v9, v19;
	v17 =	vld [tilespmem:s0+$0x0];
	_ =	sdelay $0x4  }
0xd4: {  	[tilespmem:v18+s29+$0x0] =	vst.idx.msk $0xffff, v17  }
0xd5: {  	s18 =	sadd.s32 $0xFFFFFFFE, s1;
	v18 =	vadd.s32 v10, v19;
	v17 =	vld [tilespmem:s0+$0x10]  }
0xd6: {  	v19 =	vmov s18  }
0xd7: {  	v19 =	vshrl.u32 v19, $0x3  }
0xd8: {  	v19 =	vshll.u32 v19, v1  }
0xd9: {  	v19 =	vbroadcast v19, $0x0  }
0xda: {  	[tilespmem:v18+s29+$0x0] =	vst.idx.msk $0xffff, v17  }
0xdb: {  	v18 =	vadd.s32 v11, v19;
	v17 =	vld [tilespmem:s0+$0x20];
	_ =	sdelay $0x4  }
0xdc: {  	[tilespmem:v18+s29+$0x0] =	vst.idx.msk $0xffff, v17  }
0xdd: {  	s19 =	sadd.s32 $0xFFFFFFFF, s1;
	v18 =	vadd.s32 v12, v19;
	v17 =	vld [tilespmem:s0+$0x30]  }
0xde: {  	v19 =	vmov s19  }
0xdf: {  	v19 =	vshrl.u32 v19, $0x3  }
0xe0: {  	v19 =	vshll.u32 v19, v1  }
0xe1: {  	v19 =	vbroadcast v19, $0x0  }
0xe2: {  	[tilespmem:v18+s29+$0x0] =	vst.idx.msk $0xffff, v17  }
0xe3: {  	v18 =	vadd.s32 v13, v19;
	v17 =	vld [tilespmem:s0+$0x40];
	_ =	sdelay $0x4  }
0xe4: {  	[tilespmem:v18+s29+$0x0] =	vst.idx.msk $0xffff, v17  }
0xe5: {  	v18 =	vadd.s32 v14, v19;
	v17 =	vld [tilespmem:s0+$0x50]  }
0xe6: {  	v19 =	vmov s1  }
0xe7: {  	v19 =	vshrl.u32 v19, $0x3  }
0xe8: {  	v19 =	vshll.u32 v19, v1  }
0xe9: {  	v19 =	vbroadcast v19, $0x0  }
0xea: {  	[tilespmem:v18+s29+$0x0] =	vst.idx.msk $0xffff, v17  }
0xeb: {  	v18 =	vadd.s32 v15, v19;
	v17 =	vld [tilespmem:s0+$0x60];
	_ =	sdelay $0x4  }
0xec: {  	[tilespmem:v18+s29+$0x0] =	vst.idx.msk $0xffff, v17  }
0xed: {  	v18 =	vadd.s32 v16, v19;
	v17 =	vld [tilespmem:s0+$0x70];
	_ =	sdelay $0x4  }
0xee: {  	[tilespmem:v18+s29+$0x0] =	vst.idx.msk $0xffff, v17  }
0xef: {  	[hbm4b:s7+s3] =	stream.linear.scatter [tilespmem:s29], [sflag:$0x2], $0x80, $0x38;
	[tilespmem:$0xB600] =	vst v63  }
0xf0: {  	s1 =	sadd.s32 $0x10, s7  }
0xf1: {  	[hbm4b:s1+s3] =	stream.linear.scatter [tilespmem:s20], [sflag:$0x2], $0x80, $0x38;
	[tilespmem:$0xB600] =	vst v63  }
0xf2: {  	s17 =	sadd.s32 $0x20, s7  }
0xf3: {  	[hbm4b:s17+s3] =	stream.linear.scatter [tilespmem:s21], [sflag:$0x2], $0x80, $0x38;
	[tilespmem:$0xB600] =	vst v63  }
0xf4: {  	s18 =	sadd.s32 $0x30, s7  }
0xf5: {  	[hbm4b:s18+s3] =	stream.linear.scatter [tilespmem:s30], [sflag:$0x2], $0x80, $0x38;
	[tilespmem:$0xB600] =	vst v63  }
0xf6: {  	s19 =	sadd.s32 $0x40, s7  }
0xf7: {  	[hbm4b:s19+s3] =	stream.linear.scatter [tilespmem:s31], [sflag:$0x2], $0x80, $0x38;
	[tilespmem:$0xB600] =	vst v63  }
0xf8: {  	s20 =	sadd.s32 $0x50, s7;
	s21 =	simm.s32 $0x96A8  }
0xf9: {  	[hbm4b:s20+s3] =	stream.linear.scatter [tilespmem:s21], [sflag:$0x2], $0x80, $0x38;
	[tilespmem:$0xB600] =	vst v63  }
0xfa: {  	s1 =	sadd.s32 $0x60, s7;
	s17 =	simm.s32 $0x9730  }
0xfb: {  	[hbm4b:s1+s3] =	stream.linear.scatter [tilespmem:s17], [sflag:$0x2], $0x80, $0x38;
	[tilespmem:$0xB600] =	vst v63  }
0xfc: {  	s18 =	sadd.s32 $0x70, s7;
	s19 =	simm.s32 $0x97B8  }
0xfd: {  	[hbm4b:s18+s3] =	stream.linear.scatter [tilespmem:s19], [sflag:$0x2], $0x80, $0x38;
	[tilespmem:$0xB600] =	vst v63  }
0xfe: {  	s20 =	sadd.s32 $0x4000, s7;
	s21 =	simm.s32 $0x9840  }
0xff: {  	[hbm4b:s20+s3] =	stream.linear.scatter [tilespmem:s21], [sflag:$0x2], $0x80, $0x38;
	[tilespmem:$0xB600] =	vst v63  }
0x100: {  	s1 =	sadd.s32 $0x4010, s7;
	s17 =	simm.s32 $0x98C8  }
0x101: {  	[hbm4b:s1+s3] =	stream.linear.scatter [tilespmem:s17], [sflag:$0x2], $0x80, $0x38;
	[tilespmem:$0xB600] =	vst v63  }
0x102: {  	s18 =	sadd.s32 $0x4020, s7;
	s19 =	simm.s32 $0x9950  }
0x103: {  	[hbm4b:s18+s3] =	stream.linear.scatter [tilespmem:s19], [sflag:$0x2], $0x80, $0x38;
	[tilespmem:$0xB600] =	vst v63  }
0x104: {  	s20 =	sadd.s32 $0x4030, s7;
	s21 =	simm.s32 $0x99D8  }
0x105: {  	[hbm4b:s20+s3] =	stream.linear.scatter [tilespmem:s21], [sflag:$0x2], $0x80, $0x38;
	[tilespmem:$0xB600] =	vst v63  }
0x106: {  	s1 =	sadd.s32 $0x4040, s7;
	s17 =	simm.s32 $0x9A60  }
0x107: {  	[hbm4b:s1+s3] =	stream.linear.scatter [tilespmem:s17], [sflag:$0x2], $0x80, $0x38;
	[tilespmem:$0xB600] =	vst v63  }
0x108: {  	s18 =	sadd.s32 $0x4050, s7;
	s19 =	simm.s32 $0x9AE8  }
0x109: {  	[hbm4b:s18+s3] =	stream.linear.scatter [tilespmem:s19], [sflag:$0x2], $0x80, $0x38;
	[tilespmem:$0xB600] =	vst v63  }
0x10a: {  	s20 =	sadd.s32 $0x4060, s7;
	s21 =	simm.s32 $0x9B70  }
0x10b: {  	[hbm4b:s20+s3] =	stream.linear.scatter [tilespmem:s21], [sflag:$0x2], $0x80, $0x38;
	[tilespmem:$0xB600] =	vst v63  }
0x10c: {  	s1 =	sadd.s32 $0x4070, s7;
	s17 =	simm.s32 $0x9BF8  }
0x10d: {  	[hbm4b:s1+s3] =	stream.linear.scatter [tilespmem:s17], [sflag:$0x2], $0x80, $0x38;
	[tilespmem:$0xB600] =	vst v63  }
0x10e: {  	s18 =	sadd.s32 $0x8000, s7;
	s19 =	simm.s32 $0x9C80  }
0x10f: {  	[hbm4b:s18+s3] =	stream.linear.scatter [tilespmem:s19], [sflag:$0x2], $0x80, $0x38;
	[tilespmem:$0xB600] =	vst v63  }
0x110: {  	s20 =	sadd.s32 $0x8010, s7;
	s21 =	simm.s32 $0x9D08  }
0x111: {  	[hbm4b:s20+s3] =	stream.linear.scatter [tilespmem:s21], [sflag:$0x2], $0x80, $0x38;
	[tilespmem:$0xB600] =	vst v63  }
0x112: {  	s1 =	sadd.s32 $0x8020, s7;
	s17 =	simm.s32 $0x9D90  }
0x113: {  	[hbm4b:s1+s3] =	stream.linear.scatter [tilespmem:s17], [sflag:$0x2], $0x80, $0x38;
	[tilespmem:$0xB600] =	vst v63  }
0x114: {  	s18 =	sadd.s32 $0x8030, s7;
	s19 =	simm.s32 $0x9E18  }
0x115: {  	[hbm4b:s18+s3] =	stream.linear.scatter [tilespmem:s19], [sflag:$0x2], $0x80, $0x38;
	[tilespmem:$0xB600] =	vst v63  }
0x116: {  	s20 =	sadd.s32 $0x8040, s7;
	s21 =	simm.s32 $0x9EA0  }
0x117: {  	[hbm4b:s20+s3] =	stream.linear.scatter [tilespmem:s21], [sflag:$0x2], $0x80, $0x38;
	[tilespmem:$0xB600] =	vst v63  }
0x118: {  	s1 =	sadd.s32 $0x8050, s7;
	s17 =	simm.s32 $0x9F28  }
0x119: {  	[hbm4b:s1+s3] =	stream.linear.scatter [tilespmem:s17], [sflag:$0x2], $0x80, $0x38;
	[tilespmem:$0xB600] =	vst v63  }
0x11a: {  	s18 =	sadd.s32 $0x8060, s7;
	s19 =	simm.s32 $0x9FB0  }
0x11b: {  	[hbm4b:s18+s3] =	stream.linear.scatter [tilespmem:s19], [sflag:$0x2], $0x80, $0x38;
	[tilespmem:$0xB600] =	vst v63  }
0x11c: {  	s20 =	sadd.s32 $0x8070, s7;
	s21 =	simm.s32 $0xA038  }
0x11d: {  	[hbm4b:s20+s3] =	stream.linear.scatter [tilespmem:s21], [sflag:$0x2], $0x80, $0x38;
	[tilespmem:$0xB600] =	vst v63  }
0x11e: {  	s1 =	sadd.s32 $0xC000, s7;
	s17 =	simm.s32 $0xA0C0  }
0x11f: {  	[hbm4b:s1+s3] =	stream.linear.scatter [tilespmem:s17], [sflag:$0x2], $0x80, $0x38;
	[tilespmem:$0xB600] =	vst v63  }
0x120: {  	s18 =	sadd.s32 $0xC010, s7;
	s19 =	simm.s32 $0xA148  }
0x121: {  	[hbm4b:s18+s3] =	stream.linear.scatter [tilespmem:s19], [sflag:$0x2], $0x80, $0x38;
	[tilespmem:$0xB600] =	vst v63  }
0x122: {  	s20 =	sadd.s32 $0xC020, s7;
	s21 =	simm.s32 $0xA1D0  }
0x123: {  	[hbm4b:s20+s3] =	stream.linear.scatter [tilespmem:s21], [sflag:$0x2], $0x80, $0x38;
	[tilespmem:$0xB600] =	vst v63  }
0x124: {  	s1 =	sadd.s32 $0xC030, s7  }
0x125: {  	[hbm4b:s1+s3] =	stream.linear.scatter [tilespmem:s22], [sflag:$0x2], $0x80, $0x38;
	[tilespmem:$0xB600] =	vst v63  }
0x126: {  	s17 =	sadd.s32 $0xC040, s7  }
0x127: {  	[hbm4b:s17+s3] =	stream.linear.scatter [tilespmem:s23], [sflag:$0x2], $0x80, $0x38;
	[tilespmem:$0xB600] =	vst v63  }
0x128: {  	s18 =	sadd.s32 $0xC050, s7  }
0x129: {  	[hbm4b:s18+s3] =	stream.linear.scatter [tilespmem:s24], [sflag:$0x2], $0x80, $0x38;
	[tilespmem:$0xB600] =	vst v63  }
0x12a: {  	s19 =	sadd.s32 $0xC060, s7  }
0x12b: {  	[hbm4b:s19+s3] =	stream.linear.scatter [tilespmem:s25], [sflag:$0x2], $0x80, $0x38;
	[tilespmem:$0xB600] =	vst v63  }
0x12c: {  	s20 =	sadd.s32 $0xC070, s7  }
0x12d: {  	[hbm4b:s20+s3] =	stream.linear.scatter [tilespmem:s26], [sflag:$0x2], $0x80, $0x38;
	[tilespmem:$0xB600] =	vst v63  }
0x12e: {  	s30 =	simm.s32 $0x3400;
	s31 =	simm.s32 $0x1;
	s21 =	simm.s32 $0x300  }
0x12f: {  	[tilespmem:s30], [sflag:$0x1] =	stream.indirect.gather [hbm4b:s5+s16], $0x20, s21, s16, $0xb8;
	[tilespmem:$0xB600] =	vst v63  }
.LBB2_4:
0x130: {  	s0 =	smulhi.u32 $0xAAAAAAAB, s31;
	_ =	sdelay $0x1  }
0x131: {  	s0 =	sshrl.u32 s0, $0x2  }
0x132: {  	s0 =	smul.u32 $0xFFFE8000, s0;
	_ =	sdelay $0x1  }
0x133: {  	s0 =	sshra.s32 s0, $0x2  }
0x134: {  	s1 =	simm.s32 $0x0;
	s0 =	sadd.s32 s0, s30  }
0x135: {  	v18 =	vmov s1;
	v17 =	vmov s0  }
0x136: {  	v18 =	vshrl.u32 v18, $0x3  }
0x137: {  	_ =	swait.ge [sflag:s28], $0x1000;
	v18 =	vshll.u32 v18, v1  }
0x138: {  	[sflag:s28] =	ssyncset.done $0x0;
	v18 =	vbroadcast v18, $0x0  }
0x139: {  	s17 =	simm.s32 $0x0;
	[sflag:s28] =	ssyncadd.s32 $0xFFFFF000  }
0x13a: {  	v20 =	vadd.s32 v0, v18;
	v19 =	vld.idx.msk [tilespmem:v17+s17+$0x1000 ss:$0x1], $0xffff  }
0x13b: {  	s18 =	sand.u32 $0x1, s31  }
0x13c: {  	p0 =	seq.s32 s18, $0x1;
	s1 =	simm.s32 $0x1100  }
0x13d: {  	s1 =	simm.s32 @!p0 $0x0  }
0x13e: {  	s0 =	sadd.s32 $0x9400, s1  }
0x13f: {  	[tilespmem:v20+s0+$0x0] =	vst.idx.msk $0xffff, v19  }
0x140: {  	s18 =	simm.s32 $0x1;
	v18 =	vadd.s32 v2, v18;
	v19 =	vld.idx.msk [tilespmem:v17+s17+$0x1010 ss:$0x1], $0xffff  }
0x141: {  	v20 =	vmov s18  }
0x142: {  	v20 =	vshrl.u32 v20, $0x3  }
0x143: {  	v20 =	vshll.u32 v20, v1  }
0x144: {  	v20 =	vbroadcast v20, $0x0  }
0x145: {  	[tilespmem:v18+s0+$0x0] =	vst.idx.msk $0xffff, v19  }
0x146: {  	v19 =	vadd.s32 v3, v20;
	v18 =	vld.idx.msk [tilespmem:v17+s17+$0x1020 ss:$0x1], $0xffff;
	_ =	sdelay $0x4  }
0x147: {  	[tilespmem:v19+s0+$0x0] =	vst.idx.msk $0xffff, v18  }
0x148: {  	s19 =	simm.s32 $0x2;
	v19 =	vadd.s32 v4, v20;
	v18 =	vld.idx.msk [tilespmem:v17+s17+$0x1030 ss:$0x1], $0xffff  }
0x149: {  	v20 =	vmov s19  }
0x14a: {  	v20 =	vshrl.u32 v20, $0x3  }
0x14b: {  	v20 =	vshll.u32 v20, v1  }
0x14c: {  	v20 =	vbroadcast v20, $0x0  }
0x14d: {  	[tilespmem:v19+s0+$0x0] =	vst.idx.msk $0xffff, v18  }
0x14e: {  	v19 =	vadd.s32 v5, v20;
	v18 =	vld.idx.msk [tilespmem:v17+s17+$0x1040 ss:$0x1], $0xffff;
	_ =	sdelay $0x4  }
0x14f: {  	[tilespmem:v19+s0+$0x0] =	vst.idx.msk $0xffff, v18  }
0x150: {  	s20 =	simm.s32 $0x3;
	v19 =	vadd.s32 v6, v20;
	v18 =	vld.idx.msk [tilespmem:v17+s17+$0x1050 ss:$0x1], $0xffff  }
0x151: {  	v20 =	vmov s20  }
0x152: {  	v20 =	vshrl.u32 v20, $0x3  }
0x153: {  	v20 =	vshll.u32 v20, v1  }
0x154: {  	v20 =	vbroadcast v20, $0x0  }
0x155: {  	[tilespmem:v19+s0+$0x0] =	vst.idx.msk $0xffff, v18  }
0x156: {  	v19 =	vadd.s32 v7, v20;
	v18 =	vld.idx.msk [tilespmem:v17+s17+$0x1060 ss:$0x1], $0xffff;
	_ =	sdelay $0x4  }
0x157: {  	[tilespmem:v19+s0+$0x0] =	vst.idx.msk $0xffff, v18  }
0x158: {  	s21 =	simm.s32 $0x4;
	v19 =	vadd.s32 v8, v20;
	v18 =	vld.idx.msk [tilespmem:v17+s17+$0x1070 ss:$0x1], $0xffff  }
0x159: {  	v20 =	vmov s21  }
0x15a: {  	v20 =	vshrl.u32 v20, $0x3  }
0x15b: {  	v20 =	vshll.u32 v20, v1  }
0x15c: {  	v20 =	vbroadcast v20, $0x0  }
0x15d: {  	[tilespmem:v19+s0+$0x0] =	vst.idx.msk $0xffff, v18  }
0x15e: {  	v19 =	vadd.s32 v9, v20;
	v18 =	vld.idx.msk [tilespmem:v17+s17+$0x1080 ss:$0x1], $0xffff;
	_ =	sdelay $0x4  }
0x15f: {  	[tilespmem:v19+s0+$0x0] =	vst.idx.msk $0xffff, v18  }
0x160: {  	s19 =	simm.s32 $0x5;
	v19 =	vadd.s32 v10, v20;
	v18 =	vld.idx.msk [tilespmem:v17+s17+$0x1090 ss:$0x1], $0xffff  }
0x161: {  	v20 =	vmov s19  }
0x162: {  	v20 =	vshrl.u32 v20, $0x3  }
0x163: {  	v20 =	vshll.u32 v20, v1  }
0x164: {  	v20 =	vbroadcast v20, $0x0  }
0x165: {  	[tilespmem:v19+s0+$0x0] =	vst.idx.msk $0xffff, v18  }
0x166: {  	v19 =	vadd.s32 v11, v20;
	v18 =	vld.idx.msk [tilespmem:v17+s17+$0x10A0 ss:$0x1], $0xffff;
	_ =	sdelay $0x4  }
0x167: {  	[tilespmem:v19+s0+$0x0] =	vst.idx.msk $0xffff, v18  }
0x168: {  	s20 =	simm.s32 $0x6;
	v19 =	vadd.s32 v12, v20;
	v18 =	vld.idx.msk [tilespmem:v17+s17+$0x10B0 ss:$0x1], $0xffff  }
0x169: {  	v20 =	vmov s20  }
0x16a: {  	v20 =	vshrl.u32 v20, $0x3  }
0x16b: {  	v20 =	vshll.u32 v20, v1  }
0x16c: {  	v20 =	vbroadcast v20, $0x0  }
0x16d: {  	[tilespmem:v19+s0+$0x0] =	vst.idx.msk $0xffff, v18  }
0x16e: {  	v19 =	vadd.s32 v13, v20;
	v18 =	vld.idx.msk [tilespmem:v17+s17+$0x10C0 ss:$0x1], $0xffff;
	_ =	sdelay $0x4  }
0x16f: {  	[tilespmem:v19+s0+$0x0] =	vst.idx.msk $0xffff, v18  }
0x170: {  	s21 =	simm.s32 $0x7;
	v19 =	vadd.s32 v14, v20;
	v18 =	vld.idx.msk [tilespmem:v17+s17+$0x10D0 ss:$0x1], $0xffff  }
0x171: {  	v20 =	vmov s21  }
0x172: {  	v20 =	vshrl.u32 v20, $0x3  }
0x173: {  	v20 =	vshll.u32 v20, v1  }
0x174: {  	v20 =	vbroadcast v20, $0x0  }
0x175: {  	[tilespmem:v19+s0+$0x0] =	vst.idx.msk $0xffff, v18  }
0x176: {  	v19 =	vadd.s32 v15, v20;
	v18 =	vld.idx.msk [tilespmem:v17+s17+$0x10E0 ss:$0x1], $0xffff;
	_ =	sdelay $0x4  }
0x177: {  	[tilespmem:v19+s0+$0x0] =	vst.idx.msk $0xffff, v18  }
0x178: {  	s18 =	simm.s32 $0x400;
	v19 =	vadd.s32 v16, v20;
	v18 =	vld.idx.msk [tilespmem:v17+s17+$0x10F0 ss:$0x1], $0xffff  }
0x179: {  	s19 =	simm.s32 $0x800;
	s20 =	simm.s32 $0x8;
	s17 =	simm.s32 $0xF  }
.LBB2_5:
0x17a: {  	p0 =	sne.s32 s19, $0x3C00;
	v20 =	vmov s20  }
0x17b: {  	v20 =	vshrl.u32 v20, $0x3  }
0x17c: {  	v20 =	vshll.u32 v20, v1  }
0x17d: {  	s20 =	sshra.s32 s18, $0x2;
	s18 =	smov.u32 s19;
	v20 =	vbroadcast v20, $0x0;
	[tilespmem:v19+s0+$0x0] =	vst.idx.msk $0xffff, v18  }
0x17e: {  	v18 =	vld.idx.msk [tilespmem:v17+s20+$0x1000 ss:$0x1], $0xffff  }
0x17f: {  	v19 =	vadd.s32 v0, v20;
	_ =	sdelay $0x4  }
0x180: {  	[tilespmem:v19+s0+$0x0] =	vst.idx.msk $0xffff, v18  }
0x181: {  	v18 =	vld.idx.msk [tilespmem:v17+s20+$0x1010 ss:$0x1], $0xffff  }
0x182: {  	v19 =	vadd.s32 v2, v20  }
0x183: {  	s21 =	sadd.s32 $0xFFFFFFFA, s17  }
0x184: {  	v20 =	vmov s21  }
0x185: {  	v20 =	vshrl.u32 v20, $0x3  }
0x186: {  	v20 =	vshll.u32 v20, v1  }
0x187: {  	[tilespmem:v19+s0+$0x0] =	vst.idx.msk $0xffff, v18;
	v18 =	vbroadcast v20, $0x0  }
0x188: {  	v19 =	vld.idx.msk [tilespmem:v17+s20+$0x1020 ss:$0x1], $0xffff  }
0x189: {  	v20 =	vadd.s32 v3, v18;
	_ =	sdelay $0x4  }
0x18a: {  	[tilespmem:v20+s0+$0x0] =	vst.idx.msk $0xffff, v19  }
0x18b: {  	v19 =	vld.idx.msk [tilespmem:v17+s20+$0x1030 ss:$0x1], $0xffff  }
0x18c: {  	v18 =	vadd.s32 v4, v18  }
0x18d: {  	s21 =	sadd.s32 $0xFFFFFFFB, s17  }
0x18e: {  	v20 =	vmov s21  }
0x18f: {  	v20 =	vshrl.u32 v20, $0x3  }
0x190: {  	v20 =	vshll.u32 v20, v1  }
0x191: {  	[tilespmem:v18+s0+$0x0] =	vst.idx.msk $0xffff, v19;
	v18 =	vbroadcast v20, $0x0  }
0x192: {  	v19 =	vld.idx.msk [tilespmem:v17+s20+$0x1040 ss:$0x1], $0xffff  }
0x193: {  	v20 =	vadd.s32 v5, v18;
	_ =	sdelay $0x4  }
0x194: {  	[tilespmem:v20+s0+$0x0] =	vst.idx.msk $0xffff, v19  }
0x195: {  	v19 =	vld.idx.msk [tilespmem:v17+s20+$0x1050 ss:$0x1], $0xffff  }
0x196: {  	v18 =	vadd.s32 v6, v18  }
0x197: {  	s21 =	sadd.s32 $0xFFFFFFFC, s17  }
0x198: {  	v20 =	vmov s21  }
0x199: {  	v20 =	vshrl.u32 v20, $0x3  }
0x19a: {  	v20 =	vshll.u32 v20, v1  }
0x19b: {  	[tilespmem:v18+s0+$0x0] =	vst.idx.msk $0xffff, v19;
	v18 =	vbroadcast v20, $0x0  }
0x19c: {  	v19 =	vld.idx.msk [tilespmem:v17+s20+$0x1060 ss:$0x1], $0xffff  }
0x19d: {  	v20 =	vadd.s32 v7, v18;
	_ =	sdelay $0x4  }
0x19e: {  	[tilespmem:v20+s0+$0x0] =	vst.idx.msk $0xffff, v19  }
0x19f: {  	v19 =	vld.idx.msk [tilespmem:v17+s20+$0x1070 ss:$0x1], $0xffff  }
0x1a0: {  	v18 =	vadd.s32 v8, v18  }
0x1a1: {  	s21 =	sadd.s32 $0xFFFFFFFD, s17  }
0x1a2: {  	v20 =	vmov s21  }
0x1a3: {  	v20 =	vshrl.u32 v20, $0x3  }
0x1a4: {  	v20 =	vshll.u32 v20, v1  }
0x1a5: {  	[tilespmem:v18+s0+$0x0] =	vst.idx.msk $0xffff, v19;
	v18 =	vbroadcast v20, $0x0  }
0x1a6: {  	v19 =	vld.idx.msk [tilespmem:v17+s20+$0x1080 ss:$0x1], $0xffff  }
0x1a7: {  	v20 =	vadd.s32 v9, v18;
	_ =	sdelay $0x4  }
0x1a8: {  	[tilespmem:v20+s0+$0x0] =	vst.idx.msk $0xffff, v19  }
0x1a9: {  	v19 =	vld.idx.msk [tilespmem:v17+s20+$0x1090 ss:$0x1], $0xffff  }
0x1aa: {  	v18 =	vadd.s32 v10, v18  }
0x1ab: {  	s21 =	sadd.s32 $0xFFFFFFFE, s17  }
0x1ac: {  	v20 =	vmov s21  }
0x1ad: {  	v20 =	vshrl.u32 v20, $0x3  }
0x1ae: {  	v20 =	vshll.u32 v20, v1  }
0x1af: {  	[tilespmem:v18+s0+$0x0] =	vst.idx.msk $0xffff, v19;
	v18 =	vbroadcast v20, $0x0  }
0x1b0: {  	v19 =	vld.idx.msk [tilespmem:v17+s20+$0x10A0 ss:$0x1], $0xffff  }
0x1b1: {  	v20 =	vadd.s32 v11, v18;
	_ =	sdelay $0x4  }
0x1b2: {  	[tilespmem:v20+s0+$0x0] =	vst.idx.msk $0xffff, v19  }
0x1b3: {  	v19 =	vld.idx.msk [tilespmem:v17+s20+$0x10B0 ss:$0x1], $0xffff  }
0x1b4: {  	v18 =	vadd.s32 v12, v18  }
0x1b5: {  	s21 =	sadd.s32 $0xFFFFFFFF, s17  }
0x1b6: {  	v20 =	vmov s21  }
0x1b7: {  	v20 =	vshrl.u32 v20, $0x3  }
0x1b8: {  	v20 =	vshll.u32 v20, v1  }
0x1b9: {  	[tilespmem:v18+s0+$0x0] =	vst.idx.msk $0xffff, v19;
	v18 =	vbroadcast v20, $0x0  }
0x1ba: {  	v19 =	vld.idx.msk [tilespmem:v17+s20+$0x10C0 ss:$0x1], $0xffff  }
0x1bb: {  	v20 =	vadd.s32 v13, v18;
	_ =	sdelay $0x4  }
0x1bc: {  	[tilespmem:v20+s0+$0x0] =	vst.idx.msk $0xffff, v19  }
0x1bd: {  	v19 =	vld.idx.msk [tilespmem:v17+s20+$0x10D0 ss:$0x1], $0xffff  }
0x1be: {  	v18 =	vadd.s32 v14, v18;
	_ =	sdelay $0x1  }
0x1bf: {  	v20 =	vmov s17  }
0x1c0: {  	v20 =	vshrl.u32 v20, $0x3  }
0x1c1: {  	v20 =	vshll.u32 v20, v1  }
0x1c2: {  	[tilespmem:v18+s0+$0x0] =	vst.idx.msk $0xffff, v19;
	v19 =	vbroadcast v20, $0x0  }
0x1c3: {  	v18 =	vld.idx.msk [tilespmem:v17+s20+$0x10E0 ss:$0x1], $0xffff  }
0x1c4: {  	v20 =	vadd.s32 v15, v19;
	_ =	sdelay $0x3  }
.Ltmp1:
0x1c5: {  	(pc) =	sbr.rel @p0 .LBB2_5-.Ltmp1, $4  }
0x1c6: {  	[tilespmem:v20+s0+$0x0] =	vst.idx.msk $0xffff, v18  }
0x1c7: {  	v18 =	vld.idx.msk [tilespmem:v17+s20+$0x10F0 ss:$0x1], $0xffff  }
0x1c8: {  	s17 =	sadd.s32 $0x8, s17;
	v19 =	vadd.s32 v16, v19  }
0x1c9: {  	s19 =	sadd.s32 $0x400, s19;
	s20 =	sadd.s32 $0xFFFFFFF9, s17  }
0x1ca: {  	v20 =	vmov s20  }
0x1cb: {  	v20 =	vshrl.u32 v20, $0x3  }
0x1cc: {  	v20 =	vshll.u32 v20, v1  }
0x1cd: {  	v20 =	vbroadcast v20, $0x0  }
0x1ce: {  	s18 =	sshra.s32 s18, $0x2;
	[tilespmem:v19+s0+$0x0] =	vst.idx.msk $0xffff, v18  }
0x1cf: {  	v18 =	vld.idx.msk [tilespmem:v17+s18+$0x1000 ss:$0x1], $0xffff;
	v19 =	vadd.s32 v0, v20;
	_ =	sdelay $0x4  }
0x1d0: {  	[tilespmem:v19+s0+$0x0] =	vst.idx.msk $0xffff, v18  }
0x1d1: {  	s19 =	sadd.s32 $0xFFFFFFFA, s17;
	v19 =	vadd.s32 v2, v20;
	v18 =	vld.idx.msk [tilespmem:v17+s18+$0x1010 ss:$0x1], $0xffff  }
0x1d2: {  	v57 =	vmov s19  }
0x1d3: {  	v20 =	vshrl.u32 v57, $0x3  }
0x1d4: {  	v20 =	vshll.u32 v20, v1  }
0x1d5: {  	v20 =	vbroadcast v20, $0x0  }
0x1d6: {  	[tilespmem:v19+s0+$0x0] =	vst.idx.msk $0xffff, v18  }
0x1d7: {  	v19 =	vadd.s32 v3, v20;
	v18 =	vld.idx.msk [tilespmem:v17+s18+$0x1020 ss:$0x1], $0xffff;
	_ =	sdelay $0x4  }
0x1d8: {  	[tilespmem:v19+s0+$0x0] =	vst.idx.msk $0xffff, v18  }
0x1d9: {  	s21 =	sadd.s32 $0xFFFFFFFB, s17;
	v19 =	vadd.s32 v4, v20;
	v18 =	vld.idx.msk [tilespmem:v17+s18+$0x1030 ss:$0x1], $0xffff  }
0x1da: {  	v58 =	vmov s21  }
0x1db: {  	v20 =	vshrl.u32 v58, $0x3  }
0x1dc: {  	v20 =	vshll.u32 v20, v1  }
0x1dd: {  	v20 =	vbroadcast v20, $0x0  }
0x1de: {  	[tilespmem:v19+s0+$0x0] =	vst.idx.msk $0xffff, v18  }
0x1df: {  	v19 =	vadd.s32 v5, v20;
	v18 =	vld.idx.msk [tilespmem:v17+s18+$0x1040 ss:$0x1], $0xffff;
	_ =	sdelay $0x4  }
0x1e0: {  	[tilespmem:v19+s0+$0x0] =	vst.idx.msk $0xffff, v18  }
0x1e1: {  	s20 =	sadd.s32 $0xFFFFFFFC, s17;
	v19 =	vadd.s32 v6, v20;
	v18 =	vld.idx.msk [tilespmem:v17+s18+$0x1050 ss:$0x1], $0xffff  }
0x1e2: {  	v59 =	vmov s20  }
0x1e3: {  	v20 =	vshrl.u32 v59, $0x3  }
0x1e4: {  	v20 =	vshll.u32 v20, v1  }
0x1e5: {  	v20 =	vbroadcast v20, $0x0  }
0x1e6: {  	[tilespmem:v19+s0+$0x0] =	vst.idx.msk $0xffff, v18  }
0x1e7: {  	v19 =	vadd.s32 v7, v20;
	v18 =	vld.idx.msk [tilespmem:v17+s18+$0x1060 ss:$0x1], $0xffff;
	_ =	sdelay $0x4  }
0x1e8: {  	[tilespmem:v19+s0+$0x0] =	vst.idx.msk $0xffff, v18  }
0x1e9: {  	s21 =	sadd.s32 $0xFFFFFFFD, s17;
	v19 =	vadd.s32 v8, v20;
	v18 =	vld.idx.msk [tilespmem:v17+s18+$0x1070 ss:$0x1], $0xffff  }
0x1ea: {  	v60 =	vmov s21  }
0x1eb: {  	v20 =	vshrl.u32 v60, $0x3  }
0x1ec: {  	v20 =	vshll.u32 v20, v1  }
0x1ed: {  	v20 =	vbroadcast v20, $0x0  }
0x1ee: {  	[tilespmem:v19+s0+$0x0] =	vst.idx.msk $0xffff, v18  }
0x1ef: {  	v19 =	vadd.s32 v9, v20;
	v18 =	vld.idx.msk [tilespmem:v17+s18+$0x1080 ss:$0x1], $0xffff;
	_ =	sdelay $0x4  }
0x1f0: {  	[tilespmem:v19+s0+$0x0] =	vst.idx.msk $0xffff, v18  }
0x1f1: {  	s20 =	sadd.s32 $0xFFFFFFFE, s17;
	v19 =	vadd.s32 v10, v20;
	v18 =	vld.idx.msk [tilespmem:v17+s18+$0x1090 ss:$0x1], $0xffff  }
0x1f2: {  	v61 =	vmov s20  }
0x1f3: {  	v20 =	vshrl.u32 v61, $0x3  }
0x1f4: {  	v20 =	vshll.u32 v20, v1  }
0x1f5: {  	v20 =	vbroadcast v20, $0x0  }
0x1f6: {  	[tilespmem:v19+s0+$0x0] =	vst.idx.msk $0xffff, v18  }
0x1f7: {  	v19 =	vadd.s32 v11, v20;
	v18 =	vld.idx.msk [tilespmem:v17+s18+$0x10A0 ss:$0x1], $0xffff;
	_ =	sdelay $0x4  }
0x1f8: {  	[tilespmem:v19+s0+$0x0] =	vst.idx.msk $0xffff, v18  }
0x1f9: {  	s21 =	sadd.s32 $0xFFFFFFFF, s17;
	v19 =	vadd.s32 v12, v20;
	v18 =	vld.idx.msk [tilespmem:v17+s18+$0x10B0 ss:$0x1], $0xffff  }
0x1fa: {  	v62 =	vmov s21  }
0x1fb: {  	v20 =	vshrl.u32 v62, $0x3  }
0x1fc: {  	v20 =	vshll.u32 v20, v1  }
0x1fd: {  	v20 =	vbroadcast v20, $0x0  }
0x1fe: {  	[tilespmem:v19+s0+$0x0] =	vst.idx.msk $0xffff, v18  }
0x1ff: {  	v19 =	vadd.s32 v13, v20;
	v18 =	vld.idx.msk [tilespmem:v17+s18+$0x10C0 ss:$0x1], $0xffff;
	_ =	sdelay $0x4  }
0x200: {  	[tilespmem:v19+s0+$0x0] =	vst.idx.msk $0xffff, v18  }
0x201: {  	v19 =	vadd.s32 v14, v20;
	v18 =	vld.idx.msk [tilespmem:v17+s18+$0x10D0 ss:$0x1], $0xffff  }
0x202: {  	v63 =	vmov s17  }
0x203: {  	v20 =	vshrl.u32 v63, $0x3  }
0x204: {  	v20 =	vshll.u32 v20, v1  }
0x205: {  	v20 =	vbroadcast v20, $0x0  }
0x206: {  	[tilespmem:v19+s0+$0x0] =	vst.idx.msk $0xffff, v18  }
0x207: {  	v19 =	vadd.s32 v15, v20;
	v18 =	vld.idx.msk [tilespmem:v17+s18+$0x10E0 ss:$0x1], $0xffff;
	_ =	sdelay $0x4  }
0x208: {  	[tilespmem:v19+s0+$0x0] =	vst.idx.msk $0xffff, v18  }
0x209: {  	v18 =	vadd.s32 v16, v20;
	v17 =	vld.idx.msk [tilespmem:v17+s18+$0x10F0 ss:$0x1], $0xffff  }
0x20a: {  	s19 =	sadd.s32 s4, s31  }
0x20b: {  	s20 =	sshll.u32 s19, $0x7  }
0x20c: {  	s17 =	sshll.u32 s19, $0x9;
	s18 =	sand.u32 $0x3F80, s20  }
0x20d: {  	s17 =	sand.u32 $0xFFF0000, s17;
	s18 =	sadd.s32 s2, s18  }
0x20e: {  	s17 =	sadd.s32 s17, s18;
	[tilespmem:v18+s0+$0x0] =	vst.idx.msk $0xffff, v17  }
0x20f: {  	[hbm4b:s17+s3] =	stream.linear.scatter [tilespmem:s0], [sflag:$0x2], $0x80, $0x38;
	[tilespmem:$0xB600] =	vst v63  }
0x210: {  	s21 =	sadd.s32 $0x9488, s1;
	s18 =	sadd.s32 $0x10, s17  }
0x211: {  	[hbm4b:s18+s3] =	stream.linear.scatter [tilespmem:s21], [sflag:$0x2], $0x80, $0x38;
	[tilespmem:$0xB600] =	vst v63  }
0x212: {  	s19 =	sadd.s32 $0x20, s17;
	s18 =	sadd.s32 $0x9510, s1  }
0x213: {  	[hbm4b:s19+s3] =	stream.linear.scatter [tilespmem:s18], [sflag:$0x2], $0x80, $0x38;
	[tilespmem:$0xB600] =	vst v63  }
0x214: {  	s20 =	sadd.s32 $0x9598, s1;
	s21 =	sadd.s32 $0x30, s17  }
0x215: {  	[hbm4b:s21+s3] =	stream.linear.scatter [tilespmem:s20], [sflag:$0x2], $0x80, $0x38;
	[tilespmem:$0xB600] =	vst v63  }
0x216: {  	s18 =	sadd.s32 $0x9620, s1;
	s19 =	sadd.s32 $0x40, s17  }
0x217: {  	[hbm4b:s19+s3] =	stream.linear.scatter [tilespmem:s18], [sflag:$0x2], $0x80, $0x38;
	[tilespmem:$0xB600] =	vst v63  }
0x218: {  	s20 =	sadd.s32 $0x96A8, s1;
	s21 =	sadd.s32 $0x50, s17  }
0x219: {  	[hbm4b:s21+s3] =	stream.linear.scatter [tilespmem:s20], [sflag:$0x2], $0x80, $0x38;
	[tilespmem:$0xB600] =	vst v63  }
0x21a: {  	s18 =	sadd.s32 $0x9730, s1;
	s19 =	sadd.s32 $0x60, s17  }
0x21b: {  	[hbm4b:s19+s3] =	stream.linear.scatter [tilespmem:s18], [sflag:$0x2], $0x80, $0x38;
	[tilespmem:$0xB600] =	vst v63  }
0x21c: {  	s20 =	sadd.s32 $0x97B8, s1;
	s21 =	sadd.s32 $0x70, s17  }
0x21d: {  	[hbm4b:s21+s3] =	stream.linear.scatter [tilespmem:s20], [sflag:$0x2], $0x80, $0x38;
	[tilespmem:$0xB600] =	vst v63  }
0x21e: {  	s18 =	sadd.s32 $0x9840, s1;
	s19 =	sadd.s32 $0x4000, s17  }
0x21f: {  	[hbm4b:s19+s3] =	stream.linear.scatter [tilespmem:s18], [sflag:$0x2], $0x80, $0x38;
	[tilespmem:$0xB600] =	vst v63  }
0x220: {  	s20 =	sadd.s32 $0x98C8, s1;
	s21 =	sadd.s32 $0x4010, s17  }
0x221: {  	[hbm4b:s21+s3] =	stream.linear.scatter [tilespmem:s20], [sflag:$0x2], $0x80, $0x38;
	[tilespmem:$0xB600] =	vst v63  }
0x222: {  	s18 =	sadd.s32 $0x9950, s1;
	s19 =	sadd.s32 $0x4020, s17  }
0x223: {  	[hbm4b:s19+s3] =	stream.linear.scatter [tilespmem:s18], [sflag:$0x2], $0x80, $0x38;
	[tilespmem:$0xB600] =	vst v63  }
0x224: {  	s20 =	sadd.s32 $0x99D8, s1;
	s21 =	sadd.s32 $0x4030, s17  }
0x225: {  	[hbm4b:s21+s3] =	stream.linear.scatter [tilespmem:s20], [sflag:$0x2], $0x80, $0x38;
	[tilespmem:$0xB600] =	vst v63  }
0x226: {  	s18 =	sadd.s32 $0x9A60, s1;
	s19 =	sadd.s32 $0x4040, s17  }
0x227: {  	[hbm4b:s19+s3] =	stream.linear.scatter [tilespmem:s18], [sflag:$0x2], $0x80, $0x38;
	[tilespmem:$0xB600] =	vst v63  }
0x228: {  	s20 =	sadd.s32 $0x9AE8, s1;
	s21 =	sadd.s32 $0x4050, s17  }
0x229: {  	[hbm4b:s21+s3] =	stream.linear.scatter [tilespmem:s20], [sflag:$0x2], $0x80, $0x38;
	[tilespmem:$0xB600] =	vst v63  }
0x22a: {  	s18 =	sadd.s32 $0x9B70, s1;
	s19 =	sadd.s32 $0x4060, s17  }
0x22b: {  	[hbm4b:s19+s3] =	stream.linear.scatter [tilespmem:s18], [sflag:$0x2], $0x80, $0x38;
	[tilespmem:$0xB600] =	vst v63  }
0x22c: {  	s20 =	sadd.s32 $0x9BF8, s1;
	s21 =	sadd.s32 $0x4070, s17  }
0x22d: {  	[hbm4b:s21+s3] =	stream.linear.scatter [tilespmem:s20], [sflag:$0x2], $0x80, $0x38;
	[tilespmem:$0xB600] =	vst v63  }
0x22e: {  	s18 =	sadd.s32 $0x9C80, s1;
	s19 =	sadd.s32 $0x8000, s17  }
0x22f: {  	[hbm4b:s19+s3] =	stream.linear.scatter [tilespmem:s18], [sflag:$0x2], $0x80, $0x38;
	[tilespmem:$0xB600] =	vst v63  }
0x230: {  	s20 =	sadd.s32 $0x9D08, s1;
	s21 =	sadd.s32 $0x8010, s17  }
0x231: {  	[hbm4b:s21+s3] =	stream.linear.scatter [tilespmem:s20], [sflag:$0x2], $0x80, $0x38;
	[tilespmem:$0xB600] =	vst v63  }
0x232: {  	s18 =	sadd.s32 $0x9D90, s1;
	s19 =	sadd.s32 $0x8020, s17  }
0x233: {  	[hbm4b:s19+s3] =	stream.linear.scatter [tilespmem:s18], [sflag:$0x2], $0x80, $0x38;
	[tilespmem:$0xB600] =	vst v63  }
0x234: {  	s20 =	sadd.s32 $0x9E18, s1;
	s21 =	sadd.s32 $0x8030, s17  }
0x235: {  	[hbm4b:s21+s3] =	stream.linear.scatter [tilespmem:s20], [sflag:$0x2], $0x80, $0x38;
	[tilespmem:$0xB600] =	vst v63  }
0x236: {  	s18 =	sadd.s32 $0x9EA0, s1;
	s19 =	sadd.s32 $0x8040, s17  }
0x237: {  	[hbm4b:s19+s3] =	stream.linear.scatter [tilespmem:s18], [sflag:$0x2], $0x80, $0x38;
	[tilespmem:$0xB600] =	vst v63  }
0x238: {  	s20 =	sadd.s32 $0x9F28, s1;
	s21 =	sadd.s32 $0x8050, s17  }
0x239: {  	[hbm4b:s21+s3] =	stream.linear.scatter [tilespmem:s20], [sflag:$0x2], $0x80, $0x38;
	[tilespmem:$0xB600] =	vst v63  }
0x23a: {  	s18 =	sadd.s32 $0x9FB0, s1;
	s19 =	sadd.s32 $0x8060, s17  }
0x23b: {  	[hbm4b:s19+s3] =	stream.linear.scatter [tilespmem:s18], [sflag:$0x2], $0x80, $0x38;
	[tilespmem:$0xB600] =	vst v63  }
0x23c: {  	s20 =	sadd.s32 $0xA038, s1;
	s21 =	sadd.s32 $0x8070, s17  }
0x23d: {  	[hbm4b:s21+s3] =	stream.linear.scatter [tilespmem:s20], [sflag:$0x2], $0x80, $0x38;
	[tilespmem:$0xB600] =	vst v63  }
0x23e: {  	s18 =	sadd.s32 $0xA0C0, s1;
	s19 =	sadd.s32 $0xC000, s17  }
0x23f: {  	[hbm4b:s19+s3] =	stream.linear.scatter [tilespmem:s18], [sflag:$0x2], $0x80, $0x38;
	[tilespmem:$0xB600] =	vst v63  }
0x240: {  	s20 =	sadd.s32 $0xA148, s1;
	s21 =	sadd.s32 $0xC010, s17  }
0x241: {  	[hbm4b:s21+s3] =	stream.linear.scatter [tilespmem:s20], [sflag:$0x2], $0x80, $0x38;
	[tilespmem:$0xB600] =	vst v63  }
0x242: {  	s18 =	sadd.s32 $0xA1D0, s1;
	s19 =	sadd.s32 $0xC020, s17  }
0x243: {  	[hbm4b:s19+s3] =	stream.linear.scatter [tilespmem:s18], [sflag:$0x2], $0x80, $0x38;
	[tilespmem:$0xB600] =	vst v63  }
0x244: {  	s20 =	sadd.s32 $0xA258, s1;
	s21 =	sadd.s32 $0xC030, s17  }
0x245: {  	[hbm4b:s21+s3] =	stream.linear.scatter [tilespmem:s20], [sflag:$0x2], $0x80, $0x38;
	[tilespmem:$0xB600] =	vst v63  }
0x246: {  	s0 =	sadd.s32 $0x6, s31;
	s18 =	sadd.s32 $0xA2E0, s1;
	s19 =	sadd.s32 $0xC040, s17  }
0x247: {  	[hbm4b:s19+s3] =	stream.linear.scatter [tilespmem:s18], [sflag:$0x2], $0x80, $0x38;
	[tilespmem:$0xB600] =	vst v63  }
0x248: {  	s31 =	sadd.s32 $0x1, s31;
	s20 =	sadd.s32 $0xA368, s1;
	s21 =	sadd.s32 $0xC050, s17  }
0x249: {  	[hbm4b:s21+s3] =	stream.linear.scatter [tilespmem:s20], [sflag:$0x2], $0x80, $0x38;
	[tilespmem:$0xB600] =	vst v63  }
0x24a: {  	s19 =	sadd.s32 $0xA3F0, s1;
	s20 =	sadd.s32 $0xC060, s17;
	s21 =	smulhi.u32 $0xAAAAAAAB, s0  }
0x24b: {  	[hbm4b:s20+s3] =	stream.linear.scatter [tilespmem:s19], [sflag:$0x2], $0x80, $0x38;
	[tilespmem:$0xB600] =	vst v63  }
0x24c: {  	p0 =	sne.s32 s31, $0x62;
	s19 =	sshrl.u32 s21, $0x2  }
0x24d: {  	s17 =	sadd.s32 $0xC070, s17;
	s20 =	sadd.s32 $0xA478, s1;
	s18 =	smul.u32 $0x6, s19  }
0x24e: {  	[hbm4b:s17+s3] =	stream.linear.scatter [tilespmem:s20], [sflag:$0x2], $0x80, $0x38;
	[tilespmem:$0xB600] =	vst v63  }
.Ltmp2:
0x24f: {  	_ = 	snop;
	(pc) =	sbr.rel @p0 .LBB2_4-.Ltmp2, $4  }
0x250: {  	s30 =	sadd.s32 $0x1000, s30;
	_ =	swait.ge [sflag:s6], $0x1000;
	s21 =	ssub.s32 s0, s18  }
0x251: {  	s0 =	sshll.u32 s0, $0x7;
	[sflag:s6] =	ssyncset.done $0x0;
	s1 =	sshll.u32 s21, $0xC  }
0x252: {  	s0 =	sand.u32 $0x3FFFFF80, s0;
	[sflag:s6] =	ssyncadd.s32 $0xFFFFF000;
	s1 =	sadd.s32 $0x3400, s1  }
0x253: {  	[tilespmem:s1], [sflag:$0x1] =	stream.indirect.gather [hbm4b:s5+s16], $0x20, s0, s16, $0xb8;
	[tilespmem:$0xB600] =	vst v63  }
0x254: {  	s0 =	simm.s32 $0x0  }
0x255: {  	v17 =	vmov s0  }
0x256: {  	v17 =	vshrl.u32 v17, $0x3  }
0x257: {  	_ =	swait.ge [sflag:s28], $0x1000;
	v17 =	vshll.u32 v17, v1  }
0x258: {  	[sflag:s28] =	ssyncset.done $0x0;
	v17 =	vbroadcast v17, $0x0  }
0x259: {  	s0 =	simm.s32 $0x54F0;
	[sflag:s28] =	ssyncadd.s32 $0xFFFFF000  }
0x25a: {  	v18 =	vld [tilespmem:s0+$0xFFFFFF10];
	v19 =	vadd.s32 v0, v17;
	_ =	sdelay $0x4  }
0x25b: {  	[tilespmem:v19+s29+$0x0] =	vst.idx.msk $0xffff, v18  }
0x25c: {  	s1 =	simm.s32 $0x1;
	v17 =	vadd.s32 v2, v17;
	v18 =	vld [tilespmem:s0+$0xFFFFFF20]  }
0x25d: {  	v19 =	vmov s1  }
0x25e: {  	v19 =	vshrl.u32 v19, $0x3  }
0x25f: {  	v19 =	vshll.u32 v19, v1  }
0x260: {  	v19 =	vbroadcast v19, $0x0  }
0x261: {  	[tilespmem:v17+s29+$0x0] =	vst.idx.msk $0xffff, v18  }
0x262: {  	v18 =	vadd.s32 v3, v19;
	v17 =	vld [tilespmem:s0+$0xFFFFFF30];
	_ =	sdelay $0x4  }
0x263: {  	[tilespmem:v18+s29+$0x0] =	vst.idx.msk $0xffff, v17  }
0x264: {  	s18 =	simm.s32 $0x2;
	v18 =	vadd.s32 v4, v19;
	v17 =	vld [tilespmem:s0+$0xFFFFFF40]  }
0x265: {  	v19 =	vmov s18  }
0x266: {  	v19 =	vshrl.u32 v19, $0x3  }
0x267: {  	v19 =	vshll.u32 v19, v1  }
0x268: {  	v19 =	vbroadcast v19, $0x0  }
0x269: {  	[tilespmem:v18+s29+$0x0] =	vst.idx.msk $0xffff, v17  }
0x26a: {  	v18 =	vadd.s32 v5, v19;
	v17 =	vld [tilespmem:s0+$0xFFFFFF50];
	_ =	sdelay $0x4  }
0x26b: {  	[tilespmem:v18+s29+$0x0] =	vst.idx.msk $0xffff, v17  }
0x26c: {  	s19 =	simm.s32 $0x3;
	v18 =	vadd.s32 v6, v19;
	v17 =	vld [tilespmem:s0+$0xFFFFFF60]  }
0x26d: {  	v19 =	vmov s19  }
0x26e: {  	v19 =	vshrl.u32 v19, $0x3  }
0x26f: {  	v19 =	vshll.u32 v19, v1  }
0x270: {  	v19 =	vbroadcast v19, $0x0  }
0x271: {  	[tilespmem:v18+s29+$0x0] =	vst.idx.msk $0xffff, v17  }
0x272: {  	v18 =	vadd.s32 v7, v19;
	v17 =	vld [tilespmem:s0+$0xFFFFFF70];
	_ =	sdelay $0x4  }
0x273: {  	[tilespmem:v18+s29+$0x0] =	vst.idx.msk $0xffff, v17  }
0x274: {  	s20 =	simm.s32 $0x4;
	v18 =	vadd.s32 v8, v19;
	v17 =	vld [tilespmem:s0+$0xFFFFFF80]  }
0x275: {  	v19 =	vmov s20  }
0x276: {  	v19 =	vshrl.u32 v19, $0x3  }
0x277: {  	v19 =	vshll.u32 v19, v1  }
0x278: {  	v19 =	vbroadcast v19, $0x0  }
0x279: {  	[tilespmem:v18+s29+$0x0] =	vst.idx.msk $0xffff, v17  }
0x27a: {  	v18 =	vadd.s32 v9, v19;
	v17 =	vld [tilespmem:s0+$0xFFFFFF90];
	_ =	sdelay $0x4  }
0x27b: {  	[tilespmem:v18+s29+$0x0] =	vst.idx.msk $0xffff, v17  }
0x27c: {  	s21 =	simm.s32 $0x5;
	v18 =	vadd.s32 v10, v19;
	v17 =	vld [tilespmem:s0+$0xFFFFFFA0]  }
0x27d: {  	v19 =	vmov s21  }
0x27e: {  	v19 =	vshrl.u32 v19, $0x3  }
0x27f: {  	v19 =	vshll.u32 v19, v1  }
0x280: {  	v19 =	vbroadcast v19, $0x0  }
0x281: {  	[tilespmem:v18+s29+$0x0] =	vst.idx.msk $0xffff, v17  }
0x282: {  	v18 =	vadd.s32 v11, v19;
	v17 =	vld [tilespmem:s0+$0xFFFFFFB0];
	_ =	sdelay $0x4  }
0x283: {  	[tilespmem:v18+s29+$0x0] =	vst.idx.msk $0xffff, v17  }
0x284: {  	s30 =	simm.s32 $0x6;
	v18 =	vadd.s32 v12, v19;
	v17 =	vld [tilespmem:s0+$0xFFFFFFC0]  }
0x285: {  	v19 =	vmov s30  }
0x286: {  	v19 =	vshrl.u32 v19, $0x3  }
0x287: {  	v19 =	vshll.u32 v19, v1  }
0x288: {  	v19 =	vbroadcast v19, $0x0  }
0x289: {  	[tilespmem:v18+s29+$0x0] =	vst.idx.msk $0xffff, v17  }
0x28a: {  	v18 =	vadd.s32 v13, v19;
	v17 =	vld [tilespmem:s0+$0xFFFFFFD0];
	_ =	sdelay $0x4  }
0x28b: {  	[tilespmem:v18+s29+$0x0] =	vst.idx.msk $0xffff, v17  }
0x28c: {  	s31 =	simm.s32 $0x7;
	v18 =	vadd.s32 v14, v19;
	v17 =	vld [tilespmem:s0+$0xFFFFFFE0]  }
0x28d: {  	v19 =	vmov s31  }
0x28e: {  	v19 =	vshrl.u32 v19, $0x3  }
0x28f: {  	v19 =	vshll.u32 v19, v1  }
0x290: {  	v19 =	vbroadcast v19, $0x0  }
0x291: {  	[tilespmem:v18+s29+$0x0] =	vst.idx.msk $0xffff, v17  }
0x292: {  	v18 =	vadd.s32 v15, v19;
	v17 =	vld [tilespmem:s0+$0xFFFFFFF0];
	_ =	sdelay $0x4  }
0x293: {  	[tilespmem:v18+s29+$0x0] =	vst.idx.msk $0xffff, v17  }
0x294: {  	s17 =	simm.s32 $0x17;
	s1 =	simm.s32 $0xF;
	s18 =	simm.s32 $0x8;
	v18 =	vadd.s32 v16, v19;
	v17 =	vld [tilespmem:s0+$0x0]  }
.LBB2_8:
0x295: {  	p0 =	sne.s32 s17, $0x7F;
	v19 =	vmov s18  }
0x296: {  	v19 =	vshrl.u32 v19, $0x3  }
0x297: {  	v19 =	vshll.u32 v19, v1  }
0x298: {  	v19 =	vbroadcast v19, $0x0  }
0x299: {  	s0 =	sadd.s32 $0x100, s0;
	[tilespmem:v18+s29+$0x0] =	vst.idx.msk $0xffff, v17  }
0x29a: {  	v17 =	vld [tilespmem:s0+$0xFFFFFF10];
	v18 =	vadd.s32 v0, v19;
	_ =	sdelay $0x4  }
0x29b: {  	[tilespmem:v18+s29+$0x0] =	vst.idx.msk $0xffff, v17  }
0x29c: {  	s18 =	sadd.s32 $0xFFFFFFFA, s1;
	v18 =	vadd.s32 v2, v19;
	v17 =	vld [tilespmem:s0+$0xFFFFFF20]  }
0x29d: {  	v19 =	vmov s18  }
0x29e: {  	v19 =	vshrl.u32 v19, $0x3  }
0x29f: {  	v19 =	vshll.u32 v19, v1  }
0x2a0: {  	v19 =	vbroadcast v19, $0x0  }
0x2a1: {  	[tilespmem:v18+s29+$0x0] =	vst.idx.msk $0xffff, v17  }
0x2a2: {  	v18 =	vadd.s32 v3, v19;
	v17 =	vld [tilespmem:s0+$0xFFFFFF30];
	_ =	sdelay $0x4  }
0x2a3: {  	[tilespmem:v18+s29+$0x0] =	vst.idx.msk $0xffff, v17  }
0x2a4: {  	s18 =	sadd.s32 $0xFFFFFFFB, s1;
	v18 =	vadd.s32 v4, v19;
	v17 =	vld [tilespmem:s0+$0xFFFFFF40]  }
0x2a5: {  	v19 =	vmov s18  }
0x2a6: {  	v19 =	vshrl.u32 v19, $0x3  }
0x2a7: {  	v19 =	vshll.u32 v19, v1  }
0x2a8: {  	v19 =	vbroadcast v19, $0x0  }
0x2a9: {  	[tilespmem:v18+s29+$0x0] =	vst.idx.msk $0xffff, v17  }
0x2aa: {  	v18 =	vadd.s32 v5, v19;
	v17 =	vld [tilespmem:s0+$0xFFFFFF50];
	_ =	sdelay $0x4  }
0x2ab: {  	[tilespmem:v18+s29+$0x0] =	vst.idx.msk $0xffff, v17  }
0x2ac: {  	s18 =	sadd.s32 $0xFFFFFFFC, s1;
	v18 =	vadd.s32 v6, v19;
	v17 =	vld [tilespmem:s0+$0xFFFFFF60]  }
0x2ad: {  	v19 =	vmov s18  }
0x2ae: {  	v19 =	vshrl.u32 v19, $0x3  }
0x2af: {  	v19 =	vshll.u32 v19, v1  }
0x2b0: {  	v19 =	vbroadcast v19, $0x0  }
0x2b1: {  	[tilespmem:v18+s29+$0x0] =	vst.idx.msk $0xffff, v17  }
0x2b2: {  	v18 =	vadd.s32 v7, v19;
	v17 =	vld [tilespmem:s0+$0xFFFFFF70];
	_ =	sdelay $0x4  }
0x2b3: {  	[tilespmem:v18+s29+$0x0] =	vst.idx.msk $0xffff, v17  }
0x2b4: {  	s18 =	sadd.s32 $0xFFFFFFFD, s1;
	v18 =	vadd.s32 v8, v19;
	v17 =	vld [tilespmem:s0+$0xFFFFFF80]  }
0x2b5: {  	v19 =	vmov s18  }
0x2b6: {  	v19 =	vshrl.u32 v19, $0x3  }
0x2b7: {  	v19 =	vshll.u32 v19, v1  }
0x2b8: {  	v19 =	vbroadcast v19, $0x0  }
0x2b9: {  	[tilespmem:v18+s29+$0x0] =	vst.idx.msk $0xffff, v17  }
0x2ba: {  	v18 =	vadd.s32 v9, v19;
	v17 =	vld [tilespmem:s0+$0xFFFFFF90];
	_ =	sdelay $0x4  }
0x2bb: {  	[tilespmem:v18+s29+$0x0] =	vst.idx.msk $0xffff, v17  }
0x2bc: {  	s18 =	sadd.s32 $0xFFFFFFFE, s1;
	v18 =	vadd.s32 v10, v19;
	v17 =	vld [tilespmem:s0+$0xFFFFFFA0]  }
0x2bd: {  	v19 =	vmov s18  }
0x2be: {  	v19 =	vshrl.u32 v19, $0x3  }
0x2bf: {  	v19 =	vshll.u32 v19, v1  }
0x2c0: {  	v19 =	vbroadcast v19, $0x0  }
0x2c1: {  	[tilespmem:v18+s29+$0x0] =	vst.idx.msk $0xffff, v17  }
0x2c2: {  	v18 =	vadd.s32 v11, v19;
	v17 =	vld [tilespmem:s0+$0xFFFFFFB0];
	_ =	sdelay $0x4  }
0x2c3: {  	[tilespmem:v18+s29+$0x0] =	vst.idx.msk $0xffff, v17  }
0x2c4: {  	s18 =	sadd.s32 $0xFFFFFFFF, s1;
	v18 =	vadd.s32 v12, v19;
	v17 =	vld [tilespmem:s0+$0xFFFFFFC0]  }
0x2c5: {  	v19 =	vmov s18  }
0x2c6: {  	v19 =	vshrl.u32 v19, $0x3  }
0x2c7: {  	v19 =	vshll.u32 v19, v1  }
0x2c8: {  	v19 =	vbroadcast v19, $0x0  }
0x2c9: {  	[tilespmem:v18+s29+$0x0] =	vst.idx.msk $0xffff, v17  }
0x2ca: {  	v18 =	vadd.s32 v13, v19;
	v17 =	vld [tilespmem:s0+$0xFFFFFFD0];
	_ =	sdelay $0x4  }
0x2cb: {  	[tilespmem:v18+s29+$0x0] =	vst.idx.msk $0xffff, v17  }
0x2cc: {  	v18 =	vadd.s32 v14, v19;
	v17 =	vld [tilespmem:s0+$0xFFFFFFE0]  }
0x2cd: {  	v19 =	vmov s1;
	s1 =	smov.u32 s17  }
0x2ce: {  	v19 =	vshrl.u32 v19, $0x3  }
0x2cf: {  	v19 =	vshll.u32 v19, v1  }
0x2d0: {  	v19 =	vbroadcast v19, $0x0  }
0x2d1: {  	[tilespmem:v18+s29+$0x0] =	vst.idx.msk $0xffff, v17  }
0x2d2: {  	v18 =	vadd.s32 v15, v19;
	v17 =	vld [tilespmem:s0+$0xFFFFFFF0];
	_ =	sdelay $0x1  }
.Ltmp3:
0x2d3: {  	(pc) =	sbr.rel @p0 .LBB2_8-.Ltmp3, $3  }
0x2d4: {  	_ =	sdelay $0x1  }
0x2d5: {  	[tilespmem:v18+s29+$0x0] =	vst.idx.msk $0xffff, v17  }
0x2d6: {  	s17 =	sadd.s32 $0x8, s17;
	s18 =	sadd.s32 $0xFFFFFFF9, s1;
	v18 =	vadd.s32 v16, v19;
	v17 =	vld [tilespmem:s0+$0x0]  }
0x2d7: {  	v19 =	vmov s18  }
0x2d8: {  	v19 =	vshrl.u32 v19, $0x3  }
0x2d9: {  	v19 =	vshll.u32 v19, v1  }
0x2da: {  	v19 =	vbroadcast v19, $0x0  }
0x2db: {  	s0 =	sadd.s32 $0x100, s0;
	[tilespmem:v18+s29+$0x0] =	vst.idx.msk $0xffff, v17  }
0x2dc: {  	v17 =	vld [tilespmem:s0+$0xFFFFFF10];
	v18 =	vadd.s32 v0, v19;
	_ =	sdelay $0x4  }
0x2dd: {  	[tilespmem:v18+s29+$0x0] =	vst.idx.msk $0xffff, v17  }
0x2de: {  	s17 =	sadd.s32 $0xFFFFFFFA, s1;
	v18 =	vadd.s32 v2, v19;
	v17 =	vld [tilespmem:s0+$0xFFFFFF20]  }
0x2df: {  	v19 =	vmov s17  }
0x2e0: {  	v19 =	vshrl.u32 v19, $0x3  }
0x2e1: {  	v19 =	vshll.u32 v19, v1  }
0x2e2: {  	v19 =	vbroadcast v19, $0x0  }
0x2e3: {  	[tilespmem:v18+s29+$0x0] =	vst.idx.msk $0xffff, v17  }
0x2e4: {  	v18 =	vadd.s32 v3, v19;
	v17 =	vld [tilespmem:s0+$0xFFFFFF30];
	_ =	sdelay $0x4  }
0x2e5: {  	[tilespmem:v18+s29+$0x0] =	vst.idx.msk $0xffff, v17  }
0x2e6: {  	s21 =	sadd.s32 $0xFFFFFFFB, s1;
	v18 =	vadd.s32 v4, v19;
	v17 =	vld [tilespmem:s0+$0xFFFFFF40]  }
0x2e7: {  	v19 =	vmov s21  }
0x2e8: {  	v19 =	vshrl.u32 v19, $0x3  }
0x2e9: {  	v19 =	vshll.u32 v19, v1  }
0x2ea: {  	v19 =	vbroadcast v19, $0x0  }
0x2eb: {  	[tilespmem:v18+s29+$0x0] =	vst.idx.msk $0xffff, v17  }
0x2ec: {  	v18 =	vadd.s32 v5, v19;
	v17 =	vld [tilespmem:s0+$0xFFFFFF50];
	_ =	sdelay $0x4  }
0x2ed: {  	[tilespmem:v18+s29+$0x0] =	vst.idx.msk $0xffff, v17  }
0x2ee: {  	s18 =	sadd.s32 $0xFFFFFFFC, s1;
	v18 =	vadd.s32 v6, v19;
	v17 =	vld [tilespmem:s0+$0xFFFFFF60]  }
0x2ef: {  	v19 =	vmov s18  }
0x2f0: {  	v19 =	vshrl.u32 v19, $0x3  }
0x2f1: {  	v19 =	vshll.u32 v19, v1  }
0x2f2: {  	v19 =	vbroadcast v19, $0x0  }
0x2f3: {  	[tilespmem:v18+s29+$0x0] =	vst.idx.msk $0xffff, v17  }
0x2f4: {  	v18 =	vadd.s32 v7, v19;
	v17 =	vld [tilespmem:s0+$0xFFFFFF70];
	_ =	sdelay $0x4  }
0x2f5: {  	[tilespmem:v18+s29+$0x0] =	vst.idx.msk $0xffff, v17  }
0x2f6: {  	s19 =	sadd.s32 $0xFFFFFFFD, s1;
	v18 =	vadd.s32 v8, v19;
	v17 =	vld [tilespmem:s0+$0xFFFFFF80]  }
0x2f7: {  	v19 =	vmov s19  }
0x2f8: {  	v19 =	vshrl.u32 v19, $0x3  }
0x2f9: {  	v19 =	vshll.u32 v19, v1  }
0x2fa: {  	v19 =	vbroadcast v19, $0x0  }
0x2fb: {  	[tilespmem:v18+s29+$0x0] =	vst.idx.msk $0xffff, v17  }
0x2fc: {  	v18 =	vadd.s32 v9, v19;
	v17 =	vld [tilespmem:s0+$0xFFFFFF90];
	_ =	sdelay $0x4  }
0x2fd: {  	[tilespmem:v18+s29+$0x0] =	vst.idx.msk $0xffff, v17  }
0x2fe: {  	s20 =	sadd.s32 $0xFFFFFFFE, s1;
	v18 =	vadd.s32 v10, v19;
	v17 =	vld [tilespmem:s0+$0xFFFFFFA0]  }
0x2ff: {  	v19 =	vmov s20  }
0x300: {  	v19 =	vshrl.u32 v19, $0x3  }
0x301: {  	v19 =	vshll.u32 v19, v1  }
0x302: {  	v19 =	vbroadcast v19, $0x0  }
0x303: {  	[tilespmem:v18+s29+$0x0] =	vst.idx.msk $0xffff, v17  }
0x304: {  	v18 =	vadd.s32 v11, v19;
	v17 =	vld [tilespmem:s0+$0xFFFFFFB0];
	_ =	sdelay $0x4  }
0x305: {  	[tilespmem:v18+s29+$0x0] =	vst.idx.msk $0xffff, v17  }
0x306: {  	s21 =	sadd.s32 $0xFFFFFFFF, s1;
	v18 =	vadd.s32 v12, v19;
	v17 =	vld [tilespmem:s0+$0xFFFFFFC0]  }
0x307: {  	v19 =	vmov s21  }
0x308: {  	v19 =	vshrl.u32 v19, $0x3  }
0x309: {  	v19 =	vshll.u32 v19, v1  }
0x30a: {  	v19 =	vbroadcast v19, $0x0  }
0x30b: {  	[tilespmem:v18+s29+$0x0] =	vst.idx.msk $0xffff, v17  }
0x30c: {  	v18 =	vadd.s32 v13, v19;
	v17 =	vld [tilespmem:s0+$0xFFFFFFD0];
	_ =	sdelay $0x4  }
0x30d: {  	[tilespmem:v18+s29+$0x0] =	vst.idx.msk $0xffff, v17  }
0x30e: {  	v18 =	vadd.s32 v14, v19;
	v17 =	vld [tilespmem:s0+$0xFFFFFFE0]  }
0x30f: {  	v19 =	vmov s1  }
0x310: {  	v19 =	vshrl.u32 v19, $0x3  }
0x311: {  	v19 =	vshll.u32 v19, v1  }
0x312: {  	v19 =	vbroadcast v19, $0x0  }
0x313: {  	[tilespmem:v18+s29+$0x0] =	vst.idx.msk $0xffff, v17  }
0x314: {  	v18 =	vadd.s32 v15, v19;
	v17 =	vld [tilespmem:s0+$0xFFFFFFF0];
	_ =	sdelay $0x4  }
0x315: {  	[tilespmem:v18+s29+$0x0] =	vst.idx.msk $0xffff, v17  }
0x316: {  	v18 =	vadd.s32 v16, v19;
	v17 =	vld [tilespmem:s0+$0x0];
	_ =	sdelay $0x4  }
0x317: {  	[tilespmem:v18+s29+$0x0] =	vst.idx.msk $0xffff, v17  }
0x318: {  	[hbm4b:s8+s3] =	stream.linear.scatter [tilespmem:s29], [sflag:$0x2], $0x80, $0x38;
	[tilespmem:$0xB600] =	vst v63  }
0x319: {  	s20 =	simm.s32 $0x9488;
	s1 =	sadd.s32 $0x10, s8  }
0x31a: {  	[hbm4b:s1+s3] =	stream.linear.scatter [tilespmem:s20], [sflag:$0x2], $0x80, $0x38;
	[tilespmem:$0xB600] =	vst v63  }
0x31b: {  	s17 =	sadd.s32 $0x20, s8;
	s21 =	simm.s32 $0x9510  }
0x31c: {  	[hbm4b:s17+s3] =	stream.linear.scatter [tilespmem:s21], [sflag:$0x2], $0x80, $0x38;
	[tilespmem:$0xB600] =	vst v63  }
0x31d: {  	s30 =	simm.s32 $0x9598;
	s18 =	sadd.s32 $0x30, s8  }
0x31e: {  	[hbm4b:s18+s3] =	stream.linear.scatter [tilespmem:s30], [sflag:$0x2], $0x80, $0x38;
	[tilespmem:$0xB600] =	vst v63  }
0x31f: {  	s31 =	simm.s32 $0x9620;
	s19 =	sadd.s32 $0x40, s8  }
0x320: {  	[hbm4b:s19+s3] =	stream.linear.scatter [tilespmem:s31], [sflag:$0x2], $0x80, $0x38;
	[tilespmem:$0xB600] =	vst v63  }
0x321: {  	s1 =	sadd.s32 $0x50, s8;
	s17 =	simm.s32 $0x96A8  }
0x322: {  	[hbm4b:s1+s3] =	stream.linear.scatter [tilespmem:s17], [sflag:$0x2], $0x80, $0x38;
	[tilespmem:$0xB600] =	vst v63  }
0x323: {  	s18 =	sadd.s32 $0x60, s8;
	s19 =	simm.s32 $0x9730  }
0x324: {  	[hbm4b:s18+s3] =	stream.linear.scatter [tilespmem:s19], [sflag:$0x2], $0x80, $0x38;
	[tilespmem:$0xB600] =	vst v63  }
0x325: {  	s1 =	sadd.s32 $0x70, s8;
	s17 =	simm.s32 $0x97B8  }
0x326: {  	[hbm4b:s1+s3] =	stream.linear.scatter [tilespmem:s17], [sflag:$0x2], $0x80, $0x38;
	[tilespmem:$0xB600] =	vst v63  }
0x327: {  	s18 =	sadd.s32 $0x4000, s8;
	s19 =	simm.s32 $0x9840  }
0x328: {  	[hbm4b:s18+s3] =	stream.linear.scatter [tilespmem:s19], [sflag:$0x2], $0x80, $0x38;
	[tilespmem:$0xB600] =	vst v63  }
0x329: {  	s1 =	sadd.s32 $0x4010, s8;
	s17 =	simm.s32 $0x98C8  }
0x32a: {  	[hbm4b:s1+s3] =	stream.linear.scatter [tilespmem:s17], [sflag:$0x2], $0x80, $0x38;
	[tilespmem:$0xB600] =	vst v63  }
0x32b: {  	s18 =	sadd.s32 $0x4020, s8;
	s19 =	simm.s32 $0x9950  }
0x32c: {  	[hbm4b:s18+s3] =	stream.linear.scatter [tilespmem:s19], [sflag:$0x2], $0x80, $0x38;
	[tilespmem:$0xB600] =	vst v63  }
0x32d: {  	s1 =	sadd.s32 $0x4030, s8;
	s17 =	simm.s32 $0x99D8  }
0x32e: {  	[hbm4b:s1+s3] =	stream.linear.scatter [tilespmem:s17], [sflag:$0x2], $0x80, $0x38;
	[tilespmem:$0xB600] =	vst v63  }
0x32f: {  	s18 =	sadd.s32 $0x4040, s8;
	s19 =	simm.s32 $0x9A60  }
0x330: {  	[hbm4b:s18+s3] =	stream.linear.scatter [tilespmem:s19], [sflag:$0x2], $0x80, $0x38;
	[tilespmem:$0xB600] =	vst v63  }
0x331: {  	s1 =	sadd.s32 $0x4050, s8;
	s17 =	simm.s32 $0x9AE8  }
0x332: {  	[hbm4b:s1+s3] =	stream.linear.scatter [tilespmem:s17], [sflag:$0x2], $0x80, $0x38;
	[tilespmem:$0xB600] =	vst v63  }
0x333: {  	s18 =	sadd.s32 $0x4060, s8;
	s19 =	simm.s32 $0x9B70  }
0x334: {  	[hbm4b:s18+s3] =	stream.linear.scatter [tilespmem:s19], [sflag:$0x2], $0x80, $0x38;
	[tilespmem:$0xB600] =	vst v63  }
0x335: {  	s1 =	sadd.s32 $0x4070, s8;
	s17 =	simm.s32 $0x9BF8  }
0x336: {  	[hbm4b:s1+s3] =	stream.linear.scatter [tilespmem:s17], [sflag:$0x2], $0x80, $0x38;
	[tilespmem:$0xB600] =	vst v63  }
0x337: {  	s18 =	sadd.s32 $0x8000, s8;
	s19 =	simm.s32 $0x9C80  }
0x338: {  	[hbm4b:s18+s3] =	stream.linear.scatter [tilespmem:s19], [sflag:$0x2], $0x80, $0x38;
	[tilespmem:$0xB600] =	vst v63  }
0x339: {  	s1 =	sadd.s32 $0x8010, s8;
	s17 =	simm.s32 $0x9D08  }
0x33a: {  	[hbm4b:s1+s3] =	stream.linear.scatter [tilespmem:s17], [sflag:$0x2], $0x80, $0x38;
	[tilespmem:$0xB600] =	vst v63  }
0x33b: {  	s18 =	sadd.s32 $0x8020, s8;
	s19 =	simm.s32 $0x9D90  }
0x33c: {  	[hbm4b:s18+s3] =	stream.linear.scatter [tilespmem:s19], [sflag:$0x2], $0x80, $0x38;
	[tilespmem:$0xB600] =	vst v63  }
0x33d: {  	s1 =	sadd.s32 $0x8030, s8;
	s17 =	simm.s32 $0x9E18  }
0x33e: {  	[hbm4b:s1+s3] =	stream.linear.scatter [tilespmem:s17], [sflag:$0x2], $0x80, $0x38;
	[tilespmem:$0xB600] =	vst v63  }
0x33f: {  	s18 =	sadd.s32 $0x8040, s8;
	s19 =	simm.s32 $0x9EA0  }
0x340: {  	[hbm4b:s18+s3] =	stream.linear.scatter [tilespmem:s19], [sflag:$0x2], $0x80, $0x38;
	[tilespmem:$0xB600] =	vst v63  }
0x341: {  	s1 =	sadd.s32 $0x8050, s8;
	s17 =	simm.s32 $0x9F28  }
0x342: {  	[hbm4b:s1+s3] =	stream.linear.scatter [tilespmem:s17], [sflag:$0x2], $0x80, $0x38;
	[tilespmem:$0xB600] =	vst v63  }
0x343: {  	s18 =	sadd.s32 $0x8060, s8;
	s19 =	simm.s32 $0x9FB0  }
0x344: {  	[hbm4b:s18+s3] =	stream.linear.scatter [tilespmem:s19], [sflag:$0x2], $0x80, $0x38;
	[tilespmem:$0xB600] =	vst v63  }
0x345: {  	s1 =	sadd.s32 $0x8070, s8;
	s17 =	simm.s32 $0xA038  }
0x346: {  	[hbm4b:s1+s3] =	stream.linear.scatter [tilespmem:s17], [sflag:$0x2], $0x80, $0x38;
	[tilespmem:$0xB600] =	vst v63  }
0x347: {  	s18 =	sadd.s32 $0xC000, s8;
	s19 =	simm.s32 $0xA0C0  }
0x348: {  	[hbm4b:s18+s3] =	stream.linear.scatter [tilespmem:s19], [sflag:$0x2], $0x80, $0x38;
	[tilespmem:$0xB600] =	vst v63  }
0x349: {  	s1 =	sadd.s32 $0xC010, s8;
	s17 =	simm.s32 $0xA148  }
0x34a: {  	[hbm4b:s1+s3] =	stream.linear.scatter [tilespmem:s17], [sflag:$0x2], $0x80, $0x38;
	[tilespmem:$0xB600] =	vst v63  }
0x34b: {  	s18 =	sadd.s32 $0xC020, s8;
	s19 =	simm.s32 $0xA1D0  }
0x34c: {  	[hbm4b:s18+s3] =	stream.linear.scatter [tilespmem:s19], [sflag:$0x2], $0x80, $0x38;
	[tilespmem:$0xB600] =	vst v63  }
0x34d: {  	s17 =	sadd.s32 $0xC030, s8  }
0x34e: {  	[hbm4b:s17+s3] =	stream.linear.scatter [tilespmem:s22], [sflag:$0x2], $0x80, $0x38;
	[tilespmem:$0xB600] =	vst v63  }
0x34f: {  	s18 =	sadd.s32 $0xC040, s8  }
0x350: {  	[hbm4b:s18+s3] =	stream.linear.scatter [tilespmem:s23], [sflag:$0x2], $0x80, $0x38;
	[tilespmem:$0xB600] =	vst v63  }
0x351: {  	s19 =	sadd.s32 $0xC050, s8  }
0x352: {  	[hbm4b:s19+s3] =	stream.linear.scatter [tilespmem:s24], [sflag:$0x2], $0x80, $0x38;
	[tilespmem:$0xB600] =	vst v63  }
0x353: {  	s1 =	sadd.s32 $0xC060, s8  }
0x354: {  	[hbm4b:s1+s3] =	stream.linear.scatter [tilespmem:s25], [sflag:$0x2], $0x80, $0x38;
	[tilespmem:$0xB600] =	vst v63  }
0x355: {  	s17 =	sadd.s32 $0xC070, s8  }
0x356: {  	[hbm4b:s17+s3] =	stream.linear.scatter [tilespmem:s26], [sflag:$0x2], $0x80, $0x38;
	[tilespmem:$0xB600] =	vst v63  }
0x357: {  	s18 =	simm.s32 $0x0;
	_ =	swait.ge [sflag:s6], $0x1000  }
0x358: {  	v17 =	vmov s18;
	[sflag:s6] =	ssyncset.done $0x0  }
0x359: {  	v17 =	vshrl.u32 v17, $0x3;
	[sflag:s6] =	ssyncadd.s32 $0xFFFFF000  }
0x35a: {  	v17 =	vshll.u32 v17, v1;
	_ =	swait.ge [sflag:s28], $0x1000  }
0x35b: {  	v17 =	vbroadcast v17, $0x0;
	[sflag:s28] =	ssyncset.done $0x0  }
0x35c: {  	s0 =	simm.s32 $0x64F0;
	[sflag:s28] =	ssyncadd.s32 $0xFFFFF000  }
0x35d: {  	v19 =	vadd.s32 v0, v17;
	v18 =	vld [tilespmem:s0+$0xFFFFFF10];
	_ =	sdelay $0x4  }
0x35e: {  	[tilespmem:v19+s14+$0x0] =	vst.idx.msk $0xffff, v18  }
0x35f: {  	s19 =	simm.s32 $0x1;
	v17 =	vadd.s32 v2, v17;
	v18 =	vld [tilespmem:s0+$0xFFFFFF20]  }
0x360: {  	v19 =	vmov s19  }
0x361: {  	v19 =	vshrl.u32 v19, $0x3  }
0x362: {  	v19 =	vshll.u32 v19, v1  }
0x363: {  	v19 =	vbroadcast v19, $0x0  }
0x364: {  	[tilespmem:v17+s14+$0x0] =	vst.idx.msk $0xffff, v18  }
0x365: {  	v18 =	vadd.s32 v3, v19;
	v17 =	vld [tilespmem:s0+$0xFFFFFF30];
	_ =	sdelay $0x4  }
0x366: {  	[tilespmem:v18+s14+$0x0] =	vst.idx.msk $0xffff, v17  }
0x367: {  	s17 =	simm.s32 $0x2;
	v18 =	vadd.s32 v4, v19;
	v17 =	vld [tilespmem:s0+$0xFFFFFF40]  }
0x368: {  	v19 =	vmov s17  }
0x369: {  	v19 =	vshrl.u32 v19, $0x3  }
0x36a: {  	v19 =	vshll.u32 v19, v1  }
0x36b: {  	v19 =	vbroadcast v19, $0x0  }
0x36c: {  	[tilespmem:v18+s14+$0x0] =	vst.idx.msk $0xffff, v17  }
0x36d: {  	v18 =	vadd.s32 v5, v19;
	v17 =	vld [tilespmem:s0+$0xFFFFFF50];
	_ =	sdelay $0x4  }
0x36e: {  	[tilespmem:v18+s14+$0x0] =	vst.idx.msk $0xffff, v17  }
0x36f: {  	s18 =	simm.s32 $0x3;
	v18 =	vadd.s32 v6, v19;
	v17 =	vld [tilespmem:s0+$0xFFFFFF60]  }
0x370: {  	v19 =	vmov s18  }
0x371: {  	v19 =	vshrl.u32 v19, $0x3  }
0x372: {  	v19 =	vshll.u32 v19, v1  }
0x373: {  	v19 =	vbroadcast v19, $0x0  }
0x374: {  	[tilespmem:v18+s14+$0x0] =	vst.idx.msk $0xffff, v17  }
0x375: {  	v18 =	vadd.s32 v7, v19;
	v17 =	vld [tilespmem:s0+$0xFFFFFF70];
	_ =	sdelay $0x4  }
0x376: {  	[tilespmem:v18+s14+$0x0] =	vst.idx.msk $0xffff, v17  }
0x377: {  	s19 =	simm.s32 $0x4;
	v18 =	vadd.s32 v8, v19;
	v17 =	vld [tilespmem:s0+$0xFFFFFF80]  }
0x378: {  	v19 =	vmov s19  }
0x379: {  	v19 =	vshrl.u32 v19, $0x3  }
0x37a: {  	v19 =	vshll.u32 v19, v1  }
0x37b: {  	v19 =	vbroadcast v19, $0x0  }
0x37c: {  	[tilespmem:v18+s14+$0x0] =	vst.idx.msk $0xffff, v17  }
0x37d: {  	v18 =	vadd.s32 v9, v19;
	v17 =	vld [tilespmem:s0+$0xFFFFFF90];
	_ =	sdelay $0x4  }
0x37e: {  	[tilespmem:v18+s14+$0x0] =	vst.idx.msk $0xffff, v17  }
0x37f: {  	s17 =	simm.s32 $0x5;
	v18 =	vadd.s32 v10, v19;
	v17 =	vld [tilespmem:s0+$0xFFFFFFA0]  }
0x380: {  	v19 =	vmov s17  }
0x381: {  	v19 =	vshrl.u32 v19, $0x3  }
0x382: {  	v19 =	vshll.u32 v19, v1  }
0x383: {  	v19 =	vbroadcast v19, $0x0  }
0x384: {  	[tilespmem:v18+s14+$0x0] =	vst.idx.msk $0xffff, v17  }
0x385: {  	v18 =	vadd.s32 v11, v19;
	v17 =	vld [tilespmem:s0+$0xFFFFFFB0];
	_ =	sdelay $0x4  }
0x386: {  	[tilespmem:v18+s14+$0x0] =	vst.idx.msk $0xffff, v17  }
0x387: {  	s18 =	simm.s32 $0x6;
	v18 =	vadd.s32 v12, v19;
	v17 =	vld [tilespmem:s0+$0xFFFFFFC0]  }
0x388: {  	v19 =	vmov s18  }
0x389: {  	v19 =	vshrl.u32 v19, $0x3  }
0x38a: {  	v19 =	vshll.u32 v19, v1  }
0x38b: {  	v19 =	vbroadcast v19, $0x0  }
0x38c: {  	[tilespmem:v18+s14+$0x0] =	vst.idx.msk $0xffff, v17  }
0x38d: {  	v18 =	vadd.s32 v13, v19;
	v17 =	vld [tilespmem:s0+$0xFFFFFFD0];
	_ =	sdelay $0x4  }
0x38e: {  	[tilespmem:v18+s14+$0x0] =	vst.idx.msk $0xffff, v17  }
0x38f: {  	s19 =	simm.s32 $0x7;
	v18 =	vadd.s32 v14, v19;
	v17 =	vld [tilespmem:s0+$0xFFFFFFE0]  }
0x390: {  	v19 =	vmov s19  }
0x391: {  	v19 =	vshrl.u32 v19, $0x3  }
0x392: {  	v19 =	vshll.u32 v19, v1  }
0x393: {  	v19 =	vbroadcast v19, $0x0  }
0x394: {  	[tilespmem:v18+s14+$0x0] =	vst.idx.msk $0xffff, v17  }
0x395: {  	v18 =	vadd.s32 v15, v19;
	v17 =	vld [tilespmem:s0+$0xFFFFFFF0];
	_ =	sdelay $0x4  }
0x396: {  	[tilespmem:v18+s14+$0x0] =	vst.idx.msk $0xffff, v17  }
0x397: {  	s1 =	simm.s32 $0xF;
	s17 =	simm.s32 $0x17;
	s18 =	simm.s32 $0x8;
	v18 =	vadd.s32 v16, v19;
	v17 =	vld [tilespmem:s0+$0x0]  }
.LBB2_10:
0x398: {  	p0 =	sne.s32 s17, $0x7F;
	v19 =	vmov s18  }
0x399: {  	v19 =	vshrl.u32 v19, $0x3  }
0x39a: {  	v19 =	vshll.u32 v19, v1  }
0x39b: {  	v19 =	vbroadcast v19, $0x0  }
0x39c: {  	s0 =	sadd.s32 $0x100, s0;
	[tilespmem:v18+s14+$0x0] =	vst.idx.msk $0xffff, v17  }
0x39d: {  	v17 =	vld [tilespmem:s0+$0xFFFFFF10];
	v18 =	vadd.s32 v0, v19;
	_ =	sdelay $0x4  }
0x39e: {  	[tilespmem:v18+s14+$0x0] =	vst.idx.msk $0xffff, v17  }
0x39f: {  	s18 =	sadd.s32 $0xFFFFFFFA, s1;
	v18 =	vadd.s32 v2, v19;
	v17 =	vld [tilespmem:s0+$0xFFFFFF20]  }
0x3a0: {  	v19 =	vmov s18  }
0x3a1: {  	v19 =	vshrl.u32 v19, $0x3  }
0x3a2: {  	v19 =	vshll.u32 v19, v1  }
0x3a3: {  	v19 =	vbroadcast v19, $0x0  }
0x3a4: {  	[tilespmem:v18+s14+$0x0] =	vst.idx.msk $0xffff, v17  }
0x3a5: {  	v18 =	vadd.s32 v3, v19;
	v17 =	vld [tilespmem:s0+$0xFFFFFF30];
	_ =	sdelay $0x4  }
0x3a6: {  	[tilespmem:v18+s14+$0x0] =	vst.idx.msk $0xffff, v17  }
0x3a7: {  	s18 =	sadd.s32 $0xFFFFFFFB, s1;
	v18 =	vadd.s32 v4, v19;
	v17 =	vld [tilespmem:s0+$0xFFFFFF40]  }
0x3a8: {  	v19 =	vmov s18  }
0x3a9: {  	v19 =	vshrl.u32 v19, $0x3  }
0x3aa: {  	v19 =	vshll.u32 v19, v1  }
0x3ab: {  	v19 =	vbroadcast v19, $0x0  }
0x3ac: {  	[tilespmem:v18+s14+$0x0] =	vst.idx.msk $0xffff, v17  }
0x3ad: {  	v18 =	vadd.s32 v5, v19;
	v17 =	vld [tilespmem:s0+$0xFFFFFF50];
	_ =	sdelay $0x4  }
0x3ae: {  	[tilespmem:v18+s14+$0x0] =	vst.idx.msk $0xffff, v17  }
0x3af: {  	s18 =	sadd.s32 $0xFFFFFFFC, s1;
	v18 =	vadd.s32 v6, v19;
	v17 =	vld [tilespmem:s0+$0xFFFFFF60]  }
0x3b0: {  	v19 =	vmov s18  }
0x3b1: {  	v19 =	vshrl.u32 v19, $0x3  }
0x3b2: {  	v19 =	vshll.u32 v19, v1  }
0x3b3: {  	v19 =	vbroadcast v19, $0x0  }
0x3b4: {  	[tilespmem:v18+s14+$0x0] =	vst.idx.msk $0xffff, v17  }
0x3b5: {  	v18 =	vadd.s32 v7, v19;
	v17 =	vld [tilespmem:s0+$0xFFFFFF70];
	_ =	sdelay $0x4  }
0x3b6: {  	[tilespmem:v18+s14+$0x0] =	vst.idx.msk $0xffff, v17  }
0x3b7: {  	s18 =	sadd.s32 $0xFFFFFFFD, s1;
	v18 =	vadd.s32 v8, v19;
	v17 =	vld [tilespmem:s0+$0xFFFFFF80]  }
0x3b8: {  	v19 =	vmov s18  }
0x3b9: {  	v19 =	vshrl.u32 v19, $0x3  }
0x3ba: {  	v19 =	vshll.u32 v19, v1  }
0x3bb: {  	v19 =	vbroadcast v19, $0x0  }
0x3bc: {  	[tilespmem:v18+s14+$0x0] =	vst.idx.msk $0xffff, v17  }
0x3bd: {  	v18 =	vadd.s32 v9, v19;
	v17 =	vld [tilespmem:s0+$0xFFFFFF90];
	_ =	sdelay $0x4  }
0x3be: {  	[tilespmem:v18+s14+$0x0] =	vst.idx.msk $0xffff, v17  }
0x3bf: {  	s18 =	sadd.s32 $0xFFFFFFFE, s1;
	v18 =	vadd.s32 v10, v19;
	v17 =	vld [tilespmem:s0+$0xFFFFFFA0]  }
0x3c0: {  	v19 =	vmov s18  }
0x3c1: {  	v19 =	vshrl.u32 v19, $0x3  }
0x3c2: {  	v19 =	vshll.u32 v19, v1  }
0x3c3: {  	v19 =	vbroadcast v19, $0x0  }
0x3c4: {  	[tilespmem:v18+s14+$0x0] =	vst.idx.msk $0xffff, v17  }
0x3c5: {  	v18 =	vadd.s32 v11, v19;
	v17 =	vld [tilespmem:s0+$0xFFFFFFB0];
	_ =	sdelay $0x4  }
0x3c6: {  	[tilespmem:v18+s14+$0x0] =	vst.idx.msk $0xffff, v17  }
0x3c7: {  	s18 =	sadd.s32 $0xFFFFFFFF, s1;
	v18 =	vadd.s32 v12, v19;
	v17 =	vld [tilespmem:s0+$0xFFFFFFC0]  }
0x3c8: {  	v19 =	vmov s18  }
0x3c9: {  	v19 =	vshrl.u32 v19, $0x3  }
0x3ca: {  	v19 =	vshll.u32 v19, v1  }
0x3cb: {  	v19 =	vbroadcast v19, $0x0  }
0x3cc: {  	[tilespmem:v18+s14+$0x0] =	vst.idx.msk $0xffff, v17  }
0x3cd: {  	v18 =	vadd.s32 v13, v19;
	v17 =	vld [tilespmem:s0+$0xFFFFFFD0];
	_ =	sdelay $0x4  }
0x3ce: {  	[tilespmem:v18+s14+$0x0] =	vst.idx.msk $0xffff, v17  }
0x3cf: {  	v18 =	vadd.s32 v14, v19;
	v17 =	vld [tilespmem:s0+$0xFFFFFFE0]  }
0x3d0: {  	v19 =	vmov s1;
	s1 =	smov.u32 s17  }
0x3d1: {  	v19 =	vshrl.u32 v19, $0x3  }
0x3d2: {  	v19 =	vshll.u32 v19, v1  }
0x3d3: {  	v19 =	vbroadcast v19, $0x0  }
0x3d4: {  	[tilespmem:v18+s14+$0x0] =	vst.idx.msk $0xffff, v17  }
0x3d5: {  	v18 =	vadd.s32 v15, v19;
	v17 =	vld [tilespmem:s0+$0xFFFFFFF0];
	_ =	sdelay $0x1  }
.Ltmp4:
0x3d6: {  	(pc) =	sbr.rel @p0 .LBB2_10-.Ltmp4, $3  }
0x3d7: {  	_ =	sdelay $0x1  }
0x3d8: {  	[tilespmem:v18+s14+$0x0] =	vst.idx.msk $0xffff, v17  }
0x3d9: {  	s17 =	sadd.s32 $0x8, s17;
	s18 =	sadd.s32 $0xFFFFFFF9, s1;
	v18 =	vadd.s32 v16, v19;
	v17 =	vld [tilespmem:s0+$0x0]  }
0x3da: {  	v19 =	vmov s18  }
0x3db: {  	v19 =	vshrl.u32 v19, $0x3  }
0x3dc: {  	v19 =	vshll.u32 v19, v1  }
0x3dd: {  	v19 =	vbroadcast v19, $0x0  }
0x3de: {  	s0 =	sadd.s32 $0x100, s0;
	[tilespmem:v18+s14+$0x0] =	vst.idx.msk $0xffff, v17  }
0x3df: {  	v17 =	vld [tilespmem:s0+$0xFFFFFF10];
	v18 =	vadd.s32 v0, v19;
	_ =	sdelay $0x4  }
0x3e0: {  	[tilespmem:v18+s14+$0x0] =	vst.idx.msk $0xffff, v17  }
0x3e1: {  	s17 =	sadd.s32 $0xFFFFFFFA, s1;
	v18 =	vadd.s32 v2, v19;
	v17 =	vld [tilespmem:s0+$0xFFFFFF20]  }
0x3e2: {  	v19 =	vmov s17  }
0x3e3: {  	v19 =	vshrl.u32 v19, $0x3  }
0x3e4: {  	v19 =	vshll.u32 v19, v1  }
0x3e5: {  	v19 =	vbroadcast v19, $0x0  }
0x3e6: {  	[tilespmem:v18+s14+$0x0] =	vst.idx.msk $0xffff, v17  }
0x3e7: {  	v18 =	vadd.s32 v3, v19;
	v17 =	vld [tilespmem:s0+$0xFFFFFF30];
	_ =	sdelay $0x4  }
0x3e8: {  	[tilespmem:v18+s14+$0x0] =	vst.idx.msk $0xffff, v17  }
0x3e9: {  	s19 =	sadd.s32 $0xFFFFFFFB, s1;
	v18 =	vadd.s32 v4, v19;
	v17 =	vld [tilespmem:s0+$0xFFFFFF40]  }
0x3ea: {  	v19 =	vmov s19  }
0x3eb: {  	v19 =	vshrl.u32 v19, $0x3  }
0x3ec: {  	v19 =	vshll.u32 v19, v1  }
0x3ed: {  	v19 =	vbroadcast v19, $0x0  }
0x3ee: {  	[tilespmem:v18+s14+$0x0] =	vst.idx.msk $0xffff, v17  }
0x3ef: {  	v18 =	vadd.s32 v5, v19;
	v17 =	vld [tilespmem:s0+$0xFFFFFF50];
	_ =	sdelay $0x4  }
0x3f0: {  	[tilespmem:v18+s14+$0x0] =	vst.idx.msk $0xffff, v17  }
0x3f1: {  	s18 =	sadd.s32 $0xFFFFFFFC, s1;
	v18 =	vadd.s32 v6, v19;
	v17 =	vld [tilespmem:s0+$0xFFFFFF60]  }
0x3f2: {  	v19 =	vmov s18  }
0x3f3: {  	v19 =	vshrl.u32 v19, $0x3  }
0x3f4: {  	v19 =	vshll.u32 v19, v1  }
0x3f5: {  	v19 =	vbroadcast v19, $0x0  }
0x3f6: {  	[tilespmem:v18+s14+$0x0] =	vst.idx.msk $0xffff, v17  }
0x3f7: {  	v18 =	vadd.s32 v7, v19;
	v17 =	vld [tilespmem:s0+$0xFFFFFF70];
	_ =	sdelay $0x4  }
0x3f8: {  	[tilespmem:v18+s14+$0x0] =	vst.idx.msk $0xffff, v17  }
0x3f9: {  	s19 =	sadd.s32 $0xFFFFFFFD, s1;
	v18 =	vadd.s32 v8, v19;
	v17 =	vld [tilespmem:s0+$0xFFFFFF80]  }
0x3fa: {  	v19 =	vmov s19  }
0x3fb: {  	v19 =	vshrl.u32 v19, $0x3  }
0x3fc: {  	v19 =	vshll.u32 v19, v1  }
0x3fd: {  	v19 =	vbroadcast v19, $0x0  }
0x3fe: {  	[tilespmem:v18+s14+$0x0] =	vst.idx.msk $0xffff, v17  }
0x3ff: {  	v18 =	vadd.s32 v9, v19;
	v17 =	vld [tilespmem:s0+$0xFFFFFF90];
	_ =	sdelay $0x4  }
0x400: {  	[tilespmem:v18+s14+$0x0] =	vst.idx.msk $0xffff, v17  }
0x401: {  	s18 =	sadd.s32 $0xFFFFFFFE, s1;
	v18 =	vadd.s32 v10, v19;
	v17 =	vld [tilespmem:s0+$0xFFFFFFA0]  }
0x402: {  	v19 =	vmov s18  }
0x403: {  	v19 =	vshrl.u32 v19, $0x3  }
0x404: {  	v19 =	vshll.u32 v19, v1  }
0x405: {  	v19 =	vbroadcast v19, $0x0  }
0x406: {  	[tilespmem:v18+s14+$0x0] =	vst.idx.msk $0xffff, v17  }
0x407: {  	v18 =	vadd.s32 v11, v19;
	v17 =	vld [tilespmem:s0+$0xFFFFFFB0];
	_ =	sdelay $0x4  }
0x408: {  	[tilespmem:v18+s14+$0x0] =	vst.idx.msk $0xffff, v17  }
0x409: {  	s19 =	sadd.s32 $0xFFFFFFFF, s1;
	v18 =	vadd.s32 v12, v19;
	v17 =	vld [tilespmem:s0+$0xFFFFFFC0]  }
0x40a: {  	v19 =	vmov s19  }
0x40b: {  	v19 =	vshrl.u32 v19, $0x3  }
0x40c: {  	v19 =	vshll.u32 v19, v1  }
0x40d: {  	v19 =	vbroadcast v19, $0x0  }
0x40e: {  	[tilespmem:v18+s14+$0x0] =	vst.idx.msk $0xffff, v17  }
0x40f: {  	v18 =	vadd.s32 v13, v19;
	v17 =	vld [tilespmem:s0+$0xFFFFFFD0];
	_ =	sdelay $0x4  }
0x410: {  	[tilespmem:v18+s14+$0x0] =	vst.idx.msk $0xffff, v17  }
0x411: {  	v18 =	vadd.s32 v14, v19;
	v17 =	vld [tilespmem:s0+$0xFFFFFFE0]  }
0x412: {  	v19 =	vmov s1  }
0x413: {  	v19 =	vshrl.u32 v19, $0x3  }
0x414: {  	v19 =	vshll.u32 v19, v1  }
0x415: {  	v19 =	vbroadcast v19, $0x0  }
0x416: {  	[tilespmem:v18+s14+$0x0] =	vst.idx.msk $0xffff, v17  }
0x417: {  	v18 =	vadd.s32 v15, v19;
	v17 =	vld [tilespmem:s0+$0xFFFFFFF0];
	_ =	sdelay $0x4  }
0x418: {  	[tilespmem:v18+s14+$0x0] =	vst.idx.msk $0xffff, v17  }
0x419: {  	v18 =	vadd.s32 v16, v19;
	v17 =	vld [tilespmem:s0+$0x0];
	_ =	sdelay $0x4  }
0x41a: {  	s0 =	simm.s32 $0x0;
	[tilespmem:v18+s14+$0x0] =	vst.idx.msk $0xffff, v17  }
0x41b: {  	[hbm4b:s9+s0] =	stream.linear.scatter [tilespmem:s14], [sflag:$0x2], $0x80, $0x38;
	[tilespmem:$0xB600] =	vst v63  }
0x41c: {  	s18 =	sadd.s32 $0x10, s9;
	s19 =	simm.s32 $0xA588  }
0x41d: {  	[hbm4b:s18+s0] =	stream.linear.scatter [tilespmem:s19], [sflag:$0x2], $0x80, $0x38;
	[tilespmem:$0xB600] =	vst v63  }
0x41e: {  	s18 =	sadd.s32 $0x20, s9;
	s19 =	simm.s32 $0xA610  }
0x41f: {  	[hbm4b:s18+s0] =	stream.linear.scatter [tilespmem:s19], [sflag:$0x2], $0x80, $0x38;
	[tilespmem:$0xB600] =	vst v63  }
0x420: {  	s18 =	sadd.s32 $0x30, s9;
	s19 =	simm.s32 $0xA698  }
0x421: {  	[hbm4b:s18+s0] =	stream.linear.scatter [tilespmem:s19], [sflag:$0x2], $0x80, $0x38;
	[tilespmem:$0xB600] =	vst v63  }
0x422: {  	s18 =	sadd.s32 $0x40, s9;
	s19 =	simm.s32 $0xA720  }
0x423: {  	[hbm4b:s18+s0] =	stream.linear.scatter [tilespmem:s19], [sflag:$0x2], $0x80, $0x38;
	[tilespmem:$0xB600] =	vst v63  }
0x424: {  	s18 =	sadd.s32 $0x50, s9;
	s19 =	simm.s32 $0xA7A8  }
0x425: {  	[hbm4b:s18+s0] =	stream.linear.scatter [tilespmem:s19], [sflag:$0x2], $0x80, $0x38;
	[tilespmem:$0xB600] =	vst v63  }
0x426: {  	s18 =	sadd.s32 $0x60, s9;
	s19 =	simm.s32 $0xA830  }
0x427: {  	[hbm4b:s18+s0] =	stream.linear.scatter [tilespmem:s19], [sflag:$0x2], $0x80, $0x38;
	[tilespmem:$0xB600] =	vst v63  }
0x428: {  	s18 =	sadd.s32 $0x70, s9;
	s19 =	simm.s32 $0xA8B8  }
0x429: {  	[hbm4b:s18+s0] =	stream.linear.scatter [tilespmem:s19], [sflag:$0x2], $0x80, $0x38;
	[tilespmem:$0xB600] =	vst v63  }
0x42a: {  	s18 =	sadd.s32 $0x4000, s9;
	s19 =	simm.s32 $0xA940  }
0x42b: {  	[hbm4b:s18+s0] =	stream.linear.scatter [tilespmem:s19], [sflag:$0x2], $0x80, $0x38;
	[tilespmem:$0xB600] =	vst v63  }
0x42c: {  	s18 =	sadd.s32 $0x4010, s9;
	s19 =	simm.s32 $0xA9C8  }
0x42d: {  	[hbm4b:s18+s0] =	stream.linear.scatter [tilespmem:s19], [sflag:$0x2], $0x80, $0x38;
	[tilespmem:$0xB600] =	vst v63  }
0x42e: {  	s18 =	sadd.s32 $0x4020, s9;
	s19 =	simm.s32 $0xAA50  }
0x42f: {  	[hbm4b:s18+s0] =	stream.linear.scatter [tilespmem:s19], [sflag:$0x2], $0x80, $0x38;
	[tilespmem:$0xB600] =	vst v63  }
0x430: {  	s18 =	sadd.s32 $0x4030, s9;
	s19 =	simm.s32 $0xAAD8  }
0x431: {  	[hbm4b:s18+s0] =	stream.linear.scatter [tilespmem:s19], [sflag:$0x2], $0x80, $0x38;
	[tilespmem:$0xB600] =	vst v63  }
0x432: {  	s18 =	sadd.s32 $0x4040, s9;
	s19 =	simm.s32 $0xAB60  }
0x433: {  	[hbm4b:s18+s0] =	stream.linear.scatter [tilespmem:s19], [sflag:$0x2], $0x80, $0x38;
	[tilespmem:$0xB600] =	vst v63  }
0x434: {  	s18 =	sadd.s32 $0x4050, s9;
	s19 =	simm.s32 $0xABE8  }
0x435: {  	[hbm4b:s18+s0] =	stream.linear.scatter [tilespmem:s19], [sflag:$0x2], $0x80, $0x38;
	[tilespmem:$0xB600] =	vst v63  }
0x436: {  	s18 =	sadd.s32 $0x4060, s9;
	s19 =	simm.s32 $0xAC70  }
0x437: {  	[hbm4b:s18+s0] =	stream.linear.scatter [tilespmem:s19], [sflag:$0x2], $0x80, $0x38;
	[tilespmem:$0xB600] =	vst v63  }
0x438: {  	s18 =	sadd.s32 $0x4070, s9;
	s19 =	simm.s32 $0xACF8  }
0x439: {  	[hbm4b:s18+s0] =	stream.linear.scatter [tilespmem:s19], [sflag:$0x2], $0x80, $0x38;
	[tilespmem:$0xB600] =	vst v63  }
0x43a: {  	s18 =	sadd.s32 $0x8000, s9;
	s19 =	simm.s32 $0xAD80  }
0x43b: {  	[hbm4b:s18+s0] =	stream.linear.scatter [tilespmem:s19], [sflag:$0x2], $0x80, $0x38;
	[tilespmem:$0xB600] =	vst v63  }
0x43c: {  	s18 =	sadd.s32 $0x8010, s9;
	s19 =	simm.s32 $0xAE08  }
0x43d: {  	[hbm4b:s18+s0] =	stream.linear.scatter [tilespmem:s19], [sflag:$0x2], $0x80, $0x38;
	[tilespmem:$0xB600] =	vst v63  }
0x43e: {  	s18 =	sadd.s32 $0x8020, s9;
	s19 =	simm.s32 $0xAE90  }
0x43f: {  	[hbm4b:s18+s0] =	stream.linear.scatter [tilespmem:s19], [sflag:$0x2], $0x80, $0x38;
	[tilespmem:$0xB600] =	vst v63  }
0x440: {  	s18 =	sadd.s32 $0x8030, s9;
	s19 =	simm.s32 $0xAF18  }
0x441: {  	[hbm4b:s18+s0] =	stream.linear.scatter [tilespmem:s19], [sflag:$0x2], $0x80, $0x38;
	[tilespmem:$0xB600] =	vst v63  }
0x442: {  	s18 =	sadd.s32 $0x8040, s9;
	s19 =	simm.s32 $0xAFA0  }
0x443: {  	[hbm4b:s18+s0] =	stream.linear.scatter [tilespmem:s19], [sflag:$0x2], $0x80, $0x38;
	[tilespmem:$0xB600] =	vst v63  }
0x444: {  	s18 =	sadd.s32 $0x8050, s9;
	s19 =	simm.s32 $0xB028  }
0x445: {  	[hbm4b:s18+s0] =	stream.linear.scatter [tilespmem:s19], [sflag:$0x2], $0x80, $0x38;
	[tilespmem:$0xB600] =	vst v63  }
0x446: {  	s18 =	sadd.s32 $0x8060, s9;
	s19 =	simm.s32 $0xB0B0  }
0x447: {  	[hbm4b:s18+s0] =	stream.linear.scatter [tilespmem:s19], [sflag:$0x2], $0x80, $0x38;
	[tilespmem:$0xB600] =	vst v63  }
0x448: {  	s18 =	sadd.s32 $0x8070, s9;
	s19 =	simm.s32 $0xB138  }
0x449: {  	[hbm4b:s18+s0] =	stream.linear.scatter [tilespmem:s19], [sflag:$0x2], $0x80, $0x38;
	[tilespmem:$0xB600] =	vst v63  }
0x44a: {  	s18 =	sadd.s32 $0xC000, s9;
	s19 =	simm.s32 $0xB1C0  }
0x44b: {  	[hbm4b:s18+s0] =	stream.linear.scatter [tilespmem:s19], [sflag:$0x2], $0x80, $0x38;
	[tilespmem:$0xB600] =	vst v63  }
0x44c: {  	s18 =	sadd.s32 $0xC010, s9;
	s19 =	simm.s32 $0xB248  }
0x44d: {  	[hbm4b:s18+s0] =	stream.linear.scatter [tilespmem:s19], [sflag:$0x2], $0x80, $0x38;
	[tilespmem:$0xB600] =	vst v63  }
0x44e: {  	s18 =	sadd.s32 $0xC020, s9;
	s19 =	simm.s32 $0xB2D0  }
0x44f: {  	[hbm4b:s18+s0] =	stream.linear.scatter [tilespmem:s19], [sflag:$0x2], $0x80, $0x38;
	[tilespmem:$0xB600] =	vst v63  }
0x450: {  	s18 =	sadd.s32 $0xC030, s9;
	s19 =	simm.s32 $0xB358  }
0x451: {  	[hbm4b:s18+s0] =	stream.linear.scatter [tilespmem:s19], [sflag:$0x2], $0x80, $0x38;
	[tilespmem:$0xB600] =	vst v63  }
0x452: {  	s18 =	sadd.s32 $0xC040, s9;
	s19 =	simm.s32 $0xB3E0  }
0x453: {  	[hbm4b:s18+s0] =	stream.linear.scatter [tilespmem:s19], [sflag:$0x2], $0x80, $0x38;
	[tilespmem:$0xB600] =	vst v63  }
0x454: {  	s18 =	sadd.s32 $0xC050, s9;
	s19 =	simm.s32 $0xB468  }
0x455: {  	[hbm4b:s18+s0] =	stream.linear.scatter [tilespmem:s19], [sflag:$0x2], $0x80, $0x38;
	[tilespmem:$0xB600] =	vst v63  }
0x456: {  	s18 =	sadd.s32 $0xC060, s9;
	s19 =	simm.s32 $0xB4F0  }
0x457: {  	[hbm4b:s18+s0] =	stream.linear.scatter [tilespmem:s19], [sflag:$0x2], $0x80, $0x38;
	[tilespmem:$0xB600] =	vst v63  }
0x458: {  	s18 =	sadd.s32 $0xC070, s9;
	s19 =	simm.s32 $0xB578  }
0x459: {  	[hbm4b:s18+s0] =	stream.linear.scatter [tilespmem:s19], [sflag:$0x2], $0x80, $0x38;
	[tilespmem:$0xB600] =	vst v63  }
0x45a: {  	s18 =	simm.s32 $0x0;
	_ =	swait.ge [sflag:s6], $0x1000  }
0x45b: {  	v17 =	vmov s18;
	[sflag:s6] =	ssyncset.done $0x0  }
0x45c: {  	v17 =	vshrl.u32 v17, $0x3;
	[sflag:s6] =	ssyncadd.s32 $0xFFFFF000  }
0x45d: {  	v17 =	vshll.u32 v17, v1;
	_ =	swait.ge [sflag:s28], $0x1000  }
0x45e: {  	v17 =	vbroadcast v17, $0x0;
	[sflag:s28] =	ssyncset.done $0x0  }
0x45f: {  	s17 =	simm.s32 $0x0;
	[sflag:s28] =	ssyncadd.s32 $0xFFFFF000  }
0x460: {  	v19 =	vadd.s32 v0, v17;
	v18 =	vld [tilespmem:s17+$0x7400];
	_ =	sdelay $0x4  }
0x461: {  	[tilespmem:v19+s29+$0x0] =	vst.idx.msk $0xffff, v18  }
0x462: {  	s19 =	simm.s32 $0x1;
	v17 =	vadd.s32 v2, v17;
	v18 =	vld [tilespmem:s17+$0x7410]  }
0x463: {  	v19 =	vmov s19  }
0x464: {  	v19 =	vshrl.u32 v19, $0x3  }
0x465: {  	v19 =	vshll.u32 v19, v1  }
0x466: {  	v19 =	vbroadcast v19, $0x0  }
0x467: {  	[tilespmem:v17+s29+$0x0] =	vst.idx.msk $0xffff, v18  }
0x468: {  	v18 =	vadd.s32 v3, v19;
	v17 =	vld [tilespmem:s17+$0x7420];
	_ =	sdelay $0x4  }
0x469: {  	[tilespmem:v18+s29+$0x0] =	vst.idx.msk $0xffff, v17  }
0x46a: {  	s1 =	simm.s32 $0x2;
	v18 =	vadd.s32 v4, v19;
	v17 =	vld [tilespmem:s17+$0x7430]  }
0x46b: {  	v19 =	vmov s1  }
0x46c: {  	v19 =	vshrl.u32 v19, $0x3  }
0x46d: {  	v19 =	vshll.u32 v19, v1  }
0x46e: {  	v19 =	vbroadcast v19, $0x0  }
0x46f: {  	[tilespmem:v18+s29+$0x0] =	vst.idx.msk $0xffff, v17  }
0x470: {  	v18 =	vadd.s32 v5, v19;
	v17 =	vld [tilespmem:s17+$0x7440];
	_ =	sdelay $0x4  }
0x471: {  	[tilespmem:v18+s29+$0x0] =	vst.idx.msk $0xffff, v17  }
0x472: {  	s18 =	simm.s32 $0x3;
	v18 =	vadd.s32 v6, v19;
	v17 =	vld [tilespmem:s17+$0x7450]  }
0x473: {  	v19 =	vmov s18  }
0x474: {  	v19 =	vshrl.u32 v19, $0x3  }
0x475: {  	v19 =	vshll.u32 v19, v1  }
0x476: {  	v19 =	vbroadcast v19, $0x0  }
0x477: {  	[tilespmem:v18+s29+$0x0] =	vst.idx.msk $0xffff, v17  }
0x478: {  	v18 =	vadd.s32 v7, v19;
	v17 =	vld [tilespmem:s17+$0x7460];
	_ =	sdelay $0x4  }
0x479: {  	[tilespmem:v18+s29+$0x0] =	vst.idx.msk $0xffff, v17  }
0x47a: {  	s19 =	simm.s32 $0x4;
	v18 =	vadd.s32 v8, v19;
	v17 =	vld [tilespmem:s17+$0x7470]  }
0x47b: {  	v19 =	vmov s19  }
0x47c: {  	v19 =	vshrl.u32 v19, $0x3  }
0x47d: {  	v19 =	vshll.u32 v19, v1  }
0x47e: {  	v19 =	vbroadcast v19, $0x0  }
0x47f: {  	[tilespmem:v18+s29+$0x0] =	vst.idx.msk $0xffff, v17  }
0x480: {  	v18 =	vadd.s32 v9, v19;
	v17 =	vld [tilespmem:s17+$0x7480];
	_ =	sdelay $0x4  }
0x481: {  	[tilespmem:v18+s29+$0x0] =	vst.idx.msk $0xffff, v17  }
0x482: {  	s1 =	simm.s32 $0x5;
	v18 =	vadd.s32 v10, v19;
	v17 =	vld [tilespmem:s17+$0x7490]  }
0x483: {  	v19 =	vmov s1  }
0x484: {  	v19 =	vshrl.u32 v19, $0x3  }
0x485: {  	v19 =	vshll.u32 v19, v1  }
0x486: {  	v19 =	vbroadcast v19, $0x0  }
0x487: {  	[tilespmem:v18+s29+$0x0] =	vst.idx.msk $0xffff, v17  }
0x488: {  	v18 =	vadd.s32 v11, v19;
	v17 =	vld [tilespmem:s17+$0x74A0];
	_ =	sdelay $0x4  }
0x489: {  	[tilespmem:v18+s29+$0x0] =	vst.idx.msk $0xffff, v17  }
0x48a: {  	s18 =	simm.s32 $0x6;
	v18 =	vadd.s32 v12, v19;
	v17 =	vld [tilespmem:s17+$0x74B0]  }
0x48b: {  	v19 =	vmov s18  }
0x48c: {  	v19 =	vshrl.u32 v19, $0x3  }
0x48d: {  	v19 =	vshll.u32 v19, v1  }
0x48e: {  	v19 =	vbroadcast v19, $0x0  }
0x48f: {  	[tilespmem:v18+s29+$0x0] =	vst.idx.msk $0xffff, v17  }
0x490: {  	v18 =	vadd.s32 v13, v19;
	v17 =	vld [tilespmem:s17+$0x74C0];
	_ =	sdelay $0x4  }
0x491: {  	[tilespmem:v18+s29+$0x0] =	vst.idx.msk $0xffff, v17  }
0x492: {  	s19 =	simm.s32 $0x7;
	v18 =	vadd.s32 v14, v19;
	v17 =	vld [tilespmem:s17+$0x74D0]  }
0x493: {  	v19 =	vmov s19  }
0x494: {  	v19 =	vshrl.u32 v19, $0x3  }
0x495: {  	v19 =	vshll.u32 v19, v1  }
0x496: {  	v19 =	vbroadcast v19, $0x0  }
0x497: {  	[tilespmem:v18+s29+$0x0] =	vst.idx.msk $0xffff, v17  }
0x498: {  	v18 =	vadd.s32 v15, v19;
	v17 =	vld [tilespmem:s17+$0x74E0];
	_ =	sdelay $0x4  }
0x499: {  	s0 =	simm.s32 $0xF;
	[tilespmem:v18+s29+$0x0] =	vst.idx.msk $0xffff, v17  }
0x49a: {  	s1 =	simm.s32 $0x400;
	s19 =	simm.s32 $0x8;
	v18 =	vadd.s32 v16, v19;
	v17 =	vld [tilespmem:s17+$0x74F0];
	s17 =	simm.s32 $0x800  }
.LBB2_12:
0x49b: {  	p0 =	sne.s32 s17, $0x3C00;
	v19 =	vmov s19  }
0x49c: {  	v19 =	vshrl.u32 v19, $0x3  }
0x49d: {  	v19 =	vshll.u32 v19, v1  }
0x49e: {  	v19 =	vbroadcast v19, $0x0  }
0x49f: {  	s18 =	sshra.s32 s1, $0x2;
	s1 =	smov.u32 s17;
	[tilespmem:v18+s29+$0x0] =	vst.idx.msk $0xffff, v17  }
0x4a0: {  	v17 =	vld [tilespmem:s18+$0x7400];
	v18 =	vadd.s32 v0, v19;
	_ =	sdelay $0x4  }
0x4a1: {  	[tilespmem:v18+s29+$0x0] =	vst.idx.msk $0xffff, v17  }
0x4a2: {  	s19 =	sadd.s32 $0xFFFFFFFA, s0;
	v18 =	vadd.s32 v2, v19;
	v17 =	vld [tilespmem:s18+$0x7410]  }
0x4a3: {  	v19 =	vmov s19  }
0x4a4: {  	v19 =	vshrl.u32 v19, $0x3  }
0x4a5: {  	v19 =	vshll.u32 v19, v1  }
0x4a6: {  	v19 =	vbroadcast v19, $0x0  }
0x4a7: {  	[tilespmem:v18+s29+$0x0] =	vst.idx.msk $0xffff, v17  }
0x4a8: {  	v18 =	vadd.s32 v3, v19;
	v17 =	vld [tilespmem:s18+$0x7420];
	_ =	sdelay $0x4  }
0x4a9: {  	[tilespmem:v18+s29+$0x0] =	vst.idx.msk $0xffff, v17  }
0x4aa: {  	s19 =	sadd.s32 $0xFFFFFFFB, s0;
	v18 =	vadd.s32 v4, v19;
	v17 =	vld [tilespmem:s18+$0x7430]  }
0x4ab: {  	v19 =	vmov s19  }
0x4ac: {  	v19 =	vshrl.u32 v19, $0x3  }
0x4ad: {  	v19 =	vshll.u32 v19, v1  }
0x4ae: {  	v19 =	vbroadcast v19, $0x0  }
0x4af: {  	[tilespmem:v18+s29+$0x0] =	vst.idx.msk $0xffff, v17  }
0x4b0: {  	v18 =	vadd.s32 v5, v19;
	v17 =	vld [tilespmem:s18+$0x7440];
	_ =	sdelay $0x4  }
0x4b1: {  	[tilespmem:v18+s29+$0x0] =	vst.idx.msk $0xffff, v17  }
0x4b2: {  	s19 =	sadd.s32 $0xFFFFFFFC, s0;
	v18 =	vadd.s32 v6, v19;
	v17 =	vld [tilespmem:s18+$0x7450]  }
0x4b3: {  	v19 =	vmov s19  }
0x4b4: {  	v19 =	vshrl.u32 v19, $0x3  }
0x4b5: {  	v19 =	vshll.u32 v19, v1  }
0x4b6: {  	v19 =	vbroadcast v19, $0x0  }
0x4b7: {  	[tilespmem:v18+s29+$0x0] =	vst.idx.msk $0xffff, v17  }
0x4b8: {  	v18 =	vadd.s32 v7, v19;
	v17 =	vld [tilespmem:s18+$0x7460];
	_ =	sdelay $0x4  }
0x4b9: {  	[tilespmem:v18+s29+$0x0] =	vst.idx.msk $0xffff, v17  }
0x4ba: {  	s19 =	sadd.s32 $0xFFFFFFFD, s0;
	v18 =	vadd.s32 v8, v19;
	v17 =	vld [tilespmem:s18+$0x7470]  }
0x4bb: {  	v19 =	vmov s19  }
0x4bc: {  	v19 =	vshrl.u32 v19, $0x3  }
0x4bd: {  	v19 =	vshll.u32 v19, v1  }
0x4be: {  	v19 =	vbroadcast v19, $0x0  }
0x4bf: {  	[tilespmem:v18+s29+$0x0] =	vst.idx.msk $0xffff, v17  }
0x4c0: {  	v18 =	vadd.s32 v9, v19;
	v17 =	vld [tilespmem:s18+$0x7480];
	_ =	sdelay $0x4  }
0x4c1: {  	[tilespmem:v18+s29+$0x0] =	vst.idx.msk $0xffff, v17  }
0x4c2: {  	s19 =	sadd.s32 $0xFFFFFFFE, s0;
	v18 =	vadd.s32 v10, v19;
	v17 =	vld [tilespmem:s18+$0x7490]  }
0x4c3: {  	v19 =	vmov s19  }
0x4c4: {  	v19 =	vshrl.u32 v19, $0x3  }
0x4c5: {  	v19 =	vshll.u32 v19, v1  }
0x4c6: {  	v19 =	vbroadcast v19, $0x0  }
0x4c7: {  	[tilespmem:v18+s29+$0x0] =	vst.idx.msk $0xffff, v17  }
0x4c8: {  	v18 =	vadd.s32 v11, v19;
	v17 =	vld [tilespmem:s18+$0x74A0];
	_ =	sdelay $0x4  }
0x4c9: {  	[tilespmem:v18+s29+$0x0] =	vst.idx.msk $0xffff, v17  }
0x4ca: {  	s19 =	sadd.s32 $0xFFFFFFFF, s0;
	v18 =	vadd.s32 v12, v19;
	v17 =	vld [tilespmem:s18+$0x74B0]  }
0x4cb: {  	v19 =	vmov s19  }
0x4cc: {  	v19 =	vshrl.u32 v19, $0x3  }
0x4cd: {  	v19 =	vshll.u32 v19, v1  }
0x4ce: {  	v19 =	vbroadcast v19, $0x0  }
0x4cf: {  	[tilespmem:v18+s29+$0x0] =	vst.idx.msk $0xffff, v17  }
0x4d0: {  	v18 =	vadd.s32 v13, v19;
	v17 =	vld [tilespmem:s18+$0x74C0];
	_ =	sdelay $0x4  }
0x4d1: {  	[tilespmem:v18+s29+$0x0] =	vst.idx.msk $0xffff, v17  }
0x4d2: {  	v18 =	vadd.s32 v14, v19;
	v17 =	vld [tilespmem:s18+$0x74D0]  }
0x4d3: {  	v19 =	vmov s0  }
0x4d4: {  	v19 =	vshrl.u32 v19, $0x3  }
0x4d5: {  	v19 =	vshll.u32 v19, v1  }
0x4d6: {  	v19 =	vbroadcast v19, $0x0  }
0x4d7: {  	[tilespmem:v18+s29+$0x0] =	vst.idx.msk $0xffff, v17  }
0x4d8: {  	v18 =	vadd.s32 v15, v19;
	v17 =	vld [tilespmem:s18+$0x74E0];
	_ =	sdelay $0x1  }
.Ltmp5:
0x4d9: {  	(pc) =	sbr.rel @p0 .LBB2_12-.Ltmp5, $3  }
0x4da: {  	_ =	sdelay $0x1  }
0x4db: {  	s0 =	sadd.s32 $0x8, s0;
	[tilespmem:v18+s29+$0x0] =	vst.idx.msk $0xffff, v17  }
0x4dc: {  	s17 =	sadd.s32 $0x400, s17;
	s19 =	sadd.s32 $0xFFFFFFF9, s0;
	v18 =	vadd.s32 v16, v19;
	v17 =	vld [tilespmem:s18+$0x74F0]  }
0x4dd: {  	v19 =	vmov s19  }
0x4de: {  	v19 =	vshrl.u32 v19, $0x3  }
0x4df: {  	v19 =	vshll.u32 v19, v1  }
0x4e0: {  	v19 =	vbroadcast v19, $0x0  }
0x4e1: {  	s1 =	sshra.s32 s1, $0x2;
	[tilespmem:v18+s29+$0x0] =	vst.idx.msk $0xffff, v17  }
0x4e2: {  	v17 =	vld [tilespmem:s1+$0x7400];
	v18 =	vadd.s32 v0, v19;
	_ =	sdelay $0x4  }
0x4e3: {  	[tilespmem:v18+s29+$0x0] =	vst.idx.msk $0xffff, v17  }
0x4e4: {  	s17 =	sadd.s32 $0xFFFFFFFA, s0;
	v18 =	vadd.s32 v2, v19;
	v17 =	vld [tilespmem:s1+$0x7410]  }
0x4e5: {  	v19 =	vmov s17  }
0x4e6: {  	v19 =	vshrl.u32 v19, $0x3  }
0x4e7: {  	v19 =	vshll.u32 v19, v1  }
0x4e8: {  	v19 =	vbroadcast v19, $0x0  }
0x4e9: {  	[tilespmem:v18+s29+$0x0] =	vst.idx.msk $0xffff, v17  }
0x4ea: {  	v18 =	vadd.s32 v3, v19;
	v17 =	vld [tilespmem:s1+$0x7420];
	_ =	sdelay $0x4  }
0x4eb: {  	[tilespmem:v18+s29+$0x0] =	vst.idx.msk $0xffff, v17  }
0x4ec: {  	s19 =	sadd.s32 $0xFFFFFFFB, s0;
	v18 =	vadd.s32 v4, v19;
	v17 =	vld [tilespmem:s1+$0x7430]  }
0x4ed: {  	v19 =	vmov s19  }
0x4ee: {  	v19 =	vshrl.u32 v19, $0x3  }
0x4ef: {  	v19 =	vshll.u32 v19, v1  }
0x4f0: {  	v19 =	vbroadcast v19, $0x0  }
0x4f1: {  	[tilespmem:v18+s29+$0x0] =	vst.idx.msk $0xffff, v17  }
0x4f2: {  	v18 =	vadd.s32 v5, v19;
	v17 =	vld [tilespmem:s1+$0x7440];
	_ =	sdelay $0x4  }
0x4f3: {  	[tilespmem:v18+s29+$0x0] =	vst.idx.msk $0xffff, v17  }
0x4f4: {  	s18 =	sadd.s32 $0xFFFFFFFC, s0;
	v18 =	vadd.s32 v6, v19;
	v17 =	vld [tilespmem:s1+$0x7450]  }
0x4f5: {  	v19 =	vmov s18  }
0x4f6: {  	v19 =	vshrl.u32 v19, $0x3  }
0x4f7: {  	v19 =	vshll.u32 v19, v1  }
0x4f8: {  	v19 =	vbroadcast v19, $0x0  }
0x4f9: {  	[tilespmem:v18+s29+$0x0] =	vst.idx.msk $0xffff, v17  }
0x4fa: {  	v18 =	vadd.s32 v7, v19;
	v17 =	vld [tilespmem:s1+$0x7460];
	_ =	sdelay $0x4  }
0x4fb: {  	[tilespmem:v18+s29+$0x0] =	vst.idx.msk $0xffff, v17  }
0x4fc: {  	s19 =	sadd.s32 $0xFFFFFFFD, s0;
	v18 =	vadd.s32 v8, v19;
	v17 =	vld [tilespmem:s1+$0x7470]  }
0x4fd: {  	v19 =	vmov s19  }
0x4fe: {  	v19 =	vshrl.u32 v19, $0x3  }
0x4ff: {  	v19 =	vshll.u32 v19, v1  }
0x500: {  	v19 =	vbroadcast v19, $0x0  }
0x501: {  	[tilespmem:v18+s29+$0x0] =	vst.idx.msk $0xffff, v17  }
0x502: {  	v18 =	vadd.s32 v9, v19;
	v17 =	vld [tilespmem:s1+$0x7480];
	_ =	sdelay $0x4  }
0x503: {  	[tilespmem:v18+s29+$0x0] =	vst.idx.msk $0xffff, v17  }
0x504: {  	s18 =	sadd.s32 $0xFFFFFFFE, s0;
	v18 =	vadd.s32 v10, v19;
	v17 =	vld [tilespmem:s1+$0x7490]  }
0x505: {  	v19 =	vmov s18  }
0x506: {  	v19 =	vshrl.u32 v19, $0x3  }
0x507: {  	v19 =	vshll.u32 v19, v1  }
0x508: {  	v19 =	vbroadcast v19, $0x0  }
0x509: {  	[tilespmem:v18+s29+$0x0] =	vst.idx.msk $0xffff, v17  }
0x50a: {  	v18 =	vadd.s32 v11, v19;
	v17 =	vld [tilespmem:s1+$0x74A0];
	_ =	sdelay $0x4  }
0x50b: {  	[tilespmem:v18+s29+$0x0] =	vst.idx.msk $0xffff, v17  }
0x50c: {  	s19 =	sadd.s32 $0xFFFFFFFF, s0;
	v18 =	vadd.s32 v12, v19;
	v17 =	vld [tilespmem:s1+$0x74B0]  }
0x50d: {  	v19 =	vmov s19  }
0x50e: {  	v19 =	vshrl.u32 v19, $0x3  }
0x50f: {  	v19 =	vshll.u32 v19, v1  }
0x510: {  	v19 =	vbroadcast v19, $0x0  }
0x511: {  	[tilespmem:v18+s29+$0x0] =	vst.idx.msk $0xffff, v17  }
0x512: {  	v18 =	vadd.s32 v13, v19;
	v17 =	vld [tilespmem:s1+$0x74C0];
	_ =	sdelay $0x4  }
0x513: {  	[tilespmem:v18+s29+$0x0] =	vst.idx.msk $0xffff, v17  }
0x514: {  	v18 =	vadd.s32 v14, v19;
	v17 =	vld [tilespmem:s1+$0x74D0]  }
0x515: {  	v19 =	vmov s0  }
0x516: {  	v19 =	vshrl.u32 v19, $0x3  }
0x517: {  	v19 =	vshll.u32 v19, v1  }
0x518: {  	v19 =	vbroadcast v19, $0x0  }
0x519: {  	[tilespmem:v18+s29+$0x0] =	vst.idx.msk $0xffff, v17  }
0x51a: {  	v18 =	vadd.s32 v15, v19;
	v17 =	vld [tilespmem:s1+$0x74E0];
	_ =	sdelay $0x4  }
0x51b: {  	[tilespmem:v18+s29+$0x0] =	vst.idx.msk $0xffff, v17  }
0x51c: {  	v18 =	vadd.s32 v16, v19;
	v17 =	vld [tilespmem:s1+$0x74F0];
	_ =	sdelay $0x4  }
0x51d: {  	s0 =	simm.s32 $0x0;
	[tilespmem:v18+s29+$0x0] =	vst.idx.msk $0xffff, v17  }
0x51e: {  	[hbm4b:s10+s0] =	stream.linear.scatter [tilespmem:s29], [sflag:$0x2], $0x80, $0x38;
	[tilespmem:$0xB600] =	vst v63  }
0x51f: {  	s17 =	sadd.s32 $0x10, s10  }
0x520: {  	[hbm4b:s17+s0] =	stream.linear.scatter [tilespmem:s20], [sflag:$0x2], $0x80, $0x38;
	[tilespmem:$0xB600] =	vst v63  }
0x521: {  	s18 =	sadd.s32 $0x20, s10  }
0x522: {  	[hbm4b:s18+s0] =	stream.linear.scatter [tilespmem:s21], [sflag:$0x2], $0x80, $0x38;
	[tilespmem:$0xB600] =	vst v63  }
0x523: {  	s19 =	sadd.s32 $0x30, s10  }
0x524: {  	[hbm4b:s19+s0] =	stream.linear.scatter [tilespmem:s30], [sflag:$0x2], $0x80, $0x38;
	[tilespmem:$0xB600] =	vst v63  }
0x525: {  	s17 =	sadd.s32 $0x40, s10  }
0x526: {  	[hbm4b:s17+s0] =	stream.linear.scatter [tilespmem:s31], [sflag:$0x2], $0x80, $0x38;
	[tilespmem:$0xB600] =	vst v63  }
0x527: {  	s18 =	sadd.s32 $0x50, s10;
	s19 =	simm.s32 $0x96A8  }
0x528: {  	[hbm4b:s18+s0] =	stream.linear.scatter [tilespmem:s19], [sflag:$0x2], $0x80, $0x38;
	[tilespmem:$0xB600] =	vst v63  }
0x529: {  	s18 =	sadd.s32 $0x60, s10;
	s19 =	simm.s32 $0x9730  }
0x52a: {  	[hbm4b:s18+s0] =	stream.linear.scatter [tilespmem:s19], [sflag:$0x2], $0x80, $0x38;
	[tilespmem:$0xB600] =	vst v63  }
0x52b: {  	s18 =	sadd.s32 $0x70, s10;
	s19 =	simm.s32 $0x97B8  }
0x52c: {  	[hbm4b:s18+s0] =	stream.linear.scatter [tilespmem:s19], [sflag:$0x2], $0x80, $0x38;
	[tilespmem:$0xB600] =	vst v63  }
0x52d: {  	s18 =	sadd.s32 $0x4000, s10;
	s19 =	simm.s32 $0x9840  }
0x52e: {  	[hbm4b:s18+s0] =	stream.linear.scatter [tilespmem:s19], [sflag:$0x2], $0x80, $0x38;
	[tilespmem:$0xB600] =	vst v63  }
0x52f: {  	s18 =	sadd.s32 $0x4010, s10;
	s19 =	simm.s32 $0x98C8  }
0x530: {  	[hbm4b:s18+s0] =	stream.linear.scatter [tilespmem:s19], [sflag:$0x2], $0x80, $0x38;
	[tilespmem:$0xB600] =	vst v63  }
0x531: {  	s18 =	sadd.s32 $0x4020, s10;
	s19 =	simm.s32 $0x9950  }
0x532: {  	[hbm4b:s18+s0] =	stream.linear.scatter [tilespmem:s19], [sflag:$0x2], $0x80, $0x38;
	[tilespmem:$0xB600] =	vst v63  }
0x533: {  	s18 =	sadd.s32 $0x4030, s10;
	s19 =	simm.s32 $0x99D8  }
0x534: {  	[hbm4b:s18+s0] =	stream.linear.scatter [tilespmem:s19], [sflag:$0x2], $0x80, $0x38;
	[tilespmem:$0xB600] =	vst v63  }
0x535: {  	s18 =	sadd.s32 $0x4040, s10;
	s19 =	simm.s32 $0x9A60  }
0x536: {  	[hbm4b:s18+s0] =	stream.linear.scatter [tilespmem:s19], [sflag:$0x2], $0x80, $0x38;
	[tilespmem:$0xB600] =	vst v63  }
0x537: {  	s18 =	sadd.s32 $0x4050, s10;
	s19 =	simm.s32 $0x9AE8  }
0x538: {  	[hbm4b:s18+s0] =	stream.linear.scatter [tilespmem:s19], [sflag:$0x2], $0x80, $0x38;
	[tilespmem:$0xB600] =	vst v63  }
0x539: {  	s18 =	sadd.s32 $0x4060, s10;
	s19 =	simm.s32 $0x9B70  }
0x53a: {  	[hbm4b:s18+s0] =	stream.linear.scatter [tilespmem:s19], [sflag:$0x2], $0x80, $0x38;
	[tilespmem:$0xB600] =	vst v63  }
0x53b: {  	s18 =	sadd.s32 $0x4070, s10;
	s19 =	simm.s32 $0x9BF8  }
0x53c: {  	[hbm4b:s18+s0] =	stream.linear.scatter [tilespmem:s19], [sflag:$0x2], $0x80, $0x38;
	[tilespmem:$0xB600] =	vst v63  }
0x53d: {  	s18 =	sadd.s32 $0x8000, s10;
	s19 =	simm.s32 $0x9C80  }
0x53e: {  	[hbm4b:s18+s0] =	stream.linear.scatter [tilespmem:s19], [sflag:$0x2], $0x80, $0x38;
	[tilespmem:$0xB600] =	vst v63  }
0x53f: {  	s18 =	sadd.s32 $0x8010, s10;
	s19 =	simm.s32 $0x9D08  }
0x540: {  	[hbm4b:s18+s0] =	stream.linear.scatter [tilespmem:s19], [sflag:$0x2], $0x80, $0x38;
	[tilespmem:$0xB600] =	vst v63  }
0x541: {  	s18 =	sadd.s32 $0x8020, s10;
	s19 =	simm.s32 $0x9D90  }
0x542: {  	[hbm4b:s18+s0] =	stream.linear.scatter [tilespmem:s19], [sflag:$0x2], $0x80, $0x38;
	[tilespmem:$0xB600] =	vst v63  }
0x543: {  	s18 =	sadd.s32 $0x8030, s10;
	s19 =	simm.s32 $0x9E18  }
0x544: {  	[hbm4b:s18+s0] =	stream.linear.scatter [tilespmem:s19], [sflag:$0x2], $0x80, $0x38;
	[tilespmem:$0xB600] =	vst v63  }
0x545: {  	s18 =	sadd.s32 $0x8040, s10;
	s19 =	simm.s32 $0x9EA0  }
0x546: {  	[hbm4b:s18+s0] =	stream.linear.scatter [tilespmem:s19], [sflag:$0x2], $0x80, $0x38;
	[tilespmem:$0xB600] =	vst v63  }
0x547: {  	s18 =	sadd.s32 $0x8050, s10;
	s19 =	simm.s32 $0x9F28  }
0x548: {  	[hbm4b:s18+s0] =	stream.linear.scatter [tilespmem:s19], [sflag:$0x2], $0x80, $0x38;
	[tilespmem:$0xB600] =	vst v63  }
0x549: {  	s18 =	sadd.s32 $0x8060, s10;
	s19 =	simm.s32 $0x9FB0  }
0x54a: {  	[hbm4b:s18+s0] =	stream.linear.scatter [tilespmem:s19], [sflag:$0x2], $0x80, $0x38;
	[tilespmem:$0xB600] =	vst v63  }
0x54b: {  	s18 =	sadd.s32 $0x8070, s10;
	s19 =	simm.s32 $0xA038  }
0x54c: {  	[hbm4b:s18+s0] =	stream.linear.scatter [tilespmem:s19], [sflag:$0x2], $0x80, $0x38;
	[tilespmem:$0xB600] =	vst v63  }
0x54d: {  	s18 =	sadd.s32 $0xC000, s10;
	s19 =	simm.s32 $0xA0C0  }
0x54e: {  	[hbm4b:s18+s0] =	stream.linear.scatter [tilespmem:s19], [sflag:$0x2], $0x80, $0x38;
	[tilespmem:$0xB600] =	vst v63  }
0x54f: {  	s18 =	sadd.s32 $0xC010, s10;
	s19 =	simm.s32 $0xA148  }
0x550: {  	[hbm4b:s18+s0] =	stream.linear.scatter [tilespmem:s19], [sflag:$0x2], $0x80, $0x38;
	[tilespmem:$0xB600] =	vst v63  }
0x551: {  	s17 =	sadd.s32 $0xC020, s10;
	s18 =	simm.s32 $0xA1D0  }
0x552: {  	[hbm4b:s17+s0] =	stream.linear.scatter [tilespmem:s18], [sflag:$0x2], $0x80, $0x38;
	[tilespmem:$0xB600] =	vst v63  }
0x553: {  	s19 =	sadd.s32 $0xC030, s10  }
0x554: {  	[hbm4b:s19+s0] =	stream.linear.scatter [tilespmem:s22], [sflag:$0x2], $0x80, $0x38;
	[tilespmem:$0xB600] =	vst v63  }
0x555: {  	s17 =	sadd.s32 $0xC040, s10  }
0x556: {  	[hbm4b:s17+s0] =	stream.linear.scatter [tilespmem:s23], [sflag:$0x2], $0x80, $0x38;
	[tilespmem:$0xB600] =	vst v63  }
0x557: {  	s18 =	sadd.s32 $0xC050, s10  }
0x558: {  	[hbm4b:s18+s0] =	stream.linear.scatter [tilespmem:s24], [sflag:$0x2], $0x80, $0x38;
	[tilespmem:$0xB600] =	vst v63  }
0x559: {  	s19 =	sadd.s32 $0xC060, s10  }
0x55a: {  	[hbm4b:s19+s0] =	stream.linear.scatter [tilespmem:s25], [sflag:$0x2], $0x80, $0x38;
	[tilespmem:$0xB600] =	vst v63  }
0x55b: {  	s17 =	sadd.s32 $0xC070, s10  }
0x55c: {  	[hbm4b:s17+s0] =	stream.linear.scatter [tilespmem:s26], [sflag:$0x2], $0x80, $0x38;
	[tilespmem:$0xB600] =	vst v63  }
0x55d: {  	s18 =	simm.s32 $0x0;
	_ =	swait.ge [sflag:s6], $0x1000  }
0x55e: {  	v17 =	vmov s18;
	[sflag:s6] =	ssyncset.done $0x0  }
0x55f: {  	v17 =	vshrl.u32 v17, $0x3;
	[sflag:s6] =	ssyncadd.s32 $0xFFFFF000  }
0x560: {  	v17 =	vshll.u32 v17, v1;
	_ =	swait.ge [sflag:s28], $0x1000  }
0x561: {  	v17 =	vbroadcast v17, $0x0;
	[sflag:s28] =	ssyncset.done $0x0  }
0x562: {  	s17 =	simm.s32 $0x0;
	[sflag:s28] =	ssyncadd.s32 $0xFFFFF000  }
0x563: {  	v19 =	vadd.s32 v0, v17;
	v18 =	vld [tilespmem:s17+$0x8400];
	_ =	sdelay $0x4  }
0x564: {  	[tilespmem:v19+s14+$0x0] =	vst.idx.msk $0xffff, v18  }
0x565: {  	s19 =	simm.s32 $0x1;
	v17 =	vadd.s32 v2, v17;
	v18 =	vld [tilespmem:s17+$0x8410]  }
0x566: {  	v19 =	vmov s19  }
0x567: {  	v19 =	vshrl.u32 v19, $0x3  }
0x568: {  	v19 =	vshll.u32 v19, v1  }
0x569: {  	v19 =	vbroadcast v19, $0x0  }
0x56a: {  	[tilespmem:v17+s14+$0x0] =	vst.idx.msk $0xffff, v18  }
0x56b: {  	v18 =	vadd.s32 v3, v19;
	v17 =	vld [tilespmem:s17+$0x8420];
	_ =	sdelay $0x4  }
0x56c: {  	[tilespmem:v18+s14+$0x0] =	vst.idx.msk $0xffff, v17  }
0x56d: {  	s1 =	simm.s32 $0x2;
	v18 =	vadd.s32 v4, v19;
	v17 =	vld [tilespmem:s17+$0x8430]  }
0x56e: {  	v19 =	vmov s1  }
0x56f: {  	v19 =	vshrl.u32 v19, $0x3  }
0x570: {  	v19 =	vshll.u32 v19, v1  }
0x571: {  	v19 =	vbroadcast v19, $0x0  }
0x572: {  	[tilespmem:v18+s14+$0x0] =	vst.idx.msk $0xffff, v17  }
0x573: {  	v18 =	vadd.s32 v5, v19;
	v17 =	vld [tilespmem:s17+$0x8440];
	_ =	sdelay $0x4  }
0x574: {  	[tilespmem:v18+s14+$0x0] =	vst.idx.msk $0xffff, v17  }
0x575: {  	s18 =	simm.s32 $0x3;
	v18 =	vadd.s32 v6, v19;
	v17 =	vld [tilespmem:s17+$0x8450]  }
0x576: {  	v19 =	vmov s18  }
0x577: {  	v19 =	vshrl.u32 v19, $0x3  }
0x578: {  	v19 =	vshll.u32 v19, v1  }
0x579: {  	v19 =	vbroadcast v19, $0x0  }
0x57a: {  	[tilespmem:v18+s14+$0x0] =	vst.idx.msk $0xffff, v17  }
0x57b: {  	v18 =	vadd.s32 v7, v19;
	v17 =	vld [tilespmem:s17+$0x8460];
	_ =	sdelay $0x4  }
0x57c: {  	[tilespmem:v18+s14+$0x0] =	vst.idx.msk $0xffff, v17  }
0x57d: {  	s19 =	simm.s32 $0x4;
	v18 =	vadd.s32 v8, v19;
	v17 =	vld [tilespmem:s17+$0x8470]  }
0x57e: {  	v19 =	vmov s19  }
0x57f: {  	v19 =	vshrl.u32 v19, $0x3  }
0x580: {  	v19 =	vshll.u32 v19, v1  }
0x581: {  	v19 =	vbroadcast v19, $0x0  }
0x582: {  	[tilespmem:v18+s14+$0x0] =	vst.idx.msk $0xffff, v17  }
0x583: {  	v18 =	vadd.s32 v9, v19;
	v17 =	vld [tilespmem:s17+$0x8480];
	_ =	sdelay $0x4  }
0x584: {  	[tilespmem:v18+s14+$0x0] =	vst.idx.msk $0xffff, v17  }
0x585: {  	s1 =	simm.s32 $0x5;
	v18 =	vadd.s32 v10, v19;
	v17 =	vld [tilespmem:s17+$0x8490]  }
0x586: {  	v19 =	vmov s1  }
0x587: {  	v19 =	vshrl.u32 v19, $0x3  }
0x588: {  	v19 =	vshll.u32 v19, v1  }
0x589: {  	v19 =	vbroadcast v19, $0x0  }
0x58a: {  	[tilespmem:v18+s14+$0x0] =	vst.idx.msk $0xffff, v17  }
0x58b: {  	v18 =	vadd.s32 v11, v19;
	v17 =	vld [tilespmem:s17+$0x84A0];
	_ =	sdelay $0x4  }
0x58c: {  	[tilespmem:v18+s14+$0x0] =	vst.idx.msk $0xffff, v17  }
0x58d: {  	s18 =	simm.s32 $0x6;
	v18 =	vadd.s32 v12, v19;
	v17 =	vld [tilespmem:s17+$0x84B0]  }
0x58e: {  	v19 =	vmov s18  }
0x58f: {  	v19 =	vshrl.u32 v19, $0x3  }
0x590: {  	v19 =	vshll.u32 v19, v1  }
0x591: {  	v19 =	vbroadcast v19, $0x0  }
0x592: {  	[tilespmem:v18+s14+$0x0] =	vst.idx.msk $0xffff, v17  }
0x593: {  	v18 =	vadd.s32 v13, v19;
	v17 =	vld [tilespmem:s17+$0x84C0];
	_ =	sdelay $0x4  }
0x594: {  	[tilespmem:v18+s14+$0x0] =	vst.idx.msk $0xffff, v17  }
0x595: {  	s19 =	simm.s32 $0x7;
	v18 =	vadd.s32 v14, v19;
	v17 =	vld [tilespmem:s17+$0x84D0]  }
0x596: {  	v19 =	vmov s19  }
0x597: {  	v19 =	vshrl.u32 v19, $0x3  }
0x598: {  	v19 =	vshll.u32 v19, v1  }
0x599: {  	v19 =	vbroadcast v19, $0x0  }
0x59a: {  	[tilespmem:v18+s14+$0x0] =	vst.idx.msk $0xffff, v17  }
0x59b: {  	v18 =	vadd.s32 v15, v19;
	v17 =	vld [tilespmem:s17+$0x84E0];
	_ =	sdelay $0x4  }
0x59c: {  	s0 =	simm.s32 $0xF;
	[tilespmem:v18+s14+$0x0] =	vst.idx.msk $0xffff, v17  }
0x59d: {  	s1 =	simm.s32 $0x400;
	s19 =	simm.s32 $0x8;
	v18 =	vadd.s32 v16, v19;
	v17 =	vld [tilespmem:s17+$0x84F0];
	s17 =	simm.s32 $0x800  }
.LBB2_14:
0x59e: {  	p0 =	sne.s32 s17, $0x3C00;
	v19 =	vmov s19  }
0x59f: {  	v19 =	vshrl.u32 v19, $0x3  }
0x5a0: {  	v19 =	vshll.u32 v19, v1  }
0x5a1: {  	v19 =	vbroadcast v19, $0x0  }
0x5a2: {  	s18 =	sshra.s32 s1, $0x2;
	s1 =	smov.u32 s17;
	[tilespmem:v18+s14+$0x0] =	vst.idx.msk $0xffff, v17  }
0x5a3: {  	v17 =	vld [tilespmem:s18+$0x8400];
	v18 =	vadd.s32 v0, v19;
	_ =	sdelay $0x4  }
0x5a4: {  	[tilespmem:v18+s14+$0x0] =	vst.idx.msk $0xffff, v17  }
0x5a5: {  	s19 =	sadd.s32 $0xFFFFFFFA, s0;
	v18 =	vadd.s32 v2, v19;
	v17 =	vld [tilespmem:s18+$0x8410]  }
0x5a6: {  	v19 =	vmov s19  }
0x5a7: {  	v19 =	vshrl.u32 v19, $0x3  }
0x5a8: {  	v19 =	vshll.u32 v19, v1  }
0x5a9: {  	v19 =	vbroadcast v19, $0x0  }
0x5aa: {  	[tilespmem:v18+s14+$0x0] =	vst.idx.msk $0xffff, v17  }
0x5ab: {  	v18 =	vadd.s32 v3, v19;
	v17 =	vld [tilespmem:s18+$0x8420];
	_ =	sdelay $0x4  }
0x5ac: {  	[tilespmem:v18+s14+$0x0] =	vst.idx.msk $0xffff, v17  }
0x5ad: {  	s19 =	sadd.s32 $0xFFFFFFFB, s0;
	v18 =	vadd.s32 v4, v19;
	v17 =	vld [tilespmem:s18+$0x8430]  }
0x5ae: {  	v19 =	vmov s19  }
0x5af: {  	v19 =	vshrl.u32 v19, $0x3  }
0x5b0: {  	v19 =	vshll.u32 v19, v1  }
0x5b1: {  	v19 =	vbroadcast v19, $0x0  }
0x5b2: {  	[tilespmem:v18+s14+$0x0] =	vst.idx.msk $0xffff, v17  }
0x5b3: {  	v18 =	vadd.s32 v5, v19;
	v17 =	vld [tilespmem:s18+$0x8440];
	_ =	sdelay $0x4  }
0x5b4: {  	[tilespmem:v18+s14+$0x0] =	vst.idx.msk $0xffff, v17  }
0x5b5: {  	s19 =	sadd.s32 $0xFFFFFFFC, s0;
	v18 =	vadd.s32 v6, v19;
	v17 =	vld [tilespmem:s18+$0x8450]  }
0x5b6: {  	v19 =	vmov s19  }
0x5b7: {  	v19 =	vshrl.u32 v19, $0x3  }
0x5b8: {  	v19 =	vshll.u32 v19, v1  }
0x5b9: {  	v19 =	vbroadcast v19, $0x0  }
0x5ba: {  	[tilespmem:v18+s14+$0x0] =	vst.idx.msk $0xffff, v17  }
0x5bb: {  	v18 =	vadd.s32 v7, v19;
	v17 =	vld [tilespmem:s18+$0x8460];
	_ =	sdelay $0x4  }
0x5bc: {  	[tilespmem:v18+s14+$0x0] =	vst.idx.msk $0xffff, v17  }
0x5bd: {  	s19 =	sadd.s32 $0xFFFFFFFD, s0;
	v18 =	vadd.s32 v8, v19;
	v17 =	vld [tilespmem:s18+$0x8470]  }
0x5be: {  	v19 =	vmov s19  }
0x5bf: {  	v19 =	vshrl.u32 v19, $0x3  }
0x5c0: {  	v19 =	vshll.u32 v19, v1  }
0x5c1: {  	v19 =	vbroadcast v19, $0x0  }
0x5c2: {  	[tilespmem:v18+s14+$0x0] =	vst.idx.msk $0xffff, v17  }
0x5c3: {  	v18 =	vadd.s32 v9, v19;
	v17 =	vld [tilespmem:s18+$0x8480];
	_ =	sdelay $0x4  }
0x5c4: {  	[tilespmem:v18+s14+$0x0] =	vst.idx.msk $0xffff, v17  }
0x5c5: {  	s19 =	sadd.s32 $0xFFFFFFFE, s0;
	v18 =	vadd.s32 v10, v19;
	v17 =	vld [tilespmem:s18+$0x8490]  }
0x5c6: {  	v19 =	vmov s19  }
0x5c7: {  	v19 =	vshrl.u32 v19, $0x3  }
0x5c8: {  	v19 =	vshll.u32 v19, v1  }
0x5c9: {  	v19 =	vbroadcast v19, $0x0  }
0x5ca: {  	[tilespmem:v18+s14+$0x0] =	vst.idx.msk $0xffff, v17  }
0x5cb: {  	v18 =	vadd.s32 v11, v19;
	v17 =	vld [tilespmem:s18+$0x84A0];
	_ =	sdelay $0x4  }
0x5cc: {  	[tilespmem:v18+s14+$0x0] =	vst.idx.msk $0xffff, v17  }
0x5cd: {  	s19 =	sadd.s32 $0xFFFFFFFF, s0;
	v18 =	vadd.s32 v12, v19;
	v17 =	vld [tilespmem:s18+$0x84B0]  }
0x5ce: {  	v19 =	vmov s19  }
0x5cf: {  	v19 =	vshrl.u32 v19, $0x3  }
0x5d0: {  	v19 =	vshll.u32 v19, v1  }
0x5d1: {  	v19 =	vbroadcast v19, $0x0  }
0x5d2: {  	[tilespmem:v18+s14+$0x0] =	vst.idx.msk $0xffff, v17  }
0x5d3: {  	v18 =	vadd.s32 v13, v19;
	v17 =	vld [tilespmem:s18+$0x84C0];
	_ =	sdelay $0x4  }
0x5d4: {  	[tilespmem:v18+s14+$0x0] =	vst.idx.msk $0xffff, v17  }
0x5d5: {  	v18 =	vadd.s32 v14, v19;
	v17 =	vld [tilespmem:s18+$0x84D0]  }
0x5d6: {  	v19 =	vmov s0  }
0x5d7: {  	v19 =	vshrl.u32 v19, $0x3  }
0x5d8: {  	v19 =	vshll.u32 v19, v1  }
0x5d9: {  	v19 =	vbroadcast v19, $0x0  }
0x5da: {  	[tilespmem:v18+s14+$0x0] =	vst.idx.msk $0xffff, v17  }
0x5db: {  	v18 =	vadd.s32 v15, v19;
	v17 =	vld [tilespmem:s18+$0x84E0];
	_ =	sdelay $0x1  }
.Ltmp6:
0x5dc: {  	(pc) =	sbr.rel @p0 .LBB2_14-.Ltmp6, $3  }
0x5dd: {  	_ =	sdelay $0x1  }
0x5de: {  	s0 =	sadd.s32 $0x8, s0;
	[tilespmem:v18+s14+$0x0] =	vst.idx.msk $0xffff, v17  }
0x5df: {  	s17 =	sadd.s32 $0x400, s17;
	s19 =	sadd.s32 $0xFFFFFFF9, s0;
	v18 =	vadd.s32 v16, v19;
	v17 =	vld [tilespmem:s18+$0x84F0]  }
0x5e0: {  	v19 =	vmov s19  }
0x5e1: {  	v19 =	vshrl.u32 v19, $0x3  }
0x5e2: {  	v19 =	vshll.u32 v19, v1  }
0x5e3: {  	v19 =	vbroadcast v19, $0x0  }
0x5e4: {  	s1 =	sshra.s32 s1, $0x2;
	[tilespmem:v18+s14+$0x0] =	vst.idx.msk $0xffff, v17  }
0x5e5: {  	v17 =	vld [tilespmem:s1+$0x8400];
	v18 =	vadd.s32 v0, v19;
	_ =	sdelay $0x4  }
0x5e6: {  	[tilespmem:v18+s14+$0x0] =	vst.idx.msk $0xffff, v17  }
0x5e7: {  	s17 =	sadd.s32 $0xFFFFFFFA, s0;
	v18 =	vadd.s32 v2, v19;
	v17 =	vld [tilespmem:s1+$0x8410]  }
0x5e8: {  	v19 =	vmov s17  }
0x5e9: {  	v19 =	vshrl.u32 v19, $0x3  }
0x5ea: {  	v19 =	vshll.u32 v19, v1  }
0x5eb: {  	v19 =	vbroadcast v19, $0x0  }
0x5ec: {  	[tilespmem:v18+s14+$0x0] =	vst.idx.msk $0xffff, v17  }
0x5ed: {  	v18 =	vadd.s32 v3, v19;
	v17 =	vld [tilespmem:s1+$0x8420];
	_ =	sdelay $0x4  }
0x5ee: {  	[tilespmem:v18+s14+$0x0] =	vst.idx.msk $0xffff, v17  }
0x5ef: {  	s19 =	sadd.s32 $0xFFFFFFFB, s0;
	v18 =	vadd.s32 v4, v19;
	v17 =	vld [tilespmem:s1+$0x8430]  }
0x5f0: {  	v19 =	vmov s19  }
0x5f1: {  	v19 =	vshrl.u32 v19, $0x3  }
0x5f2: {  	v19 =	vshll.u32 v19, v1  }
0x5f3: {  	v19 =	vbroadcast v19, $0x0  }
0x5f4: {  	[tilespmem:v18+s14+$0x0] =	vst.idx.msk $0xffff, v17  }
0x5f5: {  	v18 =	vadd.s32 v5, v19;
	v17 =	vld [tilespmem:s1+$0x8440];
	_ =	sdelay $0x4  }
0x5f6: {  	[tilespmem:v18+s14+$0x0] =	vst.idx.msk $0xffff, v17  }
0x5f7: {  	s18 =	sadd.s32 $0xFFFFFFFC, s0;
	v18 =	vadd.s32 v6, v19;
	v17 =	vld [tilespmem:s1+$0x8450]  }
0x5f8: {  	v19 =	vmov s18  }
0x5f9: {  	v19 =	vshrl.u32 v19, $0x3  }
0x5fa: {  	v19 =	vshll.u32 v19, v1  }
0x5fb: {  	v19 =	vbroadcast v19, $0x0  }
0x5fc: {  	[tilespmem:v18+s14+$0x0] =	vst.idx.msk $0xffff, v17  }
0x5fd: {  	v18 =	vadd.s32 v7, v19;
	v17 =	vld [tilespmem:s1+$0x8460];
	_ =	sdelay $0x4  }
0x5fe: {  	[tilespmem:v18+s14+$0x0] =	vst.idx.msk $0xffff, v17  }
0x5ff: {  	s19 =	sadd.s32 $0xFFFFFFFD, s0;
	v18 =	vadd.s32 v8, v19;
	v17 =	vld [tilespmem:s1+$0x8470]  }
0x600: {  	v19 =	vmov s19  }
0x601: {  	v19 =	vshrl.u32 v19, $0x3  }
0x602: {  	v19 =	vshll.u32 v19, v1  }
0x603: {  	v19 =	vbroadcast v19, $0x0  }
0x604: {  	[tilespmem:v18+s14+$0x0] =	vst.idx.msk $0xffff, v17  }
0x605: {  	v18 =	vadd.s32 v9, v19;
	v17 =	vld [tilespmem:s1+$0x8480];
	_ =	sdelay $0x4  }
0x606: {  	[tilespmem:v18+s14+$0x0] =	vst.idx.msk $0xffff, v17  }
0x607: {  	s18 =	sadd.s32 $0xFFFFFFFE, s0;
	v18 =	vadd.s32 v10, v19;
	v17 =	vld [tilespmem:s1+$0x8490]  }
0x608: {  	v19 =	vmov s18  }
0x609: {  	v19 =	vshrl.u32 v19, $0x3  }
0x60a: {  	v19 =	vshll.u32 v19, v1  }
0x60b: {  	v19 =	vbroadcast v19, $0x0  }
0x60c: {  	[tilespmem:v18+s14+$0x0] =	vst.idx.msk $0xffff, v17  }
0x60d: {  	v18 =	vadd.s32 v11, v19;
	v17 =	vld [tilespmem:s1+$0x84A0];
	_ =	sdelay $0x4  }
0x60e: {  	[tilespmem:v18+s14+$0x0] =	vst.idx.msk $0xffff, v17  }
0x60f: {  	s19 =	sadd.s32 $0xFFFFFFFF, s0;
	v18 =	vadd.s32 v12, v19;
	v17 =	vld [tilespmem:s1+$0x84B0]  }
0x610: {  	v19 =	vmov s19  }
0x611: {  	v19 =	vshrl.u32 v19, $0x3  }
0x612: {  	v19 =	vshll.u32 v19, v1  }
0x613: {  	v19 =	vbroadcast v19, $0x0  }
0x614: {  	[tilespmem:v18+s14+$0x0] =	vst.idx.msk $0xffff, v17  }
0x615: {  	v18 =	vadd.s32 v13, v19;
	v17 =	vld [tilespmem:s1+$0x84C0];
	_ =	sdelay $0x4  }
0x616: {  	[tilespmem:v18+s14+$0x0] =	vst.idx.msk $0xffff, v17  }
0x617: {  	v18 =	vadd.s32 v14, v19;
	v17 =	vld [tilespmem:s1+$0x84D0]  }
0x618: {  	v19 =	vmov s0  }
0x619: {  	v19 =	vshrl.u32 v19, $0x3  }
0x61a: {  	v19 =	vshll.u32 v19, v1  }
0x61b: {  	v19 =	vbroadcast v19, $0x0  }
0x61c: {  	[tilespmem:v18+s14+$0x0] =	vst.idx.msk $0xffff, v17  }
0x61d: {  	v18 =	vadd.s32 v15, v19;
	v17 =	vld [tilespmem:s1+$0x84E0];
	_ =	sdelay $0x4  }
0x61e: {  	[tilespmem:v18+s14+$0x0] =	vst.idx.msk $0xffff, v17  }
0x61f: {  	v18 =	vadd.s32 v16, v19;
	v17 =	vld [tilespmem:s1+$0x84F0];
	_ =	sdelay $0x4  }
0x620: {  	[tilespmem:v18+s14+$0x0] =	vst.idx.msk $0xffff, v17  }
0x621: {  	[hbm4b:s11+s3] =	stream.linear.scatter [tilespmem:s14], [sflag:$0x2], $0x80, $0x38;
	[tilespmem:$0xB600] =	vst v63  }
0x622: {  	s17 =	simm.s32 $0xA588;
	s1 =	sadd.s32 $0x10, s11  }
0x623: {  	[hbm4b:s1+s3] =	stream.linear.scatter [tilespmem:s17], [sflag:$0x2], $0x80, $0x38;
	[tilespmem:$0xB600] =	vst v63  }
0x624: {  	s18 =	sadd.s32 $0x20, s11;
	s19 =	simm.s32 $0xA610  }
0x625: {  	[hbm4b:s18+s3] =	stream.linear.scatter [tilespmem:s19], [sflag:$0x2], $0x80, $0x38;
	[tilespmem:$0xB600] =	vst v63  }
0x626: {  	s1 =	sadd.s32 $0x30, s11;
	s17 =	simm.s32 $0xA698  }
0x627: {  	[hbm4b:s1+s3] =	stream.linear.scatter [tilespmem:s17], [sflag:$0x2], $0x80, $0x38;
	[tilespmem:$0xB600] =	vst v63  }
0x628: {  	s18 =	sadd.s32 $0x40, s11;
	s19 =	simm.s32 $0xA720  }
0x629: {  	[hbm4b:s18+s3] =	stream.linear.scatter [tilespmem:s19], [sflag:$0x2], $0x80, $0x38;
	[tilespmem:$0xB600] =	vst v63  }
0x62a: {  	s1 =	sadd.s32 $0x50, s11;
	s17 =	simm.s32 $0xA7A8  }
0x62b: {  	[hbm4b:s1+s3] =	stream.linear.scatter [tilespmem:s17], [sflag:$0x2], $0x80, $0x38;
	[tilespmem:$0xB600] =	vst v63  }
0x62c: {  	s18 =	sadd.s32 $0x60, s11;
	s19 =	simm.s32 $0xA830  }
0x62d: {  	[hbm4b:s18+s3] =	stream.linear.scatter [tilespmem:s19], [sflag:$0x2], $0x80, $0x38;
	[tilespmem:$0xB600] =	vst v63  }
0x62e: {  	s1 =	sadd.s32 $0x70, s11;
	s17 =	simm.s32 $0xA8B8  }
0x62f: {  	[hbm4b:s1+s3] =	stream.linear.scatter [tilespmem:s17], [sflag:$0x2], $0x80, $0x38;
	[tilespmem:$0xB600] =	vst v63  }
0x630: {  	s18 =	sadd.s32 $0x4000, s11;
	s19 =	simm.s32 $0xA940  }
0x631: {  	[hbm4b:s18+s3] =	stream.linear.scatter [tilespmem:s19], [sflag:$0x2], $0x80, $0x38;
	[tilespmem:$0xB600] =	vst v63  }
0x632: {  	s1 =	sadd.s32 $0x4010, s11;
	s17 =	simm.s32 $0xA9C8  }
0x633: {  	[hbm4b:s1+s3] =	stream.linear.scatter [tilespmem:s17], [sflag:$0x2], $0x80, $0x38;
	[tilespmem:$0xB600] =	vst v63  }
0x634: {  	s18 =	sadd.s32 $0x4020, s11;
	s19 =	simm.s32 $0xAA50  }
0x635: {  	[hbm4b:s18+s3] =	stream.linear.scatter [tilespmem:s19], [sflag:$0x2], $0x80, $0x38;
	[tilespmem:$0xB600] =	vst v63  }
0x636: {  	s1 =	sadd.s32 $0x4030, s11;
	s17 =	simm.s32 $0xAAD8  }
0x637: {  	[hbm4b:s1+s3] =	stream.linear.scatter [tilespmem:s17], [sflag:$0x2], $0x80, $0x38;
	[tilespmem:$0xB600] =	vst v63  }
0x638: {  	s18 =	sadd.s32 $0x4040, s11;
	s19 =	simm.s32 $0xAB60  }
0x639: {  	[hbm4b:s18+s3] =	stream.linear.scatter [tilespmem:s19], [sflag:$0x2], $0x80, $0x38;
	[tilespmem:$0xB600] =	vst v63  }
0x63a: {  	s1 =	sadd.s32 $0x4050, s11;
	s17 =	simm.s32 $0xABE8  }
0x63b: {  	[hbm4b:s1+s3] =	stream.linear.scatter [tilespmem:s17], [sflag:$0x2], $0x80, $0x38;
	[tilespmem:$0xB600] =	vst v63  }
0x63c: {  	s18 =	sadd.s32 $0x4060, s11;
	s19 =	simm.s32 $0xAC70  }
0x63d: {  	[hbm4b:s18+s3] =	stream.linear.scatter [tilespmem:s19], [sflag:$0x2], $0x80, $0x38;
	[tilespmem:$0xB600] =	vst v63  }
0x63e: {  	s1 =	sadd.s32 $0x4070, s11;
	s17 =	simm.s32 $0xACF8  }
0x63f: {  	[hbm4b:s1+s3] =	stream.linear.scatter [tilespmem:s17], [sflag:$0x2], $0x80, $0x38;
	[tilespmem:$0xB600] =	vst v63  }
0x640: {  	s18 =	sadd.s32 $0x8000, s11;
	s19 =	simm.s32 $0xAD80  }
0x641: {  	[hbm4b:s18+s3] =	stream.linear.scatter [tilespmem:s19], [sflag:$0x2], $0x80, $0x38;
	[tilespmem:$0xB600] =	vst v63  }
0x642: {  	s1 =	sadd.s32 $0x8010, s11;
	s17 =	simm.s32 $0xAE08  }
0x643: {  	[hbm4b:s1+s3] =	stream.linear.scatter [tilespmem:s17], [sflag:$0x2], $0x80, $0x38;
	[tilespmem:$0xB600] =	vst v63  }
0x644: {  	s18 =	sadd.s32 $0x8020, s11;
	s19 =	simm.s32 $0xAE90  }
0x645: {  	[hbm4b:s18+s3] =	stream.linear.scatter [tilespmem:s19], [sflag:$0x2], $0x80, $0x38;
	[tilespmem:$0xB600] =	vst v63  }
0x646: {  	s1 =	sadd.s32 $0x8030, s11;
	s17 =	simm.s32 $0xAF18  }
0x647: {  	[hbm4b:s1+s3] =	stream.linear.scatter [tilespmem:s17], [sflag:$0x2], $0x80, $0x38;
	[tilespmem:$0xB600] =	vst v63  }
0x648: {  	s18 =	sadd.s32 $0x8040, s11;
	s19 =	simm.s32 $0xAFA0  }
0x649: {  	[hbm4b:s18+s3] =	stream.linear.scatter [tilespmem:s19], [sflag:$0x2], $0x80, $0x38;
	[tilespmem:$0xB600] =	vst v63  }
0x64a: {  	s1 =	sadd.s32 $0x8050, s11;
	s17 =	simm.s32 $0xB028  }
0x64b: {  	[hbm4b:s1+s3] =	stream.linear.scatter [tilespmem:s17], [sflag:$0x2], $0x80, $0x38;
	[tilespmem:$0xB600] =	vst v63  }
0x64c: {  	s18 =	sadd.s32 $0x8060, s11;
	s19 =	simm.s32 $0xB0B0  }
0x64d: {  	[hbm4b:s18+s3] =	stream.linear.scatter [tilespmem:s19], [sflag:$0x2], $0x80, $0x38;
	[tilespmem:$0xB600] =	vst v63  }
0x64e: {  	s1 =	sadd.s32 $0x8070, s11;
	s17 =	simm.s32 $0xB138  }
0x64f: {  	[hbm4b:s1+s3] =	stream.linear.scatter [tilespmem:s17], [sflag:$0x2], $0x80, $0x38;
	[tilespmem:$0xB600] =	vst v63  }
0x650: {  	s18 =	sadd.s32 $0xC000, s11;
	s19 =	simm.s32 $0xB1C0  }
0x651: {  	[hbm4b:s18+s3] =	stream.linear.scatter [tilespmem:s19], [sflag:$0x2], $0x80, $0x38;
	[tilespmem:$0xB600] =	vst v63  }
0x652: {  	s1 =	sadd.s32 $0xC010, s11;
	s17 =	simm.s32 $0xB248  }
0x653: {  	[hbm4b:s1+s3] =	stream.linear.scatter [tilespmem:s17], [sflag:$0x2], $0x80, $0x38;
	[tilespmem:$0xB600] =	vst v63  }
0x654: {  	s18 =	sadd.s32 $0xC020, s11;
	s19 =	simm.s32 $0xB2D0  }
0x655: {  	[hbm4b:s18+s3] =	stream.linear.scatter [tilespmem:s19], [sflag:$0x2], $0x80, $0x38;
	[tilespmem:$0xB600] =	vst v63  }
0x656: {  	s1 =	sadd.s32 $0xC030, s11;
	s17 =	simm.s32 $0xB358  }
0x657: {  	[hbm4b:s1+s3] =	stream.linear.scatter [tilespmem:s17], [sflag:$0x2], $0x80, $0x38;
	[tilespmem:$0xB600] =	vst v63  }
0x658: {  	s18 =	sadd.s32 $0xC040, s11;
	s19 =	simm.s32 $0xB3E0  }
0x659: {  	[hbm4b:s18+s3] =	stream.linear.scatter [tilespmem:s19], [sflag:$0x2], $0x80, $0x38;
	[tilespmem:$0xB600] =	vst v63  }
0x65a: {  	s1 =	sadd.s32 $0xC050, s11;
	s17 =	simm.s32 $0xB468  }
0x65b: {  	[hbm4b:s1+s3] =	stream.linear.scatter [tilespmem:s17], [sflag:$0x2], $0x80, $0x38;
	[tilespmem:$0xB600] =	vst v63  }
0x65c: {  	s18 =	sadd.s32 $0xC060, s11;
	s19 =	simm.s32 $0xB4F0  }
0x65d: {  	[hbm4b:s18+s3] =	stream.linear.scatter [tilespmem:s19], [sflag:$0x2], $0x80, $0x38;
	[tilespmem:$0xB600] =	vst v63  }
0x65e: {  	s1 =	sadd.s32 $0xC070, s11;
	s17 =	simm.s32 $0xB578  }
0x65f: {  	[hbm4b:s1+s3] =	stream.linear.scatter [tilespmem:s17], [sflag:$0x2], $0x80, $0x38;
	[tilespmem:$0xB600] =	vst v63  }
0x660: {  	s18 =	simm.s32 $0x0;
	_ =	swait.ge [sflag:s6], $0x1000  }
0x661: {  	v17 =	vmov s18;
	[sflag:s6] =	ssyncset.done $0x0  }
0x662: {  	v17 =	vshrl.u32 v17, $0x3;
	[sflag:s6] =	ssyncadd.s32 $0xFFFFF000  }
0x663: {  	v17 =	vshll.u32 v17, v1;
	_ =	swait.ge [sflag:s28], $0x1000  }
0x664: {  	v17 =	vbroadcast v17, $0x0;
	[sflag:s28] =	ssyncset.done $0x0  }
0x665: {  	s0 =	simm.s32 $0x3480;
	[sflag:s28] =	ssyncadd.s32 $0xFFFFF000  }
0x666: {  	v19 =	vadd.s32 v0, v17;
	v18 =	vld [tilespmem:s0+$0xFFFFFF80];
	_ =	sdelay $0x4  }
0x667: {  	[tilespmem:v19+s29+$0x0] =	vst.idx.msk $0xffff, v18  }
0x668: {  	s19 =	simm.s32 $0x1;
	v17 =	vadd.s32 v2, v17;
	v18 =	vld [tilespmem:s0+$0xFFFFFF90]  }
0x669: {  	v19 =	vmov s19  }
0x66a: {  	v19 =	vshrl.u32 v19, $0x3  }
0x66b: {  	v19 =	vshll.u32 v19, v1  }
0x66c: {  	v19 =	vbroadcast v19, $0x0  }
0x66d: {  	[tilespmem:v17+s29+$0x0] =	vst.idx.msk $0xffff, v18  }
0x66e: {  	v18 =	vadd.s32 v3, v19;
	v17 =	vld [tilespmem:s0+$0xFFFFFFA0];
	_ =	sdelay $0x4  }
0x66f: {  	[tilespmem:v18+s29+$0x0] =	vst.idx.msk $0xffff, v17  }
0x670: {  	s17 =	simm.s32 $0x2;
	v18 =	vadd.s32 v4, v19;
	v17 =	vld [tilespmem:s0+$0xFFFFFFB0]  }
0x671: {  	v19 =	vmov s17  }
0x672: {  	v19 =	vshrl.u32 v19, $0x3  }
0x673: {  	v19 =	vshll.u32 v19, v1  }
0x674: {  	v19 =	vbroadcast v19, $0x0  }
0x675: {  	[tilespmem:v18+s29+$0x0] =	vst.idx.msk $0xffff, v17  }
0x676: {  	v18 =	vadd.s32 v5, v19;
	v17 =	vld [tilespmem:s0+$0xFFFFFFC0];
	_ =	sdelay $0x4  }
0x677: {  	[tilespmem:v18+s29+$0x0] =	vst.idx.msk $0xffff, v17  }
0x678: {  	s18 =	simm.s32 $0x3;
	v18 =	vadd.s32 v6, v19;
	v17 =	vld [tilespmem:s0+$0xFFFFFFD0]  }
0x679: {  	v19 =	vmov s18  }
0x67a: {  	v19 =	vshrl.u32 v19, $0x3  }
0x67b: {  	v19 =	vshll.u32 v19, v1  }
0x67c: {  	v19 =	vbroadcast v19, $0x0  }
0x67d: {  	[tilespmem:v18+s29+$0x0] =	vst.idx.msk $0xffff, v17  }
0x67e: {  	v18 =	vadd.s32 v7, v19;
	v17 =	vld [tilespmem:s0+$0xFFFFFFE0];
	_ =	sdelay $0x4  }
0x67f: {  	[tilespmem:v18+s29+$0x0] =	vst.idx.msk $0xffff, v17  }
0x680: {  	s19 =	simm.s32 $0x4;
	v18 =	vadd.s32 v8, v19;
	v17 =	vld [tilespmem:s0+$0xFFFFFFF0]  }
0x681: {  	v19 =	vmov s19  }
0x682: {  	v19 =	vshrl.u32 v19, $0x3  }
0x683: {  	v19 =	vshll.u32 v19, v1  }
0x684: {  	v19 =	vbroadcast v19, $0x0  }
0x685: {  	[tilespmem:v18+s29+$0x0] =	vst.idx.msk $0xffff, v17  }
0x686: {  	v18 =	vadd.s32 v9, v19;
	v17 =	vld [tilespmem:s0+$0x0];
	_ =	sdelay $0x4  }
0x687: {  	[tilespmem:v18+s29+$0x0] =	vst.idx.msk $0xffff, v17  }
0x688: {  	s17 =	simm.s32 $0x5;
	v18 =	vadd.s32 v10, v19;
	v17 =	vld [tilespmem:s0+$0x10]  }
0x689: {  	v19 =	vmov s17  }
0x68a: {  	v19 =	vshrl.u32 v19, $0x3  }
0x68b: {  	v19 =	vshll.u32 v19, v1  }
0x68c: {  	v19 =	vbroadcast v19, $0x0  }
0x68d: {  	[tilespmem:v18+s29+$0x0] =	vst.idx.msk $0xffff, v17  }
0x68e: {  	v18 =	vadd.s32 v11, v19;
	v17 =	vld [tilespmem:s0+$0x20];
	_ =	sdelay $0x4  }
0x68f: {  	[tilespmem:v18+s29+$0x0] =	vst.idx.msk $0xffff, v17  }
0x690: {  	s18 =	simm.s32 $0x6;
	v18 =	vadd.s32 v12, v19;
	v17 =	vld [tilespmem:s0+$0x30]  }
0x691: {  	v19 =	vmov s18  }
0x692: {  	v19 =	vshrl.u32 v19, $0x3  }
0x693: {  	v19 =	vshll.u32 v19, v1  }
0x694: {  	v19 =	vbroadcast v19, $0x0  }
0x695: {  	[tilespmem:v18+s29+$0x0] =	vst.idx.msk $0xffff, v17  }
0x696: {  	v18 =	vadd.s32 v13, v19;
	v17 =	vld [tilespmem:s0+$0x40];
	_ =	sdelay $0x4  }
0x697: {  	[tilespmem:v18+s29+$0x0] =	vst.idx.msk $0xffff, v17  }
0x698: {  	s19 =	simm.s32 $0x7;
	v18 =	vadd.s32 v14, v19;
	v17 =	vld [tilespmem:s0+$0x50]  }
0x699: {  	v19 =	vmov s19  }
0x69a: {  	v19 =	vshrl.u32 v19, $0x3  }
0x69b: {  	v19 =	vshll.u32 v19, v1  }
0x69c: {  	v19 =	vbroadcast v19, $0x0  }
0x69d: {  	[tilespmem:v18+s29+$0x0] =	vst.idx.msk $0xffff, v17  }
0x69e: {  	v18 =	vadd.s32 v15, v19;
	v17 =	vld [tilespmem:s0+$0x60];
	_ =	sdelay $0x4  }
0x69f: {  	[tilespmem:v18+s29+$0x0] =	vst.idx.msk $0xffff, v17  }
0x6a0: {  	s1 =	simm.s32 $0xF;
	s17 =	simm.s32 $0x17;
	s18 =	simm.s32 $0x8;
	v18 =	vadd.s32 v16, v19;
	v17 =	vld [tilespmem:s0+$0x70]  }
.LBB2_16:
0x6a1: {  	p0 =	sne.s32 s17, $0x7F;
	v19 =	vmov s18  }
0x6a2: {  	v19 =	vshrl.u32 v19, $0x3  }
0x6a3: {  	v19 =	vshll.u32 v19, v1  }
0x6a4: {  	v19 =	vbroadcast v19, $0x0  }
0x6a5: {  	s0 =	sadd.s32 $0x100, s0;
	[tilespmem:v18+s29+$0x0] =	vst.idx.msk $0xffff, v17  }
0x6a6: {  	v17 =	vld [tilespmem:s0+$0xFFFFFF80];
	v18 =	vadd.s32 v0, v19;
	_ =	sdelay $0x4  }
0x6a7: {  	[tilespmem:v18+s29+$0x0] =	vst.idx.msk $0xffff, v17  }
0x6a8: {  	s18 =	sadd.s32 $0xFFFFFFFA, s1;
	v18 =	vadd.s32 v2, v19;
	v17 =	vld [tilespmem:s0+$0xFFFFFF90]  }
0x6a9: {  	v19 =	vmov s18  }
0x6aa: {  	v19 =	vshrl.u32 v19, $0x3  }
0x6ab: {  	v19 =	vshll.u32 v19, v1  }
0x6ac: {  	v19 =	vbroadcast v19, $0x0  }
0x6ad: {  	[tilespmem:v18+s29+$0x0] =	vst.idx.msk $0xffff, v17  }
0x6ae: {  	v18 =	vadd.s32 v3, v19;
	v17 =	vld [tilespmem:s0+$0xFFFFFFA0];
	_ =	sdelay $0x4  }
0x6af: {  	[tilespmem:v18+s29+$0x0] =	vst.idx.msk $0xffff, v17  }
0x6b0: {  	s18 =	sadd.s32 $0xFFFFFFFB, s1;
	v18 =	vadd.s32 v4, v19;
	v17 =	vld [tilespmem:s0+$0xFFFFFFB0]  }
0x6b1: {  	v19 =	vmov s18  }
0x6b2: {  	v19 =	vshrl.u32 v19, $0x3  }
0x6b3: {  	v19 =	vshll.u32 v19, v1  }
0x6b4: {  	v19 =	vbroadcast v19, $0x0  }
0x6b5: {  	[tilespmem:v18+s29+$0x0] =	vst.idx.msk $0xffff, v17  }
0x6b6: {  	v18 =	vadd.s32 v5, v19;
	v17 =	vld [tilespmem:s0+$0xFFFFFFC0];
	_ =	sdelay $0x4  }
0x6b7: {  	[tilespmem:v18+s29+$0x0] =	vst.idx.msk $0xffff, v17  }
0x6b8: {  	s18 =	sadd.s32 $0xFFFFFFFC, s1;
	v18 =	vadd.s32 v6, v19;
	v17 =	vld [tilespmem:s0+$0xFFFFFFD0]  }
0x6b9: {  	v19 =	vmov s18  }
0x6ba: {  	v19 =	vshrl.u32 v19, $0x3  }
0x6bb: {  	v19 =	vshll.u32 v19, v1  }
0x6bc: {  	v19 =	vbroadcast v19, $0x0  }
0x6bd: {  	[tilespmem:v18+s29+$0x0] =	vst.idx.msk $0xffff, v17  }
0x6be: {  	v18 =	vadd.s32 v7, v19;
	v17 =	vld [tilespmem:s0+$0xFFFFFFE0];
	_ =	sdelay $0x4  }
0x6bf: {  	[tilespmem:v18+s29+$0x0] =	vst.idx.msk $0xffff, v17  }
0x6c0: {  	s18 =	sadd.s32 $0xFFFFFFFD, s1;
	v18 =	vadd.s32 v8, v19;
	v17 =	vld [tilespmem:s0+$0xFFFFFFF0]  }
0x6c1: {  	v19 =	vmov s18  }
0x6c2: {  	v19 =	vshrl.u32 v19, $0x3  }
0x6c3: {  	v19 =	vshll.u32 v19, v1  }
0x6c4: {  	v19 =	vbroadcast v19, $0x0  }
0x6c5: {  	[tilespmem:v18+s29+$0x0] =	vst.idx.msk $0xffff, v17  }
0x6c6: {  	v18 =	vadd.s32 v9, v19;
	v17 =	vld [tilespmem:s0+$0x0];
	_ =	sdelay $0x4  }
0x6c7: {  	[tilespmem:v18+s29+$0x0] =	vst.idx.msk $0xffff, v17  }
0x6c8: {  	s18 =	sadd.s32 $0xFFFFFFFE, s1;
	v18 =	vadd.s32 v10, v19;
	v17 =	vld [tilespmem:s0+$0x10]  }
0x6c9: {  	v19 =	vmov s18  }
0x6ca: {  	v19 =	vshrl.u32 v19, $0x3  }
0x6cb: {  	v19 =	vshll.u32 v19, v1  }
0x6cc: {  	v19 =	vbroadcast v19, $0x0  }
0x6cd: {  	[tilespmem:v18+s29+$0x0] =	vst.idx.msk $0xffff, v17  }
0x6ce: {  	v18 =	vadd.s32 v11, v19;
	v17 =	vld [tilespmem:s0+$0x20];
	_ =	sdelay $0x4  }
0x6cf: {  	[tilespmem:v18+s29+$0x0] =	vst.idx.msk $0xffff, v17  }
0x6d0: {  	s18 =	sadd.s32 $0xFFFFFFFF, s1;
	v18 =	vadd.s32 v12, v19;
	v17 =	vld [tilespmem:s0+$0x30]  }
0x6d1: {  	v19 =	vmov s18  }
0x6d2: {  	v19 =	vshrl.u32 v19, $0x3  }
0x6d3: {  	v19 =	vshll.u32 v19, v1  }
0x6d4: {  	v19 =	vbroadcast v19, $0x0  }
0x6d5: {  	[tilespmem:v18+s29+$0x0] =	vst.idx.msk $0xffff, v17  }
0x6d6: {  	v18 =	vadd.s32 v13, v19;
	v17 =	vld [tilespmem:s0+$0x40];
	_ =	sdelay $0x4  }
0x6d7: {  	[tilespmem:v18+s29+$0x0] =	vst.idx.msk $0xffff, v17  }
0x6d8: {  	v18 =	vadd.s32 v14, v19;
	v17 =	vld [tilespmem:s0+$0x50]  }
0x6d9: {  	v19 =	vmov s1;
	s1 =	smov.u32 s17  }
0x6da: {  	v19 =	vshrl.u32 v19, $0x3  }
0x6db: {  	v19 =	vshll.u32 v19, v1  }
0x6dc: {  	v19 =	vbroadcast v19, $0x0  }
0x6dd: {  	[tilespmem:v18+s29+$0x0] =	vst.idx.msk $0xffff, v17  }
0x6de: {  	v18 =	vadd.s32 v15, v19;
	v17 =	vld [tilespmem:s0+$0x60];
	_ =	sdelay $0x1  }
.Ltmp7:
0x6df: {  	(pc) =	sbr.rel @p0 .LBB2_16-.Ltmp7, $3  }
0x6e0: {  	_ =	sdelay $0x1  }
0x6e1: {  	[tilespmem:v18+s29+$0x0] =	vst.idx.msk $0xffff, v17  }
0x6e2: {  	s17 =	sadd.s32 $0x8, s17;
	s18 =	sadd.s32 $0xFFFFFFF9, s1;
	v18 =	vadd.s32 v16, v19;
	v17 =	vld [tilespmem:s0+$0x70]  }
0x6e3: {  	v19 =	vmov s18  }
0x6e4: {  	v19 =	vshrl.u32 v19, $0x3  }
0x6e5: {  	v19 =	vshll.u32 v19, v1  }
0x6e6: {  	v19 =	vbroadcast v19, $0x0  }
0x6e7: {  	s0 =	sadd.s32 $0x100, s0;
	[tilespmem:v18+s29+$0x0] =	vst.idx.msk $0xffff, v17  }
0x6e8: {  	v17 =	vld [tilespmem:s0+$0xFFFFFF80];
	v18 =	vadd.s32 v0, v19;
	_ =	sdelay $0x4  }
0x6e9: {  	[tilespmem:v18+s29+$0x0] =	vst.idx.msk $0xffff, v17  }
0x6ea: {  	s17 =	sadd.s32 $0xFFFFFFFA, s1;
	v18 =	vadd.s32 v2, v19;
	v17 =	vld [tilespmem:s0+$0xFFFFFF90]  }
0x6eb: {  	v19 =	vmov s17  }
0x6ec: {  	v19 =	vshrl.u32 v19, $0x3  }
0x6ed: {  	v19 =	vshll.u32 v19, v1  }
0x6ee: {  	v19 =	vbroadcast v19, $0x0  }
0x6ef: {  	[tilespmem:v18+s29+$0x0] =	vst.idx.msk $0xffff, v17  }
0x6f0: {  	v18 =	vadd.s32 v3, v19;
	v17 =	vld [tilespmem:s0+$0xFFFFFFA0];
	_ =	sdelay $0x4  }
0x6f1: {  	[tilespmem:v18+s29+$0x0] =	vst.idx.msk $0xffff, v17  }
0x6f2: {  	s19 =	sadd.s32 $0xFFFFFFFB, s1;
	v18 =	vadd.s32 v4, v19;
	v17 =	vld [tilespmem:s0+$0xFFFFFFB0]  }
0x6f3: {  	v19 =	vmov s19  }
0x6f4: {  	v19 =	vshrl.u32 v19, $0x3  }
0x6f5: {  	v19 =	vshll.u32 v19, v1  }
0x6f6: {  	v19 =	vbroadcast v19, $0x0  }
0x6f7: {  	[tilespmem:v18+s29+$0x0] =	vst.idx.msk $0xffff, v17  }
0x6f8: {  	v18 =	vadd.s32 v5, v19;
	v17 =	vld [tilespmem:s0+$0xFFFFFFC0];
	_ =	sdelay $0x4  }
0x6f9: {  	[tilespmem:v18+s29+$0x0] =	vst.idx.msk $0xffff, v17  }
0x6fa: {  	s18 =	sadd.s32 $0xFFFFFFFC, s1;
	v18 =	vadd.s32 v6, v19;
	v17 =	vld [tilespmem:s0+$0xFFFFFFD0]  }
0x6fb: {  	v19 =	vmov s18  }
0x6fc: {  	v19 =	vshrl.u32 v19, $0x3  }
0x6fd: {  	v19 =	vshll.u32 v19, v1  }
0x6fe: {  	v19 =	vbroadcast v19, $0x0  }
0x6ff: {  	[tilespmem:v18+s29+$0x0] =	vst.idx.msk $0xffff, v17  }
0x700: {  	v18 =	vadd.s32 v7, v19;
	v17 =	vld [tilespmem:s0+$0xFFFFFFE0];
	_ =	sdelay $0x4  }
0x701: {  	[tilespmem:v18+s29+$0x0] =	vst.idx.msk $0xffff, v17  }
0x702: {  	s19 =	sadd.s32 $0xFFFFFFFD, s1;
	v18 =	vadd.s32 v8, v19;
	v17 =	vld [tilespmem:s0+$0xFFFFFFF0]  }
0x703: {  	v19 =	vmov s19  }
0x704: {  	v19 =	vshrl.u32 v19, $0x3  }
0x705: {  	v19 =	vshll.u32 v19, v1  }
0x706: {  	v19 =	vbroadcast v19, $0x0  }
0x707: {  	[tilespmem:v18+s29+$0x0] =	vst.idx.msk $0xffff, v17  }
0x708: {  	v18 =	vadd.s32 v9, v19;
	v17 =	vld [tilespmem:s0+$0x0];
	_ =	sdelay $0x4  }
0x709: {  	[tilespmem:v18+s29+$0x0] =	vst.idx.msk $0xffff, v17  }
0x70a: {  	s18 =	sadd.s32 $0xFFFFFFFE, s1;
	v18 =	vadd.s32 v10, v19;
	v17 =	vld [tilespmem:s0+$0x10]  }
0x70b: {  	v19 =	vmov s18  }
0x70c: {  	v19 =	vshrl.u32 v19, $0x3  }
0x70d: {  	v19 =	vshll.u32 v19, v1  }
0x70e: {  	v19 =	vbroadcast v19, $0x0  }
0x70f: {  	[tilespmem:v18+s29+$0x0] =	vst.idx.msk $0xffff, v17  }
0x710: {  	v18 =	vadd.s32 v11, v19;
	v17 =	vld [tilespmem:s0+$0x20];
	_ =	sdelay $0x4  }
0x711: {  	[tilespmem:v18+s29+$0x0] =	vst.idx.msk $0xffff, v17  }
0x712: {  	s19 =	sadd.s32 $0xFFFFFFFF, s1;
	v18 =	vadd.s32 v12, v19;
	v17 =	vld [tilespmem:s0+$0x30]  }
0x713: {  	v19 =	vmov s19  }
0x714: {  	v19 =	vshrl.u32 v19, $0x3  }
0x715: {  	v19 =	vshll.u32 v19, v1  }
0x716: {  	v19 =	vbroadcast v19, $0x0  }
0x717: {  	[tilespmem:v18+s29+$0x0] =	vst.idx.msk $0xffff, v17  }
0x718: {  	v18 =	vadd.s32 v13, v19;
	v17 =	vld [tilespmem:s0+$0x40];
	_ =	sdelay $0x4  }
0x719: {  	[tilespmem:v18+s29+$0x0] =	vst.idx.msk $0xffff, v17  }
0x71a: {  	v18 =	vadd.s32 v14, v19;
	v17 =	vld [tilespmem:s0+$0x50]  }
0x71b: {  	v19 =	vmov s1  }
0x71c: {  	v19 =	vshrl.u32 v19, $0x3  }
0x71d: {  	v19 =	vshll.u32 v19, v1  }
0x71e: {  	v19 =	vbroadcast v19, $0x0  }
0x71f: {  	[tilespmem:v18+s29+$0x0] =	vst.idx.msk $0xffff, v17  }
0x720: {  	v18 =	vadd.s32 v15, v19;
	v17 =	vld [tilespmem:s0+$0x60];
	_ =	sdelay $0x4  }
0x721: {  	[tilespmem:v18+s29+$0x0] =	vst.idx.msk $0xffff, v17  }
0x722: {  	v18 =	vadd.s32 v16, v19;
	v17 =	vld [tilespmem:s0+$0x70];
	_ =	sdelay $0x4  }
0x723: {  	[tilespmem:v18+s29+$0x0] =	vst.idx.msk $0xffff, v17  }
0x724: {  	[hbm4b:s12+s3] =	stream.linear.scatter [tilespmem:s29], [sflag:$0x2], $0x80, $0x38;
	[tilespmem:$0xB600] =	vst v63  }
0x725: {  	s1 =	sadd.s32 $0x10, s12  }
0x726: {  	[hbm4b:s1+s3] =	stream.linear.scatter [tilespmem:s20], [sflag:$0x2], $0x80, $0x38;
	[tilespmem:$0xB600] =	vst v63  }
0x727: {  	s17 =	sadd.s32 $0x20, s12  }
0x728: {  	[hbm4b:s17+s3] =	stream.linear.scatter [tilespmem:s21], [sflag:$0x2], $0x80, $0x38;
	[tilespmem:$0xB600] =	vst v63  }
0x729: {  	s18 =	sadd.s32 $0x30, s12  }
0x72a: {  	[hbm4b:s18+s3] =	stream.linear.scatter [tilespmem:s30], [sflag:$0x2], $0x80, $0x38;
	[tilespmem:$0xB600] =	vst v63  }
0x72b: {  	s19 =	sadd.s32 $0x40, s12  }
0x72c: {  	[hbm4b:s19+s3] =	stream.linear.scatter [tilespmem:s31], [sflag:$0x2], $0x80, $0x38;
	[tilespmem:$0xB600] =	vst v63  }
0x72d: {  	s1 =	sadd.s32 $0x50, s12;
	s17 =	simm.s32 $0x96A8  }
0x72e: {  	[hbm4b:s1+s3] =	stream.linear.scatter [tilespmem:s17], [sflag:$0x2], $0x80, $0x38;
	[tilespmem:$0xB600] =	vst v63  }
0x72f: {  	s18 =	sadd.s32 $0x60, s12;
	s19 =	simm.s32 $0x9730  }
0x730: {  	[hbm4b:s18+s3] =	stream.linear.scatter [tilespmem:s19], [sflag:$0x2], $0x80, $0x38;
	[tilespmem:$0xB600] =	vst v63  }
0x731: {  	s1 =	sadd.s32 $0x70, s12;
	s17 =	simm.s32 $0x97B8  }
0x732: {  	[hbm4b:s1+s3] =	stream.linear.scatter [tilespmem:s17], [sflag:$0x2], $0x80, $0x38;
	[tilespmem:$0xB600] =	vst v63  }
0x733: {  	s18 =	sadd.s32 $0x4000, s12;
	s19 =	simm.s32 $0x9840  }
0x734: {  	[hbm4b:s18+s3] =	stream.linear.scatter [tilespmem:s19], [sflag:$0x2], $0x80, $0x38;
	[tilespmem:$0xB600] =	vst v63  }
0x735: {  	s1 =	sadd.s32 $0x4010, s12;
	s17 =	simm.s32 $0x98C8  }
0x736: {  	[hbm4b:s1+s3] =	stream.linear.scatter [tilespmem:s17], [sflag:$0x2], $0x80, $0x38;
	[tilespmem:$0xB600] =	vst v63  }
0x737: {  	s18 =	sadd.s32 $0x4020, s12;
	s19 =	simm.s32 $0x9950  }
0x738: {  	[hbm4b:s18+s3] =	stream.linear.scatter [tilespmem:s19], [sflag:$0x2], $0x80, $0x38;
	[tilespmem:$0xB600] =	vst v63  }
0x739: {  	s1 =	sadd.s32 $0x4030, s12;
	s17 =	simm.s32 $0x99D8  }
0x73a: {  	[hbm4b:s1+s3] =	stream.linear.scatter [tilespmem:s17], [sflag:$0x2], $0x80, $0x38;
	[tilespmem:$0xB600] =	vst v63  }
0x73b: {  	s18 =	sadd.s32 $0x4040, s12;
	s19 =	simm.s32 $0x9A60  }
0x73c: {  	[hbm4b:s18+s3] =	stream.linear.scatter [tilespmem:s19], [sflag:$0x2], $0x80, $0x38;
	[tilespmem:$0xB600] =	vst v63  }
0x73d: {  	s1 =	sadd.s32 $0x4050, s12;
	s17 =	simm.s32 $0x9AE8  }
0x73e: {  	[hbm4b:s1+s3] =	stream.linear.scatter [tilespmem:s17], [sflag:$0x2], $0x80, $0x38;
	[tilespmem:$0xB600] =	vst v63  }
0x73f: {  	s18 =	sadd.s32 $0x4060, s12;
	s19 =	simm.s32 $0x9B70  }
0x740: {  	[hbm4b:s18+s3] =	stream.linear.scatter [tilespmem:s19], [sflag:$0x2], $0x80, $0x38;
	[tilespmem:$0xB600] =	vst v63  }
0x741: {  	s1 =	sadd.s32 $0x4070, s12;
	s17 =	simm.s32 $0x9BF8  }
0x742: {  	[hbm4b:s1+s3] =	stream.linear.scatter [tilespmem:s17], [sflag:$0x2], $0x80, $0x38;
	[tilespmem:$0xB600] =	vst v63  }
0x743: {  	s18 =	sadd.s32 $0x8000, s12;
	s19 =	simm.s32 $0x9C80  }
0x744: {  	[hbm4b:s18+s3] =	stream.linear.scatter [tilespmem:s19], [sflag:$0x2], $0x80, $0x38;
	[tilespmem:$0xB600] =	vst v63  }
0x745: {  	s1 =	sadd.s32 $0x8010, s12;
	s17 =	simm.s32 $0x9D08  }
0x746: {  	[hbm4b:s1+s3] =	stream.linear.scatter [tilespmem:s17], [sflag:$0x2], $0x80, $0x38;
	[tilespmem:$0xB600] =	vst v63  }
0x747: {  	s18 =	sadd.s32 $0x8020, s12;
	s19 =	simm.s32 $0x9D90  }
0x748: {  	[hbm4b:s18+s3] =	stream.linear.scatter [tilespmem:s19], [sflag:$0x2], $0x80, $0x38;
	[tilespmem:$0xB600] =	vst v63  }
0x749: {  	s1 =	sadd.s32 $0x8030, s12;
	s17 =	simm.s32 $0x9E18  }
0x74a: {  	[hbm4b:s1+s3] =	stream.linear.scatter [tilespmem:s17], [sflag:$0x2], $0x80, $0x38;
	[tilespmem:$0xB600] =	vst v63  }
0x74b: {  	s18 =	sadd.s32 $0x8040, s12;
	s19 =	simm.s32 $0x9EA0  }
0x74c: {  	[hbm4b:s18+s3] =	stream.linear.scatter [tilespmem:s19], [sflag:$0x2], $0x80, $0x38;
	[tilespmem:$0xB600] =	vst v63  }
0x74d: {  	s1 =	sadd.s32 $0x8050, s12;
	s17 =	simm.s32 $0x9F28  }
0x74e: {  	[hbm4b:s1+s3] =	stream.linear.scatter [tilespmem:s17], [sflag:$0x2], $0x80, $0x38;
	[tilespmem:$0xB600] =	vst v63  }
0x74f: {  	s18 =	sadd.s32 $0x8060, s12;
	s19 =	simm.s32 $0x9FB0  }
0x750: {  	[hbm4b:s18+s3] =	stream.linear.scatter [tilespmem:s19], [sflag:$0x2], $0x80, $0x38;
	[tilespmem:$0xB600] =	vst v63  }
0x751: {  	s1 =	sadd.s32 $0x8070, s12;
	s17 =	simm.s32 $0xA038  }
0x752: {  	[hbm4b:s1+s3] =	stream.linear.scatter [tilespmem:s17], [sflag:$0x2], $0x80, $0x38;
	[tilespmem:$0xB600] =	vst v63  }
0x753: {  	s18 =	sadd.s32 $0xC000, s12;
	s19 =	simm.s32 $0xA0C0  }
0x754: {  	[hbm4b:s18+s3] =	stream.linear.scatter [tilespmem:s19], [sflag:$0x2], $0x80, $0x38;
	[tilespmem:$0xB600] =	vst v63  }
0x755: {  	s1 =	sadd.s32 $0xC010, s12;
	s17 =	simm.s32 $0xA148  }
0x756: {  	[hbm4b:s1+s3] =	stream.linear.scatter [tilespmem:s17], [sflag:$0x2], $0x80, $0x38;
	[tilespmem:$0xB600] =	vst v63  }
0x757: {  	s18 =	sadd.s32 $0xC020, s12;
	s19 =	simm.s32 $0xA1D0  }
0x758: {  	[hbm4b:s18+s3] =	stream.linear.scatter [tilespmem:s19], [sflag:$0x2], $0x80, $0x38;
	[tilespmem:$0xB600] =	vst v63  }
0x759: {  	s17 =	sadd.s32 $0xC030, s12  }
0x75a: {  	[hbm4b:s17+s3] =	stream.linear.scatter [tilespmem:s22], [sflag:$0x2], $0x80, $0x38;
	[tilespmem:$0xB600] =	vst v63  }
0x75b: {  	s18 =	sadd.s32 $0xC040, s12  }
0x75c: {  	[hbm4b:s18+s3] =	stream.linear.scatter [tilespmem:s23], [sflag:$0x2], $0x80, $0x38;
	[tilespmem:$0xB600] =	vst v63  }
0x75d: {  	s19 =	sadd.s32 $0xC050, s12  }
0x75e: {  	[hbm4b:s19+s3] =	stream.linear.scatter [tilespmem:s24], [sflag:$0x2], $0x80, $0x38;
	[tilespmem:$0xB600] =	vst v63  }
0x75f: {  	s1 =	sadd.s32 $0xC060, s12  }
0x760: {  	[hbm4b:s1+s3] =	stream.linear.scatter [tilespmem:s25], [sflag:$0x2], $0x80, $0x38;
	[tilespmem:$0xB600] =	vst v63  }
0x761: {  	s17 =	sadd.s32 $0xC070, s12  }
0x762: {  	[hbm4b:s17+s3] =	stream.linear.scatter [tilespmem:s26], [sflag:$0x2], $0x80, $0x38;
	[tilespmem:$0xB600] =	vst v63  }
0x763: {  	s18 =	simm.s32 $0x0;
	_ =	swait.ge [sflag:s6], $0x1000  }
0x764: {  	v17 =	vmov s18;
	[sflag:s6] =	ssyncset.done $0x0  }
0x765: {  	v17 =	vshrl.u32 v17, $0x3;
	[sflag:s6] =	ssyncadd.s32 $0xFFFFF000  }
0x766: {  	v17 =	vshll.u32 v17, v1;
	_ =	swait.ge [sflag:s28], $0x1000  }
0x767: {  	v17 =	vbroadcast v17, $0x0;
	[sflag:s28] =	ssyncset.done $0x0  }
0x768: {  	s0 =	simm.s32 $0x44F0;
	[sflag:s28] =	ssyncadd.s32 $0xFFFFF000  }
0x769: {  	v19 =	vadd.s32 v0, v17;
	v18 =	vld [tilespmem:s0+$0xFFFFFF10];
	_ =	sdelay $0x4  }
0x76a: {  	[tilespmem:v19+s14+$0x0] =	vst.idx.msk $0xffff, v18  }
0x76b: {  	s19 =	simm.s32 $0x1;
	v17 =	vadd.s32 v2, v17;
	v18 =	vld [tilespmem:s0+$0xFFFFFF20]  }
0x76c: {  	v19 =	vmov s19  }
0x76d: {  	v19 =	vshrl.u32 v19, $0x3  }
0x76e: {  	v19 =	vshll.u32 v19, v1  }
0x76f: {  	v19 =	vbroadcast v19, $0x0  }
0x770: {  	[tilespmem:v17+s14+$0x0] =	vst.idx.msk $0xffff, v18  }
0x771: {  	v18 =	vadd.s32 v3, v19;
	v17 =	vld [tilespmem:s0+$0xFFFFFF30];
	_ =	sdelay $0x4  }
0x772: {  	[tilespmem:v18+s14+$0x0] =	vst.idx.msk $0xffff, v17  }
0x773: {  	s17 =	simm.s32 $0x2;
	v18 =	vadd.s32 v4, v19;
	v17 =	vld [tilespmem:s0+$0xFFFFFF40]  }
0x774: {  	v19 =	vmov s17  }
0x775: {  	v19 =	vshrl.u32 v19, $0x3  }
0x776: {  	v19 =	vshll.u32 v19, v1  }
0x777: {  	v19 =	vbroadcast v19, $0x0  }
0x778: {  	[tilespmem:v18+s14+$0x0] =	vst.idx.msk $0xffff, v17  }
0x779: {  	v18 =	vadd.s32 v5, v19;
	v17 =	vld [tilespmem:s0+$0xFFFFFF50];
	_ =	sdelay $0x4  }
0x77a: {  	[tilespmem:v18+s14+$0x0] =	vst.idx.msk $0xffff, v17  }
0x77b: {  	s18 =	simm.s32 $0x3;
	v18 =	vadd.s32 v6, v19;
	v17 =	vld [tilespmem:s0+$0xFFFFFF60]  }
0x77c: {  	v19 =	vmov s18  }
0x77d: {  	v19 =	vshrl.u32 v19, $0x3  }
0x77e: {  	v19 =	vshll.u32 v19, v1  }
0x77f: {  	v19 =	vbroadcast v19, $0x0  }
0x780: {  	[tilespmem:v18+s14+$0x0] =	vst.idx.msk $0xffff, v17  }
0x781: {  	v18 =	vadd.s32 v7, v19;
	v17 =	vld [tilespmem:s0+$0xFFFFFF70];
	_ =	sdelay $0x4  }
0x782: {  	[tilespmem:v18+s14+$0x0] =	vst.idx.msk $0xffff, v17  }
0x783: {  	s19 =	simm.s32 $0x4;
	v18 =	vadd.s32 v8, v19;
	v17 =	vld [tilespmem:s0+$0xFFFFFF80]  }
0x784: {  	v19 =	vmov s19  }
0x785: {  	v19 =	vshrl.u32 v19, $0x3  }
0x786: {  	v19 =	vshll.u32 v19, v1  }
0x787: {  	v19 =	vbroadcast v19, $0x0  }
0x788: {  	[tilespmem:v18+s14+$0x0] =	vst.idx.msk $0xffff, v17  }
0x789: {  	v18 =	vadd.s32 v9, v19;
	v17 =	vld [tilespmem:s0+$0xFFFFFF90];
	_ =	sdelay $0x4  }
0x78a: {  	[tilespmem:v18+s14+$0x0] =	vst.idx.msk $0xffff, v17  }
0x78b: {  	s17 =	simm.s32 $0x5;
	v18 =	vadd.s32 v10, v19;
	v17 =	vld [tilespmem:s0+$0xFFFFFFA0]  }
0x78c: {  	v19 =	vmov s17  }
0x78d: {  	v19 =	vshrl.u32 v19, $0x3  }
0x78e: {  	v19 =	vshll.u32 v19, v1  }
0x78f: {  	v19 =	vbroadcast v19, $0x0  }
0x790: {  	[tilespmem:v18+s14+$0x0] =	vst.idx.msk $0xffff, v17  }
0x791: {  	v18 =	vadd.s32 v11, v19;
	v17 =	vld [tilespmem:s0+$0xFFFFFFB0];
	_ =	sdelay $0x4  }
0x792: {  	[tilespmem:v18+s14+$0x0] =	vst.idx.msk $0xffff, v17  }
0x793: {  	s18 =	simm.s32 $0x6;
	v18 =	vadd.s32 v12, v19;
	v17 =	vld [tilespmem:s0+$0xFFFFFFC0]  }
0x794: {  	v19 =	vmov s18  }
0x795: {  	v19 =	vshrl.u32 v19, $0x3  }
0x796: {  	v19 =	vshll.u32 v19, v1  }
0x797: {  	v19 =	vbroadcast v19, $0x0  }
0x798: {  	[tilespmem:v18+s14+$0x0] =	vst.idx.msk $0xffff, v17  }
0x799: {  	v18 =	vadd.s32 v13, v19;
	v17 =	vld [tilespmem:s0+$0xFFFFFFD0];
	_ =	sdelay $0x4  }
0x79a: {  	[tilespmem:v18+s14+$0x0] =	vst.idx.msk $0xffff, v17  }
0x79b: {  	s19 =	simm.s32 $0x7;
	v18 =	vadd.s32 v14, v19;
	v17 =	vld [tilespmem:s0+$0xFFFFFFE0]  }
0x79c: {  	v19 =	vmov s19  }
0x79d: {  	v19 =	vshrl.u32 v19, $0x3  }
0x79e: {  	v19 =	vshll.u32 v19, v1  }
0x79f: {  	v19 =	vbroadcast v19, $0x0  }
0x7a0: {  	[tilespmem:v18+s14+$0x0] =	vst.idx.msk $0xffff, v17  }
0x7a1: {  	v18 =	vadd.s32 v15, v19;
	v17 =	vld [tilespmem:s0+$0xFFFFFFF0];
	_ =	sdelay $0x4  }
0x7a2: {  	[tilespmem:v18+s14+$0x0] =	vst.idx.msk $0xffff, v17  }
0x7a3: {  	s1 =	simm.s32 $0xF;
	s17 =	simm.s32 $0x17;
	s18 =	simm.s32 $0x8;
	v18 =	vadd.s32 v16, v19;
	v17 =	vld [tilespmem:s0+$0x0]  }
.LBB2_18:
0x7a4: {  	p0 =	sne.s32 s17, $0x7F;
	v19 =	vmov s18  }
0x7a5: {  	v19 =	vshrl.u32 v19, $0x3  }
0x7a6: {  	v19 =	vshll.u32 v19, v1  }
0x7a7: {  	v19 =	vbroadcast v19, $0x0  }
0x7a8: {  	s0 =	sadd.s32 $0x100, s0;
	[tilespmem:v18+s14+$0x0] =	vst.idx.msk $0xffff, v17  }
0x7a9: {  	v17 =	vld [tilespmem:s0+$0xFFFFFF10];
	v18 =	vadd.s32 v0, v19;
	_ =	sdelay $0x4  }
0x7aa: {  	[tilespmem:v18+s14+$0x0] =	vst.idx.msk $0xffff, v17  }
0x7ab: {  	s18 =	sadd.s32 $0xFFFFFFFA, s1;
	v18 =	vadd.s32 v2, v19;
	v17 =	vld [tilespmem:s0+$0xFFFFFF20]  }
0x7ac: {  	v19 =	vmov s18  }
0x7ad: {  	v19 =	vshrl.u32 v19, $0x3  }
0x7ae: {  	v19 =	vshll.u32 v19, v1  }
0x7af: {  	v19 =	vbroadcast v19, $0x0  }
0x7b0: {  	[tilespmem:v18+s14+$0x0] =	vst.idx.msk $0xffff, v17  }
0x7b1: {  	v18 =	vadd.s32 v3, v19;
	v17 =	vld [tilespmem:s0+$0xFFFFFF30];
	_ =	sdelay $0x4  }
0x7b2: {  	[tilespmem:v18+s14+$0x0] =	vst.idx.msk $0xffff, v17  }
0x7b3: {  	s18 =	sadd.s32 $0xFFFFFFFB, s1;
	v18 =	vadd.s32 v4, v19;
	v17 =	vld [tilespmem:s0+$0xFFFFFF40]  }
0x7b4: {  	v19 =	vmov s18  }
0x7b5: {  	v19 =	vshrl.u32 v19, $0x3  }
0x7b6: {  	v19 =	vshll.u32 v19, v1  }
0x7b7: {  	v19 =	vbroadcast v19, $0x0  }
0x7b8: {  	[tilespmem:v18+s14+$0x0] =	vst.idx.msk $0xffff, v17  }
0x7b9: {  	v18 =	vadd.s32 v5, v19;
	v17 =	vld [tilespmem:s0+$0xFFFFFF50];
	_ =	sdelay $0x4  }
0x7ba: {  	[tilespmem:v18+s14+$0x0] =	vst.idx.msk $0xffff, v17  }
0x7bb: {  	s18 =	sadd.s32 $0xFFFFFFFC, s1;
	v18 =	vadd.s32 v6, v19;
	v17 =	vld [tilespmem:s0+$0xFFFFFF60]  }
0x7bc: {  	v19 =	vmov s18  }
0x7bd: {  	v19 =	vshrl.u32 v19, $0x3  }
0x7be: {  	v19 =	vshll.u32 v19, v1  }
0x7bf: {  	v19 =	vbroadcast v19, $0x0  }
0x7c0: {  	[tilespmem:v18+s14+$0x0] =	vst.idx.msk $0xffff, v17  }
0x7c1: {  	v18 =	vadd.s32 v7, v19;
	v17 =	vld [tilespmem:s0+$0xFFFFFF70];
	_ =	sdelay $0x4  }
0x7c2: {  	[tilespmem:v18+s14+$0x0] =	vst.idx.msk $0xffff, v17  }
0x7c3: {  	s18 =	sadd.s32 $0xFFFFFFFD, s1;
	v18 =	vadd.s32 v8, v19;
	v17 =	vld [tilespmem:s0+$0xFFFFFF80]  }
0x7c4: {  	v19 =	vmov s18  }
0x7c5: {  	v19 =	vshrl.u32 v19, $0x3  }
0x7c6: {  	v19 =	vshll.u32 v19, v1  }
0x7c7: {  	v19 =	vbroadcast v19, $0x0  }
0x7c8: {  	[tilespmem:v18+s14+$0x0] =	vst.idx.msk $0xffff, v17  }
0x7c9: {  	v18 =	vadd.s32 v9, v19;
	v17 =	vld [tilespmem:s0+$0xFFFFFF90];
	_ =	sdelay $0x4  }
0x7ca: {  	[tilespmem:v18+s14+$0x0] =	vst.idx.msk $0xffff, v17  }
0x7cb: {  	s18 =	sadd.s32 $0xFFFFFFFE, s1;
	v18 =	vadd.s32 v10, v19;
	v17 =	vld [tilespmem:s0+$0xFFFFFFA0]  }
0x7cc: {  	v19 =	vmov s18  }
0x7cd: {  	v19 =	vshrl.u32 v19, $0x3  }
0x7ce: {  	v19 =	vshll.u32 v19, v1  }
0x7cf: {  	v19 =	vbroadcast v19, $0x0  }
0x7d0: {  	[tilespmem:v18+s14+$0x0] =	vst.idx.msk $0xffff, v17  }
0x7d1: {  	v18 =	vadd.s32 v11, v19;
	v17 =	vld [tilespmem:s0+$0xFFFFFFB0];
	_ =	sdelay $0x4  }
0x7d2: {  	[tilespmem:v18+s14+$0x0] =	vst.idx.msk $0xffff, v17  }
0x7d3: {  	s18 =	sadd.s32 $0xFFFFFFFF, s1;
	v18 =	vadd.s32 v12, v19;
	v17 =	vld [tilespmem:s0+$0xFFFFFFC0]  }
0x7d4: {  	v19 =	vmov s18  }
0x7d5: {  	v19 =	vshrl.u32 v19, $0x3  }
0x7d6: {  	v19 =	vshll.u32 v19, v1  }
0x7d7: {  	v19 =	vbroadcast v19, $0x0  }
0x7d8: {  	[tilespmem:v18+s14+$0x0] =	vst.idx.msk $0xffff, v17  }
0x7d9: {  	v18 =	vadd.s32 v13, v19;
	v17 =	vld [tilespmem:s0+$0xFFFFFFD0];
	_ =	sdelay $0x4  }
0x7da: {  	[tilespmem:v18+s14+$0x0] =	vst.idx.msk $0xffff, v17  }
0x7db: {  	v18 =	vadd.s32 v14, v19;
	v17 =	vld [tilespmem:s0+$0xFFFFFFE0]  }
0x7dc: {  	v19 =	vmov s1;
	s1 =	smov.u32 s17  }
0x7dd: {  	v19 =	vshrl.u32 v19, $0x3  }
0x7de: {  	v19 =	vshll.u32 v19, v1  }
0x7df: {  	v19 =	vbroadcast v19, $0x0  }
0x7e0: {  	[tilespmem:v18+s14+$0x0] =	vst.idx.msk $0xffff, v17  }
0x7e1: {  	v18 =	vadd.s32 v15, v19;
	v17 =	vld [tilespmem:s0+$0xFFFFFFF0];
	_ =	sdelay $0x1  }
.Ltmp8:
0x7e2: {  	(pc) =	sbr.rel @p0 .LBB2_18-.Ltmp8, $3  }
0x7e3: {  	_ =	sdelay $0x1  }
0x7e4: {  	[tilespmem:v18+s14+$0x0] =	vst.idx.msk $0xffff, v17  }
0x7e5: {  	s17 =	sadd.s32 $0x8, s17;
	s18 =	sadd.s32 $0xFFFFFFF9, s1;
	v18 =	vadd.s32 v16, v19;
	v17 =	vld [tilespmem:s0+$0x0]  }
0x7e6: {  	v19 =	vmov s18  }
0x7e7: {  	v19 =	vshrl.u32 v19, $0x3  }
0x7e8: {  	v19 =	vshll.u32 v19, v1  }
0x7e9: {  	v19 =	vbroadcast v19, $0x0  }
0x7ea: {  	s0 =	sadd.s32 $0x100, s0;
	[tilespmem:v18+s14+$0x0] =	vst.idx.msk $0xffff, v17  }
0x7eb: {  	v17 =	vld [tilespmem:s0+$0xFFFFFF10];
	v18 =	vadd.s32 v0, v19;
	_ =	sdelay $0x4  }
0x7ec: {  	[tilespmem:v18+s14+$0x0] =	vst.idx.msk $0xffff, v17  }
0x7ed: {  	s17 =	sadd.s32 $0xFFFFFFFA, s1;
	v18 =	vadd.s32 v2, v19;
	v17 =	vld [tilespmem:s0+$0xFFFFFF20]  }
0x7ee: {  	v19 =	vmov s17  }
0x7ef: {  	v19 =	vshrl.u32 v19, $0x3  }
0x7f0: {  	v19 =	vshll.u32 v19, v1  }
0x7f1: {  	v19 =	vbroadcast v19, $0x0  }
0x7f2: {  	[tilespmem:v18+s14+$0x0] =	vst.idx.msk $0xffff, v17  }
0x7f3: {  	v18 =	vadd.s32 v3, v19;
	v17 =	vld [tilespmem:s0+$0xFFFFFF30];
	_ =	sdelay $0x4  }
0x7f4: {  	[tilespmem:v18+s14+$0x0] =	vst.idx.msk $0xffff, v17  }
0x7f5: {  	s19 =	sadd.s32 $0xFFFFFFFB, s1;
	v18 =	vadd.s32 v4, v19;
	v17 =	vld [tilespmem:s0+$0xFFFFFF40]  }
0x7f6: {  	v19 =	vmov s19  }
0x7f7: {  	v19 =	vshrl.u32 v19, $0x3  }
0x7f8: {  	v19 =	vshll.u32 v19, v1  }
0x7f9: {  	v19 =	vbroadcast v19, $0x0  }
0x7fa: {  	[tilespmem:v18+s14+$0x0] =	vst.idx.msk $0xffff, v17  }
0x7fb: {  	v18 =	vadd.s32 v5, v19;
	v17 =	vld [tilespmem:s0+$0xFFFFFF50];
	_ =	sdelay $0x4  }
0x7fc: {  	[tilespmem:v18+s14+$0x0] =	vst.idx.msk $0xffff, v17  }
0x7fd: {  	s18 =	sadd.s32 $0xFFFFFFFC, s1;
	v18 =	vadd.s32 v6, v19;
	v17 =	vld [tilespmem:s0+$0xFFFFFF60]  }
0x7fe: {  	v19 =	vmov s18  }
0x7ff: {  	v19 =	vshrl.u32 v19, $0x3  }
0x800: {  	v19 =	vshll.u32 v19, v1  }
0x801: {  	v19 =	vbroadcast v19, $0x0  }
0x802: {  	[tilespmem:v18+s14+$0x0] =	vst.idx.msk $0xffff, v17  }
0x803: {  	v18 =	vadd.s32 v7, v19;
	v17 =	vld [tilespmem:s0+$0xFFFFFF70];
	_ =	sdelay $0x4  }
0x804: {  	[tilespmem:v18+s14+$0x0] =	vst.idx.msk $0xffff, v17  }
0x805: {  	s19 =	sadd.s32 $0xFFFFFFFD, s1;
	v18 =	vadd.s32 v8, v19;
	v17 =	vld [tilespmem:s0+$0xFFFFFF80]  }
0x806: {  	v19 =	vmov s19  }
0x807: {  	v19 =	vshrl.u32 v19, $0x3  }
0x808: {  	v19 =	vshll.u32 v19, v1  }
0x809: {  	v19 =	vbroadcast v19, $0x0  }
0x80a: {  	[tilespmem:v18+s14+$0x0] =	vst.idx.msk $0xffff, v17  }
0x80b: {  	v18 =	vadd.s32 v9, v19;
	v17 =	vld [tilespmem:s0+$0xFFFFFF90];
	_ =	sdelay $0x4  }
0x80c: {  	[tilespmem:v18+s14+$0x0] =	vst.idx.msk $0xffff, v17  }
0x80d: {  	s18 =	sadd.s32 $0xFFFFFFFE, s1;
	v18 =	vadd.s32 v10, v19;
	v17 =	vld [tilespmem:s0+$0xFFFFFFA0]  }
0x80e: {  	v19 =	vmov s18  }
0x80f: {  	v19 =	vshrl.u32 v19, $0x3  }
0x810: {  	v19 =	vshll.u32 v19, v1  }
0x811: {  	v19 =	vbroadcast v19, $0x0  }
0x812: {  	[tilespmem:v18+s14+$0x0] =	vst.idx.msk $0xffff, v17  }
0x813: {  	v18 =	vadd.s32 v11, v19;
	v17 =	vld [tilespmem:s0+$0xFFFFFFB0];
	_ =	sdelay $0x4  }
0x814: {  	[tilespmem:v18+s14+$0x0] =	vst.idx.msk $0xffff, v17  }
0x815: {  	s19 =	sadd.s32 $0xFFFFFFFF, s1;
	v18 =	vadd.s32 v12, v19;
	v17 =	vld [tilespmem:s0+$0xFFFFFFC0]  }
0x816: {  	v19 =	vmov s19  }
0x817: {  	v19 =	vshrl.u32 v19, $0x3  }
0x818: {  	v19 =	vshll.u32 v19, v1  }
0x819: {  	v19 =	vbroadcast v19, $0x0  }
0x81a: {  	[tilespmem:v18+s14+$0x0] =	vst.idx.msk $0xffff, v17  }
0x81b: {  	v18 =	vadd.s32 v13, v19;
	v17 =	vld [tilespmem:s0+$0xFFFFFFD0];
	_ =	sdelay $0x4  }
0x81c: {  	[tilespmem:v18+s14+$0x0] =	vst.idx.msk $0xffff, v17  }
0x81d: {  	v18 =	vadd.s32 v14, v19;
	v17 =	vld [tilespmem:s0+$0xFFFFFFE0]  }
0x81e: {  	v19 =	vmov s1  }
0x81f: {  	v19 =	vshrl.u32 v19, $0x3  }
0x820: {  	v19 =	vshll.u32 v19, v1  }
0x821: {  	v19 =	vbroadcast v19, $0x0  }
0x822: {  	[tilespmem:v18+s14+$0x0] =	vst.idx.msk $0xffff, v17  }
0x823: {  	v18 =	vadd.s32 v15, v19;
	v17 =	vld [tilespmem:s0+$0xFFFFFFF0];
	_ =	sdelay $0x4  }
0x824: {  	[tilespmem:v18+s14+$0x0] =	vst.idx.msk $0xffff, v17  }
0x825: {  	v18 =	vadd.s32 v16, v19;
	v17 =	vld [tilespmem:s0+$0x0];
	_ =	sdelay $0x4  }
0x826: {  	[tilespmem:v18+s14+$0x0] =	vst.idx.msk $0xffff, v17  }
0x827: {  	[hbm4b:s13+s3] =	stream.linear.scatter [tilespmem:s14], [sflag:$0x2], $0x80, $0x38;
	[tilespmem:$0xB600] =	vst v63  }
0x828: {  	s17 =	simm.s32 $0xA588;
	s1 =	sadd.s32 $0x10, s13  }
0x829: {  	[hbm4b:s1+s3] =	stream.linear.scatter [tilespmem:s17], [sflag:$0x2], $0x80, $0x38;
	[tilespmem:$0xB600] =	vst v63  }
0x82a: {  	s18 =	sadd.s32 $0x20, s13;
	s19 =	simm.s32 $0xA610  }
0x82b: {  	[hbm4b:s18+s3] =	stream.linear.scatter [tilespmem:s19], [sflag:$0x2], $0x80, $0x38;
	[tilespmem:$0xB600] =	vst v63  }
0x82c: {  	s1 =	sadd.s32 $0x30, s13;
	s17 =	simm.s32 $0xA698  }
0x82d: {  	[hbm4b:s1+s3] =	stream.linear.scatter [tilespmem:s17], [sflag:$0x2], $0x80, $0x38;
	[tilespmem:$0xB600] =	vst v63  }
0x82e: {  	s18 =	sadd.s32 $0x40, s13;
	s19 =	simm.s32 $0xA720  }
0x82f: {  	[hbm4b:s18+s3] =	stream.linear.scatter [tilespmem:s19], [sflag:$0x2], $0x80, $0x38;
	[tilespmem:$0xB600] =	vst v63  }
0x830: {  	s1 =	sadd.s32 $0x50, s13;
	s17 =	simm.s32 $0xA7A8  }
0x831: {  	[hbm4b:s1+s3] =	stream.linear.scatter [tilespmem:s17], [sflag:$0x2], $0x80, $0x38;
	[tilespmem:$0xB600] =	vst v63  }
0x832: {  	s18 =	sadd.s32 $0x60, s13;
	s19 =	simm.s32 $0xA830  }
0x833: {  	[hbm4b:s18+s3] =	stream.linear.scatter [tilespmem:s19], [sflag:$0x2], $0x80, $0x38;
	[tilespmem:$0xB600] =	vst v63  }
0x834: {  	s1 =	sadd.s32 $0x70, s13;
	s17 =	simm.s32 $0xA8B8  }
0x835: {  	[hbm4b:s1+s3] =	stream.linear.scatter [tilespmem:s17], [sflag:$0x2], $0x80, $0x38;
	[tilespmem:$0xB600] =	vst v63  }
0x836: {  	s18 =	sadd.s32 $0x4000, s13;
	s19 =	simm.s32 $0xA940  }
0x837: {  	[hbm4b:s18+s3] =	stream.linear.scatter [tilespmem:s19], [sflag:$0x2], $0x80, $0x38;
	[tilespmem:$0xB600] =	vst v63  }
0x838: {  	s1 =	sadd.s32 $0x4010, s13;
	s17 =	simm.s32 $0xA9C8  }
0x839: {  	[hbm4b:s1+s3] =	stream.linear.scatter [tilespmem:s17], [sflag:$0x2], $0x80, $0x38;
	[tilespmem:$0xB600] =	vst v63  }
0x83a: {  	s18 =	sadd.s32 $0x4020, s13;
	s19 =	simm.s32 $0xAA50  }
0x83b: {  	[hbm4b:s18+s3] =	stream.linear.scatter [tilespmem:s19], [sflag:$0x2], $0x80, $0x38;
	[tilespmem:$0xB600] =	vst v63  }
0x83c: {  	s1 =	sadd.s32 $0x4030, s13;
	s17 =	simm.s32 $0xAAD8  }
0x83d: {  	[hbm4b:s1+s3] =	stream.linear.scatter [tilespmem:s17], [sflag:$0x2], $0x80, $0x38;
	[tilespmem:$0xB600] =	vst v63  }
0x83e: {  	s18 =	sadd.s32 $0x4040, s13;
	s19 =	simm.s32 $0xAB60  }
0x83f: {  	[hbm4b:s18+s3] =	stream.linear.scatter [tilespmem:s19], [sflag:$0x2], $0x80, $0x38;
	[tilespmem:$0xB600] =	vst v63  }
0x840: {  	s1 =	sadd.s32 $0x4050, s13;
	s17 =	simm.s32 $0xABE8  }
0x841: {  	[hbm4b:s1+s3] =	stream.linear.scatter [tilespmem:s17], [sflag:$0x2], $0x80, $0x38;
	[tilespmem:$0xB600] =	vst v63  }
0x842: {  	s18 =	sadd.s32 $0x4060, s13;
	s19 =	simm.s32 $0xAC70  }
0x843: {  	[hbm4b:s18+s3] =	stream.linear.scatter [tilespmem:s19], [sflag:$0x2], $0x80, $0x38;
	[tilespmem:$0xB600] =	vst v63  }
0x844: {  	s1 =	sadd.s32 $0x4070, s13;
	s17 =	simm.s32 $0xACF8  }
0x845: {  	[hbm4b:s1+s3] =	stream.linear.scatter [tilespmem:s17], [sflag:$0x2], $0x80, $0x38;
	[tilespmem:$0xB600] =	vst v63  }
0x846: {  	s18 =	sadd.s32 $0x8000, s13;
	s19 =	simm.s32 $0xAD80  }
0x847: {  	[hbm4b:s18+s3] =	stream.linear.scatter [tilespmem:s19], [sflag:$0x2], $0x80, $0x38;
	[tilespmem:$0xB600] =	vst v63  }
0x848: {  	s1 =	sadd.s32 $0x8010, s13;
	s17 =	simm.s32 $0xAE08  }
0x849: {  	[hbm4b:s1+s3] =	stream.linear.scatter [tilespmem:s17], [sflag:$0x2], $0x80, $0x38;
	[tilespmem:$0xB600] =	vst v63  }
0x84a: {  	s18 =	sadd.s32 $0x8020, s13;
	s19 =	simm.s32 $0xAE90  }
0x84b: {  	[hbm4b:s18+s3] =	stream.linear.scatter [tilespmem:s19], [sflag:$0x2], $0x80, $0x38;
	[tilespmem:$0xB600] =	vst v63  }
0x84c: {  	s1 =	sadd.s32 $0x8030, s13;
	s17 =	simm.s32 $0xAF18  }
0x84d: {  	[hbm4b:s1+s3] =	stream.linear.scatter [tilespmem:s17], [sflag:$0x2], $0x80, $0x38;
	[tilespmem:$0xB600] =	vst v63  }
0x84e: {  	s18 =	sadd.s32 $0x8040, s13;
	s19 =	simm.s32 $0xAFA0  }
0x84f: {  	[hbm4b:s18+s3] =	stream.linear.scatter [tilespmem:s19], [sflag:$0x2], $0x80, $0x38;
	[tilespmem:$0xB600] =	vst v63  }
0x850: {  	s1 =	sadd.s32 $0x8050, s13;
	s17 =	simm.s32 $0xB028  }
0x851: {  	[hbm4b:s1+s3] =	stream.linear.scatter [tilespmem:s17], [sflag:$0x2], $0x80, $0x38;
	[tilespmem:$0xB600] =	vst v63  }
0x852: {  	s18 =	sadd.s32 $0x8060, s13;
	s19 =	simm.s32 $0xB0B0  }
0x853: {  	[hbm4b:s18+s3] =	stream.linear.scatter [tilespmem:s19], [sflag:$0x2], $0x80, $0x38;
	[tilespmem:$0xB600] =	vst v63  }
0x854: {  	s1 =	sadd.s32 $0x8070, s13;
	s17 =	simm.s32 $0xB138  }
0x855: {  	[hbm4b:s1+s3] =	stream.linear.scatter [tilespmem:s17], [sflag:$0x2], $0x80, $0x38;
	[tilespmem:$0xB600] =	vst v63  }
0x856: {  	s18 =	sadd.s32 $0xC000, s13;
	s19 =	simm.s32 $0xB1C0  }
0x857: {  	[hbm4b:s18+s3] =	stream.linear.scatter [tilespmem:s19], [sflag:$0x2], $0x80, $0x38;
	[tilespmem:$0xB600] =	vst v63  }
0x858: {  	s1 =	sadd.s32 $0xC010, s13;
	s17 =	simm.s32 $0xB248  }
0x859: {  	[hbm4b:s1+s3] =	stream.linear.scatter [tilespmem:s17], [sflag:$0x2], $0x80, $0x38;
	[tilespmem:$0xB600] =	vst v63  }
0x85a: {  	s18 =	sadd.s32 $0xC020, s13;
	s19 =	simm.s32 $0xB2D0  }
0x85b: {  	[hbm4b:s18+s3] =	stream.linear.scatter [tilespmem:s19], [sflag:$0x2], $0x80, $0x38;
	[tilespmem:$0xB600] =	vst v63  }
0x85c: {  	s1 =	sadd.s32 $0xC030, s13;
	s17 =	simm.s32 $0xB358  }
0x85d: {  	[hbm4b:s1+s3] =	stream.linear.scatter [tilespmem:s17], [sflag:$0x2], $0x80, $0x38;
	[tilespmem:$0xB600] =	vst v63  }
0x85e: {  	s18 =	sadd.s32 $0xC040, s13;
	s19 =	simm.s32 $0xB3E0  }
0x85f: {  	[hbm4b:s18+s3] =	stream.linear.scatter [tilespmem:s19], [sflag:$0x2], $0x80, $0x38;
	[tilespmem:$0xB600] =	vst v63  }
0x860: {  	s1 =	sadd.s32 $0xC050, s13;
	s17 =	simm.s32 $0xB468  }
0x861: {  	[hbm4b:s1+s3] =	stream.linear.scatter [tilespmem:s17], [sflag:$0x2], $0x80, $0x38;
	[tilespmem:$0xB600] =	vst v63  }
0x862: {  	s18 =	sadd.s32 $0xC060, s13;
	s19 =	simm.s32 $0xB4F0  }
0x863: {  	[hbm4b:s18+s3] =	stream.linear.scatter [tilespmem:s19], [sflag:$0x2], $0x80, $0x38;
	[tilespmem:$0xB600] =	vst v63  }
0x864: {  	s17 =	sadd.s32 $0xC070, s13;
	s18 =	simm.s32 $0xB578  }
0x865: {  	[hbm4b:s17+s3] =	stream.linear.scatter [tilespmem:s18], [sflag:$0x2], $0x80, $0x38;
	[tilespmem:$0xB600] =	vst v63  }
0x866: {  	_ =	swait.ge [sflag:s6], $0x1000  }
0x867: {  	[sflag:s6] =	ssyncset.done $0x0  }
0x868: {  	[sflag:s6] =	ssyncadd.s32 $0xFFFFF000  }
0x869: {  	_ =	swait.ge [sflag:s6], $0x1000  }
0x86a: {  	s15 =	sadd.s32 $0x1, s15;
	s19 =	rddreg [dreg:$0x4]  }
0x86b: {  	p0 =	sne.s32 s15, s19  }
.Ltmp9:
0x86c: {  	_ = 	snop;
	(pc) =	sbr.rel @p0 .LBB2_1-.Ltmp9, $3  }
0x86d: {  	_ =	sdelay $0x1  }
0x86e: {  	[sflag:s6] =	ssyncset.done $0x0  }
0x86f: {  	[sflag:s6] =	ssyncadd.s32 $0xFFFFF000  }
0x870: {  	_ =	sfence.sel $0x180000  }
0x871: {  	[bflag:$0x0] =	sbarrier.arrive $0xFFFF  }
0x872: {  	_ =	strace $0x90000047  }
0x873: {  	s0 =	stileid.u32;
	[bflag:$0x2] =	sbarrier.arrive $0xFFFF  }
0x874: {  	p0 =	sne.s32 s0, $0x0;
	s0 =	rddreg [dreg:$0x2]  }
0x875: {  	s0 =	sadd.s32 @!p0 $0x100000, s0  }
0x876: {  	[sflag:s0] =	ssyncadd.tile.s32 @!p0 $0x1;
	_ =	shalt  }
.Lfunc_end2:
_tile_overlayer_lowered:
.L_overlay_start_2:
0x877: {  	(tag) =	ssettag $0x2  }
0x878: {  	s0 =	rddreg [dreg:$0x0];
	s2 =	stileid.u32  }
0x879: {  	s1 =	rddreg [dreg:$0x1];
	p0 =	sne.s32 s2, $0x0  }
0x87a: {  	s3 =	rddreg [dreg:$0x2];
	[bflag:$0x3] =	sbarrier.arrive $0xFFFF;
	s2 =	simm.s32 @!p0 $0x1C03  }
0x87b: {  	[timem:s3], [sflag:s2] =	dma.local @!p0 [hbm:s0], s1  }
0x87c: {  	s0 =	simm.s32 @!p0 $0x3  }
0x87d: {  	_ =	swait.ge @!p0 [sflag:s0], s1  }
0x87e: {  	s1 =	ssub.s32 @!p0 $0x0, s1;
	[sflag:s0] =	ssyncset.done @!p0 $0x0  }
0x87f: {  	[sflag:s0] =	ssyncadd.s32 @!p0 s1  }
0x880: {  	[bflag:$0x3] =	sbarrier.arrive $0xFFFF  }
0x881: {  	_ =	shalt  }

</sc_bundles>
